<compile_context>
chip_gen: v7x
topology: tpu7x:2x2x1
jax: 0.10.2.dev20260603
libtpu: 0.0.44.dev20260713+nightly
codegen_flags: <defaults>
</compile_context>

<pallas_src>
import functools

import jax
import jax.numpy as jnp
from jax import lax
from jax.experimental import pallas as pl
from jax.experimental.pallas import tpu as pltpu
from jax.experimental.pallas import tpu_sc as plsc

_BATCH = 16384
_HIST = 50
_DIM = 32
_B = _BATCH * _HIST
_W = 64
_NBLK = _B // _W
_NC = 2
_NS = 16
_NWORK = _NC * _NS
_BLK_PW = _NBLK // _NWORK
_K = 25
_NROUND = _BLK_PW // _K


def _tec_body(idx_hbm, table_hbm, out_hbm, idx_v, rows_v,
              isem0, isem1, gsem0, gsem1, osem0, osem1):
    wid = lax.axis_index("s") * _NC + lax.axis_index("c")
    base = wid * _BLK_PW
    isems = (isem0, isem1)
    gsems = (gsem0, gsem1)
    osems = (osem0, osem1)

    def idx_copy(b, r):
        return pltpu.make_async_copy(
            idx_hbm.at[pl.ds(base + r * _K, _K)], idx_v.at[b], isems[b])

    def gather(b, j):
        return pltpu.make_async_copy(
            table_hbm.at[idx_v.at[b].at[j]], rows_v.at[b].at[j], gsems[b])

    def out_copy(b, r):
        return pltpu.make_async_copy(
            rows_v.at[b], out_hbm.at[pl.ds(base + r * _K, _K)], osems[b])

    idx_copy(0, 0).start()
    idx_copy(1, 1).start()
    idx_copy(0, 0).wait()
    for j in range(_K):
        gather(0, j).start()

    def step(g, carry):
        for b in range(2):
            r = 2 * g + b
            b2 = 1 - b

            @pl.when(r >= 1)
            def _():
                out_copy(b2, r - 1).wait()

            @pl.when(r + 1 <= _NROUND - 1)
            def _():
                idx_copy(b2, r + 1).wait()
                for j in range(_K):
                    gather(b2, j).start()

            for j in range(_K):
                gather(b, j).wait()
            out_copy(b, r).start()

            @pl.when(r + 2 <= _NROUND - 1)
            def _():
                idx_copy(b, r + 2).start()
        return carry

    lax.fori_loop(0, _NROUND // 2, step, 0)

    out_copy(1, _NROUND - 1).wait()


@jax.jit
def _gather(item_ids_blocked, table):
    mesh = plsc.VectorSubcoreMesh(core_axis_name="c", subcore_axis_name="s")
    fn = functools.partial(
        pl.kernel,
        mesh=mesh,
        out_type=jax.ShapeDtypeStruct((_NBLK, _W, _DIM), jnp.float32),
        scratch_types=[
            pltpu.VMEM((2, _K, _W), jnp.int32),
            pltpu.VMEM((2, _K, _W, _DIM), jnp.float32),
            pltpu.SemaphoreType.DMA,
            pltpu.SemaphoreType.DMA,
            pltpu.SemaphoreType.DMA,
            pltpu.SemaphoreType.DMA,
            pltpu.SemaphoreType.DMA,
            pltpu.SemaphoreType.DMA,
        ],
        compiler_params=pltpu.CompilerParams(use_tc_tiling_on_sc=False),
    )(_tec_body)
    return fn(item_ids_blocked, table)


def kernel(item_ids, table):
    ids_blocked = item_ids.reshape(_NBLK, _W)
    out = _gather(ids_blocked, table)
    return out.reshape(_BATCH, _HIST, _DIM)

# --- scband reference (transcript-rebuilt; emitter-appended) ---
"""Pipeline reference for scband-item-embedder-31499290149505 (READ-ONLY COPY).

The authoritative reference and input builder live on the scoring server;
editing this copy changes nothing except your own understanding.
"""

import jax, jax.numpy as jnp
import numpy as np

NUM_ITEMS = 1000000
EMBED_DIM = 32
BATCH = 16384
HIST = 50

def setup_inputs(seed: int = 0) -> dict:
    key = jax.random.key(seed)
    k_idx, k_tab = jax.random.split(key)
    item_ids = jax.random.randint(k_idx, (BATCH, HIST), 0, NUM_ITEMS, dtype=jnp.int32)
    table = jax.random.normal(k_tab, (NUM_ITEMS, EMBED_DIM), dtype=jnp.float32)
    return {"item_ids": item_ids, "table": table}

def reference(item_ids, table):
    # nn.Embedding lookup: gather rows from the table
    return jnp.take(table, item_ids, axis=0)

if __name__ == "__main__":
    import jax
    _d = setup_inputs()
    print(jax.jit(kernel)(*tuple(_d.values())))

</pallas_src>

<mosaic_0001>
#map = affine_map<(d0, d1) -> (0, 0)>
#map1 = affine_map<(d0, d1) -> (0, 0, 0)>
module attributes {stable_mosaic.version = 14 : i64} {
  func.func @_tec_body(%arg0: i32, %arg1: i32, %arg2: memref<12800x64xi32, #tpu.memory_space<hbm>>, %arg3: memref<1000000x32xf32, #tpu.memory_space<hbm>>, %arg4: memref<12800x64x32xf32, #tpu.memory_space<hbm>>, %arg5: memref<2x25x64xi32, #tpu.memory_space<vmem>>, %arg6: memref<2x25x64x32xf32, #tpu.memory_space<vmem>>, %arg7: memref<!tpu.dma_semaphore, #tpu.memory_space<semaphore_mem>>, %arg8: memref<!tpu.dma_semaphore, #tpu.memory_space<semaphore_mem>>, %arg9: memref<!tpu.dma_semaphore, #tpu.memory_space<semaphore_mem>>, %arg10: memref<!tpu.dma_semaphore, #tpu.memory_space<semaphore_mem>>, %arg11: memref<!tpu.dma_semaphore, #tpu.memory_space<semaphore_mem>>, %arg12: memref<!tpu.dma_semaphore, #tpu.memory_space<semaphore_mem>>) attributes {dimension_semantics = [#tpu.dimension_semantics<core_parallel>, #tpu.dimension_semantics<subcore_parallel>], iteration_bounds = array<i64: 2, 16>, scalar_prefetch = 0 : i64, scratch_operands = 8 : i64, tpu.core_type = #tpu.core_type<sc_vector_subcore>, window_params = [{transform_indices = #map}, {transform_indices = #map}, {transform_indices = #map1}]} {
    %mul3A = arith.constant 2 : i32
    %mul3A_0 = arith.muli %arg1, %mul3A : i32
    %add3A = arith.addi %mul3A_0, %arg0 : i32
    %mul3A_1 = arith.constant 400 : i32
    %mul3A_2 = arith.muli %add3A, %mul3A_1 : i32
    %add3A_3 = arith.constant 0 : i32
    %add3A_4 = arith.addi %mul3A_2, %add3A_3 : i32
    %dma_start3A = arith.constant 0 : i32
    %dma_start3A_5 = arith.constant 0 : i32
    %dma_start3A_6 = arith.constant 0 : i32
    %dma_start3A_7 = tpu.memref_slice %arg5[%dma_start3A, %dma_start3A_5, %dma_start3A_6] : memref<2x25x64xi32, #tpu.memory_space<vmem>> -> memref<1x25x64xi32, #tpu.memory_space<vmem>>
    %dma_start3A_8 = tpu.memref_squeeze %dma_start3A_7 : memref<1x25x64xi32, #tpu.memory_space<vmem>> -> memref<25x64xi32, #tpu.memory_space<vmem>>
    %dma_start3A_9 = arith.constant 0 : i32
    %dma_start3A_10 = tpu.memref_slice %arg2[%add3A_4, %dma_start3A_9] : memref<12800x64xi32, #tpu.memory_space<hbm>> -> memref<25x64xi32, #tpu.memory_space<hbm>>
    %dma_start3A_11 = arith.constant 0 : i32
    %dma_start3A_12 = arith.constant 0 : i32
    %dma_start3A_13 = tpu.memref_slice %arg5[%dma_start3A, %dma_start3A_11, %dma_start3A_12] : memref<2x25x64xi32, #tpu.memory_space<vmem>> -> memref<1x25x64xi32, #tpu.memory_space<vmem>>
    %dma_start3A_14 = tpu.memref_squeeze %dma_start3A_13 : memref<1x25x64xi32, #tpu.memory_space<vmem>> -> memref<25x64xi32, #tpu.memory_space<vmem>>
    %dma_start3A_15 = arith.constant 0 : i32
    %dma_start3A_16 = tpu.memref_slice %arg2[%add3A_4, %dma_start3A_15] : memref<12800x64xi32, #tpu.memory_space<hbm>> -> memref<25x64xi32, #tpu.memory_space<hbm>>
    tpu.enqueue_dma source(%dma_start3A_16 : memref<25x64xi32, #tpu.memory_space<hbm>>) target(%dma_start3A_14 : memref<25x64xi32, #tpu.memory_space<vmem>>) target_semaphore(%arg7 : memref<!tpu.dma_semaphore, #tpu.memory_space<semaphore_mem>>)
    %add3A_17 = arith.constant 25 : i32
    %add3A_18 = arith.addi %mul3A_2, %add3A_17 : i32
    %dma_start3A_19 = arith.constant 1 : i32
    %dma_start3A_20 = arith.constant 0 : i32
    %dma_start3A_21 = arith.constant 0 : i32
    %dma_start3A_22 = tpu.memref_slice %arg5[%dma_start3A_19, %dma_start3A_20, %dma_start3A_21] : memref<2x25x64xi32, #tpu.memory_space<vmem>> -> memref<1x25x64xi32, #tpu.memory_space<vmem>>
    %dma_start3A_23 = tpu.memref_squeeze %dma_start3A_22 : memref<1x25x64xi32, #tpu.memory_space<vmem>> -> memref<25x64xi32, #tpu.memory_space<vmem>>
    %dma_start3A_24 = arith.constant 0 : i32
    %dma_start3A_25 = tpu.memref_slice %arg2[%add3A_18, %dma_start3A_24] : memref<12800x64xi32, #tpu.memory_space<hbm>> -> memref<25x64xi32, #tpu.memory_space<hbm>>
    %dma_start3A_26 = arith.constant 0 : i32
    %dma_start3A_27 = arith.constant 0 : i32
    %dma_start3A_28 = tpu.memref_slice %arg5[%dma_start3A_19, %dma_start3A_26, %dma_start3A_27] : memref<2x25x64xi32, #tpu.memory_space<vmem>> -> memref<1x25x64xi32, #tpu.memory_space<vmem>>
    %dma_start3A_29 = tpu.memref_squeeze %dma_start3A_28 : memref<1x25x64xi32, #tpu.memory_space<vmem>> -> memref<25x64xi32, #tpu.memory_space<vmem>>
    %dma_start3A_30 = arith.constant 0 : i32
    %dma_start3A_31 = tpu.memref_slice %arg2[%add3A_18, %dma_start3A_30] : memref<12800x64xi32, #tpu.memory_space<hbm>> -> memref<25x64xi32, #tpu.memory_space<hbm>>
    tpu.enqueue_dma source(%dma_start3A_31 : memref<25x64xi32, #tpu.memory_space<hbm>>) target(%dma_start3A_29 : memref<25x64xi32, #tpu.memory_space<vmem>>) target_semaphore(%arg8 : memref<!tpu.dma_semaphore, #tpu.memory_space<semaphore_mem>>)
    %add3A_32 = arith.constant 0 : i32
    %add3A_33 = arith.addi %mul3A_2, %add3A_32 : i32
    %dma_wait3A = arith.constant 0 : i32
    %dma_wait3A_34 = arith.constant 0 : i32
    %dma_wait3A_35 = arith.constant 0 : i32
    %dma_wait3A_36 = tpu.memref_slice %arg5[%dma_wait3A, %dma_wait3A_34, %dma_wait3A_35] : memref<2x25x64xi32, #tpu.memory_space<vmem>> -> memref<1x25x64xi32, #tpu.memory_space<vmem>>
    %dma_wait3A_37 = tpu.memref_squeeze %dma_wait3A_36 : memref<1x25x64xi32, #tpu.memory_space<vmem>> -> memref<25x64xi32, #tpu.memory_space<vmem>>
    %dma_wait3A_38 = arith.constant 0 : i32
    %dma_wait3A_39 = tpu.memref_slice %arg2[%add3A_33, %dma_wait3A_38] : memref<12800x64xi32, #tpu.memory_space<hbm>> -> memref<25x64xi32, #tpu.memory_space<hbm>>
    %dma_wait3A_40 = arith.constant 0 : i32
    %dma_wait3A_41 = arith.constant 0 : i32
    %dma_wait3A_42 = tpu.memref_slice %arg5[%dma_wait3A, %dma_wait3A_40, %dma_wait3A_41] : memref<2x25x64xi32, #tpu.memory_space<vmem>> -> memref<1x25x64xi32, #tpu.memory_space<vmem>>
    %dma_wait3A_43 = tpu.memref_squeeze %dma_wait3A_42 : memref<1x25x64xi32, #tpu.memory_space<vmem>> -> memref<25x64xi32, #tpu.memory_space<vmem>>
    %dma_wait3A_44 = arith.constant 0 : i32
    %dma_wait3A_45 = tpu.memref_slice %arg2[%add3A_33, %dma_wait3A_44] : memref<12800x64xi32, #tpu.memory_space<hbm>> -> memref<25x64xi32, #tpu.memory_space<hbm>>
    tpu.wait_dma2 semaphore(%arg7 : memref<!tpu.dma_semaphore, #tpu.memory_space<semaphore_mem>>) src(%dma_wait3A_45 : memref<25x64xi32, #tpu.memory_space<hbm>>) dst(%dma_wait3A_43 : memref<25x64xi32, #tpu.memory_space<vmem>>)
    %dma_start3A_46 = arith.constant 0 : i32
    %dma_start3A_47 = arith.constant 0 : i32
    %dma_start3A_48 = arith.constant 0 : i32
    %dma_start3A_49 = arith.constant 0 : i32
    %dma_start3A_50 = arith.constant 0 : i32
    %dma_start3A_51 = arith.constant 0 : i32
    %dma_start3A_52 = arith.constant 0 : i32
    %dma_start3A_53 = tpu.memref_slice %arg6[%dma_start3A_48, %dma_start3A_50, %dma_start3A_51, %dma_start3A_52] : memref<2x25x64x32xf32, #tpu.memory_space<vmem>> -> memref<1x25x64x32xf32, #tpu.memory_space<vmem>>
    %dma_start3A_54 = tpu.memref_squeeze %dma_start3A_53 : memref<1x25x64x32xf32, #tpu.memory_space<vmem>> -> memref<25x64x32xf32, #tpu.memory_space<vmem>>
    %dma_start3A_55 = arith.constant 0 : i32
    %dma_start3A_56 = arith.constant 0 : i32
    %dma_start3A_57 = tpu.memref_slice %dma_start3A_54[%dma_start3A_49, %dma_start3A_55, %dma_start3A_56] : memref<25x64x32xf32, #tpu.memory_space<vmem>> -> memref<1x64x32xf32, #tpu.memory_space<vmem>>
    %dma_start3A_58 = tpu.memref_squeeze %dma_start3A_57 : memref<1x64x32xf32, #tpu.memory_space<vmem>> -> memref<64x32xf32, #tpu.memory_space<vmem>>
    %dma_start3A_59 = arith.constant 0 : i32
    %dma_start3A_60 = arith.constant 0 : i32
    %dma_start3A_61 = tpu.memref_slice %arg5[%dma_start3A_46, %dma_start3A_59, %dma_start3A_60] : memref<2x25x64xi32, #tpu.memory_space<vmem>> -> memref<1x25x64xi32, #tpu.memory_space<vmem>>
    %dma_start3A_62 = tpu.memref_squeeze %dma_start3A_61 : memref<1x25x64xi32, #tpu.memory_space<vmem>> -> memref<25x64xi32, #tpu.memory_space<vmem>>
    %dma_start3A_63 = arith.constant 0 : i32
    %dma_start3A_64 = tpu.memref_slice %dma_start3A_62[%dma_start3A_47, %dma_start3A_63] : memref<25x64xi32, #tpu.memory_space<vmem>> -> memref<1x64xi32, #tpu.memory_space<vmem>>
    %dma_start3A_65 = tpu.memref_squeeze %dma_start3A_64 : memref<1x64xi32, #tpu.memory_space<vmem>> -> memref<64xi32, #tpu.memory_space<vmem>>
    %dma_start3A_66 = arith.constant 0 : i32
    %dma_start3A_67 = arith.constant 0 : i32
    %dma_start3A_68 = tpu.memref_slice %arg3[%dma_start3A_66, %dma_start3A_67] : memref<1000000x32xf32, #tpu.memory_space<hbm>> -> memref<1000000x32xf32, #tpu.memory_space<hbm>>
    tpu.enqueue_indirect_dma source(%dma_start3A_68 : memref<1000000x32xf32, #tpu.memory_space<hbm>>) target(%dma_start3A_58 : memref<64x32xf32, #tpu.memory_space<vmem>>) offsets(%dma_start3A_65 : memref<64xi32, #tpu.memory_space<vmem>>) semaphore(%arg9 : memref<!tpu.dma_semaphore, #tpu.memory_space<semaphore_mem>>)
    %dma_start3A_69 = arith.constant 0 : i32
    %dma_start3A_70 = arith.constant 1 : i32
    %dma_start3A_71 = arith.constant 0 : i32
    %dma_start3A_72 = arith.constant 1 : i32
    %dma_start3A_73 = arith.constant 0 : i32
    %dma_start3A_74 = arith.constant 0 : i32
    %dma_start3A_75 = arith.constant 0 : i32
    %dma_start3A_76 = tpu.memref_slice %arg6[%dma_start3A_71, %dma_start3A_73, %dma_start3A_74, %dma_start3A_75] : memref<2x25x64x32xf32, #tpu.memory_space<vmem>> -> memref<1x25x64x32xf32, #tpu.memory_space<vmem>>
    %dma_start3A_77 = tpu.memref_squeeze %dma_start3A_76 : memref<1x25x64x32xf32, #tpu.memory_space<vmem>> -> memref<25x64x32xf32, #tpu.memory_space<vmem>>
    %dma_start3A_78 = arith.constant 0 : i32
    %dma_start3A_79 = arith.constant 0 : i32
    %dma_start3A_80 = tpu.memref_slice %dma_start3A_77[%dma_start3A_72, %dma_start3A_78, %dma_start3A_79] : memref<25x64x32xf32, #tpu.memory_space<vmem>> -> memref<1x64x32xf32, #tpu.memory_space<vmem>>
    %dma_start3A_81 = tpu.memref_squeeze %dma_start3A_80 : memref<1x64x32xf32, #tpu.memory_space<vmem>> -> memref<64x32xf32, #tpu.memory_space<vmem>>
    %dma_start3A_82 = arith.constant 0 : i32
    %dma_start3A_83 = arith.constant 0 : i32
    %dma_start3A_84 = tpu.memref_slice %arg5[%dma_start3A_69, %dma_start3A_82, %dma_start3A_83] : memref<2x25x64xi32, #tpu.memory_space<vmem>> -> memref<1x25x64xi32, #tpu.memory_space<vmem>>
    %dma_start3A_85 = tpu.memref_squeeze %dma_start3A_84 : memref<1x25x64xi32, #tpu.memory_space<vmem>> -> memref<25x64xi32, #tpu.memory_space<vmem>>
    %dma_start3A_86 = arith.constant 0 : i32
    %dma_start3A_87 = tpu.memref_slice %dma_start3A_85[%dma_start3A_70, %dma_start3A_86] : memref<25x64xi32, #tpu.memory_space<vmem>> -> memref<1x64xi32, #tpu.memory_space<vmem>>
    %dma_start3A_88 = tpu.memref_squeeze %dma_start3A_87 : memref<1x64xi32, #tpu.memory_space<vmem>> -> memref<64xi32, #tpu.memory_space<vmem>>
    %dma_start3A_89 = arith.constant 0 : i32
    %dma_start3A_90 = arith.constant 0 : i32
    %dma_start3A_91 = tpu.memref_slice %arg3[%dma_start3A_89, %dma_start3A_90] : memref<1000000x32xf32, #tpu.memory_space<hbm>> -> memref<1000000x32xf32, #tpu.memory_space<hbm>>
    tpu.enqueue_indirect_dma source(%dma_start3A_91 : memref<1000000x32xf32, #tpu.memory_space<hbm>>) target(%dma_start3A_81 : memref<64x32xf32, #tpu.memory_space<vmem>>) offsets(%dma_start3A_88 : memref<64xi32, #tpu.memory_space<vmem>>) semaphore(%arg9 : memref<!tpu.dma_semaphore, #tpu.memory_space<semaphore_mem>>)
    %dma_start3A_92 = arith.constant 0 : i32
    %dma_start3A_93 = arith.constant 2 : i32
    %dma_start3A_94 = arith.constant 0 : i32
    %dma_start3A_95 = arith.constant 2 : i32
    %dma_start3A_96 = arith.constant 0 : i32
    %dma_start3A_97 = arith.constant 0 : i32
    %dma_start3A_98 = arith.constant 0 : i32
    %dma_start3A_99 = tpu.memref_slice %arg6[%dma_start3A_94, %dma_start3A_96, %dma_start3A_97, %dma_start3A_98] : memref<2x25x64x32xf32, #tpu.memory_space<vmem>> -> memref<1x25x64x32xf32, #tpu.memory_space<vmem>>
    %dma_start3A_100 = tpu.memref_squeeze %dma_start3A_99 : memref<1x25x64x32xf32, #tpu.memory_space<vmem>> -> memref<25x64x32xf32, #tpu.memory_space<vmem>>
    %dma_start3A_101 = arith.constant 0 : i32
    %dma_start3A_102 = arith.constant 0 : i32
    %dma_start3A_103 = tpu.memref_slice %dma_start3A_100[%dma_start3A_95, %dma_start3A_101, %dma_start3A_102] : memref<25x64x32xf32, #tpu.memory_space<vmem>> -> memref<1x64x32xf32, #tpu.memory_space<vmem>>
    %dma_start3A_104 = tpu.memref_squeeze %dma_start3A_103 : memref<1x64x32xf32, #tpu.memory_space<vmem>> -> memref<64x32xf32, #tpu.memory_space<vmem>>
    %dma_start3A_105 = arith.constant 0 : i32
    %dma_start3A_106 = arith.constant 0 : i32
    %dma_start3A_107 = tpu.memref_slice %arg5[%dma_start3A_92, %dma_start3A_105, %dma_start3A_106] : memref<2x25x64xi32, #tpu.memory_space<vmem>> -> memref<1x25x64xi32, #tpu.memory_space<vmem>>
    %dma_start3A_108 = tpu.memref_squeeze %dma_start3A_107 : memref<1x25x64xi32, #tpu.memory_space<vmem>> -> memref<25x64xi32, #tpu.memory_space<vmem>>
    %dma_start3A_109 = arith.constant 0 : i32
    %dma_start3A_110 = tpu.memref_slice %dma_start3A_108[%dma_start3A_93, %dma_start3A_109] : memref<25x64xi32, #tpu.memory_space<vmem>> -> memref<1x64xi32, #tpu.memory_space<vmem>>
    %dma_start3A_111 = tpu.memref_squeeze %dma_start3A_110 : memref<1x64xi32, #tpu.memory_space<vmem>> -> memref<64xi32, #tpu.memory_space<vmem>>
    %dma_start3A_112 = arith.constant 0 : i32
    %dma_start3A_113 = arith.constant 0 : i32
    %dma_start3A_114 = tpu.memref_slice %arg3[%dma_start3A_112, %dma_start3A_113] : memref<1000000x32xf32, #tpu.memory_space<hbm>> -> memref<1000000x32xf32, #tpu.memory_space<hbm>>
    tpu.enqueue_indirect_dma source(%dma_start3A_114 : memref<1000000x32xf32, #tpu.memory_space<hbm>>) target(%dma_start3A_104 : memref<64x32xf32, #tpu.memory_space<vmem>>) offsets(%dma_start3A_111 : memref<64xi32, #tpu.memory_space<vmem>>) semaphore(%arg9 : memref<!tpu.dma_semaphore, #tpu.memory_space<semaphore_mem>>)
    %dma_start3A_115 = arith.constant 0 : i32
    %dma_start3A_116 = arith.constant 3 : i32
    %dma_start3A_117 = arith.constant 0 : i32
    %dma_start3A_118 = arith.constant 3 : i32
    %dma_start3A_119 = arith.constant 0 : i32
    %dma_start3A_120 = arith.constant 0 : i32
    %dma_start3A_121 = arith.constant 0 : i32
    %dma_start3A_122 = tpu.memref_slice %arg6[%dma_start3A_117, %dma_start3A_119, %dma_start3A_120, %dma_start3A_121] : memref<2x25x64x32xf32, #tpu.memory_space<vmem>> -> memref<1x25x64x32xf32, #tpu.memory_space<vmem>>
    %dma_start3A_123 = tpu.memref_squeeze %dma_start3A_122 : memref<1x25x64x32xf32, #tpu.memory_space<vmem>> -> memref<25x64x32xf32, #tpu.memory_space<vmem>>
    %dma_start3A_124 = arith.constant 0 : i32
    %dma_start3A_125 = arith.constant 0 : i32
    %dma_start3A_126 = tpu.memref_slice %dma_start3A_123[%dma_start3A_118, %dma_start3A_124, %dma_start3A_125] : memref<25x64x32xf32, #tpu.memory_space<vmem>> -> memref<1x64x32xf32, #tpu.memory_space<vmem>>
    %dma_start3A_127 = tpu.memref_squeeze %dma_start3A_126 : memref<1x64x32xf32, #tpu.memory_space<vmem>> -> memref<64x32xf32, #tpu.memory_space<vmem>>
    %dma_start3A_128 = arith.constant 0 : i32
    %dma_start3A_129 = arith.constant 0 : i32
    %dma_start3A_130 = tpu.memref_slice %arg5[%dma_start3A_115, %dma_start3A_128, %dma_start3A_129] : memref<2x25x64xi32, #tpu.memory_space<vmem>> -> memref<1x25x64xi32, #tpu.memory_space<vmem>>
    %dma_start3A_131 = tpu.memref_squeeze %dma_start3A_130 : memref<1x25x64xi32, #tpu.memory_space<vmem>> -> memref<25x64xi32, #tpu.memory_space<vmem>>
    %dma_start3A_132 = arith.constant 0 : i32
    %dma_start3A_133 = tpu.memref_slice %dma_start3A_131[%dma_start3A_116, %dma_start3A_132] : memref<25x64xi32, #tpu.memory_space<vmem>> -> memref<1x64xi32, #tpu.memory_space<vmem>>
    %dma_start3A_134 = tpu.memref_squeeze %dma_start3A_133 : memref<1x64xi32, #tpu.memory_space<vmem>> -> memref<64xi32, #tpu.memory_space<vmem>>
    %dma_start3A_135 = arith.constant 0 : i32
    %dma_start3A_136 = arith.constant 0 : i32
    %dma_start3A_137 = tpu.memref_slice %arg3[%dma_start3A_135, %dma_start3A_136] : memref<1000000x32xf32, #tpu.memory_space<hbm>> -> memref<1000000x32xf32, #tpu.memory_space<hbm>>
    tpu.enqueue_indirect_dma source(%dma_start3A_137 : memref<1000000x32xf32, #tpu.memory_space<hbm>>) target(%dma_start3A_127 : memref<64x32xf32, #tpu.memory_space<vmem>>) offsets(%dma_start3A_134 : memref<64xi32, #tpu.memory_space<vmem>>) semaphore(%arg9 : memref<!tpu.dma_semaphore, #tpu.memory_space<semaphore_mem>>)
    %dma_start3A_138 = arith.constant 0 : i32
    %dma_start3A_139 = arith.constant 4 : i32
    %dma_start3A_140 = arith.constant 0 : i32
    %dma_start3A_141 = arith.constant 4 : i32
    %dma_start3A_142 = arith.constant 0 : i32
    %dma_start3A_143 = arith.constant 0 : i32
    %dma_start3A_144 = arith.constant 0 : i32
    %dma_start3A_145 = tpu.memref_slice %arg6[%dma_start3A_140, %dma_start3A_142, %dma_start3A_143, %dma_start3A_144] : memref<2x25x64x32xf32, #tpu.memory_space<vmem>> -> memref<1x25x64x32xf32, #tpu.memory_space<vmem>>
    %dma_start3A_146 = tpu.memref_squeeze %dma_start3A_145 : memref<1x25x64x32xf32, #tpu.memory_space<vmem>> -> memref<25x64x32xf32, #tpu.memory_space<vmem>>
    %dma_start3A_147 = arith.constant 0 : i32
    %dma_start3A_148 = arith.constant 0 : i32
    %dma_start3A_149 = tpu.memref_slice %dma_start3A_146[%dma_start3A_141, %dma_start3A_147, %dma_start3A_148] : memref<25x64x32xf32, #tpu.memory_space<vmem>> -> memref<1x64x32xf32, #tpu.memory_space<vmem>>
    %dma_start3A_150 = tpu.memref_squeeze %dma_start3A_149 : memref<1x64x32xf32, #tpu.memory_space<vmem>> -> memref<64x32xf32, #tpu.memory_space<vmem>>
    %dma_start3A_151 = arith.constant 0 : i32
    %dma_start3A_152 = arith.constant 0 : i32
    %dma_start3A_153 = tpu.memref_slice %arg5[%dma_start3A_138, %dma_start3A_151, %dma_start3A_152] : memref<2x25x64xi32, #tpu.memory_space<vmem>> -> memref<1x25x64xi32, #tpu.memory_space<vmem>>
    %dma_start3A_154 = tpu.memref_squeeze %dma_start3A_153 : memref<1x25x64xi32, #tpu.memory_space<vmem>> -> memref<25x64xi32, #tpu.memory_space<vmem>>
    %dma_start3A_155 = arith.constant 0 : i32
    %dma_start3A_156 = tpu.memref_slice %dma_start3A_154[%dma_start3A_139, %dma_start3A_155] : memref<25x64xi32, #tpu.memory_space<vmem>> -> memref<1x64xi32, #tpu.memory_space<vmem>>
    %dma_start3A_157 = tpu.memref_squeeze %dma_start3A_156 : memref<1x64xi32, #tpu.memory_space<vmem>> -> memref<64xi32, #tpu.memory_space<vmem>>
    %dma_start3A_158 = arith.constant 0 : i32
    %dma_start3A_159 = arith.constant 0 : i32
    %dma_start3A_160 = tpu.memref_slice %arg3[%dma_start3A_158, %dma_start3A_159] : memref<1000000x32xf32, #tpu.memory_space<hbm>> -> memref<1000000x32xf32, #tpu.memory_space<hbm>>
    tpu.enqueue_indirect_dma source(%dma_start3A_160 : memref<1000000x32xf32, #tpu.memory_space<hbm>>) target(%dma_start3A_150 : memref<64x32xf32, #tpu.memory_space<vmem>>) offsets(%dma_start3A_157 : memref<64xi32, #tpu.memory_space<vmem>>) semaphore(%arg9 : memref<!tpu.dma_semaphore, #tpu.memory_space<semaphore_mem>>)
    %dma_start3A_161 = arith.constant 0 : i32
    %dma_start3A_162 = arith.constant 5 : i32
    %dma_start3A_163 = arith.constant 0 : i32
    %dma_start3A_164 = arith.constant 5 : i32
    %dma_start3A_165 = arith.constant 0 : i32
    %dma_start3A_166 = arith.constant 0 : i32
    %dma_start3A_167 = arith.constant 0 : i32
    %dma_start3A_168 = tpu.memref_slice %arg6[%dma_start3A_163, %dma_start3A_165, %dma_start3A_166, %dma_start3A_167] : memref<2x25x64x32xf32, #tpu.memory_space<vmem>> -> memref<1x25x64x32xf32, #tpu.memory_space<vmem>>
    %dma_start3A_169 = tpu.memref_squeeze %dma_start3A_168 : memref<1x25x64x32xf32, #tpu.memory_space<vmem>> -> memref<25x64x32xf32, #tpu.memory_space<vmem>>
    %dma_start3A_170 = arith.constant 0 : i32
    %dma_start3A_171 = arith.constant 0 : i32
    %dma_start3A_172 = tpu.memref_slice %dma_start3A_169[%dma_start3A_164, %dma_start3A_170, %dma_start3A_171] : memref<25x64x32xf32, #tpu.memory_space<vmem>> -> memref<1x64x32xf32, #tpu.memory_space<vmem>>
    %dma_start3A_173 = tpu.memref_squeeze %dma_start3A_172 : memref<1x64x32xf32, #tpu.memory_space<vmem>> -> memref<64x32xf32, #tpu.memory_space<vmem>>
    %dma_start3A_174 = arith.constant 0 : i32
    %dma_start3A_175 = arith.constant 0 : i32
    %dma_start3A_176 = tpu.memref_slice %arg5[%dma_start3A_161, %dma_start3A_174, %dma_start3A_175] : memref<2x25x64xi32, #tpu.memory_space<vmem>> -> memref<1x25x64xi32, #tpu.memory_space<vmem>>
    %dma_start3A_177 = tpu.memref_squeeze %dma_start3A_176 : memref<1x25x64xi32, #tpu.memory_space<vmem>> -> memref<25x64xi32, #tpu.memory_space<vmem>>
    %dma_start3A_178 = arith.constant 0 : i32
    %dma_start3A_179 = tpu.memref_slice %dma_start3A_177[%dma_start3A_162, %dma_start3A_178] : memref<25x64xi32, #tpu.memory_space<vmem>> -> memref<1x64xi32, #tpu.memory_space<vmem>>
    %dma_start3A_180 = tpu.memref_squeeze %dma_start3A_179 : memref<1x64xi32, #tpu.memory_space<vmem>> -> memref<64xi32, #tpu.memory_space<vmem>>
    %dma_start3A_181 = arith.constant 0 : i32
    %dma_start3A_182 = arith.constant 0 : i32
    %dma_start3A_183 = tpu.memref_slice %arg3[%dma_start3A_181, %dma_start3A_182] : memref<1000000x32xf32, #tpu.memory_space<hbm>> -> memref<1000000x32xf32, #tpu.memory_space<hbm>>
    tpu.enqueue_indirect_dma source(%dma_start3A_183 : memref<1000000x32xf32, #tpu.memory_space<hbm>>) target(%dma_start3A_173 : memref<64x32xf32, #tpu.memory_space<vmem>>) offsets(%dma_start3A_180 : memref<64xi32, #tpu.memory_space<vmem>>) semaphore(%arg9 : memref<!tpu.dma_semaphore, #tpu.memory_space<semaphore_mem>>)
    %dma_start3A_184 = arith.constant 0 : i32
    %dma_start3A_185 = arith.constant 6 : i32
    %dma_start3A_186 = arith.constant 0 : i32
    %dma_start3A_187 = arith.constant 6 : i32
    %dma_start3A_188 = arith.constant 0 : i32
    %dma_start3A_189 = arith.constant 0 : i32
    %dma_start3A_190 = arith.constant 0 : i32
    %dma_start3A_191 = tpu.memref_slice %arg6[%dma_start3A_186, %dma_start3A_188, %dma_start3A_189, %dma_start3A_190] : memref<2x25x64x32xf32, #tpu.memory_space<vmem>> -> memref<1x25x64x32xf32, #tpu.memory_space<vmem>>
    %dma_start3A_192 = tpu.memref_squeeze %dma_start3A_191 : memref<1x25x64x32xf32, #tpu.memory_space<vmem>> -> memref<25x64x32xf32, #tpu.memory_space<vmem>>
    %dma_start3A_193 = arith.constant 0 : i32
    %dma_start3A_194 = arith.constant 0 : i32
    %dma_start3A_195 = tpu.memref_slice %dma_start3A_192[%dma_start3A_187, %dma_start3A_193, %dma_start3A_194] : memref<25x64x32xf32, #tpu.memory_space<vmem>> -> memref<1x64x32xf32, #tpu.memory_space<vmem>>
    %dma_start3A_196 = tpu.memref_squeeze %dma_start3A_195 : memref<1x64x32xf32, #tpu.memory_space<vmem>> -> memref<64x32xf32, #tpu.memory_space<vmem>>
    %dma_start3A_197 = arith.constant 0 : i32
    %dma_start3A_198 = arith.constant 0 : i32
    %dma_start3A_199 = tpu.memref_slice %arg5[%dma_start3A_184, %dma_start3A_197, %dma_start3A_198] : memref<2x25x64xi32, #tpu.memory_space<vmem>> -> memref<1x25x64xi32, #tpu.memory_space<vmem>>
    %dma_start3A_200 = tpu.memref_squeeze %dma_start3A_199 : memref<1x25x64xi32, #tpu.memory_space<vmem>> -> memref<25x64xi32, #tpu.memory_space<vmem>>
    %dma_start3A_201 = arith.constant 0 : i32
    %dma_start3A_202 = tpu.memref_slice %dma_start3A_200[%dma_start3A_185, %dma_start3A_201] : memref<25x64xi32, #tpu.memory_space<vmem>> -> memref<1x64xi32, #tpu.memory_space<vmem>>
    %dma_start3A_203 = tpu.memref_squeeze %dma_start3A_202 : memref<1x64xi32, #tpu.memory_space<vmem>> -> memref<64xi32, #tpu.memory_space<vmem>>
    %dma_start3A_204 = arith.constant 0 : i32
    %dma_start3A_205 = arith.constant 0 : i32
    %dma_start3A_206 = tpu.memref_slice %arg3[%dma_start3A_204, %dma_start3A_205] : memref<1000000x32xf32, #tpu.memory_space<hbm>> -> memref<1000000x32xf32, #tpu.memory_space<hbm>>
    tpu.enqueue_indirect_dma source(%dma_start3A_206 : memref<1000000x32xf32, #tpu.memory_space<hbm>>) target(%dma_start3A_196 : memref<64x32xf32, #tpu.memory_space<vmem>>) offsets(%dma_start3A_203 : memref<64xi32, #tpu.memory_space<vmem>>) semaphore(%arg9 : memref<!tpu.dma_semaphore, #tpu.memory_space<semaphore_mem>>)
    %dma_start3A_207 = arith.constant 0 : i32
    %dma_start3A_208 = arith.constant 7 : i32
    %dma_start3A_209 = arith.constant 0 : i32
    %dma_start3A_210 = arith.constant 7 : i32
    %dma_start3A_211 = arith.constant 0 : i32
    %dma_start3A_212 = arith.constant 0 : i32
    %dma_start3A_213 = arith.constant 0 : i32
    %dma_start3A_214 = tpu.memref_slice %arg6[%dma_start3A_209, %dma_start3A_211, %dma_start3A_212, %dma_start3A_213] : memref<2x25x64x32xf32, #tpu.memory_space<vmem>> -> memref<1x25x64x32xf32, #tpu.memory_space<vmem>>
    %dma_start3A_215 = tpu.memref_squeeze %dma_start3A_214 : memref<1x25x64x32xf32, #tpu.memory_space<vmem>> -> memref<25x64x32xf32, #tpu.memory_space<vmem>>
    %dma_start3A_216 = arith.constant 0 : i32
    %dma_start3A_217 = arith.constant 0 : i32
    %dma_start3A_218 = tpu.memref_slice %dma_start3A_215[%dma_start3A_210, %dma_start3A_216, %dma_start3A_217] : memref<25x64x32xf32, #tpu.memory_space<vmem>> -> memref<1x64x32xf32, #tpu.memory_space<vmem>>
    %dma_start3A_219 = tpu.memref_squeeze %dma_start3A_218 : memref<1x64x32xf32, #tpu.memory_space<vmem>> -> memref<64x32xf32, #tpu.memory_space<vmem>>
    %dma_start3A_220 = arith.constant 0 : i32
    %dma_start3A_221 = arith.constant 0 : i32
    %dma_start3A_222 = tpu.memref_slice %arg5[%dma_start3A_207, %dma_start3A_220, %dma_start3A_221] : memref<2x25x64xi32, #tpu.memory_space<vmem>> -> memref<1x25x64xi32, #tpu.memory_space<vmem>>
    %dma_start3A_223 = tpu.memref_squeeze %dma_start3A_222 : memref<1x25x64xi32, #tpu.memory_space<vmem>> -> memref<25x64xi32, #tpu.memory_space<vmem>>
    %dma_start3A_224 = arith.constant 0 : i32
    %dma_start3A_225 = tpu.memref_slice %dma_start3A_223[%dma_start3A_208, %dma_start3A_224] : memref<25x64xi32, #tpu.memory_space<vmem>> -> memref<1x64xi32, #tpu.memory_space<vmem>>
    %dma_start3A_226 = tpu.memref_squeeze %dma_start3A_225 : memref<1x64xi32, #tpu.memory_space<vmem>> -> memref<64xi32, #tpu.memory_space<vmem>>
    %dma_start3A_227 = arith.constant 0 : i32
    %dma_start3A_228 = arith.constant 0 : i32
    %dma_start3A_229 = tpu.memref_slice %arg3[%dma_start3A_227, %dma_start3A_228] : memref<1000000x32xf32, #tpu.memory_space<hbm>> -> memref<1000000x32xf32, #tpu.memory_space<hbm>>
    tpu.enqueue_indirect_dma source(%dma_start3A_229 : memref<1000000x32xf32, #tpu.memory_space<hbm>>) target(%dma_start3A_219 : memref<64x32xf32, #tpu.memory_space<vmem>>) offsets(%dma_start3A_226 : memref<64xi32, #tpu.memory_space<vmem>>) semaphore(%arg9 : memref<!tpu.dma_semaphore, #tpu.memory_space<semaphore_mem>>)
    %dma_start3A_230 = arith.constant 0 : i32
    %dma_start3A_231 = arith.constant 8 : i32
    %dma_start3A_232 = arith.constant 0 : i32
    %dma_start3A_233 = arith.constant 8 : i32
    %dma_start3A_234 = arith.constant 0 : i32
    %dma_start3A_235 = arith.constant 0 : i32
    %dma_start3A_236 = arith.constant 0 : i32
    %dma_start3A_237 = tpu.memref_slice %arg6[%dma_start3A_232, %dma_start3A_234, %dma_start3A_235, %dma_start3A_236] : memref<2x25x64x32xf32, #tpu.memory_space<vmem>> -> memref<1x25x64x32xf32, #tpu.memory_space<vmem>>
    %dma_start3A_238 = tpu.memref_squeeze %dma_start3A_237 : memref<1x25x64x32xf32, #tpu.memory_space<vmem>> -> memref<25x64x32xf32, #tpu.memory_space<vmem>>
    %dma_start3A_239 = arith.constant 0 : i32
    %dma_start3A_240 = arith.constant 0 : i32
    %dma_start3A_241 = tpu.memref_slice %dma_start3A_238[%dma_start3A_233, %dma_start3A_239, %dma_start3A_240] : memref<25x64x32xf32, #tpu.memory_space<vmem>> -> memref<1x64x32xf32, #tpu.memory_space<vmem>>
    %dma_start3A_242 = tpu.memref_squeeze %dma_start3A_241 : memref<1x64x32xf32, #tpu.memory_space<vmem>> -> memref<64x32xf32, #tpu.memory_space<vmem>>
    %dma_start3A_243 = arith.constant 0 : i32
    %dma_start3A_244 = arith.constant 0 : i32
    %dma_start3A_245 = tpu.memref_slice %arg5[%dma_start3A_230, %dma_start3A_243, %dma_start3A_244] : memref<2x25x64xi32, #tpu.memory_space<vmem>> -> memref<1x25x64xi32, #tpu.memory_space<vmem>>
    %dma_start3A_246 = tpu.memref_squeeze %dma_start3A_245 : memref<1x25x64xi32, #tpu.memory_space<vmem>> -> memref<25x64xi32, #tpu.memory_space<vmem>>
    %dma_start3A_247 = arith.constant 0 : i32
    %dma_start3A_248 = tpu.memref_slice %dma_start3A_246[%dma_start3A_231, %dma_start3A_247] : memref<25x64xi32, #tpu.memory_space<vmem>> -> memref<1x64xi32, #tpu.memory_space<vmem>>
    %dma_start3A_249 = tpu.memref_squeeze %dma_start3A_248 : memref<1x64xi32, #tpu.memory_space<vmem>> -> memref<64xi32, #tpu.memory_space<vmem>>
    %dma_start3A_250 = arith.constant 0 : i32
    %dma_start3A_251 = arith.constant 0 : i32
    %dma_start3A_252 = tpu.memref_slice %arg3[%dma_start3A_250, %dma_start3A_251] : memref<1000000x32xf32, #tpu.memory_space<hbm>> -> memref<1000000x32xf32, #tpu.memory_space<hbm>>
    tpu.enqueue_indirect_dma source(%dma_start3A_252 : memref<1000000x32xf32, #tpu.memory_space<hbm>>) target(%dma_start3A_242 : memref<64x32xf32, #tpu.memory_space<vmem>>) offsets(%dma_start3A_249 : memref<64xi32, #tpu.memory_space<vmem>>) semaphore(%arg9 : memref<!tpu.dma_semaphore, #tpu.memory_space<semaphore_mem>>)
    %dma_start3A_253 = arith.constant 0 : i32
    %dma_start3A_254 = arith.constant 9 : i32
    %dma_start3A_255 = arith.constant 0 : i32
    %dma_start3A_256 = arith.constant 9 : i32
    %dma_start3A_257 = arith.constant 0 : i32
    %dma_start3A_258 = arith.constant 0 : i32
    %dma_start3A_259 = arith.constant 0 : i32
    %dma_start3A_260 = tpu.memref_slice %arg6[%dma_start3A_255, %dma_start3A_257, %dma_start3A_258, %dma_start3A_259] : memref<2x25x64x32xf32, #tpu.memory_space<vmem>> -> memref<1x25x64x32xf32, #tpu.memory_space<vmem>>
    %dma_start3A_261 = tpu.memref_squeeze %dma_start3A_260 : memref<1x25x64x32xf32, #tpu.memory_space<vmem>> -> memref<25x64x32xf32, #tpu.memory_space<vmem>>
    %dma_start3A_262 = arith.constant 0 : i32
    %dma_start3A_263 = arith.constant 0 : i32
    %dma_start3A_264 = tpu.memref_slice %dma_start3A_261[%dma_start3A_256, %dma_start3A_262, %dma_start3A_263] : memref<25x64x32xf32, #tpu.memory_space<vmem>> -> memref<1x64x32xf32, #tpu.memory_space<vmem>>
    %dma_start3A_265 = tpu.memref_squeeze %dma_start3A_264 : memref<1x64x32xf32, #tpu.memory_space<vmem>> -> memref<64x32xf32, #tpu.memory_space<vmem>>
    %dma_start3A_266 = arith.constant 0 : i32
    %dma_start3A_267 = arith.constant 0 : i32
    %dma_start3A_268 = tpu.memref_slice %arg5[%dma_start3A_253, %dma_start3A_266, %dma_start3A_267] : memref<2x25x64xi32, #tpu.memory_space<vmem>> -> memref<1x25x64xi32, #tpu.memory_space<vmem>>
    %dma_start3A_269 = tpu.memref_squeeze %dma_start3A_268 : memref<1x25x64xi32, #tpu.memory_space<vmem>> -> memref<25x64xi32, #tpu.memory_space<vmem>>
    %dma_start3A_270 = arith.constant 0 : i32
    %dma_start3A_271 = tpu.memref_slice %dma_start3A_269[%dma_start3A_254, %dma_start3A_270] : memref<25x64xi32, #tpu.memory_space<vmem>> -> memref<1x64xi32, #tpu.memory_space<vmem>>
    %dma_start3A_272 = tpu.memref_squeeze %dma_start3A_271 : memref<1x64xi32, #tpu.memory_space<vmem>> -> memref<64xi32, #tpu.memory_space<vmem>>
    %dma_start3A_273 = arith.constant 0 : i32
    %dma_start3A_274 = arith.constant 0 : i32
    %dma_start3A_275 = tpu.memref_slice %arg3[%dma_start3A_273, %dma_start3A_274] : memref<1000000x32xf32, #tpu.memory_space<hbm>> -> memref<1000000x32xf32, #tpu.memory_space<hbm>>
    tpu.enqueue_indirect_dma source(%dma_start3A_275 : memref<1000000x32xf32, #tpu.memory_space<hbm>>) target(%dma_start3A_265 : memref<64x32xf32, #tpu.memory_space<vmem>>) offsets(%dma_start3A_272 : memref<64xi32, #tpu.memory_space<vmem>>) semaphore(%arg9 : memref<!tpu.dma_semaphore, #tpu.memory_space<semaphore_mem>>)
    %dma_start3A_276 = arith.constant 0 : i32
    %dma_start3A_277 = arith.constant 10 : i32
    %dma_start3A_278 = arith.constant 0 : i32
    %dma_start3A_279 = arith.constant 10 : i32
    %dma_start3A_280 = arith.constant 0 : i32
    %dma_start3A_281 = arith.constant 0 : i32
    %dma_start3A_282 = arith.constant 0 : i32
    %dma_start3A_283 = tpu.memref_slice %arg6[%dma_start3A_278, %dma_start3A_280, %dma_start3A_281, %dma_start3A_282] : memref<2x25x64x32xf32, #tpu.memory_space<vmem>> -> memref<1x25x64x32xf32, #tpu.memory_space<vmem>>
    %dma_start3A_284 = tpu.memref_squeeze %dma_start3A_283 : memref<1x25x64x32xf32, #tpu.memory_space<vmem>> -> memref<25x64x32xf32, #tpu.memory_space<vmem>>
    %dma_start3A_285 = arith.constant 0 : i32
    %dma_start3A_286 = arith.constant 0 : i32
    %dma_start3A_287 = tpu.memref_slice %dma_start3A_284[%dma_start3A_279, %dma_start3A_285, %dma_start3A_286] : memref<25x64x32xf32, #tpu.memory_space<vmem>> -> memref<1x64x32xf32, #tpu.memory_space<vmem>>
    %dma_start3A_288 = tpu.memref_squeeze %dma_start3A_287 : memref<1x64x32xf32, #tpu.memory_space<vmem>> -> memref<64x32xf32, #tpu.memory_space<vmem>>
    %dma_start3A_289 = arith.constant 0 : i32
    %dma_start3A_290 = arith.constant 0 : i32
    %dma_start3A_291 = tpu.memref_slice %arg5[%dma_start3A_276, %dma_start3A_289, %dma_start3A_290] : memref<2x25x64xi32, #tpu.memory_space<vmem>> -> memref<1x25x64xi32, #tpu.memory_space<vmem>>
    %dma_start3A_292 = tpu.memref_squeeze %dma_start3A_291 : memref<1x25x64xi32, #tpu.memory_space<vmem>> -> memref<25x64xi32, #tpu.memory_space<vmem>>
    %dma_start3A_293 = arith.constant 0 : i32
    %dma_start3A_294 = tpu.memref_slice %dma_start3A_292[%dma_start3A_277, %dma_start3A_293] : memref<25x64xi32, #tpu.memory_space<vmem>> -> memref<1x64xi32, #tpu.memory_space<vmem>>
    %dma_start3A_295 = tpu.memref_squeeze %dma_start3A_294 : memref<1x64xi32, #tpu.memory_space<vmem>> -> memref<64xi32, #tpu.memory_space<vmem>>
    %dma_start3A_296 = arith.constant 0 : i32
    %dma_start3A_297 = arith.constant 0 : i32
    %dma_start3A_298 = tpu.memref_slice %arg3[%dma_start3A_296, %dma_start3A_297] : memref<1000000x32xf32, #tpu.memory_space<hbm>> -> memref<1000000x32xf32, #tpu.memory_space<hbm>>
    tpu.enqueue_indirect_dma source(%dma_start3A_298 : memref<1000000x32xf32, #tpu.memory_space<hbm>>) target(%dma_start3A_288 : memref<64x32xf32, #tpu.memory_space<vmem>>) offsets(%dma_start3A_295 : memref<64xi32, #tpu.memory_space<vmem>>) semaphore(%arg9 : memref<!tpu.dma_semaphore, #tpu.memory_space<semaphore_mem>>)
    %dma_start3A_299 = arith.constant 0 : i32
    %dma_start3A_300 = arith.constant 11 : i32
    %dma_start3A_301 = arith.constant 0 : i32
    %dma_start3A_302 = arith.constant 11 : i32
    %dma_start3A_303 = arith.constant 0 : i32
    %dma_start3A_304 = arith.constant 0 : i32
    %dma_start3A_305 = arith.constant 0 : i32
    %dma_start3A_306 = tpu.memref_slice %arg6[%dma_start3A_301, %dma_start3A_303, %dma_start3A_304, %dma_start3A_305] : memref<2x25x64x32xf32, #tpu.memory_space<vmem>> -> memref<1x25x64x32xf32, #tpu.memory_space<vmem>>
    %dma_start3A_307 = tpu.memref_squeeze %dma_start3A_306 : memref<1x25x64x32xf32, #tpu.memory_space<vmem>> -> memref<25x64x32xf32, #tpu.memory_space<vmem>>
    %dma_start3A_308 = arith.constant 0 : i32
    %dma_start3A_309 = arith.constant 0 : i32
    %dma_start3A_310 = tpu.memref_slice %dma_start3A_307[%dma_start3A_302, %dma_start3A_308, %dma_start3A_309] : memref<25x64x32xf32, #tpu.memory_space<vmem>> -> memref<1x64x32xf32, #tpu.memory_space<vmem>>
    %dma_start3A_311 = tpu.memref_squeeze %dma_start3A_310 : memref<1x64x32xf32, #tpu.memory_space<vmem>> -> memref<64x32xf32, #tpu.memory_space<vmem>>
    %dma_start3A_312 = arith.constant 0 : i32
    %dma_start3A_313 = arith.constant 0 : i32
    %dma_start3A_314 = tpu.memref_slice %arg5[%dma_start3A_299, %dma_start3A_312, %dma_start3A_313] : memref<2x25x64xi32, #tpu.memory_space<vmem>> -> memref<1x25x64xi32, #tpu.memory_space<vmem>>
    %dma_start3A_315 = tpu.memref_squeeze %dma_start3A_314 : memref<1x25x64xi32, #tpu.memory_space<vmem>> -> memref<25x64xi32, #tpu.memory_space<vmem>>
    %dma_start3A_316 = arith.constant 0 : i32
    %dma_start3A_317 = tpu.memref_slice %dma_start3A_315[%dma_start3A_300, %dma_start3A_316] : memref<25x64xi32, #tpu.memory_space<vmem>> -> memref<1x64xi32, #tpu.memory_space<vmem>>
    %dma_start3A_318 = tpu.memref_squeeze %dma_start3A_317 : memref<1x64xi32, #tpu.memory_space<vmem>> -> memref<64xi32, #tpu.memory_space<vmem>>
    %dma_start3A_319 = arith.constant 0 : i32
    %dma_start3A_320 = arith.constant 0 : i32
    %dma_start3A_321 = tpu.memref_slice %arg3[%dma_start3A_319, %dma_start3A_320] : memref<1000000x32xf32, #tpu.memory_space<hbm>> -> memref<1000000x32xf32, #tpu.memory_space<hbm>>
    tpu.enqueue_indirect_dma source(%dma_start3A_321 : memref<1000000x32xf32, #tpu.memory_space<hbm>>) target(%dma_start3A_311 : memref<64x32xf32, #tpu.memory_space<vmem>>) offsets(%dma_start3A_318 : memref<64xi32, #tpu.memory_space<vmem>>) semaphore(%arg9 : memref<!tpu.dma_semaphore, #tpu.memory_space<semaphore_mem>>)
    %dma_start3A_322 = arith.constant 0 : i32
    %dma_start3A_323 = arith.constant 12 : i32
    %dma_start3A_324 = arith.constant 0 : i32
    %dma_start3A_325 = arith.constant 12 : i32
    %dma_start3A_326 = arith.constant 0 : i32
    %dma_start3A_327 = arith.constant 0 : i32
    %dma_start3A_328 = arith.constant 0 : i32
    %dma_start3A_329 = tpu.memref_slice %arg6[%dma_start3A_324, %dma_start3A_326, %dma_start3A_327, %dma_start3A_328] : memref<2x25x64x32xf32, #tpu.memory_space<vmem>> -> memref<1x25x64x32xf32, #tpu.memory_space<vmem>>
    %dma_start3A_330 = tpu.memref_squeeze %dma_start3A_329 : memref<1x25x64x32xf32, #tpu.memory_space<vmem>> -> memref<25x64x32xf32, #tpu.memory_space<vmem>>
    %dma_start3A_331 = arith.constant 0 : i32
    %dma_start3A_332 = arith.constant 0 : i32
    %dma_start3A_333 = tpu.memref_slice %dma_start3A_330[%dma_start3A_325, %dma_start3A_331, %dma_start3A_332] : memref<25x64x32xf32, #tpu.memory_space<vmem>> -> memref<1x64x32xf32, #tpu.memory_space<vmem>>
    %dma_start3A_334 = tpu.memref_squeeze %dma_start3A_333 : memref<1x64x32xf32, #tpu.memory_space<vmem>> -> memref<64x32xf32, #tpu.memory_space<vmem>>
    %dma_start3A_335 = arith.constant 0 : i32
    %dma_start3A_336 = arith.constant 0 : i32
    %dma_start3A_337 = tpu.memref_slice %arg5[%dma_start3A_322, %dma_start3A_335, %dma_start3A_336] : memref<2x25x64xi32, #tpu.memory_space<vmem>> -> memref<1x25x64xi32, #tpu.memory_space<vmem>>
    %dma_start3A_338 = tpu.memref_squeeze %dma_start3A_337 : memref<1x25x64xi32, #tpu.memory_space<vmem>> -> memref<25x64xi32, #tpu.memory_space<vmem>>
    %dma_start3A_339 = arith.constant 0 : i32
    %dma_start3A_340 = tpu.memref_slice %dma_start3A_338[%dma_start3A_323, %dma_start3A_339] : memref<25x64xi32, #tpu.memory_space<vmem>> -> memref<1x64xi32, #tpu.memory_space<vmem>>
    %dma_start3A_341 = tpu.memref_squeeze %dma_start3A_340 : memref<1x64xi32, #tpu.memory_space<vmem>> -> memref<64xi32, #tpu.memory_space<vmem>>
    %dma_start3A_342 = arith.constant 0 : i32
    %dma_start3A_343 = arith.constant 0 : i32
    %dma_start3A_344 = tpu.memref_slice %arg3[%dma_start3A_342, %dma_start3A_343] : memref<1000000x32xf32, #tpu.memory_space<hbm>> -> memref<1000000x32xf32, #tpu.memory_space<hbm>>
    tpu.enqueue_indirect_dma source(%dma_start3A_344 : memref<1000000x32xf32, #tpu.memory_space<hbm>>) target(%dma_start3A_334 : memref<64x32xf32, #tpu.memory_space<vmem>>) offsets(%dma_start3A_341 : memref<64xi32, #tpu.memory_space<vmem>>) semaphore(%arg9 : memref<!tpu.dma_semaphore, #tpu.memory_space<semaphore_mem>>)
    %dma_start3A_345 = arith.constant 0 : i32
    %dma_start3A_346 = arith.constant 13 : i32
    %dma_start3A_347 = arith.constant 0 : i32
    %dma_start3A_348 = arith.constant 13 : i32
    %dma_start3A_349 = arith.constant 0 : i32
    %dma_start3A_350 = arith.constant 0 : i32
    %dma_start3A_351 = arith.constant 0 : i32
    %dma_start3A_352 = tpu.memref_slice %arg6[%dma_start3A_347, %dma_start3A_349, %dma_start3A_350, %dma_start3A_351] : memref<2x25x64x32xf32, #tpu.memory_space<vmem>> -> memref<1x25x64x32xf32, #tpu.memory_space<vmem>>
    %dma_start3A_353 = tpu.memref_squeeze %dma_start3A_352 : memref<1x25x64x32xf32, #tpu.memory_space<vmem>> -> memref<25x64x32xf32, #tpu.memory_space<vmem>>
    %dma_start3A_354 = arith.constant 0 : i32
    %dma_start3A_355 = arith.constant 0 : i32
    %dma_start3A_356 = tpu.memref_slice %dma_start3A_353[%dma_start3A_348, %dma_start3A_354, %dma_start3A_355] : memref<25x64x32xf32, #tpu.memory_space<vmem>> -> memref<1x64x32xf32, #tpu.memory_space<vmem>>
    %dma_start3A_357 = tpu.memref_squeeze %dma_start3A_356 : memref<1x64x32xf32, #tpu.memory_space<vmem>> -> memref<64x32xf32, #tpu.memory_space<vmem>>
    %dma_start3A_358 = arith.constant 0 : i32
    %dma_start3A_359 = arith.constant 0 : i32
    %dma_start3A_360 = tpu.memref_slice %arg5[%dma_start3A_345, %dma_start3A_358, %dma_start3A_359] : memref<2x25x64xi32, #tpu.memory_space<vmem>> -> memref<1x25x64xi32, #tpu.memory_space<vmem>>
    %dma_start3A_361 = tpu.memref_squeeze %dma_start3A_360 : memref<1x25x64xi32, #tpu.memory_space<vmem>> -> memref<25x64xi32, #tpu.memory_space<vmem>>
    %dma_start3A_362 = arith.constant 0 : i32
    %dma_start3A_363 = tpu.memref_slice %dma_start3A_361[%dma_start3A_346, %dma_start3A_362] : memref<25x64xi32, #tpu.memory_space<vmem>> -> memref<1x64xi32, #tpu.memory_space<vmem>>
    %dma_start3A_364 = tpu.memref_squeeze %dma_start3A_363 : memref<1x64xi32, #tpu.memory_space<vmem>> -> memref<64xi32, #tpu.memory_space<vmem>>
    %dma_start3A_365 = arith.constant 0 : i32
    %dma_start3A_366 = arith.constant 0 : i32
    %dma_start3A_367 = tpu.memref_slice %arg3[%dma_start3A_365, %dma_start3A_366] : memref<1000000x32xf32, #tpu.memory_space<hbm>> -> memref<1000000x32xf32, #tpu.memory_space<hbm>>
    tpu.enqueue_indirect_dma source(%dma_start3A_367 : memref<1000000x32xf32, #tpu.memory_space<hbm>>) target(%dma_start3A_357 : memref<64x32xf32, #tpu.memory_space<vmem>>) offsets(%dma_start3A_364 : memref<64xi32, #tpu.memory_space<vmem>>) semaphore(%arg9 : memref<!tpu.dma_semaphore, #tpu.memory_space<semaphore_mem>>)
    %dma_start3A_368 = arith.constant 0 : i32
    %dma_start3A_369 = arith.constant 14 : i32
    %dma_start3A_370 = arith.constant 0 : i32
    %dma_start3A_371 = arith.constant 14 : i32
    %dma_start3A_372 = arith.constant 0 : i32
    %dma_start3A_373 = arith.constant 0 : i32
    %dma_start3A_374 = arith.constant 0 : i32
    %dma_start3A_375 = tpu.memref_slice %arg6[%dma_start3A_370, %dma_start3A_372, %dma_start3A_373, %dma_start3A_374] : memref<2x25x64x32xf32, #tpu.memory_space<vmem>> -> memref<1x25x64x32xf32, #tpu.memory_space<vmem>>
    %dma_start3A_376 = tpu.memref_squeeze %dma_start3A_375 : memref<1x25x64x32xf32, #tpu.memory_space<vmem>> -> memref<25x64x32xf32, #tpu.memory_space<vmem>>
    %dma_start3A_377 = arith.constant 0 : i32
    %dma_start3A_378 = arith.constant 0 : i32
    %dma_start3A_379 = tpu.memref_slice %dma_start3A_376[%dma_start3A_371, %dma_start3A_377, %dma_start3A_378] : memref<25x64x32xf32, #tpu.memory_space<vmem>> -> memref<1x64x32xf32, #tpu.memory_space<vmem>>
    %dma_start3A_380 = tpu.memref_squeeze %dma_start3A_379 : memref<1x64x32xf32, #tpu.memory_space<vmem>> -> memref<64x32xf32, #tpu.memory_space<vmem>>
    %dma_start3A_381 = arith.constant 0 : i32
    %dma_start3A_382 = arith.constant 0 : i32
    %dma_start3A_383 = tpu.memref_slice %arg5[%dma_start3A_368, %dma_start3A_381, %dma_start3A_382] : memref<2x25x64xi32, #tpu.memory_space<vmem>> -> memref<1x25x64xi32, #tpu.memory_space<vmem>>
    %dma_start3A_384 = tpu.memref_squeeze %dma_start3A_383 : memref<1x25x64xi32, #tpu.memory_space<vmem>> -> memref<25x64xi32, #tpu.memory_space<vmem>>
    %dma_start3A_385 = arith.constant 0 : i32
    %dma_start3A_386 = tpu.memref_slice %dma_start3A_384[%dma_start3A_369, %dma_start3A_385] : memref<25x64xi32, #tpu.memory_space<vmem>> -> memref<1x64xi32, #tpu.memory_space<vmem>>
    %dma_start3A_387 = tpu.memref_squeeze %dma_start3A_386 : memref<1x64xi32, #tpu.memory_space<vmem>> -> memref<64xi32, #tpu.memory_space<vmem>>
    %dma_start3A_388 = arith.constant 0 : i32
    %dma_start3A_389 = arith.constant 0 : i32
    %dma_start3A_390 = tpu.memref_slice %arg3[%dma_start3A_388, %dma_start3A_389] : memref<1000000x32xf32, #tpu.memory_space<hbm>> -> memref<1000000x32xf32, #tpu.memory_space<hbm>>
    tpu.enqueue_indirect_dma source(%dma_start3A_390 : memref<1000000x32xf32, #tpu.memory_space<hbm>>) target(%dma_start3A_380 : memref<64x32xf32, #tpu.memory_space<vmem>>) offsets(%dma_start3A_387 : memref<64xi32, #tpu.memory_space<vmem>>) semaphore(%arg9 : memref<!tpu.dma_semaphore, #tpu.memory_space<semaphore_mem>>)
    %dma_start3A_391 = arith.constant 0 : i32
    %dma_start3A_392 = arith.constant 15 : i32
    %dma_start3A_393 = arith.constant 0 : i32
    %dma_start3A_394 = arith.constant 15 : i32
    %dma_start3A_395 = arith.constant 0 : i32
    %dma_start3A_396 = arith.constant 0 : i32
    %dma_start3A_397 = arith.constant 0 : i32
    %dma_start3A_398 = tpu.memref_slice %arg6[%dma_start3A_393, %dma_start3A_395, %dma_start3A_396, %dma_start3A_397] : memref<2x25x64x32xf32, #tpu.memory_space<vmem>> -> memref<1x25x64x32xf32, #tpu.memory_space<vmem>>
    %dma_start3A_399 = tpu.memref_squeeze %dma_start3A_398 : memref<1x25x64x32xf32, #tpu.memory_space<vmem>> -> memref<25x64x32xf32, #tpu.memory_space<vmem>>
    %dma_start3A_400 = arith.constant 0 : i32
    %dma_start3A_401 = arith.constant 0 : i32
    %dma_start3A_402 = tpu.memref_slice %dma_start3A_399[%dma_start3A_394, %dma_start3A_400, %dma_start3A_401] : memref<25x64x32xf32, #tpu.memory_space<vmem>> -> memref<1x64x32xf32, #tpu.memory_space<vmem>>
    %dma_start3A_403 = tpu.memref_squeeze %dma_start3A_402 : memref<1x64x32xf32, #tpu.memory_space<vmem>> -> memref<64x32xf32, #tpu.memory_space<vmem>>
    %dma_start3A_404 = arith.constant 0 : i32
    %dma_start3A_405 = arith.constant 0 : i32
    %dma_start3A_406 = tpu.memref_slice %arg5[%dma_start3A_391, %dma_start3A_404, %dma_start3A_405] : memref<2x25x64xi32, #tpu.memory_space<vmem>> -> memref<1x25x64xi32, #tpu.memory_space<vmem>>
    %dma_start3A_407 = tpu.memref_squeeze %dma_start3A_406 : memref<1x25x64xi32, #tpu.memory_space<vmem>> -> memref<25x64xi32, #tpu.memory_space<vmem>>
    %dma_start3A_408 = arith.constant 0 : i32
    %dma_start3A_409 = tpu.memref_slice %dma_start3A_407[%dma_start3A_392, %dma_start3A_408] : memref<25x64xi32, #tpu.memory_space<vmem>> -> memref<1x64xi32, #tpu.memory_space<vmem>>
    %dma_start3A_410 = tpu.memref_squeeze %dma_start3A_409 : memref<1x64xi32, #tpu.memory_space<vmem>> -> memref<64xi32, #tpu.memory_space<vmem>>
    %dma_start3A_411 = arith.constant 0 : i32
    %dma_start3A_412 = arith.constant 0 : i32
    %dma_start3A_413 = tpu.memref_slice %arg3[%dma_start3A_411, %dma_start3A_412] : memref<1000000x32xf32, #tpu.memory_space<hbm>> -> memref<1000000x32xf32, #tpu.memory_space<hbm>>
    tpu.enqueue_indirect_dma source(%dma_start3A_413 : memref<1000000x32xf32, #tpu.memory_space<hbm>>) target(%dma_start3A_403 : memref<64x32xf32, #tpu.memory_space<vmem>>) offsets(%dma_start3A_410 : memref<64xi32, #tpu.memory_space<vmem>>) semaphore(%arg9 : memref<!tpu.dma_semaphore, #tpu.memory_space<semaphore_mem>>)
    %dma_start3A_414 = arith.constant 0 : i32
    %dma_start3A_415 = arith.constant 16 : i32
    %dma_start3A_416 = arith.constant 0 : i32
    %dma_start3A_417 = arith.constant 16 : i32
    %dma_start3A_418 = arith.constant 0 : i32
    %dma_start3A_419 = arith.constant 0 : i32
    %dma_start3A_420 = arith.constant 0 : i32
    %dma_start3A_421 = tpu.memref_slice %arg6[%dma_start3A_416, %dma_start3A_418, %dma_start3A_419, %dma_start3A_420] : memref<2x25x64x32xf32, #tpu.memory_space<vmem>> -> memref<1x25x64x32xf32, #tpu.memory_space<vmem>>
    %dma_start3A_422 = tpu.memref_squeeze %dma_start3A_421 : memref<1x25x64x32xf32, #tpu.memory_space<vmem>> -> memref<25x64x32xf32, #tpu.memory_space<vmem>>
    %dma_start3A_423 = arith.constant 0 : i32
    %dma_start3A_424 = arith.constant 0 : i32
    %dma_start3A_425 = tpu.memref_slice %dma_start3A_422[%dma_start3A_417, %dma_start3A_423, %dma_start3A_424] : memref<25x64x32xf32, #tpu.memory_space<vmem>> -> memref<1x64x32xf32, #tpu.memory_space<vmem>>
    %dma_start3A_426 = tpu.memref_squeeze %dma_start3A_425 : memref<1x64x32xf32, #tpu.memory_space<vmem>> -> memref<64x32xf32, #tpu.memory_space<vmem>>
    %dma_start3A_427 = arith.constant 0 : i32
    %dma_start3A_428 = arith.constant 0 : i32
    %dma_start3A_429 = tpu.memref_slice %arg5[%dma_start3A_414, %dma_start3A_427, %dma_start3A_428] : memref<2x25x64xi32, #tpu.memory_space<vmem>> -> memref<1x25x64xi32, #tpu.memory_space<vmem>>
    %dma_start3A_430 = tpu.memref_squeeze %dma_start3A_429 : memref<1x25x64xi32, #tpu.memory_space<vmem>> -> memref<25x64xi32, #tpu.memory_space<vmem>>
    %dma_start3A_431 = arith.constant 0 : i32
    %dma_start3A_432 = tpu.memref_slice %dma_start3A_430[%dma_start3A_415, %dma_start3A_431] : memref<25x64xi32, #tpu.memory_space<vmem>> -> memref<1x64xi32, #tpu.memory_space<vmem>>
    %dma_start3A_433 = tpu.memref_squeeze %dma_start3A_432 : memref<1x64xi32, #tpu.memory_space<vmem>> -> memref<64xi32, #tpu.memory_space<vmem>>
    %dma_start3A_434 = arith.constant 0 : i32
    %dma_start3A_435 = arith.constant 0 : i32
    %dma_start3A_436 = tpu.memref_slice %arg3[%dma_start3A_434, %dma_start3A_435] : memref<1000000x32xf32, #tpu.memory_space<hbm>> -> memref<1000000x32xf32, #tpu.memory_space<hbm>>
    tpu.enqueue_indirect_dma source(%dma_start3A_436 : memref<1000000x32xf32, #tpu.memory_space<hbm>>) target(%dma_start3A_426 : memref<64x32xf32, #tpu.memory_space<vmem>>) offsets(%dma_start3A_433 : memref<64xi32, #tpu.memory_space<vmem>>) semaphore(%arg9 : memref<!tpu.dma_semaphore, #tpu.memory_space<semaphore_mem>>)
    %dma_start3A_437 = arith.constant 0 : i32
    %dma_start3A_438 = arith.constant 17 : i32
    %dma_start3A_439 = arith.constant 0 : i32
    %dma_start3A_440 = arith.constant 17 : i32
    %dma_start3A_441 = arith.constant 0 : i32
    %dma_start3A_442 = arith.constant 0 : i32
    %dma_start3A_443 = arith.constant 0 : i32
    %dma_start3A_444 = tpu.memref_slice %arg6[%dma_start3A_439, %dma_start3A_441, %dma_start3A_442, %dma_start3A_443] : memref<2x25x64x32xf32, #tpu.memory_space<vmem>> -> memref<1x25x64x32xf32, #tpu.memory_space<vmem>>
    %dma_start3A_445 = tpu.memref_squeeze %dma_start3A_444 : memref<1x25x64x32xf32, #tpu.memory_space<vmem>> -> memref<25x64x32xf32, #tpu.memory_space<vmem>>
    %dma_start3A_446 = arith.constant 0 : i32
    %dma_start3A_447 = arith.constant 0 : i32
    %dma_start3A_448 = tpu.memref_slice %dma_start3A_445[%dma_start3A_440, %dma_start3A_446, %dma_start3A_447] : memref<25x64x32xf32, #tpu.memory_space<vmem>> -> memref<1x64x32xf32, #tpu.memory_space<vmem>>
    %dma_start3A_449 = tpu.memref_squeeze %dma_start3A_448 : memref<1x64x32xf32, #tpu.memory_space<vmem>> -> memref<64x32xf32, #tpu.memory_space<vmem>>
    %dma_start3A_450 = arith.constant 0 : i32
    %dma_start3A_451 = arith.constant 0 : i32
    %dma_start3A_452 = tpu.memref_slice %arg5[%dma_start3A_437, %dma_start3A_450, %dma_start3A_451] : memref<2x25x64xi32, #tpu.memory_space<vmem>> -> memref<1x25x64xi32, #tpu.memory_space<vmem>>
    %dma_start3A_453 = tpu.memref_squeeze %dma_start3A_452 : memref<1x25x64xi32, #tpu.memory_space<vmem>> -> memref<25x64xi32, #tpu.memory_space<vmem>>
    %dma_start3A_454 = arith.constant 0 : i32
    %dma_start3A_455 = tpu.memref_slice %dma_start3A_453[%dma_start3A_438, %dma_start3A_454] : memref<25x64xi32, #tpu.memory_space<vmem>> -> memref<1x64xi32, #tpu.memory_space<vmem>>
    %dma_start3A_456 = tpu.memref_squeeze %dma_start3A_455 : memref<1x64xi32, #tpu.memory_space<vmem>> -> memref<64xi32, #tpu.memory_space<vmem>>
    %dma_start3A_457 = arith.constant 0 : i32
    %dma_start3A_458 = arith.constant 0 : i32
    %dma_start3A_459 = tpu.memref_slice %arg3[%dma_start3A_457, %dma_start3A_458] : memref<1000000x32xf32, #tpu.memory_space<hbm>> -> memref<1000000x32xf32, #tpu.memory_space<hbm>>
    tpu.enqueue_indirect_dma source(%dma_start3A_459 : memref<1000000x32xf32, #tpu.memory_space<hbm>>) target(%dma_start3A_449 : memref<64x32xf32, #tpu.memory_space<vmem>>) offsets(%dma_start3A_456 : memref<64xi32, #tpu.memory_space<vmem>>) semaphore(%arg9 : memref<!tpu.dma_semaphore, #tpu.memory_space<semaphore_mem>>)
    %dma_start3A_460 = arith.constant 0 : i32
    %dma_start3A_461 = arith.constant 18 : i32
    %dma_start3A_462 = arith.constant 0 : i32
    %dma_start3A_463 = arith.constant 18 : i32
    %dma_start3A_464 = arith.constant 0 : i32
    %dma_start3A_465 = arith.constant 0 : i32
    %dma_start3A_466 = arith.constant 0 : i32
    %dma_start3A_467 = tpu.memref_slice %arg6[%dma_start3A_462, %dma_start3A_464, %dma_start3A_465, %dma_start3A_466] : memref<2x25x64x32xf32, #tpu.memory_space<vmem>> -> memref<1x25x64x32xf32, #tpu.memory_space<vmem>>
    %dma_start3A_468 = tpu.memref_squeeze %dma_start3A_467 : memref<1x25x64x32xf32, #tpu.memory_space<vmem>> -> memref<25x64x32xf32, #tpu.memory_space<vmem>>
    %dma_start3A_469 = arith.constant 0 : i32
    %dma_start3A_470 = arith.constant 0 : i32
    %dma_start3A_471 = tpu.memref_slice %dma_start3A_468[%dma_start3A_463, %dma_start3A_469, %dma_start3A_470] : memref<25x64x32xf32, #tpu.memory_space<vmem>> -> memref<1x64x32xf32, #tpu.memory_space<vmem>>
    %dma_start3A_472 = tpu.memref_squeeze %dma_start3A_471 : memref<1x64x32xf32, #tpu.memory_space<vmem>> -> memref<64x32xf32, #tpu.memory_space<vmem>>
    %dma_start3A_473 = arith.constant 0 : i32
    %dma_start3A_474 = arith.constant 0 : i32
    %dma_start3A_475 = tpu.memref_slice %arg5[%dma_start3A_460, %dma_start3A_473, %dma_start3A_474] : memref<2x25x64xi32, #tpu.memory_space<vmem>> -> memref<1x25x64xi32, #tpu.memory_space<vmem>>
    %dma_start3A_476 = tpu.memref_squeeze %dma_start3A_475 : memref<1x25x64xi32, #tpu.memory_space<vmem>> -> memref<25x64xi32, #tpu.memory_space<vmem>>
    %dma_start3A_477 = arith.constant 0 : i32
    %dma_start3A_478 = tpu.memref_slice %dma_start3A_476[%dma_start3A_461, %dma_start3A_477] : memref<25x64xi32, #tpu.memory_space<vmem>> -> memref<1x64xi32, #tpu.memory_space<vmem>>
    %dma_start3A_479 = tpu.memref_squeeze %dma_start3A_478 : memref<1x64xi32, #tpu.memory_space<vmem>> -> memref<64xi32, #tpu.memory_space<vmem>>
    %dma_start3A_480 = arith.constant 0 : i32
    %dma_start3A_481 = arith.constant 0 : i32
    %dma_start3A_482 = tpu.memref_slice %arg3[%dma_start3A_480, %dma_start3A_481] : memref<1000000x32xf32, #tpu.memory_space<hbm>> -> memref<1000000x32xf32, #tpu.memory_space<hbm>>
    tpu.enqueue_indirect_dma source(%dma_start3A_482 : memref<1000000x32xf32, #tpu.memory_space<hbm>>) target(%dma_start3A_472 : memref<64x32xf32, #tpu.memory_space<vmem>>) offsets(%dma_start3A_479 : memref<64xi32, #tpu.memory_space<vmem>>) semaphore(%arg9 : memref<!tpu.dma_semaphore, #tpu.memory_space<semaphore_mem>>)
    %dma_start3A_483 = arith.constant 0 : i32
    %dma_start3A_484 = arith.constant 19 : i32
    %dma_start3A_485 = arith.constant 0 : i32
    %dma_start3A_486 = arith.constant 19 : i32
    %dma_start3A_487 = arith.constant 0 : i32
    %dma_start3A_488 = arith.constant 0 : i32
    %dma_start3A_489 = arith.constant 0 : i32
    %dma_start3A_490 = tpu.memref_slice %arg6[%dma_start3A_485, %dma_start3A_487, %dma_start3A_488, %dma_start3A_489] : memref<2x25x64x32xf32, #tpu.memory_space<vmem>> -> memref<1x25x64x32xf32, #tpu.memory_space<vmem>>
    %dma_start3A_491 = tpu.memref_squeeze %dma_start3A_490 : memref<1x25x64x32xf32, #tpu.memory_space<vmem>> -> memref<25x64x32xf32, #tpu.memory_space<vmem>>
    %dma_start3A_492 = arith.constant 0 : i32
    %dma_start3A_493 = arith.constant 0 : i32
    %dma_start3A_494 = tpu.memref_slice %dma_start3A_491[%dma_start3A_486, %dma_start3A_492, %dma_start3A_493] : memref<25x64x32xf32, #tpu.memory_space<vmem>> -> memref<1x64x32xf32, #tpu.memory_space<vmem>>
    %dma_start3A_495 = tpu.memref_squeeze %dma_start3A_494 : memref<1x64x32xf32, #tpu.memory_space<vmem>> -> memref<64x32xf32, #tpu.memory_space<vmem>>
    %dma_start3A_496 = arith.constant 0 : i32
    %dma_start3A_497 = arith.constant 0 : i32
    %dma_start3A_498 = tpu.memref_slice %arg5[%dma_start3A_483, %dma_start3A_496, %dma_start3A_497] : memref<2x25x64xi32, #tpu.memory_space<vmem>> -> memref<1x25x64xi32, #tpu.memory_space<vmem>>
    %dma_start3A_499 = tpu.memref_squeeze %dma_start3A_498 : memref<1x25x64xi32, #tpu.memory_space<vmem>> -> memref<25x64xi32, #tpu.memory_space<vmem>>
    %dma_start3A_500 = arith.constant 0 : i32
    %dma_start3A_501 = tpu.memref_slice %dma_start3A_499[%dma_start3A_484, %dma_start3A_500] : memref<25x64xi32, #tpu.memory_space<vmem>> -> memref<1x64xi32, #tpu.memory_space<vmem>>
    %dma_start3A_502 = tpu.memref_squeeze %dma_start3A_501 : memref<1x64xi32, #tpu.memory_space<vmem>> -> memref<64xi32, #tpu.memory_space<vmem>>
    %dma_start3A_503 = arith.constant 0 : i32
    %dma_start3A_504 = arith.constant 0 : i32
    %dma_start3A_505 = tpu.memref_slice %arg3[%dma_start3A_503, %dma_start3A_504] : memref<1000000x32xf32, #tpu.memory_space<hbm>> -> memref<1000000x32xf32, #tpu.memory_space<hbm>>
    tpu.enqueue_indirect_dma source(%dma_start3A_505 : memref<1000000x32xf32, #tpu.memory_space<hbm>>) target(%dma_start3A_495 : memref<64x32xf32, #tpu.memory_space<vmem>>) offsets(%dma_start3A_502 : memref<64xi32, #tpu.memory_space<vmem>>) semaphore(%arg9 : memref<!tpu.dma_semaphore, #tpu.memory_space<semaphore_mem>>)
    %dma_start3A_506 = arith.constant 0 : i32
    %dma_start3A_507 = arith.constant 20 : i32
    %dma_start3A_508 = arith.constant 0 : i32
    %dma_start3A_509 = arith.constant 20 : i32
    %dma_start3A_510 = arith.constant 0 : i32
    %dma_start3A_511 = arith.constant 0 : i32
    %dma_start3A_512 = arith.constant 0 : i32
    %dma_start3A_513 = tpu.memref_slice %arg6[%dma_start3A_508, %dma_start3A_510, %dma_start3A_511, %dma_start3A_512] : memref<2x25x64x32xf32, #tpu.memory_space<vmem>> -> memref<1x25x64x32xf32, #tpu.memory_space<vmem>>
    %dma_start3A_514 = tpu.memref_squeeze %dma_start3A_513 : memref<1x25x64x32xf32, #tpu.memory_space<vmem>> -> memref<25x64x32xf32, #tpu.memory_space<vmem>>
    %dma_start3A_515 = arith.constant 0 : i32
    %dma_start3A_516 = arith.constant 0 : i32
    %dma_start3A_517 = tpu.memref_slice %dma_start3A_514[%dma_start3A_509, %dma_start3A_515, %dma_start3A_516] : memref<25x64x32xf32, #tpu.memory_space<vmem>> -> memref<1x64x32xf32, #tpu.memory_space<vmem>>
    %dma_start3A_518 = tpu.memref_squeeze %dma_start3A_517 : memref<1x64x32xf32, #tpu.memory_space<vmem>> -> memref<64x32xf32, #tpu.memory_space<vmem>>
    %dma_start3A_519 = arith.constant 0 : i32
    %dma_start3A_520 = arith.constant 0 : i32
    %dma_start3A_521 = tpu.memref_slice %arg5[%dma_start3A_506, %dma_start3A_519, %dma_start3A_520] : memref<2x25x64xi32, #tpu.memory_space<vmem>> -> memref<1x25x64xi32, #tpu.memory_space<vmem>>
    %dma_start3A_522 = tpu.memref_squeeze %dma_start3A_521 : memref<1x25x64xi32, #tpu.memory_space<vmem>> -> memref<25x64xi32, #tpu.memory_space<vmem>>
    %dma_start3A_523 = arith.constant 0 : i32
    %dma_start3A_524 = tpu.memref_slice %dma_start3A_522[%dma_start3A_507, %dma_start3A_523] : memref<25x64xi32, #tpu.memory_space<vmem>> -> memref<1x64xi32, #tpu.memory_space<vmem>>
    %dma_start3A_525 = tpu.memref_squeeze %dma_start3A_524 : memref<1x64xi32, #tpu.memory_space<vmem>> -> memref<64xi32, #tpu.memory_space<vmem>>
    %dma_start3A_526 = arith.constant 0 : i32
    %dma_start3A_527 = arith.constant 0 : i32
    %dma_start3A_528 = tpu.memref_slice %arg3[%dma_start3A_526, %dma_start3A_527] : memref<1000000x32xf32, #tpu.memory_space<hbm>> -> memref<1000000x32xf32, #tpu.memory_space<hbm>>
    tpu.enqueue_indirect_dma source(%dma_start3A_528 : memref<1000000x32xf32, #tpu.memory_space<hbm>>) target(%dma_start3A_518 : memref<64x32xf32, #tpu.memory_space<vmem>>) offsets(%dma_start3A_525 : memref<64xi32, #tpu.memory_space<vmem>>) semaphore(%arg9 : memref<!tpu.dma_semaphore, #tpu.memory_space<semaphore_mem>>)
    %dma_start3A_529 = arith.constant 0 : i32
    %dma_start3A_530 = arith.constant 21 : i32
    %dma_start3A_531 = arith.constant 0 : i32
    %dma_start3A_532 = arith.constant 21 : i32
    %dma_start3A_533 = arith.constant 0 : i32
    %dma_start3A_534 = arith.constant 0 : i32
    %dma_start3A_535 = arith.constant 0 : i32
    %dma_start3A_536 = tpu.memref_slice %arg6[%dma_start3A_531, %dma_start3A_533, %dma_start3A_534, %dma_start3A_535] : memref<2x25x64x32xf32, #tpu.memory_space<vmem>> -> memref<1x25x64x32xf32, #tpu.memory_space<vmem>>
    %dma_start3A_537 = tpu.memref_squeeze %dma_start3A_536 : memref<1x25x64x32xf32, #tpu.memory_space<vmem>> -> memref<25x64x32xf32, #tpu.memory_space<vmem>>
    %dma_start3A_538 = arith.constant 0 : i32
    %dma_start3A_539 = arith.constant 0 : i32
    %dma_start3A_540 = tpu.memref_slice %dma_start3A_537[%dma_start3A_532, %dma_start3A_538, %dma_start3A_539] : memref<25x64x32xf32, #tpu.memory_space<vmem>> -> memref<1x64x32xf32, #tpu.memory_space<vmem>>
    %dma_start3A_541 = tpu.memref_squeeze %dma_start3A_540 : memref<1x64x32xf32, #tpu.memory_space<vmem>> -> memref<64x32xf32, #tpu.memory_space<vmem>>
    %dma_start3A_542 = arith.constant 0 : i32
    %dma_start3A_543 = arith.constant 0 : i32
    %dma_start3A_544 = tpu.memref_slice %arg5[%dma_start3A_529, %dma_start3A_542, %dma_start3A_543] : memref<2x25x64xi32, #tpu.memory_space<vmem>> -> memref<1x25x64xi32, #tpu.memory_space<vmem>>
    %dma_start3A_545 = tpu.memref_squeeze %dma_start3A_544 : memref<1x25x64xi32, #tpu.memory_space<vmem>> -> memref<25x64xi32, #tpu.memory_space<vmem>>
    %dma_start3A_546 = arith.constant 0 : i32
    %dma_start3A_547 = tpu.memref_slice %dma_start3A_545[%dma_start3A_530, %dma_start3A_546] : memref<25x64xi32, #tpu.memory_space<vmem>> -> memref<1x64xi32, #tpu.memory_space<vmem>>
    %dma_start3A_548 = tpu.memref_squeeze %dma_start3A_547 : memref<1x64xi32, #tpu.memory_space<vmem>> -> memref<64xi32, #tpu.memory_space<vmem>>
    %dma_start3A_549 = arith.constant 0 : i32
    %dma_start3A_550 = arith.constant 0 : i32
    %dma_start3A_551 = tpu.memref_slice %arg3[%dma_start3A_549, %dma_start3A_550] : memref<1000000x32xf32, #tpu.memory_space<hbm>> -> memref<1000000x32xf32, #tpu.memory_space<hbm>>
    tpu.enqueue_indirect_dma source(%dma_start3A_551 : memref<1000000x32xf32, #tpu.memory_space<hbm>>) target(%dma_start3A_541 : memref<64x32xf32, #tpu.memory_space<vmem>>) offsets(%dma_start3A_548 : memref<64xi32, #tpu.memory_space<vmem>>) semaphore(%arg9 : memref<!tpu.dma_semaphore, #tpu.memory_space<semaphore_mem>>)
    %dma_start3A_552 = arith.constant 0 : i32
    %dma_start3A_553 = arith.constant 22 : i32
    %dma_start3A_554 = arith.constant 0 : i32
    %dma_start3A_555 = arith.constant 22 : i32
    %dma_start3A_556 = arith.constant 0 : i32
    %dma_start3A_557 = arith.constant 0 : i32
    %dma_start3A_558 = arith.constant 0 : i32
    %dma_start3A_559 = tpu.memref_slice %arg6[%dma_start3A_554, %dma_start3A_556, %dma_start3A_557, %dma_start3A_558] : memref<2x25x64x32xf32, #tpu.memory_space<vmem>> -> memref<1x25x64x32xf32, #tpu.memory_space<vmem>>
    %dma_start3A_560 = tpu.memref_squeeze %dma_start3A_559 : memref<1x25x64x32xf32, #tpu.memory_space<vmem>> -> memref<25x64x32xf32, #tpu.memory_space<vmem>>
    %dma_start3A_561 = arith.constant 0 : i32
    %dma_start3A_562 = arith.constant 0 : i32
    %dma_start3A_563 = tpu.memref_slice %dma_start3A_560[%dma_start3A_555, %dma_start3A_561, %dma_start3A_562] : memref<25x64x32xf32, #tpu.memory_space<vmem>> -> memref<1x64x32xf32, #tpu.memory_space<vmem>>
    %dma_start3A_564 = tpu.memref_squeeze %dma_start3A_563 : memref<1x64x32xf32, #tpu.memory_space<vmem>> -> memref<64x32xf32, #tpu.memory_space<vmem>>
    %dma_start3A_565 = arith.constant 0 : i32
    %dma_start3A_566 = arith.constant 0 : i32
    %dma_start3A_567 = tpu.memref_slice %arg5[%dma_start3A_552, %dma_start3A_565, %dma_start3A_566] : memref<2x25x64xi32, #tpu.memory_space<vmem>> -> memref<1x25x64xi32, #tpu.memory_space<vmem>>
    %dma_start3A_568 = tpu.memref_squeeze %dma_start3A_567 : memref<1x25x64xi32, #tpu.memory_space<vmem>> -> memref<25x64xi32, #tpu.memory_space<vmem>>
    %dma_start3A_569 = arith.constant 0 : i32
    %dma_start3A_570 = tpu.memref_slice %dma_start3A_568[%dma_start3A_553, %dma_start3A_569] : memref<25x64xi32, #tpu.memory_space<vmem>> -> memref<1x64xi32, #tpu.memory_space<vmem>>
    %dma_start3A_571 = tpu.memref_squeeze %dma_start3A_570 : memref<1x64xi32, #tpu.memory_space<vmem>> -> memref<64xi32, #tpu.memory_space<vmem>>
    %dma_start3A_572 = arith.constant 0 : i32
    %dma_start3A_573 = arith.constant 0 : i32
    %dma_start3A_574 = tpu.memref_slice %arg3[%dma_start3A_572, %dma_start3A_573] : memref<1000000x32xf32, #tpu.memory_space<hbm>> -> memref<1000000x32xf32, #tpu.memory_space<hbm>>
    tpu.enqueue_indirect_dma source(%dma_start3A_574 : memref<1000000x32xf32, #tpu.memory_space<hbm>>) target(%dma_start3A_564 : memref<64x32xf32, #tpu.memory_space<vmem>>) offsets(%dma_start3A_571 : memref<64xi32, #tpu.memory_space<vmem>>) semaphore(%arg9 : memref<!tpu.dma_semaphore, #tpu.memory_space<semaphore_mem>>)
    %dma_start3A_575 = arith.constant 0 : i32
    %dma_start3A_576 = arith.constant 23 : i32
    %dma_start3A_577 = arith.constant 0 : i32
    %dma_start3A_578 = arith.constant 23 : i32
    %dma_start3A_579 = arith.constant 0 : i32
    %dma_start3A_580 = arith.constant 0 : i32
    %dma_start3A_581 = arith.constant 0 : i32
    %dma_start3A_582 = tpu.memref_slice %arg6[%dma_start3A_577, %dma_start3A_579, %dma_start3A_580, %dma_start3A_581] : memref<2x25x64x32xf32, #tpu.memory_space<vmem>> -> memref<1x25x64x32xf32, #tpu.memory_space<vmem>>
    %dma_start3A_583 = tpu.memref_squeeze %dma_start3A_582 : memref<1x25x64x32xf32, #tpu.memory_space<vmem>> -> memref<25x64x32xf32, #tpu.memory_space<vmem>>
    %dma_start3A_584 = arith.constant 0 : i32
    %dma_start3A_585 = arith.constant 0 : i32
    %dma_start3A_586 = tpu.memref_slice %dma_start3A_583[%dma_start3A_578, %dma_start3A_584, %dma_start3A_585] : memref<25x64x32xf32, #tpu.memory_space<vmem>> -> memref<1x64x32xf32, #tpu.memory_space<vmem>>
    %dma_start3A_587 = tpu.memref_squeeze %dma_start3A_586 : memref<1x64x32xf32, #tpu.memory_space<vmem>> -> memref<64x32xf32, #tpu.memory_space<vmem>>
    %dma_start3A_588 = arith.constant 0 : i32
    %dma_start3A_589 = arith.constant 0 : i32
    %dma_start3A_590 = tpu.memref_slice %arg5[%dma_start3A_575, %dma_start3A_588, %dma_start3A_589] : memref<2x25x64xi32, #tpu.memory_space<vmem>> -> memref<1x25x64xi32, #tpu.memory_space<vmem>>
    %dma_start3A_591 = tpu.memref_squeeze %dma_start3A_590 : memref<1x25x64xi32, #tpu.memory_space<vmem>> -> memref<25x64xi32, #tpu.memory_space<vmem>>
    %dma_start3A_592 = arith.constant 0 : i32
    %dma_start3A_593 = tpu.memref_slice %dma_start3A_591[%dma_start3A_576, %dma_start3A_592] : memref<25x64xi32, #tpu.memory_space<vmem>> -> memref<1x64xi32, #tpu.memory_space<vmem>>
    %dma_start3A_594 = tpu.memref_squeeze %dma_start3A_593 : memref<1x64xi32, #tpu.memory_space<vmem>> -> memref<64xi32, #tpu.memory_space<vmem>>
    %dma_start3A_595 = arith.constant 0 : i32
    %dma_start3A_596 = arith.constant 0 : i32
    %dma_start3A_597 = tpu.memref_slice %arg3[%dma_start3A_595, %dma_start3A_596] : memref<1000000x32xf32, #tpu.memory_space<hbm>> -> memref<1000000x32xf32, #tpu.memory_space<hbm>>
    tpu.enqueue_indirect_dma source(%dma_start3A_597 : memref<1000000x32xf32, #tpu.memory_space<hbm>>) target(%dma_start3A_587 : memref<64x32xf32, #tpu.memory_space<vmem>>) offsets(%dma_start3A_594 : memref<64xi32, #tpu.memory_space<vmem>>) semaphore(%arg9 : memref<!tpu.dma_semaphore, #tpu.memory_space<semaphore_mem>>)
    %dma_start3A_598 = arith.constant 0 : i32
    %dma_start3A_599 = arith.constant 24 : i32
    %dma_start3A_600 = arith.constant 0 : i32
    %dma_start3A_601 = arith.constant 24 : i32
    %dma_start3A_602 = arith.constant 0 : i32
    %dma_start3A_603 = arith.constant 0 : i32
    %dma_start3A_604 = arith.constant 0 : i32
    %dma_start3A_605 = tpu.memref_slice %arg6[%dma_start3A_600, %dma_start3A_602, %dma_start3A_603, %dma_start3A_604] : memref<2x25x64x32xf32, #tpu.memory_space<vmem>> -> memref<1x25x64x32xf32, #tpu.memory_space<vmem>>
    %dma_start3A_606 = tpu.memref_squeeze %dma_start3A_605 : memref<1x25x64x32xf32, #tpu.memory_space<vmem>> -> memref<25x64x32xf32, #tpu.memory_space<vmem>>
    %dma_start3A_607 = arith.constant 0 : i32
    %dma_start3A_608 = arith.constant 0 : i32
    %dma_start3A_609 = tpu.memref_slice %dma_start3A_606[%dma_start3A_601, %dma_start3A_607, %dma_start3A_608] : memref<25x64x32xf32, #tpu.memory_space<vmem>> -> memref<1x64x32xf32, #tpu.memory_space<vmem>>
    %dma_start3A_610 = tpu.memref_squeeze %dma_start3A_609 : memref<1x64x32xf32, #tpu.memory_space<vmem>> -> memref<64x32xf32, #tpu.memory_space<vmem>>
    %dma_start3A_611 = arith.constant 0 : i32
    %dma_start3A_612 = arith.constant 0 : i32
    %dma_start3A_613 = tpu.memref_slice %arg5[%dma_start3A_598, %dma_start3A_611, %dma_start3A_612] : memref<2x25x64xi32, #tpu.memory_space<vmem>> -> memref<1x25x64xi32, #tpu.memory_space<vmem>>
    %dma_start3A_614 = tpu.memref_squeeze %dma_start3A_613 : memref<1x25x64xi32, #tpu.memory_space<vmem>> -> memref<25x64xi32, #tpu.memory_space<vmem>>
    %dma_start3A_615 = arith.constant 0 : i32
    %dma_start3A_616 = tpu.memref_slice %dma_start3A_614[%dma_start3A_599, %dma_start3A_615] : memref<25x64xi32, #tpu.memory_space<vmem>> -> memref<1x64xi32, #tpu.memory_space<vmem>>
    %dma_start3A_617 = tpu.memref_squeeze %dma_start3A_616 : memref<1x64xi32, #tpu.memory_space<vmem>> -> memref<64xi32, #tpu.memory_space<vmem>>
    %dma_start3A_618 = arith.constant 0 : i32
    %dma_start3A_619 = arith.constant 0 : i32
    %dma_start3A_620 = tpu.memref_slice %arg3[%dma_start3A_618, %dma_start3A_619] : memref<1000000x32xf32, #tpu.memory_space<hbm>> -> memref<1000000x32xf32, #tpu.memory_space<hbm>>
    tpu.enqueue_indirect_dma source(%dma_start3A_620 : memref<1000000x32xf32, #tpu.memory_space<hbm>>) target(%dma_start3A_610 : memref<64x32xf32, #tpu.memory_space<vmem>>) offsets(%dma_start3A_617 : memref<64xi32, #tpu.memory_space<vmem>>) semaphore(%arg9 : memref<!tpu.dma_semaphore, #tpu.memory_space<semaphore_mem>>)
    %scan3A = arith.constant 0 : i32
    %scan3A_621 = arith.constant 0 : i32
    %scan3A_622 = arith.constant 8 : i32
    %scan3A_623 = arith.addi %scan3A_621, %scan3A_622 : i32
    %scan3A_624 = arith.constant 1 : i32
    scf.for %scan3A_645 = %scan3A_621 to %scan3A_623 step %scan3A_624  : i32 {
      %mul3A_646 = arith.constant 2 : i32
      %mul3A_647 = arith.muli %mul3A_646, %scan3A_645 : i32
      %add3A_648 = arith.constant 0 : i32
      %add3A_649 = arith.addi %mul3A_647, %add3A_648 : i32
      %ge3A = arith.constant 1 : i32
      %ge3A_650 = arith.cmpi sge, %add3A_649, %ge3A : i32
      %convert_element_type3A = arith.extui %ge3A_650 : i1 to i32
      %cond3A = arith.constant 0 : i32
      %cond3A_651 = arith.cmpi ne, %convert_element_type3A, %cond3A : i32
      scf.if %cond3A_651 {
        %sub3A = arith.constant 1 : i32
        %sub3A_1878 = arith.subi %add3A_649, %sub3A : i32
        %mul3A_1879 = arith.constant 25 : i32
        %mul3A_1880 = arith.muli %sub3A_1878, %mul3A_1879 : i32
        %add3A_1881 = arith.addi %mul3A_2, %mul3A_1880 : i32
        %dma_wait3A_1882 = arith.constant 1 : i32
        %dma_wait3A_1883 = arith.constant 0 : i32
        %dma_wait3A_1884 = arith.constant 0 : i32
        %dma_wait3A_1885 = arith.constant 0 : i32
        %dma_wait3A_1886 = tpu.memref_slice %arg6[%dma_wait3A_1882, %dma_wait3A_1883, %dma_wait3A_1884, %dma_wait3A_1885] : memref<2x25x64x32xf32, #tpu.memory_space<vmem>> -> memref<1x25x64x32xf32, #tpu.memory_space<vmem>>
        %dma_wait3A_1887 = tpu.memref_squeeze %dma_wait3A_1886 : memref<1x25x64x32xf32, #tpu.memory_space<vmem>> -> memref<25x64x32xf32, #tpu.memory_space<vmem>>
        %dma_wait3A_1888 = arith.constant 0 : i32
        %dma_wait3A_1889 = arith.constant 0 : i32
        %dma_wait3A_1890 = tpu.memref_slice %arg4[%add3A_1881, %dma_wait3A_1888, %dma_wait3A_1889] : memref<12800x64x32xf32, #tpu.memory_space<hbm>> -> memref<25x64x32xf32, #tpu.memory_space<hbm>>
        %dma_wait3A_1891 = arith.constant 0 : i32
        %dma_wait3A_1892 = arith.constant 0 : i32
        %dma_wait3A_1893 = tpu.memref_slice %arg4[%add3A_1881, %dma_wait3A_1891, %dma_wait3A_1892] : memref<12800x64x32xf32, #tpu.memory_space<hbm>> -> memref<25x64x32xf32, #tpu.memory_space<hbm>>
        %dma_wait3A_1894 = arith.constant 0 : i32
        %dma_wait3A_1895 = arith.constant 0 : i32
        %dma_wait3A_1896 = arith.constant 0 : i32
        %dma_wait3A_1897 = tpu.memref_slice %arg6[%dma_wait3A_1882, %dma_wait3A_1894, %dma_wait3A_1895, %dma_wait3A_1896] : memref<2x25x64x32xf32, #tpu.memory_space<vmem>> -> memref<1x25x64x32xf32, #tpu.memory_space<vmem>>
        %dma_wait3A_1898 = tpu.memref_squeeze %dma_wait3A_1897 : memref<1x25x64x32xf32, #tpu.memory_space<vmem>> -> memref<25x64x32xf32, #tpu.memory_space<vmem>>
        tpu.wait_dma2 semaphore(%arg12 : memref<!tpu.dma_semaphore, #tpu.memory_space<semaphore_mem>>) src(%dma_wait3A_1898 : memref<25x64x32xf32, #tpu.memory_space<vmem>>) dst(%dma_wait3A_1893 : memref<25x64x32xf32, #tpu.memory_space<hbm>>)
      } else {
      }
      %add3A_652 = arith.constant 1 : i32
      %add3A_653 = arith.addi %add3A_649, %add3A_652 : i32
      %le3A = arith.constant 15 : i32
      %le3A_654 = arith.cmpi sle, %add3A_653, %le3A : i32
      %convert_element_type3A_655 = arith.extui %le3A_654 : i1 to i32
      %cond3A_656 = arith.constant 0 : i32
      %cond3A_657 = arith.cmpi ne, %convert_element_type3A_655, %cond3A_656 : i32
      scf.if %cond3A_657 {
        %add3A_1878 = arith.constant 1 : i32
        %add3A_1879 = arith.addi %add3A_649, %add3A_1878 : i32
        %mul3A_1880 = arith.constant 25 : i32
        %mul3A_1881 = arith.muli %add3A_1879, %mul3A_1880 : i32
        %add3A_1882 = arith.addi %mul3A_2, %mul3A_1881 : i32
        %dma_wait3A_1883 = arith.constant 1 : i32
        %dma_wait3A_1884 = arith.constant 0 : i32
        %dma_wait3A_1885 = arith.constant 0 : i32
        %dma_wait3A_1886 = tpu.memref_slice %arg5[%dma_wait3A_1883, %dma_wait3A_1884, %dma_wait3A_1885] : memref<2x25x64xi32, #tpu.memory_space<vmem>> -> memref<1x25x64xi32, #tpu.memory_space<vmem>>
        %dma_wait3A_1887 = tpu.memref_squeeze %dma_wait3A_1886 : memref<1x25x64xi32, #tpu.memory_space<vmem>> -> memref<25x64xi32, #tpu.memory_space<vmem>>
        %dma_wait3A_1888 = arith.constant 0 : i32
        %dma_wait3A_1889 = tpu.memref_slice %arg2[%add3A_1882, %dma_wait3A_1888] : memref<12800x64xi32, #tpu.memory_space<hbm>> -> memref<25x64xi32, #tpu.memory_space<hbm>>
        %dma_wait3A_1890 = arith.constant 0 : i32
        %dma_wait3A_1891 = arith.constant 0 : i32
        %dma_wait3A_1892 = tpu.memref_slice %arg5[%dma_wait3A_1883, %dma_wait3A_1890, %dma_wait3A_1891] : memref<2x25x64xi32, #tpu.memory_space<vmem>> -> memref<1x25x64xi32, #tpu.memory_space<vmem>>
        %dma_wait3A_1893 = tpu.memref_squeeze %dma_wait3A_1892 : memref<1x25x64xi32, #tpu.memory_space<vmem>> -> memref<25x64xi32, #tpu.memory_space<vmem>>
        %dma_wait3A_1894 = arith.constant 0 : i32
        %dma_wait3A_1895 = tpu.memref_slice %arg2[%add3A_1882, %dma_wait3A_1894] : memref<12800x64xi32, #tpu.memory_space<hbm>> -> memref<25x64xi32, #tpu.memory_space<hbm>>
        tpu.wait_dma2 semaphore(%arg8 : memref<!tpu.dma_semaphore, #tpu.memory_space<semaphore_mem>>) src(%dma_wait3A_1895 : memref<25x64xi32, #tpu.memory_space<hbm>>) dst(%dma_wait3A_1893 : memref<25x64xi32, #tpu.memory_space<vmem>>)
        %dma_start3A_1896 = arith.constant 1 : i32
        %dma_start3A_1897 = arith.constant 0 : i32
        %dma_start3A_1898 = arith.constant 1 : i32
        %dma_start3A_1899 = arith.constant 0 : i32
        %dma_start3A_1900 = arith.constant 0 : i32
        %dma_start3A_1901 = arith.constant 0 : i32
        %dma_start3A_1902 = arith.constant 0 : i32
        %dma_start3A_1903 = tpu.memref_slice %arg6[%dma_start3A_1898, %dma_start3A_1900, %dma_start3A_1901, %dma_start3A_1902] : memref<2x25x64x32xf32, #tpu.memory_space<vmem>> -> memref<1x25x64x32xf32, #tpu.memory_space<vmem>>
        %dma_start3A_1904 = tpu.memref_squeeze %dma_start3A_1903 : memref<1x25x64x32xf32, #tpu.memory_space<vmem>> -> memref<25x64x32xf32, #tpu.memory_space<vmem>>
        %dma_start3A_1905 = arith.constant 0 : i32
        %dma_start3A_1906 = arith.constant 0 : i32
        %dma_start3A_1907 = tpu.memref_slice %dma_start3A_1904[%dma_start3A_1899, %dma_start3A_1905, %dma_start3A_1906] : memref<25x64x32xf32, #tpu.memory_space<vmem>> -> memref<1x64x32xf32, #tpu.memory_space<vmem>>
        %dma_start3A_1908 = tpu.memref_squeeze %dma_start3A_1907 : memref<1x64x32xf32, #tpu.memory_space<vmem>> -> memref<64x32xf32, #tpu.memory_space<vmem>>
        %dma_start3A_1909 = arith.constant 0 : i32
        %dma_start3A_1910 = arith.constant 0 : i32
        %dma_start3A_1911 = tpu.memref_slice %arg5[%dma_start3A_1896, %dma_start3A_1909, %dma_start3A_1910] : memref<2x25x64xi32, #tpu.memory_space<vmem>> -> memref<1x25x64xi32, #tpu.memory_space<vmem>>
        %dma_start3A_1912 = tpu.memref_squeeze %dma_start3A_1911 : memref<1x25x64xi32, #tpu.memory_space<vmem>> -> memref<25x64xi32, #tpu.memory_space<vmem>>
        %dma_start3A_1913 = arith.constant 0 : i32
        %dma_start3A_1914 = tpu.memref_slice %dma_start3A_1912[%dma_start3A_1897, %dma_start3A_1913] : memref<25x64xi32, #tpu.memory_space<vmem>> -> memref<1x64xi32, #tpu.memory_space<vmem>>
        %dma_start3A_1915 = tpu.memref_squeeze %dma_start3A_1914 : memref<1x64xi32, #tpu.memory_space<vmem>> -> memref<64xi32, #tpu.memory_space<vmem>>
        %dma_start3A_1916 = arith.constant 0 : i32
        %dma_start3A_1917 = arith.constant 0 : i32
        %dma_start3A_1918 = tpu.memref_slice %arg3[%dma_start3A_1916, %dma_start3A_1917] : memref<1000000x32xf32, #tpu.memory_space<hbm>> -> memref<1000000x32xf32, #tpu.memory_space<hbm>>
        tpu.enqueue_indirect_dma source(%dma_start3A_1918 : memref<1000000x32xf32, #tpu.memory_space<hbm>>) target(%dma_start3A_1908 : memref<64x32xf32, #tpu.memory_space<vmem>>) offsets(%dma_start3A_1915 : memref<64xi32, #tpu.memory_space<vmem>>) semaphore(%arg10 : memref<!tpu.dma_semaphore, #tpu.memory_space<semaphore_mem>>)
        %dma_start3A_1919 = arith.constant 1 : i32
        %dma_start3A_1920 = arith.constant 1 : i32
        %dma_start3A_1921 = arith.constant 1 : i32
        %dma_start3A_1922 = arith.constant 1 : i32
        %dma_start3A_1923 = arith.constant 0 : i32
        %dma_start3A_1924 = arith.constant 0 : i32
        %dma_start3A_1925 = arith.constant 0 : i32
        %dma_start3A_1926 = tpu.memref_slice %arg6[%dma_start3A_1921, %dma_start3A_1923, %dma_start3A_1924, %dma_start3A_1925] : memref<2x25x64x32xf32, #tpu.memory_space<vmem>> -> memref<1x25x64x32xf32, #tpu.memory_space<vmem>>
        %dma_start3A_1927 = tpu.memref_squeeze %dma_start3A_1926 : memref<1x25x64x32xf32, #tpu.memory_space<vmem>> -> memref<25x64x32xf32, #tpu.memory_space<vmem>>
        %dma_start3A_1928 = arith.constant 0 : i32
        %dma_start3A_1929 = arith.constant 0 : i32
        %dma_start3A_1930 = tpu.memref_slice %dma_start3A_1927[%dma_start3A_1922, %dma_start3A_1928, %dma_start3A_1929] : memref<25x64x32xf32, #tpu.memory_space<vmem>> -> memref<1x64x32xf32, #tpu.memory_space<vmem>>
        %dma_start3A_1931 = tpu.memref_squeeze %dma_start3A_1930 : memref<1x64x32xf32, #tpu.memory_space<vmem>> -> memref<64x32xf32, #tpu.memory_space<vmem>>
        %dma_start3A_1932 = arith.constant 0 : i32
        %dma_start3A_1933 = arith.constant 0 : i32
        %dma_start3A_1934 = tpu.memref_slice %arg5[%dma_start3A_1919, %dma_start3A_1932, %dma_start3A_1933] : memref<2x25x64xi32, #tpu.memory_space<vmem>> -> memref<1x25x64xi32, #tpu.memory_space<vmem>>
        %dma_start3A_1935 = tpu.memref_squeeze %dma_start3A_1934 : memref<1x25x64xi32, #tpu.memory_space<vmem>> -> memref<25x64xi32, #tpu.memory_space<vmem>>
        %dma_start3A_1936 = arith.constant 0 : i32
        %dma_start3A_1937 = tpu.memref_slice %dma_start3A_1935[%dma_start3A_1920, %dma_start3A_1936] : memref<25x64xi32, #tpu.memory_space<vmem>> -> memref<1x64xi32, #tpu.memory_space<vmem>>
        %dma_start3A_1938 = tpu.memref_squeeze %dma_start3A_1937 : memref<1x64xi32, #tpu.memory_space<vmem>> -> memref<64xi32, #tpu.memory_space<vmem>>
        %dma_start3A_1939 = arith.constant 0 : i32
        %dma_start3A_1940 = arith.constant 0 : i32
        %dma_start3A_1941 = tpu.memref_slice %arg3[%dma_start3A_1939, %dma_start3A_1940] : memref<1000000x32xf32, #tpu.memory_space<hbm>> -> memref<1000000x32xf32, #tpu.memory_space<hbm>>
        tpu.enqueue_indirect_dma source(%dma_start3A_1941 : memref<1000000x32xf32, #tpu.memory_space<hbm>>) target(%dma_start3A_1931 : memref<64x32xf32, #tpu.memory_space<vmem>>) offsets(%dma_start3A_1938 : memref<64xi32, #tpu.memory_space<vmem>>) semaphore(%arg10 : memref<!tpu.dma_semaphore, #tpu.memory_space<semaphore_mem>>)
        %dma_start3A_1942 = arith.constant 1 : i32
        %dma_start3A_1943 = arith.constant 2 : i32
        %dma_start3A_1944 = arith.constant 1 : i32
        %dma_start3A_1945 = arith.constant 2 : i32
        %dma_start3A_1946 = arith.constant 0 : i32
        %dma_start3A_1947 = arith.constant 0 : i32
        %dma_start3A_1948 = arith.constant 0 : i32
        %dma_start3A_1949 = tpu.memref_slice %arg6[%dma_start3A_1944, %dma_start3A_1946, %dma_start3A_1947, %dma_start3A_1948] : memref<2x25x64x32xf32, #tpu.memory_space<vmem>> -> memref<1x25x64x32xf32, #tpu.memory_space<vmem>>
        %dma_start3A_1950 = tpu.memref_squeeze %dma_start3A_1949 : memref<1x25x64x32xf32, #tpu.memory_space<vmem>> -> memref<25x64x32xf32, #tpu.memory_space<vmem>>
        %dma_start3A_1951 = arith.constant 0 : i32
        %dma_start3A_1952 = arith.constant 0 : i32
        %dma_start3A_1953 = tpu.memref_slice %dma_start3A_1950[%dma_start3A_1945, %dma_start3A_1951, %dma_start3A_1952] : memref<25x64x32xf32, #tpu.memory_space<vmem>> -> memref<1x64x32xf32, #tpu.memory_space<vmem>>
        %dma_start3A_1954 = tpu.memref_squeeze %dma_start3A_1953 : memref<1x64x32xf32, #tpu.memory_space<vmem>> -> memref<64x32xf32, #tpu.memory_space<vmem>>
        %dma_start3A_1955 = arith.constant 0 : i32
        %dma_start3A_1956 = arith.constant 0 : i32
        %dma_start3A_1957 = tpu.memref_slice %arg5[%dma_start3A_1942, %dma_start3A_1955, %dma_start3A_1956] : memref<2x25x64xi32, #tpu.memory_space<vmem>> -> memref<1x25x64xi32, #tpu.memory_space<vmem>>
        %dma_start3A_1958 = tpu.memref_squeeze %dma_start3A_1957 : memref<1x25x64xi32, #tpu.memory_space<vmem>> -> memref<25x64xi32, #tpu.memory_space<vmem>>
        %dma_start3A_1959 = arith.constant 0 : i32
        %dma_start3A_1960 = tpu.memref_slice %dma_start3A_1958[%dma_start3A_1943, %dma_start3A_1959] : memref<25x64xi32, #tpu.memory_space<vmem>> -> memref<1x64xi32, #tpu.memory_space<vmem>>
        %dma_start3A_1961 = tpu.memref_squeeze %dma_start3A_1960 : memref<1x64xi32, #tpu.memory_space<vmem>> -> memref<64xi32, #tpu.memory_space<vmem>>
        %dma_start3A_1962 = arith.constant 0 : i32
        %dma_start3A_1963 = arith.constant 0 : i32
        %dma_start3A_1964 = tpu.memref_slice %arg3[%dma_start3A_1962, %dma_start3A_1963] : memref<1000000x32xf32, #tpu.memory_space<hbm>> -> memref<1000000x32xf32, #tpu.memory_space<hbm>>
        tpu.enqueue_indirect_dma source(%dma_start3A_1964 : memref<1000000x32xf32, #tpu.memory_space<hbm>>) target(%dma_start3A_1954 : memref<64x32xf32, #tpu.memory_space<vmem>>) offsets(%dma_start3A_1961 : memref<64xi32, #tpu.memory_space<vmem>>) semaphore(%arg10 : memref<!tpu.dma_semaphore, #tpu.memory_space<semaphore_mem>>)
        %dma_start3A_1965 = arith.constant 1 : i32
        %dma_start3A_1966 = arith.constant 3 : i32
        %dma_start3A_1967 = arith.constant 1 : i32
        %dma_start3A_1968 = arith.constant 3 : i32
        %dma_start3A_1969 = arith.constant 0 : i32
        %dma_start3A_1970 = arith.constant 0 : i32
        %dma_start3A_1971 = arith.constant 0 : i32
        %dma_start3A_1972 = tpu.memref_slice %arg6[%dma_start3A_1967, %dma_start3A_1969, %dma_start3A_1970, %dma_start3A_1971] : memref<2x25x64x32xf32, #tpu.memory_space<vmem>> -> memref<1x25x64x32xf32, #tpu.memory_space<vmem>>
        %dma_start3A_1973 = tpu.memref_squeeze %dma_start3A_1972 : memref<1x25x64x32xf32, #tpu.memory_space<vmem>> -> memref<25x64x32xf32, #tpu.memory_space<vmem>>
        %dma_start3A_1974 = arith.constant 0 : i32
        %dma_start3A_1975 = arith.constant 0 : i32
        %dma_start3A_1976 = tpu.memref_slice %dma_start3A_1973[%dma_start3A_1968, %dma_start3A_1974, %dma_start3A_1975] : memref<25x64x32xf32, #tpu.memory_space<vmem>> -> memref<1x64x32xf32, #tpu.memory_space<vmem>>
        %dma_start3A_1977 = tpu.memref_squeeze %dma_start3A_1976 : memref<1x64x32xf32, #tpu.memory_space<vmem>> -> memref<64x32xf32, #tpu.memory_space<vmem>>
        %dma_start3A_1978 = arith.constant 0 : i32
        %dma_start3A_1979 = arith.constant 0 : i32
        %dma_start3A_1980 = tpu.memref_slice %arg5[%dma_start3A_1965, %dma_start3A_1978, %dma_start3A_1979] : memref<2x25x64xi32, #tpu.memory_space<vmem>> -> memref<1x25x64xi32, #tpu.memory_space<vmem>>
        %dma_start3A_1981 = tpu.memref_squeeze %dma_start3A_1980 : memref<1x25x64xi32, #tpu.memory_space<vmem>> -> memref<25x64xi32, #tpu.memory_space<vmem>>
        %dma_start3A_1982 = arith.constant 0 : i32
        %dma_start3A_1983 = tpu.memref_slice %dma_start3A_1981[%dma_start3A_1966, %dma_start3A_1982] : memref<25x64xi32, #tpu.memory_space<vmem>> -> memref<1x64xi32, #tpu.memory_space<vmem>>
        %dma_start3A_1984 = tpu.memref_squeeze %dma_start3A_1983 : memref<1x64xi32, #tpu.memory_space<vmem>> -> memref<64xi32, #tpu.memory_space<vmem>>
        %dma_start3A_1985 = arith.constant 0 : i32
        %dma_start3A_1986 = arith.constant 0 : i32
        %dma_start3A_1987 = tpu.memref_slice %arg3[%dma_start3A_1985, %dma_start3A_1986] : memref<1000000x32xf32, #tpu.memory_space<hbm>> -> memref<1000000x32xf32, #tpu.memory_space<hbm>>
        tpu.enqueue_indirect_dma source(%dma_start3A_1987 : memref<1000000x32xf32, #tpu.memory_space<hbm>>) target(%dma_start3A_1977 : memref<64x32xf32, #tpu.memory_space<vmem>>) offsets(%dma_start3A_1984 : memref<64xi32, #tpu.memory_space<vmem>>) semaphore(%arg10 : memref<!tpu.dma_semaphore, #tpu.memory_space<semaphore_mem>>)
        %dma_start3A_1988 = arith.constant 1 : i32
        %dma_start3A_1989 = arith.constant 4 : i32
        %dma_start3A_1990 = arith.constant 1 : i32
        %dma_start3A_1991 = arith.constant 4 : i32
        %dma_start3A_1992 = arith.constant 0 : i32
        %dma_start3A_1993 = arith.constant 0 : i32
        %dma_start3A_1994 = arith.constant 0 : i32
        %dma_start3A_1995 = tpu.memref_slice %arg6[%dma_start3A_1990, %dma_start3A_1992, %dma_start3A_1993, %dma_start3A_1994] : memref<2x25x64x32xf32, #tpu.memory_space<vmem>> -> memref<1x25x64x32xf32, #tpu.memory_space<vmem>>
        %dma_start3A_1996 = tpu.memref_squeeze %dma_start3A_1995 : memref<1x25x64x32xf32, #tpu.memory_space<vmem>> -> memref<25x64x32xf32, #tpu.memory_space<vmem>>
        %dma_start3A_1997 = arith.constant 0 : i32
        %dma_start3A_1998 = arith.constant 0 : i32
        %dma_start3A_1999 = tpu.memref_slice %dma_start3A_1996[%dma_start3A_1991, %dma_start3A_1997, %dma_start3A_1998] : memref<25x64x32xf32, #tpu.memory_space<vmem>> -> memref<1x64x32xf32, #tpu.memory_space<vmem>>
        %dma_start3A_2000 = tpu.memref_squeeze %dma_start3A_1999 : memref<1x64x32xf32, #tpu.memory_space<vmem>> -> memref<64x32xf32, #tpu.memory_space<vmem>>
        %dma_start3A_2001 = arith.constant 0 : i32
        %dma_start3A_2002 = arith.constant 0 : i32
        %dma_start3A_2003 = tpu.memref_slice %arg5[%dma_start3A_1988, %dma_start3A_2001, %dma_start3A_2002] : memref<2x25x64xi32, #tpu.memory_space<vmem>> -> memref<1x25x64xi32, #tpu.memory_space<vmem>>
        %dma_start3A_2004 = tpu.memref_squeeze %dma_start3A_2003 : memref<1x25x64xi32, #tpu.memory_space<vmem>> -> memref<25x64xi32, #tpu.memory_space<vmem>>
        %dma_start3A_2005 = arith.constant 0 : i32
        %dma_start3A_2006 = tpu.memref_slice %dma_start3A_2004[%dma_start3A_1989, %dma_start3A_2005] : memref<25x64xi32, #tpu.memory_space<vmem>> -> memref<1x64xi32, #tpu.memory_space<vmem>>
        %dma_start3A_2007 = tpu.memref_squeeze %dma_start3A_2006 : memref<1x64xi32, #tpu.memory_space<vmem>> -> memref<64xi32, #tpu.memory_space<vmem>>
        %dma_start3A_2008 = arith.constant 0 : i32
        %dma_start3A_2009 = arith.constant 0 : i32
        %dma_start3A_2010 = tpu.memref_slice %arg3[%dma_start3A_2008, %dma_start3A_2009] : memref<1000000x32xf32, #tpu.memory_space<hbm>> -> memref<1000000x32xf32, #tpu.memory_space<hbm>>
        tpu.enqueue_indirect_dma source(%dma_start3A_2010 : memref<1000000x32xf32, #tpu.memory_space<hbm>>) target(%dma_start3A_2000 : memref<64x32xf32, #tpu.memory_space<vmem>>) offsets(%dma_start3A_2007 : memref<64xi32, #tpu.memory_space<vmem>>) semaphore(%arg10 : memref<!tpu.dma_semaphore, #tpu.memory_space<semaphore_mem>>)
        %dma_start3A_2011 = arith.constant 1 : i32
        %dma_start3A_2012 = arith.constant 5 : i32
        %dma_start3A_2013 = arith.constant 1 : i32
        %dma_start3A_2014 = arith.constant 5 : i32
        %dma_start3A_2015 = arith.constant 0 : i32
        %dma_start3A_2016 = arith.constant 0 : i32
        %dma_start3A_2017 = arith.constant 0 : i32
        %dma_start3A_2018 = tpu.memref_slice %arg6[%dma_start3A_2013, %dma_start3A_2015, %dma_start3A_2016, %dma_start3A_2017] : memref<2x25x64x32xf32, #tpu.memory_space<vmem>> -> memref<1x25x64x32xf32, #tpu.memory_space<vmem>>
        %dma_start3A_2019 = tpu.memref_squeeze %dma_start3A_2018 : memref<1x25x64x32xf32, #tpu.memory_space<vmem>> -> memref<25x64x32xf32, #tpu.memory_space<vmem>>
        %dma_start3A_2020 = arith.constant 0 : i32
        %dma_start3A_2021 = arith.constant 0 : i32
        %dma_start3A_2022 = tpu.memref_slice %dma_start3A_2019[%dma_start3A_2014, %dma_start3A_2020, %dma_start3A_2021] : memref<25x64x32xf32, #tpu.memory_space<vmem>> -> memref<1x64x32xf32, #tpu.memory_space<vmem>>
        %dma_start3A_2023 = tpu.memref_squeeze %dma_start3A_2022 : memref<1x64x32xf32, #tpu.memory_space<vmem>> -> memref<64x32xf32, #tpu.memory_space<vmem>>
        %dma_start3A_2024 = arith.constant 0 : i32
        %dma_start3A_2025 = arith.constant 0 : i32
        %dma_start3A_2026 = tpu.memref_slice %arg5[%dma_start3A_2011, %dma_start3A_2024, %dma_start3A_2025] : memref<2x25x64xi32, #tpu.memory_space<vmem>> -> memref<1x25x64xi32, #tpu.memory_space<vmem>>
        %dma_start3A_2027 = tpu.memref_squeeze %dma_start3A_2026 : memref<1x25x64xi32, #tpu.memory_space<vmem>> -> memref<25x64xi32, #tpu.memory_space<vmem>>
        %dma_start3A_2028 = arith.constant 0 : i32
        %dma_start3A_2029 = tpu.memref_slice %dma_start3A_2027[%dma_start3A_2012, %dma_start3A_2028] : memref<25x64xi32, #tpu.memory_space<vmem>> -> memref<1x64xi32, #tpu.memory_space<vmem>>
        %dma_start3A_2030 = tpu.memref_squeeze %dma_start3A_2029 : memref<1x64xi32, #tpu.memory_space<vmem>> -> memref<64xi32, #tpu.memory_space<vmem>>
        %dma_start3A_2031 = arith.constant 0 : i32
        %dma_start3A_2032 = arith.constant 0 : i32
        %dma_start3A_2033 = tpu.memref_slice %arg3[%dma_start3A_2031, %dma_start3A_2032] : memref<1000000x32xf32, #tpu.memory_space<hbm>> -> memref<1000000x32xf32, #tpu.memory_space<hbm>>
        tpu.enqueue_indirect_dma source(%dma_start3A_2033 : memref<1000000x32xf32, #tpu.memory_space<hbm>>) target(%dma_start3A_2023 : memref<64x32xf32, #tpu.memory_space<vmem>>) offsets(%dma_start3A_2030 : memref<64xi32, #tpu.memory_space<vmem>>) semaphore(%arg10 : memref<!tpu.dma_semaphore, #tpu.memory_space<semaphore_mem>>)
        %dma_start3A_2034 = arith.constant 1 : i32
        %dma_start3A_2035 = arith.constant 6 : i32
        %dma_start3A_2036 = arith.constant 1 : i32
        %dma_start3A_2037 = arith.constant 6 : i32
        %dma_start3A_2038 = arith.constant 0 : i32
        %dma_start3A_2039 = arith.constant 0 : i32
        %dma_start3A_2040 = arith.constant 0 : i32
        %dma_start3A_2041 = tpu.memref_slice %arg6[%dma_start3A_2036, %dma_start3A_2038, %dma_start3A_2039, %dma_start3A_2040] : memref<2x25x64x32xf32, #tpu.memory_space<vmem>> -> memref<1x25x64x32xf32, #tpu.memory_space<vmem>>
        %dma_start3A_2042 = tpu.memref_squeeze %dma_start3A_2041 : memref<1x25x64x32xf32, #tpu.memory_space<vmem>> -> memref<25x64x32xf32, #tpu.memory_space<vmem>>
        %dma_start3A_2043 = arith.constant 0 : i32
        %dma_start3A_2044 = arith.constant 0 : i32
        %dma_start3A_2045 = tpu.memref_slice %dma_start3A_2042[%dma_start3A_2037, %dma_start3A_2043, %dma_start3A_2044] : memref<25x64x32xf32, #tpu.memory_space<vmem>> -> memref<1x64x32xf32, #tpu.memory_space<vmem>>
        %dma_start3A_2046 = tpu.memref_squeeze %dma_start3A_2045 : memref<1x64x32xf32, #tpu.memory_space<vmem>> -> memref<64x32xf32, #tpu.memory_space<vmem>>
        %dma_start3A_2047 = arith.constant 0 : i32
        %dma_start3A_2048 = arith.constant 0 : i32
        %dma_start3A_2049 = tpu.memref_slice %arg5[%dma_start3A_2034, %dma_start3A_2047, %dma_start3A_2048] : memref<2x25x64xi32, #tpu.memory_space<vmem>> -> memref<1x25x64xi32, #tpu.memory_space<vmem>>
        %dma_start3A_2050 = tpu.memref_squeeze %dma_start3A_2049 : memref<1x25x64xi32, #tpu.memory_space<vmem>> -> memref<25x64xi32, #tpu.memory_space<vmem>>
        %dma_start3A_2051 = arith.constant 0 : i32
        %dma_start3A_2052 = tpu.memref_slice %dma_start3A_2050[%dma_start3A_2035, %dma_start3A_2051] : memref<25x64xi32, #tpu.memory_space<vmem>> -> memref<1x64xi32, #tpu.memory_space<vmem>>
        %dma_start3A_2053 = tpu.memref_squeeze %dma_start3A_2052 : memref<1x64xi32, #tpu.memory_space<vmem>> -> memref<64xi32, #tpu.memory_space<vmem>>
        %dma_start3A_2054 = arith.constant 0 : i32
        %dma_start3A_2055 = arith.constant 0 : i32
        %dma_start3A_2056 = tpu.memref_slice %arg3[%dma_start3A_2054, %dma_start3A_2055] : memref<1000000x32xf32, #tpu.memory_space<hbm>> -> memref<1000000x32xf32, #tpu.memory_space<hbm>>
        tpu.enqueue_indirect_dma source(%dma_start3A_2056 : memref<1000000x32xf32, #tpu.memory_space<hbm>>) target(%dma_start3A_2046 : memref<64x32xf32, #tpu.memory_space<vmem>>) offsets(%dma_start3A_2053 : memref<64xi32, #tpu.memory_space<vmem>>) semaphore(%arg10 : memref<!tpu.dma_semaphore, #tpu.memory_space<semaphore_mem>>)
        %dma_start3A_2057 = arith.constant 1 : i32
        %dma_start3A_2058 = arith.constant 7 : i32
        %dma_start3A_2059 = arith.constant 1 : i32
        %dma_start3A_2060 = arith.constant 7 : i32
        %dma_start3A_2061 = arith.constant 0 : i32
        %dma_start3A_2062 = arith.constant 0 : i32
        %dma_start3A_2063 = arith.constant 0 : i32
        %dma_start3A_2064 = tpu.memref_slice %arg6[%dma_start3A_2059, %dma_start3A_2061, %dma_start3A_2062, %dma_start3A_2063] : memref<2x25x64x32xf32, #tpu.memory_space<vmem>> -> memref<1x25x64x32xf32, #tpu.memory_space<vmem>>
        %dma_start3A_2065 = tpu.memref_squeeze %dma_start3A_2064 : memref<1x25x64x32xf32, #tpu.memory_space<vmem>> -> memref<25x64x32xf32, #tpu.memory_space<vmem>>
        %dma_start3A_2066 = arith.constant 0 : i32
        %dma_start3A_2067 = arith.constant 0 : i32
        %dma_start3A_2068 = tpu.memref_slice %dma_start3A_2065[%dma_start3A_2060, %dma_start3A_2066, %dma_start3A_2067] : memref<25x64x32xf32, #tpu.memory_space<vmem>> -> memref<1x64x32xf32, #tpu.memory_space<vmem>>
        %dma_start3A_2069 = tpu.memref_squeeze %dma_start3A_2068 : memref<1x64x32xf32, #tpu.memory_space<vmem>> -> memref<64x32xf32, #tpu.memory_space<vmem>>
        %dma_start3A_2070 = arith.constant 0 : i32
        %dma_start3A_2071 = arith.constant 0 : i32
        %dma_start3A_2072 = tpu.memref_slice %arg5[%dma_start3A_2057, %dma_start3A_2070, %dma_start3A_2071] : memref<2x25x64xi32, #tpu.memory_space<vmem>> -> memref<1x25x64xi32, #tpu.memory_space<vmem>>
        %dma_start3A_2073 = tpu.memref_squeeze %dma_start3A_2072 : memref<1x25x64xi32, #tpu.memory_space<vmem>> -> memref<25x64xi32, #tpu.memory_space<vmem>>
        %dma_start3A_2074 = arith.constant 0 : i32
        %dma_start3A_2075 = tpu.memref_slice %dma_start3A_2073[%dma_start3A_2058, %dma_start3A_2074] : memref<25x64xi32, #tpu.memory_space<vmem>> -> memref<1x64xi32, #tpu.memory_space<vmem>>
        %dma_start3A_2076 = tpu.memref_squeeze %dma_start3A_2075 : memref<1x64xi32, #tpu.memory_space<vmem>> -> memref<64xi32, #tpu.memory_space<vmem>>
        %dma_start3A_2077 = arith.constant 0 : i32
        %dma_start3A_2078 = arith.constant 0 : i32
        %dma_start3A_2079 = tpu.memref_slice %arg3[%dma_start3A_2077, %dma_start3A_2078] : memref<1000000x32xf32, #tpu.memory_space<hbm>> -> memref<1000000x32xf32, #tpu.memory_space<hbm>>
        tpu.enqueue_indirect_dma source(%dma_start3A_2079 : memref<1000000x32xf32, #tpu.memory_space<hbm>>) target(%dma_start3A_2069 : memref<64x32xf32, #tpu.memory_space<vmem>>) offsets(%dma_start3A_2076 : memref<64xi32, #tpu.memory_space<vmem>>) semaphore(%arg10 : memref<!tpu.dma_semaphore, #tpu.memory_space<semaphore_mem>>)
        %dma_start3A_2080 = arith.constant 1 : i32
        %dma_start3A_2081 = arith.constant 8 : i32
        %dma_start3A_2082 = arith.constant 1 : i32
        %dma_start3A_2083 = arith.constant 8 : i32
        %dma_start3A_2084 = arith.constant 0 : i32
        %dma_start3A_2085 = arith.constant 0 : i32
        %dma_start3A_2086 = arith.constant 0 : i32
        %dma_start3A_2087 = tpu.memref_slice %arg6[%dma_start3A_2082, %dma_start3A_2084, %dma_start3A_2085, %dma_start3A_2086] : memref<2x25x64x32xf32, #tpu.memory_space<vmem>> -> memref<1x25x64x32xf32, #tpu.memory_space<vmem>>
        %dma_start3A_2088 = tpu.memref_squeeze %dma_start3A_2087 : memref<1x25x64x32xf32, #tpu.memory_space<vmem>> -> memref<25x64x32xf32, #tpu.memory_space<vmem>>
        %dma_start3A_2089 = arith.constant 0 : i32
        %dma_start3A_2090 = arith.constant 0 : i32
        %dma_start3A_2091 = tpu.memref_slice %dma_start3A_2088[%dma_start3A_2083, %dma_start3A_2089, %dma_start3A_2090] : memref<25x64x32xf32, #tpu.memory_space<vmem>> -> memref<1x64x32xf32, #tpu.memory_space<vmem>>
        %dma_start3A_2092 = tpu.memref_squeeze %dma_start3A_2091 : memref<1x64x32xf32, #tpu.memory_space<vmem>> -> memref<64x32xf32, #tpu.memory_space<vmem>>
        %dma_start3A_2093 = arith.constant 0 : i32
        %dma_start3A_2094 = arith.constant 0 : i32
        %dma_start3A_2095 = tpu.memref_slice %arg5[%dma_start3A_2080, %dma_start3A_2093, %dma_start3A_2094] : memref<2x25x64xi32, #tpu.memory_space<vmem>> -> memref<1x25x64xi32, #tpu.memory_space<vmem>>
        %dma_start3A_2096 = tpu.memref_squeeze %dma_start3A_2095 : memref<1x25x64xi32, #tpu.memory_space<vmem>> -> memref<25x64xi32, #tpu.memory_space<vmem>>
        %dma_start3A_2097 = arith.constant 0 : i32
        %dma_start3A_2098 = tpu.memref_slice %dma_start3A_2096[%dma_start3A_2081, %dma_start3A_2097] : memref<25x64xi32, #tpu.memory_space<vmem>> -> memref<1x64xi32, #tpu.memory_space<vmem>>
        %dma_start3A_2099 = tpu.memref_squeeze %dma_start3A_2098 : memref<1x64xi32, #tpu.memory_space<vmem>> -> memref<64xi32, #tpu.memory_space<vmem>>
        %dma_start3A_2100 = arith.constant 0 : i32
        %dma_start3A_2101 = arith.constant 0 : i32
        %dma_start3A_2102 = tpu.memref_slice %arg3[%dma_start3A_2100, %dma_start3A_2101] : memref<1000000x32xf32, #tpu.memory_space<hbm>> -> memref<1000000x32xf32, #tpu.memory_space<hbm>>
        tpu.enqueue_indirect_dma source(%dma_start3A_2102 : memref<1000000x32xf32, #tpu.memory_space<hbm>>) target(%dma_start3A_2092 : memref<64x32xf32, #tpu.memory_space<vmem>>) offsets(%dma_start3A_2099 : memref<64xi32, #tpu.memory_space<vmem>>) semaphore(%arg10 : memref<!tpu.dma_semaphore, #tpu.memory_space<semaphore_mem>>)
        %dma_start3A_2103 = arith.constant 1 : i32
        %dma_start3A_2104 = arith.constant 9 : i32
        %dma_start3A_2105 = arith.constant 1 : i32
        %dma_start3A_2106 = arith.constant 9 : i32
        %dma_start3A_2107 = arith.constant 0 : i32
        %dma_start3A_2108 = arith.constant 0 : i32
        %dma_start3A_2109 = arith.constant 0 : i32
        %dma_start3A_2110 = tpu.memref_slice %arg6[%dma_start3A_2105, %dma_start3A_2107, %dma_start3A_2108, %dma_start3A_2109] : memref<2x25x64x32xf32, #tpu.memory_space<vmem>> -> memref<1x25x64x32xf32, #tpu.memory_space<vmem>>
        %dma_start3A_2111 = tpu.memref_squeeze %dma_start3A_2110 : memref<1x25x64x32xf32, #tpu.memory_space<vmem>> -> memref<25x64x32xf32, #tpu.memory_space<vmem>>
        %dma_start3A_2112 = arith.constant 0 : i32
        %dma_start3A_2113 = arith.constant 0 : i32
        %dma_start3A_2114 = tpu.memref_slice %dma_start3A_2111[%dma_start3A_2106, %dma_start3A_2112, %dma_start3A_2113] : memref<25x64x32xf32, #tpu.memory_space<vmem>> -> memref<1x64x32xf32, #tpu.memory_space<vmem>>
        %dma_start3A_2115 = tpu.memref_squeeze %dma_start3A_2114 : memref<1x64x32xf32, #tpu.memory_space<vmem>> -> memref<64x32xf32, #tpu.memory_space<vmem>>
        %dma_start3A_2116 = arith.constant 0 : i32
        %dma_start3A_2117 = arith.constant 0 : i32
        %dma_start3A_2118 = tpu.memref_slice %arg5[%dma_start3A_2103, %dma_start3A_2116, %dma_start3A_2117] : memref<2x25x64xi32, #tpu.memory_space<vmem>> -> memref<1x25x64xi32, #tpu.memory_space<vmem>>
        %dma_start3A_2119 = tpu.memref_squeeze %dma_start3A_2118 : memref<1x25x64xi32, #tpu.memory_space<vmem>> -> memref<25x64xi32, #tpu.memory_space<vmem>>
        %dma_start3A_2120 = arith.constant 0 : i32
        %dma_start3A_2121 = tpu.memref_slice %dma_start3A_2119[%dma_start3A_2104, %dma_start3A_2120] : memref<25x64xi32, #tpu.memory_space<vmem>> -> memref<1x64xi32, #tpu.memory_space<vmem>>
        %dma_start3A_2122 = tpu.memref_squeeze %dma_start3A_2121 : memref<1x64xi32, #tpu.memory_space<vmem>> -> memref<64xi32, #tpu.memory_space<vmem>>
        %dma_start3A_2123 = arith.constant 0 : i32
        %dma_start3A_2124 = arith.constant 0 : i32
        %dma_start3A_2125 = tpu.memref_slice %arg3[%dma_start3A_2123, %dma_start3A_2124] : memref<1000000x32xf32, #tpu.memory_space<hbm>> -> memref<1000000x32xf32, #tpu.memory_space<hbm>>
        tpu.enqueue_indirect_dma source(%dma_start3A_2125 : memref<1000000x32xf32, #tpu.memory_space<hbm>>) target(%dma_start3A_2115 : memref<64x32xf32, #tpu.memory_space<vmem>>) offsets(%dma_start3A_2122 : memref<64xi32, #tpu.memory_space<vmem>>) semaphore(%arg10 : memref<!tpu.dma_semaphore, #tpu.memory_space<semaphore_mem>>)
        %dma_start3A_2126 = arith.constant 1 : i32
        %dma_start3A_2127 = arith.constant 10 : i32
        %dma_start3A_2128 = arith.constant 1 : i32
        %dma_start3A_2129 = arith.constant 10 : i32
        %dma_start3A_2130 = arith.constant 0 : i32
        %dma_start3A_2131 = arith.constant 0 : i32
        %dma_start3A_2132 = arith.constant 0 : i32
        %dma_start3A_2133 = tpu.memref_slice %arg6[%dma_start3A_2128, %dma_start3A_2130, %dma_start3A_2131, %dma_start3A_2132] : memref<2x25x64x32xf32, #tpu.memory_space<vmem>> -> memref<1x25x64x32xf32, #tpu.memory_space<vmem>>
        %dma_start3A_2134 = tpu.memref_squeeze %dma_start3A_2133 : memref<1x25x64x32xf32, #tpu.memory_space<vmem>> -> memref<25x64x32xf32, #tpu.memory_space<vmem>>
        %dma_start3A_2135 = arith.constant 0 : i32
        %dma_start3A_2136 = arith.constant 0 : i32
        %dma_start3A_2137 = tpu.memref_slice %dma_start3A_2134[%dma_start3A_2129, %dma_start3A_2135, %dma_start3A_2136] : memref<25x64x32xf32, #tpu.memory_space<vmem>> -> memref<1x64x32xf32, #tpu.memory_space<vmem>>
        %dma_start3A_2138 = tpu.memref_squeeze %dma_start3A_2137 : memref<1x64x32xf32, #tpu.memory_space<vmem>> -> memref<64x32xf32, #tpu.memory_space<vmem>>
        %dma_start3A_2139 = arith.constant 0 : i32
        %dma_start3A_2140 = arith.constant 0 : i32
        %dma_start3A_2141 = tpu.memref_slice %arg5[%dma_start3A_2126, %dma_start3A_2139, %dma_start3A_2140] : memref<2x25x64xi32, #tpu.memory_space<vmem>> -> memref<1x25x64xi32, #tpu.memory_space<vmem>>
        %dma_start3A_2142 = tpu.memref_squeeze %dma_start3A_2141 : memref<1x25x64xi32, #tpu.memory_space<vmem>> -> memref<25x64xi32, #tpu.memory_space<vmem>>
        %dma_start3A_2143 = arith.constant 0 : i32
        %dma_start3A_2144 = tpu.memref_slice %dma_start3A_2142[%dma_start3A_2127, %dma_start3A_2143] : memref<25x64xi32, #tpu.memory_space<vmem>> -> memref<1x64xi32, #tpu.memory_space<vmem>>
        %dma_start3A_2145 = tpu.memref_squeeze %dma_start3A_2144 : memref<1x64xi32, #tpu.memory_space<vmem>> -> memref<64xi32, #tpu.memory_space<vmem>>
        %dma_start3A_2146 = arith.constant 0 : i32
        %dma_start3A_2147 = arith.constant 0 : i32
        %dma_start3A_2148 = tpu.memref_slice %arg3[%dma_start3A_2146, %dma_start3A_2147] : memref<1000000x32xf32, #tpu.memory_space<hbm>> -> memref<1000000x32xf32, #tpu.memory_space<hbm>>
        tpu.enqueue_indirect_dma source(%dma_start3A_2148 : memref<1000000x32xf32, #tpu.memory_space<hbm>>) target(%dma_start3A_2138 : memref<64x32xf32, #tpu.memory_space<vmem>>) offsets(%dma_start3A_2145 : memref<64xi32, #tpu.memory_space<vmem>>) semaphore(%arg10 : memref<!tpu.dma_semaphore, #tpu.memory_space<semaphore_mem>>)
        %dma_start3A_2149 = arith.constant 1 : i32
        %dma_start3A_2150 = arith.constant 11 : i32
        %dma_start3A_2151 = arith.constant 1 : i32
        %dma_start3A_2152 = arith.constant 11 : i32
        %dma_start3A_2153 = arith.constant 0 : i32
        %dma_start3A_2154 = arith.constant 0 : i32
        %dma_start3A_2155 = arith.constant 0 : i32
        %dma_start3A_2156 = tpu.memref_slice %arg6[%dma_start3A_2151, %dma_start3A_2153, %dma_start3A_2154, %dma_start3A_2155] : memref<2x25x64x32xf32, #tpu.memory_space<vmem>> -> memref<1x25x64x32xf32, #tpu.memory_space<vmem>>
        %dma_start3A_2157 = tpu.memref_squeeze %dma_start3A_2156 : memref<1x25x64x32xf32, #tpu.memory_space<vmem>> -> memref<25x64x32xf32, #tpu.memory_space<vmem>>
        %dma_start3A_2158 = arith.constant 0 : i32
        %dma_start3A_2159 = arith.constant 0 : i32
        %dma_start3A_2160 = tpu.memref_slice %dma_start3A_2157[%dma_start3A_2152, %dma_start3A_2158, %dma_start3A_2159] : memref<25x64x32xf32, #tpu.memory_space<vmem>> -> memref<1x64x32xf32, #tpu.memory_space<vmem>>
        %dma_start3A_2161 = tpu.memref_squeeze %dma_start3A_2160 : memref<1x64x32xf32, #tpu.memory_space<vmem>> -> memref<64x32xf32, #tpu.memory_space<vmem>>
        %dma_start3A_2162 = arith.constant 0 : i32
        %dma_start3A_2163 = arith.constant 0 : i32
        %dma_start3A_2164 = tpu.memref_slice %arg5[%dma_start3A_2149, %dma_start3A_2162, %dma_start3A_2163] : memref<2x25x64xi32, #tpu.memory_space<vmem>> -> memref<1x25x64xi32, #tpu.memory_space<vmem>>
        %dma_start3A_2165 = tpu.memref_squeeze %dma_start3A_2164 : memref<1x25x64xi32, #tpu.memory_space<vmem>> -> memref<25x64xi32, #tpu.memory_space<vmem>>
        %dma_start3A_2166 = arith.constant 0 : i32
        %dma_start3A_2167 = tpu.memref_slice %dma_start3A_2165[%dma_start3A_2150, %dma_start3A_2166] : memref<25x64xi32, #tpu.memory_space<vmem>> -> memref<1x64xi32, #tpu.memory_space<vmem>>
        %dma_start3A_2168 = tpu.memref_squeeze %dma_start3A_2167 : memref<1x64xi32, #tpu.memory_space<vmem>> -> memref<64xi32, #tpu.memory_space<vmem>>
        %dma_start3A_2169 = arith.constant 0 : i32
        %dma_start3A_2170 = arith.constant 0 : i32
        %dma_start3A_2171 = tpu.memref_slice %arg3[%dma_start3A_2169, %dma_start3A_2170] : memref<1000000x32xf32, #tpu.memory_space<hbm>> -> memref<1000000x32xf32, #tpu.memory_space<hbm>>
        tpu.enqueue_indirect_dma source(%dma_start3A_2171 : memref<1000000x32xf32, #tpu.memory_space<hbm>>) target(%dma_start3A_2161 : memref<64x32xf32, #tpu.memory_space<vmem>>) offsets(%dma_start3A_2168 : memref<64xi32, #tpu.memory_space<vmem>>) semaphore(%arg10 : memref<!tpu.dma_semaphore, #tpu.memory_space<semaphore_mem>>)
        %dma_start3A_2172 = arith.constant 1 : i32
        %dma_start3A_2173 = arith.constant 12 : i32
        %dma_start3A_2174 = arith.constant 1 : i32
        %dma_start3A_2175 = arith.constant 12 : i32
        %dma_start3A_2176 = arith.constant 0 : i32
        %dma_start3A_2177 = arith.constant 0 : i32
        %dma_start3A_2178 = arith.constant 0 : i32
        %dma_start3A_2179 = tpu.memref_slice %arg6[%dma_start3A_2174, %dma_start3A_2176, %dma_start3A_2177, %dma_start3A_2178] : memref<2x25x64x32xf32, #tpu.memory_space<vmem>> -> memref<1x25x64x32xf32, #tpu.memory_space<vmem>>
        %dma_start3A_2180 = tpu.memref_squeeze %dma_start3A_2179 : memref<1x25x64x32xf32, #tpu.memory_space<vmem>> -> memref<25x64x32xf32, #tpu.memory_space<vmem>>
        %dma_start3A_2181 = arith.constant 0 : i32
        %dma_start3A_2182 = arith.constant 0 : i32
        %dma_start3A_2183 = tpu.memref_slice %dma_start3A_2180[%dma_start3A_2175, %dma_start3A_2181, %dma_start3A_2182] : memref<25x64x32xf32, #tpu.memory_space<vmem>> -> memref<1x64x32xf32, #tpu.memory_space<vmem>>
        %dma_start3A_2184 = tpu.memref_squeeze %dma_start3A_2183 : memref<1x64x32xf32, #tpu.memory_space<vmem>> -> memref<64x32xf32, #tpu.memory_space<vmem>>
        %dma_start3A_2185 = arith.constant 0 : i32
        %dma_start3A_2186 = arith.constant 0 : i32
        %dma_start3A_2187 = tpu.memref_slice %arg5[%dma_start3A_2172, %dma_start3A_2185, %dma_start3A_2186] : memref<2x25x64xi32, #tpu.memory_space<vmem>> -> memref<1x25x64xi32, #tpu.memory_space<vmem>>
        %dma_start3A_2188 = tpu.memref_squeeze %dma_start3A_2187 : memref<1x25x64xi32, #tpu.memory_space<vmem>> -> memref<25x64xi32, #tpu.memory_space<vmem>>
        %dma_start3A_2189 = arith.constant 0 : i32
        %dma_start3A_2190 = tpu.memref_slice %dma_start3A_2188[%dma_start3A_2173, %dma_start3A_2189] : memref<25x64xi32, #tpu.memory_space<vmem>> -> memref<1x64xi32, #tpu.memory_space<vmem>>
        %dma_start3A_2191 = tpu.memref_squeeze %dma_start3A_2190 : memref<1x64xi32, #tpu.memory_space<vmem>> -> memref<64xi32, #tpu.memory_space<vmem>>
        %dma_start3A_2192 = arith.constant 0 : i32
        %dma_start3A_2193 = arith.constant 0 : i32
        %dma_start3A_2194 = tpu.memref_slice %arg3[%dma_start3A_2192, %dma_start3A_2193] : memref<1000000x32xf32, #tpu.memory_space<hbm>> -> memref<1000000x32xf32, #tpu.memory_space<hbm>>
        tpu.enqueue_indirect_dma source(%dma_start3A_2194 : memref<1000000x32xf32, #tpu.memory_space<hbm>>) target(%dma_start3A_2184 : memref<64x32xf32, #tpu.memory_space<vmem>>) offsets(%dma_start3A_2191 : memref<64xi32, #tpu.memory_space<vmem>>) semaphore(%arg10 : memref<!tpu.dma_semaphore, #tpu.memory_space<semaphore_mem>>)
        %dma_start3A_2195 = arith.constant 1 : i32
        %dma_start3A_2196 = arith.constant 13 : i32
        %dma_start3A_2197 = arith.constant 1 : i32
        %dma_start3A_2198 = arith.constant 13 : i32
        %dma_start3A_2199 = arith.constant 0 : i32
        %dma_start3A_2200 = arith.constant 0 : i32
        %dma_start3A_2201 = arith.constant 0 : i32
        %dma_start3A_2202 = tpu.memref_slice %arg6[%dma_start3A_2197, %dma_start3A_2199, %dma_start3A_2200, %dma_start3A_2201] : memref<2x25x64x32xf32, #tpu.memory_space<vmem>> -> memref<1x25x64x32xf32, #tpu.memory_space<vmem>>
        %dma_start3A_2203 = tpu.memref_squeeze %dma_start3A_2202 : memref<1x25x64x32xf32, #tpu.memory_space<vmem>> -> memref<25x64x32xf32, #tpu.memory_space<vmem>>
        %dma_start3A_2204 = arith.constant 0 : i32
        %dma_start3A_2205 = arith.constant 0 : i32
        %dma_start3A_2206 = tpu.memref_slice %dma_start3A_2203[%dma_start3A_2198, %dma_start3A_2204, %dma_start3A_2205] : memref<25x64x32xf32, #tpu.memory_space<vmem>> -> memref<1x64x32xf32, #tpu.memory_space<vmem>>
        %dma_start3A_2207 = tpu.memref_squeeze %dma_start3A_2206 : memref<1x64x32xf32, #tpu.memory_space<vmem>> -> memref<64x32xf32, #tpu.memory_space<vmem>>
        %dma_start3A_2208 = arith.constant 0 : i32
        %dma_start3A_2209 = arith.constant 0 : i32
        %dma_start3A_2210 = tpu.memref_slice %arg5[%dma_start3A_2195, %dma_start3A_2208, %dma_start3A_2209] : memref<2x25x64xi32, #tpu.memory_space<vmem>> -> memref<1x25x64xi32, #tpu.memory_space<vmem>>
        %dma_start3A_2211 = tpu.memref_squeeze %dma_start3A_2210 : memref<1x25x64xi32, #tpu.memory_space<vmem>> -> memref<25x64xi32, #tpu.memory_space<vmem>>
        %dma_start3A_2212 = arith.constant 0 : i32
        %dma_start3A_2213 = tpu.memref_slice %dma_start3A_2211[%dma_start3A_2196, %dma_start3A_2212] : memref<25x64xi32, #tpu.memory_space<vmem>> -> memref<1x64xi32, #tpu.memory_space<vmem>>
        %dma_start3A_2214 = tpu.memref_squeeze %dma_start3A_2213 : memref<1x64xi32, #tpu.memory_space<vmem>> -> memref<64xi32, #tpu.memory_space<vmem>>
        %dma_start3A_2215 = arith.constant 0 : i32
        %dma_start3A_2216 = arith.constant 0 : i32
        %dma_start3A_2217 = tpu.memref_slice %arg3[%dma_start3A_2215, %dma_start3A_2216] : memref<1000000x32xf32, #tpu.memory_space<hbm>> -> memref<1000000x32xf32, #tpu.memory_space<hbm>>
        tpu.enqueue_indirect_dma source(%dma_start3A_2217 : memref<1000000x32xf32, #tpu.memory_space<hbm>>) target(%dma_start3A_2207 : memref<64x32xf32, #tpu.memory_space<vmem>>) offsets(%dma_start3A_2214 : memref<64xi32, #tpu.memory_space<vmem>>) semaphore(%arg10 : memref<!tpu.dma_semaphore, #tpu.memory_space<semaphore_mem>>)
        %dma_start3A_2218 = arith.constant 1 : i32
        %dma_start3A_2219 = arith.constant 14 : i32
        %dma_start3A_2220 = arith.constant 1 : i32
        %dma_start3A_2221 = arith.constant 14 : i32
        %dma_start3A_2222 = arith.constant 0 : i32
        %dma_start3A_2223 = arith.constant 0 : i32
        %dma_start3A_2224 = arith.constant 0 : i32
        %dma_start3A_2225 = tpu.memref_slice %arg6[%dma_start3A_2220, %dma_start3A_2222, %dma_start3A_2223, %dma_start3A_2224] : memref<2x25x64x32xf32, #tpu.memory_space<vmem>> -> memref<1x25x64x32xf32, #tpu.memory_space<vmem>>
        %dma_start3A_2226 = tpu.memref_squeeze %dma_start3A_2225 : memref<1x25x64x32xf32, #tpu.memory_space<vmem>> -> memref<25x64x32xf32, #tpu.memory_space<vmem>>
        %dma_start3A_2227 = arith.constant 0 : i32
        %dma_start3A_2228 = arith.constant 0 : i32
        %dma_start3A_2229 = tpu.memref_slice %dma_start3A_2226[%dma_start3A_2221, %dma_start3A_2227, %dma_start3A_2228] : memref<25x64x32xf32, #tpu.memory_space<vmem>> -> memref<1x64x32xf32, #tpu.memory_space<vmem>>
        %dma_start3A_2230 = tpu.memref_squeeze %dma_start3A_2229 : memref<1x64x32xf32, #tpu.memory_space<vmem>> -> memref<64x32xf32, #tpu.memory_space<vmem>>
        %dma_start3A_2231 = arith.constant 0 : i32
        %dma_start3A_2232 = arith.constant 0 : i32
        %dma_start3A_2233 = tpu.memref_slice %arg5[%dma_start3A_2218, %dma_start3A_2231, %dma_start3A_2232] : memref<2x25x64xi32, #tpu.memory_space<vmem>> -> memref<1x25x64xi32, #tpu.memory_space<vmem>>
        %dma_start3A_2234 = tpu.memref_squeeze %dma_start3A_2233 : memref<1x25x64xi32, #tpu.memory_space<vmem>> -> memref<25x64xi32, #tpu.memory_space<vmem>>
        %dma_start3A_2235 = arith.constant 0 : i32
        %dma_start3A_2236 = tpu.memref_slice %dma_start3A_2234[%dma_start3A_2219, %dma_start3A_2235] : memref<25x64xi32, #tpu.memory_space<vmem>> -> memref<1x64xi32, #tpu.memory_space<vmem>>
        %dma_start3A_2237 = tpu.memref_squeeze %dma_start3A_2236 : memref<1x64xi32, #tpu.memory_space<vmem>> -> memref<64xi32, #tpu.memory_space<vmem>>
        %dma_start3A_2238 = arith.constant 0 : i32
        %dma_start3A_2239 = arith.constant 0 : i32
        %dma_start3A_2240 = tpu.memref_slice %arg3[%dma_start3A_2238, %dma_start3A_2239] : memref<1000000x32xf32, #tpu.memory_space<hbm>> -> memref<1000000x32xf32, #tpu.memory_space<hbm>>
        tpu.enqueue_indirect_dma source(%dma_start3A_2240 : memref<1000000x32xf32, #tpu.memory_space<hbm>>) target(%dma_start3A_2230 : memref<64x32xf32, #tpu.memory_space<vmem>>) offsets(%dma_start3A_2237 : memref<64xi32, #tpu.memory_space<vmem>>) semaphore(%arg10 : memref<!tpu.dma_semaphore, #tpu.memory_space<semaphore_mem>>)
        %dma_start3A_2241 = arith.constant 1 : i32
        %dma_start3A_2242 = arith.constant 15 : i32
        %dma_start3A_2243 = arith.constant 1 : i32
        %dma_start3A_2244 = arith.constant 15 : i32
        %dma_start3A_2245 = arith.constant 0 : i32
        %dma_start3A_2246 = arith.constant 0 : i32
        %dma_start3A_2247 = arith.constant 0 : i32
        %dma_start3A_2248 = tpu.memref_slice %arg6[%dma_start3A_2243, %dma_start3A_2245, %dma_start3A_2246, %dma_start3A_2247] : memref<2x25x64x32xf32, #tpu.memory_space<vmem>> -> memref<1x25x64x32xf32, #tpu.memory_space<vmem>>
        %dma_start3A_2249 = tpu.memref_squeeze %dma_start3A_2248 : memref<1x25x64x32xf32, #tpu.memory_space<vmem>> -> memref<25x64x32xf32, #tpu.memory_space<vmem>>
        %dma_start3A_2250 = arith.constant 0 : i32
        %dma_start3A_2251 = arith.constant 0 : i32
        %dma_start3A_2252 = tpu.memref_slice %dma_start3A_2249[%dma_start3A_2244, %dma_start3A_2250, %dma_start3A_2251] : memref<25x64x32xf32, #tpu.memory_space<vmem>> -> memref<1x64x32xf32, #tpu.memory_space<vmem>>
        %dma_start3A_2253 = tpu.memref_squeeze %dma_start3A_2252 : memref<1x64x32xf32, #tpu.memory_space<vmem>> -> memref<64x32xf32, #tpu.memory_space<vmem>>
        %dma_start3A_2254 = arith.constant 0 : i32
        %dma_start3A_2255 = arith.constant 0 : i32
        %dma_start3A_2256 = tpu.memref_slice %arg5[%dma_start3A_2241, %dma_start3A_2254, %dma_start3A_2255] : memref<2x25x64xi32, #tpu.memory_space<vmem>> -> memref<1x25x64xi32, #tpu.memory_space<vmem>>
        %dma_start3A_2257 = tpu.memref_squeeze %dma_start3A_2256 : memref<1x25x64xi32, #tpu.memory_space<vmem>> -> memref<25x64xi32, #tpu.memory_space<vmem>>
        %dma_start3A_2258 = arith.constant 0 : i32
        %dma_start3A_2259 = tpu.memref_slice %dma_start3A_2257[%dma_start3A_2242, %dma_start3A_2258] : memref<25x64xi32, #tpu.memory_space<vmem>> -> memref<1x64xi32, #tpu.memory_space<vmem>>
        %dma_start3A_2260 = tpu.memref_squeeze %dma_start3A_2259 : memref<1x64xi32, #tpu.memory_space<vmem>> -> memref<64xi32, #tpu.memory_space<vmem>>
        %dma_start3A_2261 = arith.constant 0 : i32
        %dma_start3A_2262 = arith.constant 0 : i32
        %dma_start3A_2263 = tpu.memref_slice %arg3[%dma_start3A_2261, %dma_start3A_2262] : memref<1000000x32xf32, #tpu.memory_space<hbm>> -> memref<1000000x32xf32, #tpu.memory_space<hbm>>
        tpu.enqueue_indirect_dma source(%dma_start3A_2263 : memref<1000000x32xf32, #tpu.memory_space<hbm>>) target(%dma_start3A_2253 : memref<64x32xf32, #tpu.memory_space<vmem>>) offsets(%dma_start3A_2260 : memref<64xi32, #tpu.memory_space<vmem>>) semaphore(%arg10 : memref<!tpu.dma_semaphore, #tpu.memory_space<semaphore_mem>>)
        %dma_start3A_2264 = arith.constant 1 : i32
        %dma_start3A_2265 = arith.constant 16 : i32
        %dma_start3A_2266 = arith.constant 1 : i32
        %dma_start3A_2267 = arith.constant 16 : i32
        %dma_start3A_2268 = arith.constant 0 : i32
        %dma_start3A_2269 = arith.constant 0 : i32
        %dma_start3A_2270 = arith.constant 0 : i32
        %dma_start3A_2271 = tpu.memref_slice %arg6[%dma_start3A_2266, %dma_start3A_2268, %dma_start3A_2269, %dma_start3A_2270] : memref<2x25x64x32xf32, #tpu.memory_space<vmem>> -> memref<1x25x64x32xf32, #tpu.memory_space<vmem>>
        %dma_start3A_2272 = tpu.memref_squeeze %dma_start3A_2271 : memref<1x25x64x32xf32, #tpu.memory_space<vmem>> -> memref<25x64x32xf32, #tpu.memory_space<vmem>>
        %dma_start3A_2273 = arith.constant 0 : i32
        %dma_start3A_2274 = arith.constant 0 : i32
        %dma_start3A_2275 = tpu.memref_slice %dma_start3A_2272[%dma_start3A_2267, %dma_start3A_2273, %dma_start3A_2274] : memref<25x64x32xf32, #tpu.memory_space<vmem>> -> memref<1x64x32xf32, #tpu.memory_space<vmem>>
        %dma_start3A_2276 = tpu.memref_squeeze %dma_start3A_2275 : memref<1x64x32xf32, #tpu.memory_space<vmem>> -> memref<64x32xf32, #tpu.memory_space<vmem>>
        %dma_start3A_2277 = arith.constant 0 : i32
        %dma_start3A_2278 = arith.constant 0 : i32
        %dma_start3A_2279 = tpu.memref_slice %arg5[%dma_start3A_2264, %dma_start3A_2277, %dma_start3A_2278] : memref<2x25x64xi32, #tpu.memory_space<vmem>> -> memref<1x25x64xi32, #tpu.memory_space<vmem>>
        %dma_start3A_2280 = tpu.memref_squeeze %dma_start3A_2279 : memref<1x25x64xi32, #tpu.memory_space<vmem>> -> memref<25x64xi32, #tpu.memory_space<vmem>>
        %dma_start3A_2281 = arith.constant 0 : i32
        %dma_start3A_2282 = tpu.memref_slice %dma_start3A_2280[%dma_start3A_2265, %dma_start3A_2281] : memref<25x64xi32, #tpu.memory_space<vmem>> -> memref<1x64xi32, #tpu.memory_space<vmem>>
        %dma_start3A_2283 = tpu.memref_squeeze %dma_start3A_2282 : memref<1x64xi32, #tpu.memory_space<vmem>> -> memref<64xi32, #tpu.memory_space<vmem>>
        %dma_start3A_2284 = arith.constant 0 : i32
        %dma_start3A_2285 = arith.constant 0 : i32
        %dma_start3A_2286 = tpu.memref_slice %arg3[%dma_start3A_2284, %dma_start3A_2285] : memref<1000000x32xf32, #tpu.memory_space<hbm>> -> memref<1000000x32xf32, #tpu.memory_space<hbm>>
        tpu.enqueue_indirect_dma source(%dma_start3A_2286 : memref<1000000x32xf32, #tpu.memory_space<hbm>>) target(%dma_start3A_2276 : memref<64x32xf32, #tpu.memory_space<vmem>>) offsets(%dma_start3A_2283 : memref<64xi32, #tpu.memory_space<vmem>>) semaphore(%arg10 : memref<!tpu.dma_semaphore, #tpu.memory_space<semaphore_mem>>)
        %dma_start3A_2287 = arith.constant 1 : i32
        %dma_start3A_2288 = arith.constant 17 : i32
        %dma_start3A_2289 = arith.constant 1 : i32
        %dma_start3A_2290 = arith.constant 17 : i32
        %dma_start3A_2291 = arith.constant 0 : i32
        %dma_start3A_2292 = arith.constant 0 : i32
        %dma_start3A_2293 = arith.constant 0 : i32
        %dma_start3A_2294 = tpu.memref_slice %arg6[%dma_start3A_2289, %dma_start3A_2291, %dma_start3A_2292, %dma_start3A_2293] : memref<2x25x64x32xf32, #tpu.memory_space<vmem>> -> memref<1x25x64x32xf32, #tpu.memory_space<vmem>>
        %dma_start3A_2295 = tpu.memref_squeeze %dma_start3A_2294 : memref<1x25x64x32xf32, #tpu.memory_space<vmem>> -> memref<25x64x32xf32, #tpu.memory_space<vmem>>
        %dma_start3A_2296 = arith.constant 0 : i32
        %dma_start3A_2297 = arith.constant 0 : i32
        %dma_start3A_2298 = tpu.memref_slice %dma_start3A_2295[%dma_start3A_2290, %dma_start3A_2296, %dma_start3A_2297] : memref<25x64x32xf32, #tpu.memory_space<vmem>> -> memref<1x64x32xf32, #tpu.memory_space<vmem>>
        %dma_start3A_2299 = tpu.memref_squeeze %dma_start3A_2298 : memref<1x64x32xf32, #tpu.memory_space<vmem>> -> memref<64x32xf32, #tpu.memory_space<vmem>>
        %dma_start3A_2300 = arith.constant 0 : i32
        %dma_start3A_2301 = arith.constant 0 : i32
        %dma_start3A_2302 = tpu.memref_slice %arg5[%dma_start3A_2287, %dma_start3A_2300, %dma_start3A_2301] : memref<2x25x64xi32, #tpu.memory_space<vmem>> -> memref<1x25x64xi32, #tpu.memory_space<vmem>>
        %dma_start3A_2303 = tpu.memref_squeeze %dma_start3A_2302 : memref<1x25x64xi32, #tpu.memory_space<vmem>> -> memref<25x64xi32, #tpu.memory_space<vmem>>
        %dma_start3A_2304 = arith.constant 0 : i32
        %dma_start3A_2305 = tpu.memref_slice %dma_start3A_2303[%dma_start3A_2288, %dma_start3A_2304] : memref<25x64xi32, #tpu.memory_space<vmem>> -> memref<1x64xi32, #tpu.memory_space<vmem>>
        %dma_start3A_2306 = tpu.memref_squeeze %dma_start3A_2305 : memref<1x64xi32, #tpu.memory_space<vmem>> -> memref<64xi32, #tpu.memory_space<vmem>>
        %dma_start3A_2307 = arith.constant 0 : i32
        %dma_start3A_2308 = arith.constant 0 : i32
        %dma_start3A_2309 = tpu.memref_slice %arg3[%dma_start3A_2307, %dma_start3A_2308] : memref<1000000x32xf32, #tpu.memory_space<hbm>> -> memref<1000000x32xf32, #tpu.memory_space<hbm>>
        tpu.enqueue_indirect_dma source(%dma_start3A_2309 : memref<1000000x32xf32, #tpu.memory_space<hbm>>) target(%dma_start3A_2299 : memref<64x32xf32, #tpu.memory_space<vmem>>) offsets(%dma_start3A_2306 : memref<64xi32, #tpu.memory_space<vmem>>) semaphore(%arg10 : memref<!tpu.dma_semaphore, #tpu.memory_space<semaphore_mem>>)
        %dma_start3A_2310 = arith.constant 1 : i32
        %dma_start3A_2311 = arith.constant 18 : i32
        %dma_start3A_2312 = arith.constant 1 : i32
        %dma_start3A_2313 = arith.constant 18 : i32
        %dma_start3A_2314 = arith.constant 0 : i32
        %dma_start3A_2315 = arith.constant 0 : i32
        %dma_start3A_2316 = arith.constant 0 : i32
        %dma_start3A_2317 = tpu.memref_slice %arg6[%dma_start3A_2312, %dma_start3A_2314, %dma_start3A_2315, %dma_start3A_2316] : memref<2x25x64x32xf32, #tpu.memory_space<vmem>> -> memref<1x25x64x32xf32, #tpu.memory_space<vmem>>
        %dma_start3A_2318 = tpu.memref_squeeze %dma_start3A_2317 : memref<1x25x64x32xf32, #tpu.memory_space<vmem>> -> memref<25x64x32xf32, #tpu.memory_space<vmem>>
        %dma_start3A_2319 = arith.constant 0 : i32
        %dma_start3A_2320 = arith.constant 0 : i32
        %dma_start3A_2321 = tpu.memref_slice %dma_start3A_2318[%dma_start3A_2313, %dma_start3A_2319, %dma_start3A_2320] : memref<25x64x32xf32, #tpu.memory_space<vmem>> -> memref<1x64x32xf32, #tpu.memory_space<vmem>>
        %dma_start3A_2322 = tpu.memref_squeeze %dma_start3A_2321 : memref<1x64x32xf32, #tpu.memory_space<vmem>> -> memref<64x32xf32, #tpu.memory_space<vmem>>
        %dma_start3A_2323 = arith.constant 0 : i32
        %dma_start3A_2324 = arith.constant 0 : i32
        %dma_start3A_2325 = tpu.memref_slice %arg5[%dma_start3A_2310, %dma_start3A_2323, %dma_start3A_2324] : memref<2x25x64xi32, #tpu.memory_space<vmem>> -> memref<1x25x64xi32, #tpu.memory_space<vmem>>
        %dma_start3A_2326 = tpu.memref_squeeze %dma_start3A_2325 : memref<1x25x64xi32, #tpu.memory_space<vmem>> -> memref<25x64xi32, #tpu.memory_space<vmem>>
        %dma_start3A_2327 = arith.constant 0 : i32
        %dma_start3A_2328 = tpu.memref_slice %dma_start3A_2326[%dma_start3A_2311, %dma_start3A_2327] : memref<25x64xi32, #tpu.memory_space<vmem>> -> memref<1x64xi32, #tpu.memory_space<vmem>>
        %dma_start3A_2329 = tpu.memref_squeeze %dma_start3A_2328 : memref<1x64xi32, #tpu.memory_space<vmem>> -> memref<64xi32, #tpu.memory_space<vmem>>
        %dma_start3A_2330 = arith.constant 0 : i32
        %dma_start3A_2331 = arith.constant 0 : i32
        %dma_start3A_2332 = tpu.memref_slice %arg3[%dma_start3A_2330, %dma_start3A_2331] : memref<1000000x32xf32, #tpu.memory_space<hbm>> -> memref<1000000x32xf32, #tpu.memory_space<hbm>>
        tpu.enqueue_indirect_dma source(%dma_start3A_2332 : memref<1000000x32xf32, #tpu.memory_space<hbm>>) target(%dma_start3A_2322 : memref<64x32xf32, #tpu.memory_space<vmem>>) offsets(%dma_start3A_2329 : memref<64xi32, #tpu.memory_space<vmem>>) semaphore(%arg10 : memref<!tpu.dma_semaphore, #tpu.memory_space<semaphore_mem>>)
        %dma_start3A_2333 = arith.constant 1 : i32
        %dma_start3A_2334 = arith.constant 19 : i32
        %dma_start3A_2335 = arith.constant 1 : i32
        %dma_start3A_2336 = arith.constant 19 : i32
        %dma_start3A_2337 = arith.constant 0 : i32
        %dma_start3A_2338 = arith.constant 0 : i32
        %dma_start3A_2339 = arith.constant 0 : i32
        %dma_start3A_2340 = tpu.memref_slice %arg6[%dma_start3A_2335, %dma_start3A_2337, %dma_start3A_2338, %dma_start3A_2339] : memref<2x25x64x32xf32, #tpu.memory_space<vmem>> -> memref<1x25x64x32xf32, #tpu.memory_space<vmem>>
        %dma_start3A_2341 = tpu.memref_squeeze %dma_start3A_2340 : memref<1x25x64x32xf32, #tpu.memory_space<vmem>> -> memref<25x64x32xf32, #tpu.memory_space<vmem>>
        %dma_start3A_2342 = arith.constant 0 : i32
        %dma_start3A_2343 = arith.constant 0 : i32
        %dma_start3A_2344 = tpu.memref_slice %dma_start3A_2341[%dma_start3A_2336, %dma_start3A_2342, %dma_start3A_2343] : memref<25x64x32xf32, #tpu.memory_space<vmem>> -> memref<1x64x32xf32, #tpu.memory_space<vmem>>
        %dma_start3A_2345 = tpu.memref_squeeze %dma_start3A_2344 : memref<1x64x32xf32, #tpu.memory_space<vmem>> -> memref<64x32xf32, #tpu.memory_space<vmem>>
        %dma_start3A_2346 = arith.constant 0 : i32
        %dma_start3A_2347 = arith.constant 0 : i32
        %dma_start3A_2348 = tpu.memref_slice %arg5[%dma_start3A_2333, %dma_start3A_2346, %dma_start3A_2347] : memref<2x25x64xi32, #tpu.memory_space<vmem>> -> memref<1x25x64xi32, #tpu.memory_space<vmem>>
        %dma_start3A_2349 = tpu.memref_squeeze %dma_start3A_2348 : memref<1x25x64xi32, #tpu.memory_space<vmem>> -> memref<25x64xi32, #tpu.memory_space<vmem>>
        %dma_start3A_2350 = arith.constant 0 : i32
        %dma_start3A_2351 = tpu.memref_slice %dma_start3A_2349[%dma_start3A_2334, %dma_start3A_2350] : memref<25x64xi32, #tpu.memory_space<vmem>> -> memref<1x64xi32, #tpu.memory_space<vmem>>
        %dma_start3A_2352 = tpu.memref_squeeze %dma_start3A_2351 : memref<1x64xi32, #tpu.memory_space<vmem>> -> memref<64xi32, #tpu.memory_space<vmem>>
        %dma_start3A_2353 = arith.constant 0 : i32
        %dma_start3A_2354 = arith.constant 0 : i32
        %dma_start3A_2355 = tpu.memref_slice %arg3[%dma_start3A_2353, %dma_start3A_2354] : memref<1000000x32xf32, #tpu.memory_space<hbm>> -> memref<1000000x32xf32, #tpu.memory_space<hbm>>
        tpu.enqueue_indirect_dma source(%dma_start3A_2355 : memref<1000000x32xf32, #tpu.memory_space<hbm>>) target(%dma_start3A_2345 : memref<64x32xf32, #tpu.memory_space<vmem>>) offsets(%dma_start3A_2352 : memref<64xi32, #tpu.memory_space<vmem>>) semaphore(%arg10 : memref<!tpu.dma_semaphore, #tpu.memory_space<semaphore_mem>>)
        %dma_start3A_2356 = arith.constant 1 : i32
        %dma_start3A_2357 = arith.constant 20 : i32
        %dma_start3A_2358 = arith.constant 1 : i32
        %dma_start3A_2359 = arith.constant 20 : i32
        %dma_start3A_2360 = arith.constant 0 : i32
        %dma_start3A_2361 = arith.constant 0 : i32
        %dma_start3A_2362 = arith.constant 0 : i32
        %dma_start3A_2363 = tpu.memref_slice %arg6[%dma_start3A_2358, %dma_start3A_2360, %dma_start3A_2361, %dma_start3A_2362] : memref<2x25x64x32xf32, #tpu.memory_space<vmem>> -> memref<1x25x64x32xf32, #tpu.memory_space<vmem>>
        %dma_start3A_2364 = tpu.memref_squeeze %dma_start3A_2363 : memref<1x25x64x32xf32, #tpu.memory_space<vmem>> -> memref<25x64x32xf32, #tpu.memory_space<vmem>>
        %dma_start3A_2365 = arith.constant 0 : i32
        %dma_start3A_2366 = arith.constant 0 : i32
        %dma_start3A_2367 = tpu.memref_slice %dma_start3A_2364[%dma_start3A_2359, %dma_start3A_2365, %dma_start3A_2366] : memref<25x64x32xf32, #tpu.memory_space<vmem>> -> memref<1x64x32xf32, #tpu.memory_space<vmem>>
        %dma_start3A_2368 = tpu.memref_squeeze %dma_start3A_2367 : memref<1x64x32xf32, #tpu.memory_space<vmem>> -> memref<64x32xf32, #tpu.memory_space<vmem>>
        %dma_start3A_2369 = arith.constant 0 : i32
        %dma_start3A_2370 = arith.constant 0 : i32
        %dma_start3A_2371 = tpu.memref_slice %arg5[%dma_start3A_2356, %dma_start3A_2369, %dma_start3A_2370] : memref<2x25x64xi32, #tpu.memory_space<vmem>> -> memref<1x25x64xi32, #tpu.memory_space<vmem>>
        %dma_start3A_2372 = tpu.memref_squeeze %dma_start3A_2371 : memref<1x25x64xi32, #tpu.memory_space<vmem>> -> memref<25x64xi32, #tpu.memory_space<vmem>>
        %dma_start3A_2373 = arith.constant 0 : i32
        %dma_start3A_2374 = tpu.memref_slice %dma_start3A_2372[%dma_start3A_2357, %dma_start3A_2373] : memref<25x64xi32, #tpu.memory_space<vmem>> -> memref<1x64xi32, #tpu.memory_space<vmem>>
        %dma_start3A_2375 = tpu.memref_squeeze %dma_start3A_2374 : memref<1x64xi32, #tpu.memory_space<vmem>> -> memref<64xi32, #tpu.memory_space<vmem>>
        %dma_start3A_2376 = arith.constant 0 : i32
        %dma_start3A_2377 = arith.constant 0 : i32
        %dma_start3A_2378 = tpu.memref_slice %arg3[%dma_start3A_2376, %dma_start3A_2377] : memref<1000000x32xf32, #tpu.memory_space<hbm>> -> memref<1000000x32xf32, #tpu.memory_space<hbm>>
        tpu.enqueue_indirect_dma source(%dma_start3A_2378 : memref<1000000x32xf32, #tpu.memory_space<hbm>>) target(%dma_start3A_2368 : memref<64x32xf32, #tpu.memory_space<vmem>>) offsets(%dma_start3A_2375 : memref<64xi32, #tpu.memory_space<vmem>>) semaphore(%arg10 : memref<!tpu.dma_semaphore, #tpu.memory_space<semaphore_mem>>)
        %dma_start3A_2379 = arith.constant 1 : i32
        %dma_start3A_2380 = arith.constant 21 : i32
        %dma_start3A_2381 = arith.constant 1 : i32
        %dma_start3A_2382 = arith.constant 21 : i32
        %dma_start3A_2383 = arith.constant 0 : i32
        %dma_start3A_2384 = arith.constant 0 : i32
        %dma_start3A_2385 = arith.constant 0 : i32
        %dma_start3A_2386 = tpu.memref_slice %arg6[%dma_start3A_2381, %dma_start3A_2383, %dma_start3A_2384, %dma_start3A_2385] : memref<2x25x64x32xf32, #tpu.memory_space<vmem>> -> memref<1x25x64x32xf32, #tpu.memory_space<vmem>>
        %dma_start3A_2387 = tpu.memref_squeeze %dma_start3A_2386 : memref<1x25x64x32xf32, #tpu.memory_space<vmem>> -> memref<25x64x32xf32, #tpu.memory_space<vmem>>
        %dma_start3A_2388 = arith.constant 0 : i32
        %dma_start3A_2389 = arith.constant 0 : i32
        %dma_start3A_2390 = tpu.memref_slice %dma_start3A_2387[%dma_start3A_2382, %dma_start3A_2388, %dma_start3A_2389] : memref<25x64x32xf32, #tpu.memory_space<vmem>> -> memref<1x64x32xf32, #tpu.memory_space<vmem>>
        %dma_start3A_2391 = tpu.memref_squeeze %dma_start3A_2390 : memref<1x64x32xf32, #tpu.memory_space<vmem>> -> memref<64x32xf32, #tpu.memory_space<vmem>>
        %dma_start3A_2392 = arith.constant 0 : i32
        %dma_start3A_2393 = arith.constant 0 : i32
        %dma_start3A_2394 = tpu.memref_slice %arg5[%dma_start3A_2379, %dma_start3A_2392, %dma_start3A_2393] : memref<2x25x64xi32, #tpu.memory_space<vmem>> -> memref<1x25x64xi32, #tpu.memory_space<vmem>>
        %dma_start3A_2395 = tpu.memref_squeeze %dma_start3A_2394 : memref<1x25x64xi32, #tpu.memory_space<vmem>> -> memref<25x64xi32, #tpu.memory_space<vmem>>
        %dma_start3A_2396 = arith.constant 0 : i32
        %dma_start3A_2397 = tpu.memref_slice %dma_start3A_2395[%dma_start3A_2380, %dma_start3A_2396] : memref<25x64xi32, #tpu.memory_space<vmem>> -> memref<1x64xi32, #tpu.memory_space<vmem>>
        %dma_start3A_2398 = tpu.memref_squeeze %dma_start3A_2397 : memref<1x64xi32, #tpu.memory_space<vmem>> -> memref<64xi32, #tpu.memory_space<vmem>>
        %dma_start3A_2399 = arith.constant 0 : i32
        %dma_start3A_2400 = arith.constant 0 : i32
        %dma_start3A_2401 = tpu.memref_slice %arg3[%dma_start3A_2399, %dma_start3A_2400] : memref<1000000x32xf32, #tpu.memory_space<hbm>> -> memref<1000000x32xf32, #tpu.memory_space<hbm>>
        tpu.enqueue_indirect_dma source(%dma_start3A_2401 : memref<1000000x32xf32, #tpu.memory_space<hbm>>) target(%dma_start3A_2391 : memref<64x32xf32, #tpu.memory_space<vmem>>) offsets(%dma_start3A_2398 : memref<64xi32, #tpu.memory_space<vmem>>) semaphore(%arg10 : memref<!tpu.dma_semaphore, #tpu.memory_space<semaphore_mem>>)
        %dma_start3A_2402 = arith.constant 1 : i32
        %dma_start3A_2403 = arith.constant 22 : i32
        %dma_start3A_2404 = arith.constant 1 : i32
        %dma_start3A_2405 = arith.constant 22 : i32
        %dma_start3A_2406 = arith.constant 0 : i32
        %dma_start3A_2407 = arith.constant 0 : i32
        %dma_start3A_2408 = arith.constant 0 : i32
        %dma_start3A_2409 = tpu.memref_slice %arg6[%dma_start3A_2404, %dma_start3A_2406, %dma_start3A_2407, %dma_start3A_2408] : memref<2x25x64x32xf32, #tpu.memory_space<vmem>> -> memref<1x25x64x32xf32, #tpu.memory_space<vmem>>
        %dma_start3A_2410 = tpu.memref_squeeze %dma_start3A_2409 : memref<1x25x64x32xf32, #tpu.memory_space<vmem>> -> memref<25x64x32xf32, #tpu.memory_space<vmem>>
        %dma_start3A_2411 = arith.constant 0 : i32
        %dma_start3A_2412 = arith.constant 0 : i32
        %dma_start3A_2413 = tpu.memref_slice %dma_start3A_2410[%dma_start3A_2405, %dma_start3A_2411, %dma_start3A_2412] : memref<25x64x32xf32, #tpu.memory_space<vmem>> -> memref<1x64x32xf32, #tpu.memory_space<vmem>>
        %dma_start3A_2414 = tpu.memref_squeeze %dma_start3A_2413 : memref<1x64x32xf32, #tpu.memory_space<vmem>> -> memref<64x32xf32, #tpu.memory_space<vmem>>
        %dma_start3A_2415 = arith.constant 0 : i32
        %dma_start3A_2416 = arith.constant 0 : i32
        %dma_start3A_2417 = tpu.memref_slice %arg5[%dma_start3A_2402, %dma_start3A_2415, %dma_start3A_2416] : memref<2x25x64xi32, #tpu.memory_space<vmem>> -> memref<1x25x64xi32, #tpu.memory_space<vmem>>
        %dma_start3A_2418 = tpu.memref_squeeze %dma_start3A_2417 : memref<1x25x64xi32, #tpu.memory_space<vmem>> -> memref<25x64xi32, #tpu.memory_space<vmem>>
        %dma_start3A_2419 = arith.constant 0 : i32
        %dma_start3A_2420 = tpu.memref_slice %dma_start3A_2418[%dma_start3A_2403, %dma_start3A_2419] : memref<25x64xi32, #tpu.memory_space<vmem>> -> memref<1x64xi32, #tpu.memory_space<vmem>>
        %dma_start3A_2421 = tpu.memref_squeeze %dma_start3A_2420 : memref<1x64xi32, #tpu.memory_space<vmem>> -> memref<64xi32, #tpu.memory_space<vmem>>
        %dma_start3A_2422 = arith.constant 0 : i32
        %dma_start3A_2423 = arith.constant 0 : i32
        %dma_start3A_2424 = tpu.memref_slice %arg3[%dma_start3A_2422, %dma_start3A_2423] : memref<1000000x32xf32, #tpu.memory_space<hbm>> -> memref<1000000x32xf32, #tpu.memory_space<hbm>>
        tpu.enqueue_indirect_dma source(%dma_start3A_2424 : memref<1000000x32xf32, #tpu.memory_space<hbm>>) target(%dma_start3A_2414 : memref<64x32xf32, #tpu.memory_space<vmem>>) offsets(%dma_start3A_2421 : memref<64xi32, #tpu.memory_space<vmem>>) semaphore(%arg10 : memref<!tpu.dma_semaphore, #tpu.memory_space<semaphore_mem>>)
        %dma_start3A_2425 = arith.constant 1 : i32
        %dma_start3A_2426 = arith.constant 23 : i32
        %dma_start3A_2427 = arith.constant 1 : i32
        %dma_start3A_2428 = arith.constant 23 : i32
        %dma_start3A_2429 = arith.constant 0 : i32
        %dma_start3A_2430 = arith.constant 0 : i32
        %dma_start3A_2431 = arith.constant 0 : i32
        %dma_start3A_2432 = tpu.memref_slice %arg6[%dma_start3A_2427, %dma_start3A_2429, %dma_start3A_2430, %dma_start3A_2431] : memref<2x25x64x32xf32, #tpu.memory_space<vmem>> -> memref<1x25x64x32xf32, #tpu.memory_space<vmem>>
        %dma_start3A_2433 = tpu.memref_squeeze %dma_start3A_2432 : memref<1x25x64x32xf32, #tpu.memory_space<vmem>> -> memref<25x64x32xf32, #tpu.memory_space<vmem>>
        %dma_start3A_2434 = arith.constant 0 : i32
        %dma_start3A_2435 = arith.constant 0 : i32
        %dma_start3A_2436 = tpu.memref_slice %dma_start3A_2433[%dma_start3A_2428, %dma_start3A_2434, %dma_start3A_2435] : memref<25x64x32xf32, #tpu.memory_space<vmem>> -> memref<1x64x32xf32, #tpu.memory_space<vmem>>
        %dma_start3A_2437 = tpu.memref_squeeze %dma_start3A_2436 : memref<1x64x32xf32, #tpu.memory_space<vmem>> -> memref<64x32xf32, #tpu.memory_space<vmem>>
        %dma_start3A_2438 = arith.constant 0 : i32
        %dma_start3A_2439 = arith.constant 0 : i32
        %dma_start3A_2440 = tpu.memref_slice %arg5[%dma_start3A_2425, %dma_start3A_2438, %dma_start3A_2439] : memref<2x25x64xi32, #tpu.memory_space<vmem>> -> memref<1x25x64xi32, #tpu.memory_space<vmem>>
        %dma_start3A_2441 = tpu.memref_squeeze %dma_start3A_2440 : memref<1x25x64xi32, #tpu.memory_space<vmem>> -> memref<25x64xi32, #tpu.memory_space<vmem>>
        %dma_start3A_2442 = arith.constant 0 : i32
        %dma_start3A_2443 = tpu.memref_slice %dma_start3A_2441[%dma_start3A_2426, %dma_start3A_2442] : memref<25x64xi32, #tpu.memory_space<vmem>> -> memref<1x64xi32, #tpu.memory_space<vmem>>
        %dma_start3A_2444 = tpu.memref_squeeze %dma_start3A_2443 : memref<1x64xi32, #tpu.memory_space<vmem>> -> memref<64xi32, #tpu.memory_space<vmem>>
        %dma_start3A_2445 = arith.constant 0 : i32
        %dma_start3A_2446 = arith.constant 0 : i32
        %dma_start3A_2447 = tpu.memref_slice %arg3[%dma_start3A_2445, %dma_start3A_2446] : memref<1000000x32xf32, #tpu.memory_space<hbm>> -> memref<1000000x32xf32, #tpu.memory_space<hbm>>
        tpu.enqueue_indirect_dma source(%dma_start3A_2447 : memref<1000000x32xf32, #tpu.memory_space<hbm>>) target(%dma_start3A_2437 : memref<64x32xf32, #tpu.memory_space<vmem>>) offsets(%dma_start3A_2444 : memref<64xi32, #tpu.memory_space<vmem>>) semaphore(%arg10 : memref<!tpu.dma_semaphore, #tpu.memory_space<semaphore_mem>>)
        %dma_start3A_2448 = arith.constant 1 : i32
        %dma_start3A_2449 = arith.constant 24 : i32
        %dma_start3A_2450 = arith.constant 1 : i32
        %dma_start3A_2451 = arith.constant 24 : i32
        %dma_start3A_2452 = arith.constant 0 : i32
        %dma_start3A_2453 = arith.constant 0 : i32
        %dma_start3A_2454 = arith.constant 0 : i32
        %dma_start3A_2455 = tpu.memref_slice %arg6[%dma_start3A_2450, %dma_start3A_2452, %dma_start3A_2453, %dma_start3A_2454] : memref<2x25x64x32xf32, #tpu.memory_space<vmem>> -> memref<1x25x64x32xf32, #tpu.memory_space<vmem>>
        %dma_start3A_2456 = tpu.memref_squeeze %dma_start3A_2455 : memref<1x25x64x32xf32, #tpu.memory_space<vmem>> -> memref<25x64x32xf32, #tpu.memory_space<vmem>>
        %dma_start3A_2457 = arith.constant 0 : i32
        %dma_start3A_2458 = arith.constant 0 : i32
        %dma_start3A_2459 = tpu.memref_slice %dma_start3A_2456[%dma_start3A_2451, %dma_start3A_2457, %dma_start3A_2458] : memref<25x64x32xf32, #tpu.memory_space<vmem>> -> memref<1x64x32xf32, #tpu.memory_space<vmem>>
        %dma_start3A_2460 = tpu.memref_squeeze %dma_start3A_2459 : memref<1x64x32xf32, #tpu.memory_space<vmem>> -> memref<64x32xf32, #tpu.memory_space<vmem>>
        %dma_start3A_2461 = arith.constant 0 : i32
        %dma_start3A_2462 = arith.constant 0 : i32
        %dma_start3A_2463 = tpu.memref_slice %arg5[%dma_start3A_2448, %dma_start3A_2461, %dma_start3A_2462] : memref<2x25x64xi32, #tpu.memory_space<vmem>> -> memref<1x25x64xi32, #tpu.memory_space<vmem>>
        %dma_start3A_2464 = tpu.memref_squeeze %dma_start3A_2463 : memref<1x25x64xi32, #tpu.memory_space<vmem>> -> memref<25x64xi32, #tpu.memory_space<vmem>>
        %dma_start3A_2465 = arith.constant 0 : i32
        %dma_start3A_2466 = tpu.memref_slice %dma_start3A_2464[%dma_start3A_2449, %dma_start3A_2465] : memref<25x64xi32, #tpu.memory_space<vmem>> -> memref<1x64xi32, #tpu.memory_space<vmem>>
        %dma_start3A_2467 = tpu.memref_squeeze %dma_start3A_2466 : memref<1x64xi32, #tpu.memory_space<vmem>> -> memref<64xi32, #tpu.memory_space<vmem>>
        %dma_start3A_2468 = arith.constant 0 : i32
        %dma_start3A_2469 = arith.constant 0 : i32
        %dma_start3A_2470 = tpu.memref_slice %arg3[%dma_start3A_2468, %dma_start3A_2469] : memref<1000000x32xf32, #tpu.memory_space<hbm>> -> memref<1000000x32xf32, #tpu.memory_space<hbm>>
        tpu.enqueue_indirect_dma source(%dma_start3A_2470 : memref<1000000x32xf32, #tpu.memory_space<hbm>>) target(%dma_start3A_2460 : memref<64x32xf32, #tpu.memory_space<vmem>>) offsets(%dma_start3A_2467 : memref<64xi32, #tpu.memory_space<vmem>>) semaphore(%arg10 : memref<!tpu.dma_semaphore, #tpu.memory_space<semaphore_mem>>)
      } else {
      }
      %dma_wait3A_658 = arith.constant 0 : i32
      %dma_wait3A_659 = arith.constant 0 : i32
      %dma_wait3A_660 = arith.constant 0 : i32
      %dma_wait3A_661 = arith.constant 0 : i32
      %dma_wait3A_662 = arith.constant 0 : i32
      %dma_wait3A_663 = arith.constant 0 : i32
      %dma_wait3A_664 = arith.constant 0 : i32
      %dma_wait3A_665 = tpu.memref_slice %arg6[%dma_wait3A_660, %dma_wait3A_662, %dma_wait3A_663, %dma_wait3A_664] : memref<2x25x64x32xf32, #tpu.memory_space<vmem>> -> memref<1x25x64x32xf32, #tpu.memory_space<vmem>>
      %dma_wait3A_666 = tpu.memref_squeeze %dma_wait3A_665 : memref<1x25x64x32xf32, #tpu.memory_space<vmem>> -> memref<25x64x32xf32, #tpu.memory_space<vmem>>
      %dma_wait3A_667 = arith.constant 0 : i32
      %dma_wait3A_668 = arith.constant 0 : i32
      %dma_wait3A_669 = tpu.memref_slice %dma_wait3A_666[%dma_wait3A_661, %dma_wait3A_667, %dma_wait3A_668] : memref<25x64x32xf32, #tpu.memory_space<vmem>> -> memref<1x64x32xf32, #tpu.memory_space<vmem>>
      %dma_wait3A_670 = tpu.memref_squeeze %dma_wait3A_669 : memref<1x64x32xf32, #tpu.memory_space<vmem>> -> memref<64x32xf32, #tpu.memory_space<vmem>>
      %dma_wait3A_671 = arith.constant 0 : i32
      %dma_wait3A_672 = arith.constant 0 : i32
      %dma_wait3A_673 = tpu.memref_slice %arg5[%dma_wait3A_658, %dma_wait3A_671, %dma_wait3A_672] : memref<2x25x64xi32, #tpu.memory_space<vmem>> -> memref<1x25x64xi32, #tpu.memory_space<vmem>>
      %dma_wait3A_674 = tpu.memref_squeeze %dma_wait3A_673 : memref<1x25x64xi32, #tpu.memory_space<vmem>> -> memref<25x64xi32, #tpu.memory_space<vmem>>
      %dma_wait3A_675 = arith.constant 0 : i32
      %dma_wait3A_676 = tpu.memref_slice %dma_wait3A_674[%dma_wait3A_659, %dma_wait3A_675] : memref<25x64xi32, #tpu.memory_space<vmem>> -> memref<1x64xi32, #tpu.memory_space<vmem>>
      %dma_wait3A_677 = tpu.memref_squeeze %dma_wait3A_676 : memref<1x64xi32, #tpu.memory_space<vmem>> -> memref<64xi32, #tpu.memory_space<vmem>>
      %dma_wait3A_678 = arith.constant 0 : i32
      %dma_wait3A_679 = arith.constant 0 : i32
      %dma_wait3A_680 = tpu.memref_slice %arg3[%dma_wait3A_678, %dma_wait3A_679] : memref<1000000x32xf32, #tpu.memory_space<hbm>> -> memref<1000000x32xf32, #tpu.memory_space<hbm>>
      tpu.wait_indirect_dma semaphore(%arg9 : memref<!tpu.dma_semaphore, #tpu.memory_space<semaphore_mem>>) src(%dma_wait3A_680 : memref<1000000x32xf32, #tpu.memory_space<hbm>>) dst(%dma_wait3A_670 : memref<64x32xf32, #tpu.memory_space<vmem>>)
      %dma_wait3A_681 = arith.constant 0 : i32
      %dma_wait3A_682 = arith.constant 1 : i32
      %dma_wait3A_683 = arith.constant 0 : i32
      %dma_wait3A_684 = arith.constant 1 : i32
      %dma_wait3A_685 = arith.constant 0 : i32
      %dma_wait3A_686 = arith.constant 0 : i32
      %dma_wait3A_687 = arith.constant 0 : i32
      %dma_wait3A_688 = tpu.memref_slice %arg6[%dma_wait3A_683, %dma_wait3A_685, %dma_wait3A_686, %dma_wait3A_687] : memref<2x25x64x32xf32, #tpu.memory_space<vmem>> -> memref<1x25x64x32xf32, #tpu.memory_space<vmem>>
      %dma_wait3A_689 = tpu.memref_squeeze %dma_wait3A_688 : memref<1x25x64x32xf32, #tpu.memory_space<vmem>> -> memref<25x64x32xf32, #tpu.memory_space<vmem>>
      %dma_wait3A_690 = arith.constant 0 : i32
      %dma_wait3A_691 = arith.constant 0 : i32
      %dma_wait3A_692 = tpu.memref_slice %dma_wait3A_689[%dma_wait3A_684, %dma_wait3A_690, %dma_wait3A_691] : memref<25x64x32xf32, #tpu.memory_space<vmem>> -> memref<1x64x32xf32, #tpu.memory_space<vmem>>
      %dma_wait3A_693 = tpu.memref_squeeze %dma_wait3A_692 : memref<1x64x32xf32, #tpu.memory_space<vmem>> -> memref<64x32xf32, #tpu.memory_space<vmem>>
      %dma_wait3A_694 = arith.constant 0 : i32
      %dma_wait3A_695 = arith.constant 0 : i32
      %dma_wait3A_696 = tpu.memref_slice %arg5[%dma_wait3A_681, %dma_wait3A_694, %dma_wait3A_695] : memref<2x25x64xi32, #tpu.memory_space<vmem>> -> memref<1x25x64xi32, #tpu.memory_space<vmem>>
      %dma_wait3A_697 = tpu.memref_squeeze %dma_wait3A_696 : memref<1x25x64xi32, #tpu.memory_space<vmem>> -> memref<25x64xi32, #tpu.memory_space<vmem>>
      %dma_wait3A_698 = arith.constant 0 : i32
      %dma_wait3A_699 = tpu.memref_slice %dma_wait3A_697[%dma_wait3A_682, %dma_wait3A_698] : memref<25x64xi32, #tpu.memory_space<vmem>> -> memref<1x64xi32, #tpu.memory_space<vmem>>
      %dma_wait3A_700 = tpu.memref_squeeze %dma_wait3A_699 : memref<1x64xi32, #tpu.memory_space<vmem>> -> memref<64xi32, #tpu.memory_space<vmem>>
      %dma_wait3A_701 = arith.constant 0 : i32
      %dma_wait3A_702 = arith.constant 0 : i32
      %dma_wait3A_703 = tpu.memref_slice %arg3[%dma_wait3A_701, %dma_wait3A_702] : memref<1000000x32xf32, #tpu.memory_space<hbm>> -> memref<1000000x32xf32, #tpu.memory_space<hbm>>
      tpu.wait_indirect_dma semaphore(%arg9 : memref<!tpu.dma_semaphore, #tpu.memory_space<semaphore_mem>>) src(%dma_wait3A_703 : memref<1000000x32xf32, #tpu.memory_space<hbm>>) dst(%dma_wait3A_693 : memref<64x32xf32, #tpu.memory_space<vmem>>)
      %dma_wait3A_704 = arith.constant 0 : i32
      %dma_wait3A_705 = arith.constant 2 : i32
      %dma_wait3A_706 = arith.constant 0 : i32
      %dma_wait3A_707 = arith.constant 2 : i32
      %dma_wait3A_708 = arith.constant 0 : i32
      %dma_wait3A_709 = arith.constant 0 : i32
      %dma_wait3A_710 = arith.constant 0 : i32
      %dma_wait3A_711 = tpu.memref_slice %arg6[%dma_wait3A_706, %dma_wait3A_708, %dma_wait3A_709, %dma_wait3A_710] : memref<2x25x64x32xf32, #tpu.memory_space<vmem>> -> memref<1x25x64x32xf32, #tpu.memory_space<vmem>>
      %dma_wait3A_712 = tpu.memref_squeeze %dma_wait3A_711 : memref<1x25x64x32xf32, #tpu.memory_space<vmem>> -> memref<25x64x32xf32, #tpu.memory_space<vmem>>
      %dma_wait3A_713 = arith.constant 0 : i32
      %dma_wait3A_714 = arith.constant 0 : i32
      %dma_wait3A_715 = tpu.memref_slice %dma_wait3A_712[%dma_wait3A_707, %dma_wait3A_713, %dma_wait3A_714] : memref<25x64x32xf32, #tpu.memory_space<vmem>> -> memref<1x64x32xf32, #tpu.memory_space<vmem>>
      %dma_wait3A_716 = tpu.memref_squeeze %dma_wait3A_715 : memref<1x64x32xf32, #tpu.memory_space<vmem>> -> memref<64x32xf32, #tpu.memory_space<vmem>>
      %dma_wait3A_717 = arith.constant 0 : i32
      %dma_wait3A_718 = arith.constant 0 : i32
      %dma_wait3A_719 = tpu.memref_slice %arg5[%dma_wait3A_704, %dma_wait3A_717, %dma_wait3A_718] : memref<2x25x64xi32, #tpu.memory_space<vmem>> -> memref<1x25x64xi32, #tpu.memory_space<vmem>>
      %dma_wait3A_720 = tpu.memref_squeeze %dma_wait3A_719 : memref<1x25x64xi32, #tpu.memory_space<vmem>> -> memref<25x64xi32, #tpu.memory_space<vmem>>
      %dma_wait3A_721 = arith.constant 0 : i32
      %dma_wait3A_722 = tpu.memref_slice %dma_wait3A_720[%dma_wait3A_705, %dma_wait3A_721] : memref<25x64xi32, #tpu.memory_space<vmem>> -> memref<1x64xi32, #tpu.memory_space<vmem>>
      %dma_wait3A_723 = tpu.memref_squeeze %dma_wait3A_722 : memref<1x64xi32, #tpu.memory_space<vmem>> -> memref<64xi32, #tpu.memory_space<vmem>>
      %dma_wait3A_724 = arith.constant 0 : i32
      %dma_wait3A_725 = arith.constant 0 : i32
      %dma_wait3A_726 = tpu.memref_slice %arg3[%dma_wait3A_724, %dma_wait3A_725] : memref<1000000x32xf32, #tpu.memory_space<hbm>> -> memref<1000000x32xf32, #tpu.memory_space<hbm>>
      tpu.wait_indirect_dma semaphore(%arg9 : memref<!tpu.dma_semaphore, #tpu.memory_space<semaphore_mem>>) src(%dma_wait3A_726 : memref<1000000x32xf32, #tpu.memory_space<hbm>>) dst(%dma_wait3A_716 : memref<64x32xf32, #tpu.memory_space<vmem>>)
      %dma_wait3A_727 = arith.constant 0 : i32
      %dma_wait3A_728 = arith.constant 3 : i32
      %dma_wait3A_729 = arith.constant 0 : i32
      %dma_wait3A_730 = arith.constant 3 : i32
      %dma_wait3A_731 = arith.constant 0 : i32
      %dma_wait3A_732 = arith.constant 0 : i32
      %dma_wait3A_733 = arith.constant 0 : i32
      %dma_wait3A_734 = tpu.memref_slice %arg6[%dma_wait3A_729, %dma_wait3A_731, %dma_wait3A_732, %dma_wait3A_733] : memref<2x25x64x32xf32, #tpu.memory_space<vmem>> -> memref<1x25x64x32xf32, #tpu.memory_space<vmem>>
      %dma_wait3A_735 = tpu.memref_squeeze %dma_wait3A_734 : memref<1x25x64x32xf32, #tpu.memory_space<vmem>> -> memref<25x64x32xf32, #tpu.memory_space<vmem>>
      %dma_wait3A_736 = arith.constant 0 : i32
      %dma_wait3A_737 = arith.constant 0 : i32
      %dma_wait3A_738 = tpu.memref_slice %dma_wait3A_735[%dma_wait3A_730, %dma_wait3A_736, %dma_wait3A_737] : memref<25x64x32xf32, #tpu.memory_space<vmem>> -> memref<1x64x32xf32, #tpu.memory_space<vmem>>
      %dma_wait3A_739 = tpu.memref_squeeze %dma_wait3A_738 : memref<1x64x32xf32, #tpu.memory_space<vmem>> -> memref<64x32xf32, #tpu.memory_space<vmem>>
      %dma_wait3A_740 = arith.constant 0 : i32
      %dma_wait3A_741 = arith.constant 0 : i32
      %dma_wait3A_742 = tpu.memref_slice %arg5[%dma_wait3A_727, %dma_wait3A_740, %dma_wait3A_741] : memref<2x25x64xi32, #tpu.memory_space<vmem>> -> memref<1x25x64xi32, #tpu.memory_space<vmem>>
      %dma_wait3A_743 = tpu.memref_squeeze %dma_wait3A_742 : memref<1x25x64xi32, #tpu.memory_space<vmem>> -> memref<25x64xi32, #tpu.memory_space<vmem>>
      %dma_wait3A_744 = arith.constant 0 : i32
      %dma_wait3A_745 = tpu.memref_slice %dma_wait3A_743[%dma_wait3A_728, %dma_wait3A_744] : memref<25x64xi32, #tpu.memory_space<vmem>> -> memref<1x64xi32, #tpu.memory_space<vmem>>
      %dma_wait3A_746 = tpu.memref_squeeze %dma_wait3A_745 : memref<1x64xi32, #tpu.memory_space<vmem>> -> memref<64xi32, #tpu.memory_space<vmem>>
      %dma_wait3A_747 = arith.constant 0 : i32
      %dma_wait3A_748 = arith.constant 0 : i32
      %dma_wait3A_749 = tpu.memref_slice %arg3[%dma_wait3A_747, %dma_wait3A_748] : memref<1000000x32xf32, #tpu.memory_space<hbm>> -> memref<1000000x32xf32, #tpu.memory_space<hbm>>
      tpu.wait_indirect_dma semaphore(%arg9 : memref<!tpu.dma_semaphore, #tpu.memory_space<semaphore_mem>>) src(%dma_wait3A_749 : memref<1000000x32xf32, #tpu.memory_space<hbm>>) dst(%dma_wait3A_739 : memref<64x32xf32, #tpu.memory_space<vmem>>)
      %dma_wait3A_750 = arith.constant 0 : i32
      %dma_wait3A_751 = arith.constant 4 : i32
      %dma_wait3A_752 = arith.constant 0 : i32
      %dma_wait3A_753 = arith.constant 4 : i32
      %dma_wait3A_754 = arith.constant 0 : i32
      %dma_wait3A_755 = arith.constant 0 : i32
      %dma_wait3A_756 = arith.constant 0 : i32
      %dma_wait3A_757 = tpu.memref_slice %arg6[%dma_wait3A_752, %dma_wait3A_754, %dma_wait3A_755, %dma_wait3A_756] : memref<2x25x64x32xf32, #tpu.memory_space<vmem>> -> memref<1x25x64x32xf32, #tpu.memory_space<vmem>>
      %dma_wait3A_758 = tpu.memref_squeeze %dma_wait3A_757 : memref<1x25x64x32xf32, #tpu.memory_space<vmem>> -> memref<25x64x32xf32, #tpu.memory_space<vmem>>
      %dma_wait3A_759 = arith.constant 0 : i32
      %dma_wait3A_760 = arith.constant 0 : i32
      %dma_wait3A_761 = tpu.memref_slice %dma_wait3A_758[%dma_wait3A_753, %dma_wait3A_759, %dma_wait3A_760] : memref<25x64x32xf32, #tpu.memory_space<vmem>> -> memref<1x64x32xf32, #tpu.memory_space<vmem>>
      %dma_wait3A_762 = tpu.memref_squeeze %dma_wait3A_761 : memref<1x64x32xf32, #tpu.memory_space<vmem>> -> memref<64x32xf32, #tpu.memory_space<vmem>>
      %dma_wait3A_763 = arith.constant 0 : i32
      %dma_wait3A_764 = arith.constant 0 : i32
      %dma_wait3A_765 = tpu.memref_slice %arg5[%dma_wait3A_750, %dma_wait3A_763, %dma_wait3A_764] : memref<2x25x64xi32, #tpu.memory_space<vmem>> -> memref<1x25x64xi32, #tpu.memory_space<vmem>>
      %dma_wait3A_766 = tpu.memref_squeeze %dma_wait3A_765 : memref<1x25x64xi32, #tpu.memory_space<vmem>> -> memref<25x64xi32, #tpu.memory_space<vmem>>
      %dma_wait3A_767 = arith.constant 0 : i32
      %dma_wait3A_768 = tpu.memref_slice %dma_wait3A_766[%dma_wait3A_751, %dma_wait3A_767] : memref<25x64xi32, #tpu.memory_space<vmem>> -> memref<1x64xi32, #tpu.memory_space<vmem>>
      %dma_wait3A_769 = tpu.memref_squeeze %dma_wait3A_768 : memref<1x64xi32, #tpu.memory_space<vmem>> -> memref<64xi32, #tpu.memory_space<vmem>>
      %dma_wait3A_770 = arith.constant 0 : i32
      %dma_wait3A_771 = arith.constant 0 : i32
      %dma_wait3A_772 = tpu.memref_slice %arg3[%dma_wait3A_770, %dma_wait3A_771] : memref<1000000x32xf32, #tpu.memory_space<hbm>> -> memref<1000000x32xf32, #tpu.memory_space<hbm>>
      tpu.wait_indirect_dma semaphore(%arg9 : memref<!tpu.dma_semaphore, #tpu.memory_space<semaphore_mem>>) src(%dma_wait3A_772 : memref<1000000x32xf32, #tpu.memory_space<hbm>>) dst(%dma_wait3A_762 : memref<64x32xf32, #tpu.memory_space<vmem>>)
      %dma_wait3A_773 = arith.constant 0 : i32
      %dma_wait3A_774 = arith.constant 5 : i32
      %dma_wait3A_775 = arith.constant 0 : i32
      %dma_wait3A_776 = arith.constant 5 : i32
      %dma_wait3A_777 = arith.constant 0 : i32
      %dma_wait3A_778 = arith.constant 0 : i32
      %dma_wait3A_779 = arith.constant 0 : i32
      %dma_wait3A_780 = tpu.memref_slice %arg6[%dma_wait3A_775, %dma_wait3A_777, %dma_wait3A_778, %dma_wait3A_779] : memref<2x25x64x32xf32, #tpu.memory_space<vmem>> -> memref<1x25x64x32xf32, #tpu.memory_space<vmem>>
      %dma_wait3A_781 = tpu.memref_squeeze %dma_wait3A_780 : memref<1x25x64x32xf32, #tpu.memory_space<vmem>> -> memref<25x64x32xf32, #tpu.memory_space<vmem>>
      %dma_wait3A_782 = arith.constant 0 : i32
      %dma_wait3A_783 = arith.constant 0 : i32
      %dma_wait3A_784 = tpu.memref_slice %dma_wait3A_781[%dma_wait3A_776, %dma_wait3A_782, %dma_wait3A_783] : memref<25x64x32xf32, #tpu.memory_space<vmem>> -> memref<1x64x32xf32, #tpu.memory_space<vmem>>
      %dma_wait3A_785 = tpu.memref_squeeze %dma_wait3A_784 : memref<1x64x32xf32, #tpu.memory_space<vmem>> -> memref<64x32xf32, #tpu.memory_space<vmem>>
      %dma_wait3A_786 = arith.constant 0 : i32
      %dma_wait3A_787 = arith.constant 0 : i32
      %dma_wait3A_788 = tpu.memref_slice %arg5[%dma_wait3A_773, %dma_wait3A_786, %dma_wait3A_787] : memref<2x25x64xi32, #tpu.memory_space<vmem>> -> memref<1x25x64xi32, #tpu.memory_space<vmem>>
      %dma_wait3A_789 = tpu.memref_squeeze %dma_wait3A_788 : memref<1x25x64xi32, #tpu.memory_space<vmem>> -> memref<25x64xi32, #tpu.memory_space<vmem>>
      %dma_wait3A_790 = arith.constant 0 : i32
      %dma_wait3A_791 = tpu.memref_slice %dma_wait3A_789[%dma_wait3A_774, %dma_wait3A_790] : memref<25x64xi32, #tpu.memory_space<vmem>> -> memref<1x64xi32, #tpu.memory_space<vmem>>
      %dma_wait3A_792 = tpu.memref_squeeze %dma_wait3A_791 : memref<1x64xi32, #tpu.memory_space<vmem>> -> memref<64xi32, #tpu.memory_space<vmem>>
      %dma_wait3A_793 = arith.constant 0 : i32
      %dma_wait3A_794 = arith.constant 0 : i32
      %dma_wait3A_795 = tpu.memref_slice %arg3[%dma_wait3A_793, %dma_wait3A_794] : memref<1000000x32xf32, #tpu.memory_space<hbm>> -> memref<1000000x32xf32, #tpu.memory_space<hbm>>
      tpu.wait_indirect_dma semaphore(%arg9 : memref<!tpu.dma_semaphore, #tpu.memory_space<semaphore_mem>>) src(%dma_wait3A_795 : memref<1000000x32xf32, #tpu.memory_space<hbm>>) dst(%dma_wait3A_785 : memref<64x32xf32, #tpu.memory_space<vmem>>)
      %dma_wait3A_796 = arith.constant 0 : i32
      %dma_wait3A_797 = arith.constant 6 : i32
      %dma_wait3A_798 = arith.constant 0 : i32
      %dma_wait3A_799 = arith.constant 6 : i32
      %dma_wait3A_800 = arith.constant 0 : i32
      %dma_wait3A_801 = arith.constant 0 : i32
      %dma_wait3A_802 = arith.constant 0 : i32
      %dma_wait3A_803 = tpu.memref_slice %arg6[%dma_wait3A_798, %dma_wait3A_800, %dma_wait3A_801, %dma_wait3A_802] : memref<2x25x64x32xf32, #tpu.memory_space<vmem>> -> memref<1x25x64x32xf32, #tpu.memory_space<vmem>>
      %dma_wait3A_804 = tpu.memref_squeeze %dma_wait3A_803 : memref<1x25x64x32xf32, #tpu.memory_space<vmem>> -> memref<25x64x32xf32, #tpu.memory_space<vmem>>
      %dma_wait3A_805 = arith.constant 0 : i32
      %dma_wait3A_806 = arith.constant 0 : i32
      %dma_wait3A_807 = tpu.memref_slice %dma_wait3A_804[%dma_wait3A_799, %dma_wait3A_805, %dma_wait3A_806] : memref<25x64x32xf32, #tpu.memory_space<vmem>> -> memref<1x64x32xf32, #tpu.memory_space<vmem>>
      %dma_wait3A_808 = tpu.memref_squeeze %dma_wait3A_807 : memref<1x64x32xf32, #tpu.memory_space<vmem>> -> memref<64x32xf32, #tpu.memory_space<vmem>>
      %dma_wait3A_809 = arith.constant 0 : i32
      %dma_wait3A_810 = arith.constant 0 : i32
      %dma_wait3A_811 = tpu.memref_slice %arg5[%dma_wait3A_796, %dma_wait3A_809, %dma_wait3A_810] : memref<2x25x64xi32, #tpu.memory_space<vmem>> -> memref<1x25x64xi32, #tpu.memory_space<vmem>>
      %dma_wait3A_812 = tpu.memref_squeeze %dma_wait3A_811 : memref<1x25x64xi32, #tpu.memory_space<vmem>> -> memref<25x64xi32, #tpu.memory_space<vmem>>
      %dma_wait3A_813 = arith.constant 0 : i32
      %dma_wait3A_814 = tpu.memref_slice %dma_wait3A_812[%dma_wait3A_797, %dma_wait3A_813] : memref<25x64xi32, #tpu.memory_space<vmem>> -> memref<1x64xi32, #tpu.memory_space<vmem>>
      %dma_wait3A_815 = tpu.memref_squeeze %dma_wait3A_814 : memref<1x64xi32, #tpu.memory_space<vmem>> -> memref<64xi32, #tpu.memory_space<vmem>>
      %dma_wait3A_816 = arith.constant 0 : i32
      %dma_wait3A_817 = arith.constant 0 : i32
      %dma_wait3A_818 = tpu.memref_slice %arg3[%dma_wait3A_816, %dma_wait3A_817] : memref<1000000x32xf32, #tpu.memory_space<hbm>> -> memref<1000000x32xf32, #tpu.memory_space<hbm>>
      tpu.wait_indirect_dma semaphore(%arg9 : memref<!tpu.dma_semaphore, #tpu.memory_space<semaphore_mem>>) src(%dma_wait3A_818 : memref<1000000x32xf32, #tpu.memory_space<hbm>>) dst(%dma_wait3A_808 : memref<64x32xf32, #tpu.memory_space<vmem>>)
      %dma_wait3A_819 = arith.constant 0 : i32
      %dma_wait3A_820 = arith.constant 7 : i32
      %dma_wait3A_821 = arith.constant 0 : i32
      %dma_wait3A_822 = arith.constant 7 : i32
      %dma_wait3A_823 = arith.constant 0 : i32
      %dma_wait3A_824 = arith.constant 0 : i32
      %dma_wait3A_825 = arith.constant 0 : i32
      %dma_wait3A_826 = tpu.memref_slice %arg6[%dma_wait3A_821, %dma_wait3A_823, %dma_wait3A_824, %dma_wait3A_825] : memref<2x25x64x32xf32, #tpu.memory_space<vmem>> -> memref<1x25x64x32xf32, #tpu.memory_space<vmem>>
      %dma_wait3A_827 = tpu.memref_squeeze %dma_wait3A_826 : memref<1x25x64x32xf32, #tpu.memory_space<vmem>> -> memref<25x64x32xf32, #tpu.memory_space<vmem>>
      %dma_wait3A_828 = arith.constant 0 : i32
      %dma_wait3A_829 = arith.constant 0 : i32
      %dma_wait3A_830 = tpu.memref_slice %dma_wait3A_827[%dma_wait3A_822, %dma_wait3A_828, %dma_wait3A_829] : memref<25x64x32xf32, #tpu.memory_space<vmem>> -> memref<1x64x32xf32, #tpu.memory_space<vmem>>
      %dma_wait3A_831 = tpu.memref_squeeze %dma_wait3A_830 : memref<1x64x32xf32, #tpu.memory_space<vmem>> -> memref<64x32xf32, #tpu.memory_space<vmem>>
      %dma_wait3A_832 = arith.constant 0 : i32
      %dma_wait3A_833 = arith.constant 0 : i32
      %dma_wait3A_834 = tpu.memref_slice %arg5[%dma_wait3A_819, %dma_wait3A_832, %dma_wait3A_833] : memref<2x25x64xi32, #tpu.memory_space<vmem>> -> memref<1x25x64xi32, #tpu.memory_space<vmem>>
      %dma_wait3A_835 = tpu.memref_squeeze %dma_wait3A_834 : memref<1x25x64xi32, #tpu.memory_space<vmem>> -> memref<25x64xi32, #tpu.memory_space<vmem>>
      %dma_wait3A_836 = arith.constant 0 : i32
      %dma_wait3A_837 = tpu.memref_slice %dma_wait3A_835[%dma_wait3A_820, %dma_wait3A_836] : memref<25x64xi32, #tpu.memory_space<vmem>> -> memref<1x64xi32, #tpu.memory_space<vmem>>
      %dma_wait3A_838 = tpu.memref_squeeze %dma_wait3A_837 : memref<1x64xi32, #tpu.memory_space<vmem>> -> memref<64xi32, #tpu.memory_space<vmem>>
      %dma_wait3A_839 = arith.constant 0 : i32
      %dma_wait3A_840 = arith.constant 0 : i32
      %dma_wait3A_841 = tpu.memref_slice %arg3[%dma_wait3A_839, %dma_wait3A_840] : memref<1000000x32xf32, #tpu.memory_space<hbm>> -> memref<1000000x32xf32, #tpu.memory_space<hbm>>
      tpu.wait_indirect_dma semaphore(%arg9 : memref<!tpu.dma_semaphore, #tpu.memory_space<semaphore_mem>>) src(%dma_wait3A_841 : memref<1000000x32xf32, #tpu.memory_space<hbm>>) dst(%dma_wait3A_831 : memref<64x32xf32, #tpu.memory_space<vmem>>)
      %dma_wait3A_842 = arith.constant 0 : i32
      %dma_wait3A_843 = arith.constant 8 : i32
      %dma_wait3A_844 = arith.constant 0 : i32
      %dma_wait3A_845 = arith.constant 8 : i32
      %dma_wait3A_846 = arith.constant 0 : i32
      %dma_wait3A_847 = arith.constant 0 : i32
      %dma_wait3A_848 = arith.constant 0 : i32
      %dma_wait3A_849 = tpu.memref_slice %arg6[%dma_wait3A_844, %dma_wait3A_846, %dma_wait3A_847, %dma_wait3A_848] : memref<2x25x64x32xf32, #tpu.memory_space<vmem>> -> memref<1x25x64x32xf32, #tpu.memory_space<vmem>>
      %dma_wait3A_850 = tpu.memref_squeeze %dma_wait3A_849 : memref<1x25x64x32xf32, #tpu.memory_space<vmem>> -> memref<25x64x32xf32, #tpu.memory_space<vmem>>
      %dma_wait3A_851 = arith.constant 0 : i32
      %dma_wait3A_852 = arith.constant 0 : i32
      %dma_wait3A_853 = tpu.memref_slice %dma_wait3A_850[%dma_wait3A_845, %dma_wait3A_851, %dma_wait3A_852] : memref<25x64x32xf32, #tpu.memory_space<vmem>> -> memref<1x64x32xf32, #tpu.memory_space<vmem>>
      %dma_wait3A_854 = tpu.memref_squeeze %dma_wait3A_853 : memref<1x64x32xf32, #tpu.memory_space<vmem>> -> memref<64x32xf32, #tpu.memory_space<vmem>>
      %dma_wait3A_855 = arith.constant 0 : i32
      %dma_wait3A_856 = arith.constant 0 : i32
      %dma_wait3A_857 = tpu.memref_slice %arg5[%dma_wait3A_842, %dma_wait3A_855, %dma_wait3A_856] : memref<2x25x64xi32, #tpu.memory_space<vmem>> -> memref<1x25x64xi32, #tpu.memory_space<vmem>>
      %dma_wait3A_858 = tpu.memref_squeeze %dma_wait3A_857 : memref<1x25x64xi32, #tpu.memory_space<vmem>> -> memref<25x64xi32, #tpu.memory_space<vmem>>
      %dma_wait3A_859 = arith.constant 0 : i32
      %dma_wait3A_860 = tpu.memref_slice %dma_wait3A_858[%dma_wait3A_843, %dma_wait3A_859] : memref<25x64xi32, #tpu.memory_space<vmem>> -> memref<1x64xi32, #tpu.memory_space<vmem>>
      %dma_wait3A_861 = tpu.memref_squeeze %dma_wait3A_860 : memref<1x64xi32, #tpu.memory_space<vmem>> -> memref<64xi32, #tpu.memory_space<vmem>>
      %dma_wait3A_862 = arith.constant 0 : i32
      %dma_wait3A_863 = arith.constant 0 : i32
      %dma_wait3A_864 = tpu.memref_slice %arg3[%dma_wait3A_862, %dma_wait3A_863] : memref<1000000x32xf32, #tpu.memory_space<hbm>> -> memref<1000000x32xf32, #tpu.memory_space<hbm>>
      tpu.wait_indirect_dma semaphore(%arg9 : memref<!tpu.dma_semaphore, #tpu.memory_space<semaphore_mem>>) src(%dma_wait3A_864 : memref<1000000x32xf32, #tpu.memory_space<hbm>>) dst(%dma_wait3A_854 : memref<64x32xf32, #tpu.memory_space<vmem>>)
      %dma_wait3A_865 = arith.constant 0 : i32
      %dma_wait3A_866 = arith.constant 9 : i32
      %dma_wait3A_867 = arith.constant 0 : i32
      %dma_wait3A_868 = arith.constant 9 : i32
      %dma_wait3A_869 = arith.constant 0 : i32
      %dma_wait3A_870 = arith.constant 0 : i32
      %dma_wait3A_871 = arith.constant 0 : i32
      %dma_wait3A_872 = tpu.memref_slice %arg6[%dma_wait3A_867, %dma_wait3A_869, %dma_wait3A_870, %dma_wait3A_871] : memref<2x25x64x32xf32, #tpu.memory_space<vmem>> -> memref<1x25x64x32xf32, #tpu.memory_space<vmem>>
      %dma_wait3A_873 = tpu.memref_squeeze %dma_wait3A_872 : memref<1x25x64x32xf32, #tpu.memory_space<vmem>> -> memref<25x64x32xf32, #tpu.memory_space<vmem>>
      %dma_wait3A_874 = arith.constant 0 : i32
      %dma_wait3A_875 = arith.constant 0 : i32
      %dma_wait3A_876 = tpu.memref_slice %dma_wait3A_873[%dma_wait3A_868, %dma_wait3A_874, %dma_wait3A_875] : memref<25x64x32xf32, #tpu.memory_space<vmem>> -> memref<1x64x32xf32, #tpu.memory_space<vmem>>
      %dma_wait3A_877 = tpu.memref_squeeze %dma_wait3A_876 : memref<1x64x32xf32, #tpu.memory_space<vmem>> -> memref<64x32xf32, #tpu.memory_space<vmem>>
      %dma_wait3A_878 = arith.constant 0 : i32
      %dma_wait3A_879 = arith.constant 0 : i32
      %dma_wait3A_880 = tpu.memref_slice %arg5[%dma_wait3A_865, %dma_wait3A_878, %dma_wait3A_879] : memref<2x25x64xi32, #tpu.memory_space<vmem>> -> memref<1x25x64xi32, #tpu.memory_space<vmem>>
      %dma_wait3A_881 = tpu.memref_squeeze %dma_wait3A_880 : memref<1x25x64xi32, #tpu.memory_space<vmem>> -> memref<25x64xi32, #tpu.memory_space<vmem>>
      %dma_wait3A_882 = arith.constant 0 : i32
      %dma_wait3A_883 = tpu.memref_slice %dma_wait3A_881[%dma_wait3A_866, %dma_wait3A_882] : memref<25x64xi32, #tpu.memory_space<vmem>> -> memref<1x64xi32, #tpu.memory_space<vmem>>
      %dma_wait3A_884 = tpu.memref_squeeze %dma_wait3A_883 : memref<1x64xi32, #tpu.memory_space<vmem>> -> memref<64xi32, #tpu.memory_space<vmem>>
      %dma_wait3A_885 = arith.constant 0 : i32
      %dma_wait3A_886 = arith.constant 0 : i32
      %dma_wait3A_887 = tpu.memref_slice %arg3[%dma_wait3A_885, %dma_wait3A_886] : memref<1000000x32xf32, #tpu.memory_space<hbm>> -> memref<1000000x32xf32, #tpu.memory_space<hbm>>
      tpu.wait_indirect_dma semaphore(%arg9 : memref<!tpu.dma_semaphore, #tpu.memory_space<semaphore_mem>>) src(%dma_wait3A_887 : memref<1000000x32xf32, #tpu.memory_space<hbm>>) dst(%dma_wait3A_877 : memref<64x32xf32, #tpu.memory_space<vmem>>)
      %dma_wait3A_888 = arith.constant 0 : i32
      %dma_wait3A_889 = arith.constant 10 : i32
      %dma_wait3A_890 = arith.constant 0 : i32
      %dma_wait3A_891 = arith.constant 10 : i32
      %dma_wait3A_892 = arith.constant 0 : i32
      %dma_wait3A_893 = arith.constant 0 : i32
      %dma_wait3A_894 = arith.constant 0 : i32
      %dma_wait3A_895 = tpu.memref_slice %arg6[%dma_wait3A_890, %dma_wait3A_892, %dma_wait3A_893, %dma_wait3A_894] : memref<2x25x64x32xf32, #tpu.memory_space<vmem>> -> memref<1x25x64x32xf32, #tpu.memory_space<vmem>>
      %dma_wait3A_896 = tpu.memref_squeeze %dma_wait3A_895 : memref<1x25x64x32xf32, #tpu.memory_space<vmem>> -> memref<25x64x32xf32, #tpu.memory_space<vmem>>
      %dma_wait3A_897 = arith.constant 0 : i32
      %dma_wait3A_898 = arith.constant 0 : i32
      %dma_wait3A_899 = tpu.memref_slice %dma_wait3A_896[%dma_wait3A_891, %dma_wait3A_897, %dma_wait3A_898] : memref<25x64x32xf32, #tpu.memory_space<vmem>> -> memref<1x64x32xf32, #tpu.memory_space<vmem>>
      %dma_wait3A_900 = tpu.memref_squeeze %dma_wait3A_899 : memref<1x64x32xf32, #tpu.memory_space<vmem>> -> memref<64x32xf32, #tpu.memory_space<vmem>>
      %dma_wait3A_901 = arith.constant 0 : i32
      %dma_wait3A_902 = arith.constant 0 : i32
      %dma_wait3A_903 = tpu.memref_slice %arg5[%dma_wait3A_888, %dma_wait3A_901, %dma_wait3A_902] : memref<2x25x64xi32, #tpu.memory_space<vmem>> -> memref<1x25x64xi32, #tpu.memory_space<vmem>>
      %dma_wait3A_904 = tpu.memref_squeeze %dma_wait3A_903 : memref<1x25x64xi32, #tpu.memory_space<vmem>> -> memref<25x64xi32, #tpu.memory_space<vmem>>
      %dma_wait3A_905 = arith.constant 0 : i32
      %dma_wait3A_906 = tpu.memref_slice %dma_wait3A_904[%dma_wait3A_889, %dma_wait3A_905] : memref<25x64xi32, #tpu.memory_space<vmem>> -> memref<1x64xi32, #tpu.memory_space<vmem>>
      %dma_wait3A_907 = tpu.memref_squeeze %dma_wait3A_906 : memref<1x64xi32, #tpu.memory_space<vmem>> -> memref<64xi32, #tpu.memory_space<vmem>>
      %dma_wait3A_908 = arith.constant 0 : i32
      %dma_wait3A_909 = arith.constant 0 : i32
      %dma_wait3A_910 = tpu.memref_slice %arg3[%dma_wait3A_908, %dma_wait3A_909] : memref<1000000x32xf32, #tpu.memory_space<hbm>> -> memref<1000000x32xf32, #tpu.memory_space<hbm>>
      tpu.wait_indirect_dma semaphore(%arg9 : memref<!tpu.dma_semaphore, #tpu.memory_space<semaphore_mem>>) src(%dma_wait3A_910 : memref<1000000x32xf32, #tpu.memory_space<hbm>>) dst(%dma_wait3A_900 : memref<64x32xf32, #tpu.memory_space<vmem>>)
      %dma_wait3A_911 = arith.constant 0 : i32
      %dma_wait3A_912 = arith.constant 11 : i32
      %dma_wait3A_913 = arith.constant 0 : i32
      %dma_wait3A_914 = arith.constant 11 : i32
      %dma_wait3A_915 = arith.constant 0 : i32
      %dma_wait3A_916 = arith.constant 0 : i32
      %dma_wait3A_917 = arith.constant 0 : i32
      %dma_wait3A_918 = tpu.memref_slice %arg6[%dma_wait3A_913, %dma_wait3A_915, %dma_wait3A_916, %dma_wait3A_917] : memref<2x25x64x32xf32, #tpu.memory_space<vmem>> -> memref<1x25x64x32xf32, #tpu.memory_space<vmem>>
      %dma_wait3A_919 = tpu.memref_squeeze %dma_wait3A_918 : memref<1x25x64x32xf32, #tpu.memory_space<vmem>> -> memref<25x64x32xf32, #tpu.memory_space<vmem>>
      %dma_wait3A_920 = arith.constant 0 : i32
      %dma_wait3A_921 = arith.constant 0 : i32
      %dma_wait3A_922 = tpu.memref_slice %dma_wait3A_919[%dma_wait3A_914, %dma_wait3A_920, %dma_wait3A_921] : memref<25x64x32xf32, #tpu.memory_space<vmem>> -> memref<1x64x32xf32, #tpu.memory_space<vmem>>
      %dma_wait3A_923 = tpu.memref_squeeze %dma_wait3A_922 : memref<1x64x32xf32, #tpu.memory_space<vmem>> -> memref<64x32xf32, #tpu.memory_space<vmem>>
      %dma_wait3A_924 = arith.constant 0 : i32
      %dma_wait3A_925 = arith.constant 0 : i32
      %dma_wait3A_926 = tpu.memref_slice %arg5[%dma_wait3A_911, %dma_wait3A_924, %dma_wait3A_925] : memref<2x25x64xi32, #tpu.memory_space<vmem>> -> memref<1x25x64xi32, #tpu.memory_space<vmem>>
      %dma_wait3A_927 = tpu.memref_squeeze %dma_wait3A_926 : memref<1x25x64xi32, #tpu.memory_space<vmem>> -> memref<25x64xi32, #tpu.memory_space<vmem>>
      %dma_wait3A_928 = arith.constant 0 : i32
      %dma_wait3A_929 = tpu.memref_slice %dma_wait3A_927[%dma_wait3A_912, %dma_wait3A_928] : memref<25x64xi32, #tpu.memory_space<vmem>> -> memref<1x64xi32, #tpu.memory_space<vmem>>
      %dma_wait3A_930 = tpu.memref_squeeze %dma_wait3A_929 : memref<1x64xi32, #tpu.memory_space<vmem>> -> memref<64xi32, #tpu.memory_space<vmem>>
      %dma_wait3A_931 = arith.constant 0 : i32
      %dma_wait3A_932 = arith.constant 0 : i32
      %dma_wait3A_933 = tpu.memref_slice %arg3[%dma_wait3A_931, %dma_wait3A_932] : memref<1000000x32xf32, #tpu.memory_space<hbm>> -> memref<1000000x32xf32, #tpu.memory_space<hbm>>
      tpu.wait_indirect_dma semaphore(%arg9 : memref<!tpu.dma_semaphore, #tpu.memory_space<semaphore_mem>>) src(%dma_wait3A_933 : memref<1000000x32xf32, #tpu.memory_space<hbm>>) dst(%dma_wait3A_923 : memref<64x32xf32, #tpu.memory_space<vmem>>)
      %dma_wait3A_934 = arith.constant 0 : i32
      %dma_wait3A_935 = arith.constant 12 : i32
      %dma_wait3A_936 = arith.constant 0 : i32
      %dma_wait3A_937 = arith.constant 12 : i32
      %dma_wait3A_938 = arith.constant 0 : i32
      %dma_wait3A_939 = arith.constant 0 : i32
      %dma_wait3A_940 = arith.constant 0 : i32
      %dma_wait3A_941 = tpu.memref_slice %arg6[%dma_wait3A_936, %dma_wait3A_938, %dma_wait3A_939, %dma_wait3A_940] : memref<2x25x64x32xf32, #tpu.memory_space<vmem>> -> memref<1x25x64x32xf32, #tpu.memory_space<vmem>>
      %dma_wait3A_942 = tpu.memref_squeeze %dma_wait3A_941 : memref<1x25x64x32xf32, #tpu.memory_space<vmem>> -> memref<25x64x32xf32, #tpu.memory_space<vmem>>
      %dma_wait3A_943 = arith.constant 0 : i32
      %dma_wait3A_944 = arith.constant 0 : i32
      %dma_wait3A_945 = tpu.memref_slice %dma_wait3A_942[%dma_wait3A_937, %dma_wait3A_943, %dma_wait3A_944] : memref<25x64x32xf32, #tpu.memory_space<vmem>> -> memref<1x64x32xf32, #tpu.memory_space<vmem>>
      %dma_wait3A_946 = tpu.memref_squeeze %dma_wait3A_945 : memref<1x64x32xf32, #tpu.memory_space<vmem>> -> memref<64x32xf32, #tpu.memory_space<vmem>>
      %dma_wait3A_947 = arith.constant 0 : i32
      %dma_wait3A_948 = arith.constant 0 : i32
      %dma_wait3A_949 = tpu.memref_slice %arg5[%dma_wait3A_934, %dma_wait3A_947, %dma_wait3A_948] : memref<2x25x64xi32, #tpu.memory_space<vmem>> -> memref<1x25x64xi32, #tpu.memory_space<vmem>>
      %dma_wait3A_950 = tpu.memref_squeeze %dma_wait3A_949 : memref<1x25x64xi32, #tpu.memory_space<vmem>> -> memref<25x64xi32, #tpu.memory_space<vmem>>
      %dma_wait3A_951 = arith.constant 0 : i32
      %dma_wait3A_952 = tpu.memref_slice %dma_wait3A_950[%dma_wait3A_935, %dma_wait3A_951] : memref<25x64xi32, #tpu.memory_space<vmem>> -> memref<1x64xi32, #tpu.memory_space<vmem>>
      %dma_wait3A_953 = tpu.memref_squeeze %dma_wait3A_952 : memref<1x64xi32, #tpu.memory_space<vmem>> -> memref<64xi32, #tpu.memory_space<vmem>>
      %dma_wait3A_954 = arith.constant 0 : i32
      %dma_wait3A_955 = arith.constant 0 : i32
      %dma_wait3A_956 = tpu.memref_slice %arg3[%dma_wait3A_954, %dma_wait3A_955] : memref<1000000x32xf32, #tpu.memory_space<hbm>> -> memref<1000000x32xf32, #tpu.memory_space<hbm>>
      tpu.wait_indirect_dma semaphore(%arg9 : memref<!tpu.dma_semaphore, #tpu.memory_space<semaphore_mem>>) src(%dma_wait3A_956 : memref<1000000x32xf32, #tpu.memory_space<hbm>>) dst(%dma_wait3A_946 : memref<64x32xf32, #tpu.memory_space<vmem>>)
      %dma_wait3A_957 = arith.constant 0 : i32
      %dma_wait3A_958 = arith.constant 13 : i32
      %dma_wait3A_959 = arith.constant 0 : i32
      %dma_wait3A_960 = arith.constant 13 : i32
      %dma_wait3A_961 = arith.constant 0 : i32
      %dma_wait3A_962 = arith.constant 0 : i32
      %dma_wait3A_963 = arith.constant 0 : i32
      %dma_wait3A_964 = tpu.memref_slice %arg6[%dma_wait3A_959, %dma_wait3A_961, %dma_wait3A_962, %dma_wait3A_963] : memref<2x25x64x32xf32, #tpu.memory_space<vmem>> -> memref<1x25x64x32xf32, #tpu.memory_space<vmem>>
      %dma_wait3A_965 = tpu.memref_squeeze %dma_wait3A_964 : memref<1x25x64x32xf32, #tpu.memory_space<vmem>> -> memref<25x64x32xf32, #tpu.memory_space<vmem>>
      %dma_wait3A_966 = arith.constant 0 : i32
      %dma_wait3A_967 = arith.constant 0 : i32
      %dma_wait3A_968 = tpu.memref_slice %dma_wait3A_965[%dma_wait3A_960, %dma_wait3A_966, %dma_wait3A_967] : memref<25x64x32xf32, #tpu.memory_space<vmem>> -> memref<1x64x32xf32, #tpu.memory_space<vmem>>
      %dma_wait3A_969 = tpu.memref_squeeze %dma_wait3A_968 : memref<1x64x32xf32, #tpu.memory_space<vmem>> -> memref<64x32xf32, #tpu.memory_space<vmem>>
      %dma_wait3A_970 = arith.constant 0 : i32
      %dma_wait3A_971 = arith.constant 0 : i32
      %dma_wait3A_972 = tpu.memref_slice %arg5[%dma_wait3A_957, %dma_wait3A_970, %dma_wait3A_971] : memref<2x25x64xi32, #tpu.memory_space<vmem>> -> memref<1x25x64xi32, #tpu.memory_space<vmem>>
      %dma_wait3A_973 = tpu.memref_squeeze %dma_wait3A_972 : memref<1x25x64xi32, #tpu.memory_space<vmem>> -> memref<25x64xi32, #tpu.memory_space<vmem>>
      %dma_wait3A_974 = arith.constant 0 : i32
      %dma_wait3A_975 = tpu.memref_slice %dma_wait3A_973[%dma_wait3A_958, %dma_wait3A_974] : memref<25x64xi32, #tpu.memory_space<vmem>> -> memref<1x64xi32, #tpu.memory_space<vmem>>
      %dma_wait3A_976 = tpu.memref_squeeze %dma_wait3A_975 : memref<1x64xi32, #tpu.memory_space<vmem>> -> memref<64xi32, #tpu.memory_space<vmem>>
      %dma_wait3A_977 = arith.constant 0 : i32
      %dma_wait3A_978 = arith.constant 0 : i32
      %dma_wait3A_979 = tpu.memref_slice %arg3[%dma_wait3A_977, %dma_wait3A_978] : memref<1000000x32xf32, #tpu.memory_space<hbm>> -> memref<1000000x32xf32, #tpu.memory_space<hbm>>
      tpu.wait_indirect_dma semaphore(%arg9 : memref<!tpu.dma_semaphore, #tpu.memory_space<semaphore_mem>>) src(%dma_wait3A_979 : memref<1000000x32xf32, #tpu.memory_space<hbm>>) dst(%dma_wait3A_969 : memref<64x32xf32, #tpu.memory_space<vmem>>)
      %dma_wait3A_980 = arith.constant 0 : i32
      %dma_wait3A_981 = arith.constant 14 : i32
      %dma_wait3A_982 = arith.constant 0 : i32
      %dma_wait3A_983 = arith.constant 14 : i32
      %dma_wait3A_984 = arith.constant 0 : i32
      %dma_wait3A_985 = arith.constant 0 : i32
      %dma_wait3A_986 = arith.constant 0 : i32
      %dma_wait3A_987 = tpu.memref_slice %arg6[%dma_wait3A_982, %dma_wait3A_984, %dma_wait3A_985, %dma_wait3A_986] : memref<2x25x64x32xf32, #tpu.memory_space<vmem>> -> memref<1x25x64x32xf32, #tpu.memory_space<vmem>>
      %dma_wait3A_988 = tpu.memref_squeeze %dma_wait3A_987 : memref<1x25x64x32xf32, #tpu.memory_space<vmem>> -> memref<25x64x32xf32, #tpu.memory_space<vmem>>
      %dma_wait3A_989 = arith.constant 0 : i32
      %dma_wait3A_990 = arith.constant 0 : i32
      %dma_wait3A_991 = tpu.memref_slice %dma_wait3A_988[%dma_wait3A_983, %dma_wait3A_989, %dma_wait3A_990] : memref<25x64x32xf32, #tpu.memory_space<vmem>> -> memref<1x64x32xf32, #tpu.memory_space<vmem>>
      %dma_wait3A_992 = tpu.memref_squeeze %dma_wait3A_991 : memref<1x64x32xf32, #tpu.memory_space<vmem>> -> memref<64x32xf32, #tpu.memory_space<vmem>>
      %dma_wait3A_993 = arith.constant 0 : i32
      %dma_wait3A_994 = arith.constant 0 : i32
      %dma_wait3A_995 = tpu.memref_slice %arg5[%dma_wait3A_980, %dma_wait3A_993, %dma_wait3A_994] : memref<2x25x64xi32, #tpu.memory_space<vmem>> -> memref<1x25x64xi32, #tpu.memory_space<vmem>>
      %dma_wait3A_996 = tpu.memref_squeeze %dma_wait3A_995 : memref<1x25x64xi32, #tpu.memory_space<vmem>> -> memref<25x64xi32, #tpu.memory_space<vmem>>
      %dma_wait3A_997 = arith.constant 0 : i32
      %dma_wait3A_998 = tpu.memref_slice %dma_wait3A_996[%dma_wait3A_981, %dma_wait3A_997] : memref<25x64xi32, #tpu.memory_space<vmem>> -> memref<1x64xi32, #tpu.memory_space<vmem>>
      %dma_wait3A_999 = tpu.memref_squeeze %dma_wait3A_998 : memref<1x64xi32, #tpu.memory_space<vmem>> -> memref<64xi32, #tpu.memory_space<vmem>>
      %dma_wait3A_1000 = arith.constant 0 : i32
      %dma_wait3A_1001 = arith.constant 0 : i32
      %dma_wait3A_1002 = tpu.memref_slice %arg3[%dma_wait3A_1000, %dma_wait3A_1001] : memref<1000000x32xf32, #tpu.memory_space<hbm>> -> memref<1000000x32xf32, #tpu.memory_space<hbm>>
      tpu.wait_indirect_dma semaphore(%arg9 : memref<!tpu.dma_semaphore, #tpu.memory_space<semaphore_mem>>) src(%dma_wait3A_1002 : memref<1000000x32xf32, #tpu.memory_space<hbm>>) dst(%dma_wait3A_992 : memref<64x32xf32, #tpu.memory_space<vmem>>)
      %dma_wait3A_1003 = arith.constant 0 : i32
      %dma_wait3A_1004 = arith.constant 15 : i32
      %dma_wait3A_1005 = arith.constant 0 : i32
      %dma_wait3A_1006 = arith.constant 15 : i32
      %dma_wait3A_1007 = arith.constant 0 : i32
      %dma_wait3A_1008 = arith.constant 0 : i32
      %dma_wait3A_1009 = arith.constant 0 : i32
      %dma_wait3A_1010 = tpu.memref_slice %arg6[%dma_wait3A_1005, %dma_wait3A_1007, %dma_wait3A_1008, %dma_wait3A_1009] : memref<2x25x64x32xf32, #tpu.memory_space<vmem>> -> memref<1x25x64x32xf32, #tpu.memory_space<vmem>>
      %dma_wait3A_1011 = tpu.memref_squeeze %dma_wait3A_1010 : memref<1x25x64x32xf32, #tpu.memory_space<vmem>> -> memref<25x64x32xf32, #tpu.memory_space<vmem>>
      %dma_wait3A_1012 = arith.constant 0 : i32
      %dma_wait3A_1013 = arith.constant 0 : i32
      %dma_wait3A_1014 = tpu.memref_slice %dma_wait3A_1011[%dma_wait3A_1006, %dma_wait3A_1012, %dma_wait3A_1013] : memref<25x64x32xf32, #tpu.memory_space<vmem>> -> memref<1x64x32xf32, #tpu.memory_space<vmem>>
      %dma_wait3A_1015 = tpu.memref_squeeze %dma_wait3A_1014 : memref<1x64x32xf32, #tpu.memory_space<vmem>> -> memref<64x32xf32, #tpu.memory_space<vmem>>
      %dma_wait3A_1016 = arith.constant 0 : i32
      %dma_wait3A_1017 = arith.constant 0 : i32
      %dma_wait3A_1018 = tpu.memref_slice %arg5[%dma_wait3A_1003, %dma_wait3A_1016, %dma_wait3A_1017] : memref<2x25x64xi32, #tpu.memory_space<vmem>> -> memref<1x25x64xi32, #tpu.memory_space<vmem>>
      %dma_wait3A_1019 = tpu.memref_squeeze %dma_wait3A_1018 : memref<1x25x64xi32, #tpu.memory_space<vmem>> -> memref<25x64xi32, #tpu.memory_space<vmem>>
      %dma_wait3A_1020 = arith.constant 0 : i32
      %dma_wait3A_1021 = tpu.memref_slice %dma_wait3A_1019[%dma_wait3A_1004, %dma_wait3A_1020] : memref<25x64xi32, #tpu.memory_space<vmem>> -> memref<1x64xi32, #tpu.memory_space<vmem>>
      %dma_wait3A_1022 = tpu.memref_squeeze %dma_wait3A_1021 : memref<1x64xi32, #tpu.memory_space<vmem>> -> memref<64xi32, #tpu.memory_space<vmem>>
      %dma_wait3A_1023 = arith.constant 0 : i32
      %dma_wait3A_1024 = arith.constant 0 : i32
      %dma_wait3A_1025 = tpu.memref_slice %arg3[%dma_wait3A_1023, %dma_wait3A_1024] : memref<1000000x32xf32, #tpu.memory_space<hbm>> -> memref<1000000x32xf32, #tpu.memory_space<hbm>>
      tpu.wait_indirect_dma semaphore(%arg9 : memref<!tpu.dma_semaphore, #tpu.memory_space<semaphore_mem>>) src(%dma_wait3A_1025 : memref<1000000x32xf32, #tpu.memory_space<hbm>>) dst(%dma_wait3A_1015 : memref<64x32xf32, #tpu.memory_space<vmem>>)
      %dma_wait3A_1026 = arith.constant 0 : i32
      %dma_wait3A_1027 = arith.constant 16 : i32
      %dma_wait3A_1028 = arith.constant 0 : i32
      %dma_wait3A_1029 = arith.constant 16 : i32
      %dma_wait3A_1030 = arith.constant 0 : i32
      %dma_wait3A_1031 = arith.constant 0 : i32
      %dma_wait3A_1032 = arith.constant 0 : i32
      %dma_wait3A_1033 = tpu.memref_slice %arg6[%dma_wait3A_1028, %dma_wait3A_1030, %dma_wait3A_1031, %dma_wait3A_1032] : memref<2x25x64x32xf32, #tpu.memory_space<vmem>> -> memref<1x25x64x32xf32, #tpu.memory_space<vmem>>
      %dma_wait3A_1034 = tpu.memref_squeeze %dma_wait3A_1033 : memref<1x25x64x32xf32, #tpu.memory_space<vmem>> -> memref<25x64x32xf32, #tpu.memory_space<vmem>>
      %dma_wait3A_1035 = arith.constant 0 : i32
      %dma_wait3A_1036 = arith.constant 0 : i32
      %dma_wait3A_1037 = tpu.memref_slice %dma_wait3A_1034[%dma_wait3A_1029, %dma_wait3A_1035, %dma_wait3A_1036] : memref<25x64x32xf32, #tpu.memory_space<vmem>> -> memref<1x64x32xf32, #tpu.memory_space<vmem>>
      %dma_wait3A_1038 = tpu.memref_squeeze %dma_wait3A_1037 : memref<1x64x32xf32, #tpu.memory_space<vmem>> -> memref<64x32xf32, #tpu.memory_space<vmem>>
      %dma_wait3A_1039 = arith.constant 0 : i32
      %dma_wait3A_1040 = arith.constant 0 : i32
      %dma_wait3A_1041 = tpu.memref_slice %arg5[%dma_wait3A_1026, %dma_wait3A_1039, %dma_wait3A_1040] : memref<2x25x64xi32, #tpu.memory_space<vmem>> -> memref<1x25x64xi32, #tpu.memory_space<vmem>>
      %dma_wait3A_1042 = tpu.memref_squeeze %dma_wait3A_1041 : memref<1x25x64xi32, #tpu.memory_space<vmem>> -> memref<25x64xi32, #tpu.memory_space<vmem>>
      %dma_wait3A_1043 = arith.constant 0 : i32
      %dma_wait3A_1044 = tpu.memref_slice %dma_wait3A_1042[%dma_wait3A_1027, %dma_wait3A_1043] : memref<25x64xi32, #tpu.memory_space<vmem>> -> memref<1x64xi32, #tpu.memory_space<vmem>>
      %dma_wait3A_1045 = tpu.memref_squeeze %dma_wait3A_1044 : memref<1x64xi32, #tpu.memory_space<vmem>> -> memref<64xi32, #tpu.memory_space<vmem>>
      %dma_wait3A_1046 = arith.constant 0 : i32
      %dma_wait3A_1047 = arith.constant 0 : i32
      %dma_wait3A_1048 = tpu.memref_slice %arg3[%dma_wait3A_1046, %dma_wait3A_1047] : memref<1000000x32xf32, #tpu.memory_space<hbm>> -> memref<1000000x32xf32, #tpu.memory_space<hbm>>
      tpu.wait_indirect_dma semaphore(%arg9 : memref<!tpu.dma_semaphore, #tpu.memory_space<semaphore_mem>>) src(%dma_wait3A_1048 : memref<1000000x32xf32, #tpu.memory_space<hbm>>) dst(%dma_wait3A_1038 : memref<64x32xf32, #tpu.memory_space<vmem>>)
      %dma_wait3A_1049 = arith.constant 0 : i32
      %dma_wait3A_1050 = arith.constant 17 : i32
      %dma_wait3A_1051 = arith.constant 0 : i32
      %dma_wait3A_1052 = arith.constant 17 : i32
      %dma_wait3A_1053 = arith.constant 0 : i32
      %dma_wait3A_1054 = arith.constant 0 : i32
      %dma_wait3A_1055 = arith.constant 0 : i32
      %dma_wait3A_1056 = tpu.memref_slice %arg6[%dma_wait3A_1051, %dma_wait3A_1053, %dma_wait3A_1054, %dma_wait3A_1055] : memref<2x25x64x32xf32, #tpu.memory_space<vmem>> -> memref<1x25x64x32xf32, #tpu.memory_space<vmem>>
      %dma_wait3A_1057 = tpu.memref_squeeze %dma_wait3A_1056 : memref<1x25x64x32xf32, #tpu.memory_space<vmem>> -> memref<25x64x32xf32, #tpu.memory_space<vmem>>
      %dma_wait3A_1058 = arith.constant 0 : i32
      %dma_wait3A_1059 = arith.constant 0 : i32
      %dma_wait3A_1060 = tpu.memref_slice %dma_wait3A_1057[%dma_wait3A_1052, %dma_wait3A_1058, %dma_wait3A_1059] : memref<25x64x32xf32, #tpu.memory_space<vmem>> -> memref<1x64x32xf32, #tpu.memory_space<vmem>>
      %dma_wait3A_1061 = tpu.memref_squeeze %dma_wait3A_1060 : memref<1x64x32xf32, #tpu.memory_space<vmem>> -> memref<64x32xf32, #tpu.memory_space<vmem>>
      %dma_wait3A_1062 = arith.constant 0 : i32
      %dma_wait3A_1063 = arith.constant 0 : i32
      %dma_wait3A_1064 = tpu.memref_slice %arg5[%dma_wait3A_1049, %dma_wait3A_1062, %dma_wait3A_1063] : memref<2x25x64xi32, #tpu.memory_space<vmem>> -> memref<1x25x64xi32, #tpu.memory_space<vmem>>
      %dma_wait3A_1065 = tpu.memref_squeeze %dma_wait3A_1064 : memref<1x25x64xi32, #tpu.memory_space<vmem>> -> memref<25x64xi32, #tpu.memory_space<vmem>>
      %dma_wait3A_1066 = arith.constant 0 : i32
      %dma_wait3A_1067 = tpu.memref_slice %dma_wait3A_1065[%dma_wait3A_1050, %dma_wait3A_1066] : memref<25x64xi32, #tpu.memory_space<vmem>> -> memref<1x64xi32, #tpu.memory_space<vmem>>
      %dma_wait3A_1068 = tpu.memref_squeeze %dma_wait3A_1067 : memref<1x64xi32, #tpu.memory_space<vmem>> -> memref<64xi32, #tpu.memory_space<vmem>>
      %dma_wait3A_1069 = arith.constant 0 : i32
      %dma_wait3A_1070 = arith.constant 0 : i32
      %dma_wait3A_1071 = tpu.memref_slice %arg3[%dma_wait3A_1069, %dma_wait3A_1070] : memref<1000000x32xf32, #tpu.memory_space<hbm>> -> memref<1000000x32xf32, #tpu.memory_space<hbm>>
      tpu.wait_indirect_dma semaphore(%arg9 : memref<!tpu.dma_semaphore, #tpu.memory_space<semaphore_mem>>) src(%dma_wait3A_1071 : memref<1000000x32xf32, #tpu.memory_space<hbm>>) dst(%dma_wait3A_1061 : memref<64x32xf32, #tpu.memory_space<vmem>>)
      %dma_wait3A_1072 = arith.constant 0 : i32
      %dma_wait3A_1073 = arith.constant 18 : i32
      %dma_wait3A_1074 = arith.constant 0 : i32
      %dma_wait3A_1075 = arith.constant 18 : i32
      %dma_wait3A_1076 = arith.constant 0 : i32
      %dma_wait3A_1077 = arith.constant 0 : i32
      %dma_wait3A_1078 = arith.constant 0 : i32
      %dma_wait3A_1079 = tpu.memref_slice %arg6[%dma_wait3A_1074, %dma_wait3A_1076, %dma_wait3A_1077, %dma_wait3A_1078] : memref<2x25x64x32xf32, #tpu.memory_space<vmem>> -> memref<1x25x64x32xf32, #tpu.memory_space<vmem>>
      %dma_wait3A_1080 = tpu.memref_squeeze %dma_wait3A_1079 : memref<1x25x64x32xf32, #tpu.memory_space<vmem>> -> memref<25x64x32xf32, #tpu.memory_space<vmem>>
      %dma_wait3A_1081 = arith.constant 0 : i32
      %dma_wait3A_1082 = arith.constant 0 : i32
      %dma_wait3A_1083 = tpu.memref_slice %dma_wait3A_1080[%dma_wait3A_1075, %dma_wait3A_1081, %dma_wait3A_1082] : memref<25x64x32xf32, #tpu.memory_space<vmem>> -> memref<1x64x32xf32, #tpu.memory_space<vmem>>
      %dma_wait3A_1084 = tpu.memref_squeeze %dma_wait3A_1083 : memref<1x64x32xf32, #tpu.memory_space<vmem>> -> memref<64x32xf32, #tpu.memory_space<vmem>>
      %dma_wait3A_1085 = arith.constant 0 : i32
      %dma_wait3A_1086 = arith.constant 0 : i32
      %dma_wait3A_1087 = tpu.memref_slice %arg5[%dma_wait3A_1072, %dma_wait3A_1085, %dma_wait3A_1086] : memref<2x25x64xi32, #tpu.memory_space<vmem>> -> memref<1x25x64xi32, #tpu.memory_space<vmem>>
      %dma_wait3A_1088 = tpu.memref_squeeze %dma_wait3A_1087 : memref<1x25x64xi32, #tpu.memory_space<vmem>> -> memref<25x64xi32, #tpu.memory_space<vmem>>
      %dma_wait3A_1089 = arith.constant 0 : i32
      %dma_wait3A_1090 = tpu.memref_slice %dma_wait3A_1088[%dma_wait3A_1073, %dma_wait3A_1089] : memref<25x64xi32, #tpu.memory_space<vmem>> -> memref<1x64xi32, #tpu.memory_space<vmem>>
      %dma_wait3A_1091 = tpu.memref_squeeze %dma_wait3A_1090 : memref<1x64xi32, #tpu.memory_space<vmem>> -> memref<64xi32, #tpu.memory_space<vmem>>
      %dma_wait3A_1092 = arith.constant 0 : i32
      %dma_wait3A_1093 = arith.constant 0 : i32
      %dma_wait3A_1094 = tpu.memref_slice %arg3[%dma_wait3A_1092, %dma_wait3A_1093] : memref<1000000x32xf32, #tpu.memory_space<hbm>> -> memref<1000000x32xf32, #tpu.memory_space<hbm>>
      tpu.wait_indirect_dma semaphore(%arg9 : memref<!tpu.dma_semaphore, #tpu.memory_space<semaphore_mem>>) src(%dma_wait3A_1094 : memref<1000000x32xf32, #tpu.memory_space<hbm>>) dst(%dma_wait3A_1084 : memref<64x32xf32, #tpu.memory_space<vmem>>)
      %dma_wait3A_1095 = arith.constant 0 : i32
      %dma_wait3A_1096 = arith.constant 19 : i32
      %dma_wait3A_1097 = arith.constant 0 : i32
      %dma_wait3A_1098 = arith.constant 19 : i32
      %dma_wait3A_1099 = arith.constant 0 : i32
      %dma_wait3A_1100 = arith.constant 0 : i32
      %dma_wait3A_1101 = arith.constant 0 : i32
      %dma_wait3A_1102 = tpu.memref_slice %arg6[%dma_wait3A_1097, %dma_wait3A_1099, %dma_wait3A_1100, %dma_wait3A_1101] : memref<2x25x64x32xf32, #tpu.memory_space<vmem>> -> memref<1x25x64x32xf32, #tpu.memory_space<vmem>>
      %dma_wait3A_1103 = tpu.memref_squeeze %dma_wait3A_1102 : memref<1x25x64x32xf32, #tpu.memory_space<vmem>> -> memref<25x64x32xf32, #tpu.memory_space<vmem>>
      %dma_wait3A_1104 = arith.constant 0 : i32
      %dma_wait3A_1105 = arith.constant 0 : i32
      %dma_wait3A_1106 = tpu.memref_slice %dma_wait3A_1103[%dma_wait3A_1098, %dma_wait3A_1104, %dma_wait3A_1105] : memref<25x64x32xf32, #tpu.memory_space<vmem>> -> memref<1x64x32xf32, #tpu.memory_space<vmem>>
      %dma_wait3A_1107 = tpu.memref_squeeze %dma_wait3A_1106 : memref<1x64x32xf32, #tpu.memory_space<vmem>> -> memref<64x32xf32, #tpu.memory_space<vmem>>
      %dma_wait3A_1108 = arith.constant 0 : i32
      %dma_wait3A_1109 = arith.constant 0 : i32
      %dma_wait3A_1110 = tpu.memref_slice %arg5[%dma_wait3A_1095, %dma_wait3A_1108, %dma_wait3A_1109] : memref<2x25x64xi32, #tpu.memory_space<vmem>> -> memref<1x25x64xi32, #tpu.memory_space<vmem>>
      %dma_wait3A_1111 = tpu.memref_squeeze %dma_wait3A_1110 : memref<1x25x64xi32, #tpu.memory_space<vmem>> -> memref<25x64xi32, #tpu.memory_space<vmem>>
      %dma_wait3A_1112 = arith.constant 0 : i32
      %dma_wait3A_1113 = tpu.memref_slice %dma_wait3A_1111[%dma_wait3A_1096, %dma_wait3A_1112] : memref<25x64xi32, #tpu.memory_space<vmem>> -> memref<1x64xi32, #tpu.memory_space<vmem>>
      %dma_wait3A_1114 = tpu.memref_squeeze %dma_wait3A_1113 : memref<1x64xi32, #tpu.memory_space<vmem>> -> memref<64xi32, #tpu.memory_space<vmem>>
      %dma_wait3A_1115 = arith.constant 0 : i32
      %dma_wait3A_1116 = arith.constant 0 : i32
      %dma_wait3A_1117 = tpu.memref_slice %arg3[%dma_wait3A_1115, %dma_wait3A_1116] : memref<1000000x32xf32, #tpu.memory_space<hbm>> -> memref<1000000x32xf32, #tpu.memory_space<hbm>>
      tpu.wait_indirect_dma semaphore(%arg9 : memref<!tpu.dma_semaphore, #tpu.memory_space<semaphore_mem>>) src(%dma_wait3A_1117 : memref<1000000x32xf32, #tpu.memory_space<hbm>>) dst(%dma_wait3A_1107 : memref<64x32xf32, #tpu.memory_space<vmem>>)
      %dma_wait3A_1118 = arith.constant 0 : i32
      %dma_wait3A_1119 = arith.constant 20 : i32
      %dma_wait3A_1120 = arith.constant 0 : i32
      %dma_wait3A_1121 = arith.constant 20 : i32
      %dma_wait3A_1122 = arith.constant 0 : i32
      %dma_wait3A_1123 = arith.constant 0 : i32
      %dma_wait3A_1124 = arith.constant 0 : i32
      %dma_wait3A_1125 = tpu.memref_slice %arg6[%dma_wait3A_1120, %dma_wait3A_1122, %dma_wait3A_1123, %dma_wait3A_1124] : memref<2x25x64x32xf32, #tpu.memory_space<vmem>> -> memref<1x25x64x32xf32, #tpu.memory_space<vmem>>
      %dma_wait3A_1126 = tpu.memref_squeeze %dma_wait3A_1125 : memref<1x25x64x32xf32, #tpu.memory_space<vmem>> -> memref<25x64x32xf32, #tpu.memory_space<vmem>>
      %dma_wait3A_1127 = arith.constant 0 : i32
      %dma_wait3A_1128 = arith.constant 0 : i32
      %dma_wait3A_1129 = tpu.memref_slice %dma_wait3A_1126[%dma_wait3A_1121, %dma_wait3A_1127, %dma_wait3A_1128] : memref<25x64x32xf32, #tpu.memory_space<vmem>> -> memref<1x64x32xf32, #tpu.memory_space<vmem>>
      %dma_wait3A_1130 = tpu.memref_squeeze %dma_wait3A_1129 : memref<1x64x32xf32, #tpu.memory_space<vmem>> -> memref<64x32xf32, #tpu.memory_space<vmem>>
      %dma_wait3A_1131 = arith.constant 0 : i32
      %dma_wait3A_1132 = arith.constant 0 : i32
      %dma_wait3A_1133 = tpu.memref_slice %arg5[%dma_wait3A_1118, %dma_wait3A_1131, %dma_wait3A_1132] : memref<2x25x64xi32, #tpu.memory_space<vmem>> -> memref<1x25x64xi32, #tpu.memory_space<vmem>>
      %dma_wait3A_1134 = tpu.memref_squeeze %dma_wait3A_1133 : memref<1x25x64xi32, #tpu.memory_space<vmem>> -> memref<25x64xi32, #tpu.memory_space<vmem>>
      %dma_wait3A_1135 = arith.constant 0 : i32
      %dma_wait3A_1136 = tpu.memref_slice %dma_wait3A_1134[%dma_wait3A_1119, %dma_wait3A_1135] : memref<25x64xi32, #tpu.memory_space<vmem>> -> memref<1x64xi32, #tpu.memory_space<vmem>>
      %dma_wait3A_1137 = tpu.memref_squeeze %dma_wait3A_1136 : memref<1x64xi32, #tpu.memory_space<vmem>> -> memref<64xi32, #tpu.memory_space<vmem>>
      %dma_wait3A_1138 = arith.constant 0 : i32
      %dma_wait3A_1139 = arith.constant 0 : i32
      %dma_wait3A_1140 = tpu.memref_slice %arg3[%dma_wait3A_1138, %dma_wait3A_1139] : memref<1000000x32xf32, #tpu.memory_space<hbm>> -> memref<1000000x32xf32, #tpu.memory_space<hbm>>
      tpu.wait_indirect_dma semaphore(%arg9 : memref<!tpu.dma_semaphore, #tpu.memory_space<semaphore_mem>>) src(%dma_wait3A_1140 : memref<1000000x32xf32, #tpu.memory_space<hbm>>) dst(%dma_wait3A_1130 : memref<64x32xf32, #tpu.memory_space<vmem>>)
      %dma_wait3A_1141 = arith.constant 0 : i32
      %dma_wait3A_1142 = arith.constant 21 : i32
      %dma_wait3A_1143 = arith.constant 0 : i32
      %dma_wait3A_1144 = arith.constant 21 : i32
      %dma_wait3A_1145 = arith.constant 0 : i32
      %dma_wait3A_1146 = arith.constant 0 : i32
      %dma_wait3A_1147 = arith.constant 0 : i32
      %dma_wait3A_1148 = tpu.memref_slice %arg6[%dma_wait3A_1143, %dma_wait3A_1145, %dma_wait3A_1146, %dma_wait3A_1147] : memref<2x25x64x32xf32, #tpu.memory_space<vmem>> -> memref<1x25x64x32xf32, #tpu.memory_space<vmem>>
      %dma_wait3A_1149 = tpu.memref_squeeze %dma_wait3A_1148 : memref<1x25x64x32xf32, #tpu.memory_space<vmem>> -> memref<25x64x32xf32, #tpu.memory_space<vmem>>
      %dma_wait3A_1150 = arith.constant 0 : i32
      %dma_wait3A_1151 = arith.constant 0 : i32
      %dma_wait3A_1152 = tpu.memref_slice %dma_wait3A_1149[%dma_wait3A_1144, %dma_wait3A_1150, %dma_wait3A_1151] : memref<25x64x32xf32, #tpu.memory_space<vmem>> -> memref<1x64x32xf32, #tpu.memory_space<vmem>>
      %dma_wait3A_1153 = tpu.memref_squeeze %dma_wait3A_1152 : memref<1x64x32xf32, #tpu.memory_space<vmem>> -> memref<64x32xf32, #tpu.memory_space<vmem>>
      %dma_wait3A_1154 = arith.constant 0 : i32
      %dma_wait3A_1155 = arith.constant 0 : i32
      %dma_wait3A_1156 = tpu.memref_slice %arg5[%dma_wait3A_1141, %dma_wait3A_1154, %dma_wait3A_1155] : memref<2x25x64xi32, #tpu.memory_space<vmem>> -> memref<1x25x64xi32, #tpu.memory_space<vmem>>
      %dma_wait3A_1157 = tpu.memref_squeeze %dma_wait3A_1156 : memref<1x25x64xi32, #tpu.memory_space<vmem>> -> memref<25x64xi32, #tpu.memory_space<vmem>>
      %dma_wait3A_1158 = arith.constant 0 : i32
      %dma_wait3A_1159 = tpu.memref_slice %dma_wait3A_1157[%dma_wait3A_1142, %dma_wait3A_1158] : memref<25x64xi32, #tpu.memory_space<vmem>> -> memref<1x64xi32, #tpu.memory_space<vmem>>
      %dma_wait3A_1160 = tpu.memref_squeeze %dma_wait3A_1159 : memref<1x64xi32, #tpu.memory_space<vmem>> -> memref<64xi32, #tpu.memory_space<vmem>>
      %dma_wait3A_1161 = arith.constant 0 : i32
      %dma_wait3A_1162 = arith.constant 0 : i32
      %dma_wait3A_1163 = tpu.memref_slice %arg3[%dma_wait3A_1161, %dma_wait3A_1162] : memref<1000000x32xf32, #tpu.memory_space<hbm>> -> memref<1000000x32xf32, #tpu.memory_space<hbm>>
      tpu.wait_indirect_dma semaphore(%arg9 : memref<!tpu.dma_semaphore, #tpu.memory_space<semaphore_mem>>) src(%dma_wait3A_1163 : memref<1000000x32xf32, #tpu.memory_space<hbm>>) dst(%dma_wait3A_1153 : memref<64x32xf32, #tpu.memory_space<vmem>>)
      %dma_wait3A_1164 = arith.constant 0 : i32
      %dma_wait3A_1165 = arith.constant 22 : i32
      %dma_wait3A_1166 = arith.constant 0 : i32
      %dma_wait3A_1167 = arith.constant 22 : i32
      %dma_wait3A_1168 = arith.constant 0 : i32
      %dma_wait3A_1169 = arith.constant 0 : i32
      %dma_wait3A_1170 = arith.constant 0 : i32
      %dma_wait3A_1171 = tpu.memref_slice %arg6[%dma_wait3A_1166, %dma_wait3A_1168, %dma_wait3A_1169, %dma_wait3A_1170] : memref<2x25x64x32xf32, #tpu.memory_space<vmem>> -> memref<1x25x64x32xf32, #tpu.memory_space<vmem>>
      %dma_wait3A_1172 = tpu.memref_squeeze %dma_wait3A_1171 : memref<1x25x64x32xf32, #tpu.memory_space<vmem>> -> memref<25x64x32xf32, #tpu.memory_space<vmem>>
      %dma_wait3A_1173 = arith.constant 0 : i32
      %dma_wait3A_1174 = arith.constant 0 : i32
      %dma_wait3A_1175 = tpu.memref_slice %dma_wait3A_1172[%dma_wait3A_1167, %dma_wait3A_1173, %dma_wait3A_1174] : memref<25x64x32xf32, #tpu.memory_space<vmem>> -> memref<1x64x32xf32, #tpu.memory_space<vmem>>
      %dma_wait3A_1176 = tpu.memref_squeeze %dma_wait3A_1175 : memref<1x64x32xf32, #tpu.memory_space<vmem>> -> memref<64x32xf32, #tpu.memory_space<vmem>>
      %dma_wait3A_1177 = arith.constant 0 : i32
      %dma_wait3A_1178 = arith.constant 0 : i32
      %dma_wait3A_1179 = tpu.memref_slice %arg5[%dma_wait3A_1164, %dma_wait3A_1177, %dma_wait3A_1178] : memref<2x25x64xi32, #tpu.memory_space<vmem>> -> memref<1x25x64xi32, #tpu.memory_space<vmem>>
      %dma_wait3A_1180 = tpu.memref_squeeze %dma_wait3A_1179 : memref<1x25x64xi32, #tpu.memory_space<vmem>> -> memref<25x64xi32, #tpu.memory_space<vmem>>
      %dma_wait3A_1181 = arith.constant 0 : i32
      %dma_wait3A_1182 = tpu.memref_slice %dma_wait3A_1180[%dma_wait3A_1165, %dma_wait3A_1181] : memref<25x64xi32, #tpu.memory_space<vmem>> -> memref<1x64xi32, #tpu.memory_space<vmem>>
      %dma_wait3A_1183 = tpu.memref_squeeze %dma_wait3A_1182 : memref<1x64xi32, #tpu.memory_space<vmem>> -> memref<64xi32, #tpu.memory_space<vmem>>
      %dma_wait3A_1184 = arith.constant 0 : i32
      %dma_wait3A_1185 = arith.constant 0 : i32
      %dma_wait3A_1186 = tpu.memref_slice %arg3[%dma_wait3A_1184, %dma_wait3A_1185] : memref<1000000x32xf32, #tpu.memory_space<hbm>> -> memref<1000000x32xf32, #tpu.memory_space<hbm>>
      tpu.wait_indirect_dma semaphore(%arg9 : memref<!tpu.dma_semaphore, #tpu.memory_space<semaphore_mem>>) src(%dma_wait3A_1186 : memref<1000000x32xf32, #tpu.memory_space<hbm>>) dst(%dma_wait3A_1176 : memref<64x32xf32, #tpu.memory_space<vmem>>)
      %dma_wait3A_1187 = arith.constant 0 : i32
      %dma_wait3A_1188 = arith.constant 23 : i32
      %dma_wait3A_1189 = arith.constant 0 : i32
      %dma_wait3A_1190 = arith.constant 23 : i32
      %dma_wait3A_1191 = arith.constant 0 : i32
      %dma_wait3A_1192 = arith.constant 0 : i32
      %dma_wait3A_1193 = arith.constant 0 : i32
      %dma_wait3A_1194 = tpu.memref_slice %arg6[%dma_wait3A_1189, %dma_wait3A_1191, %dma_wait3A_1192, %dma_wait3A_1193] : memref<2x25x64x32xf32, #tpu.memory_space<vmem>> -> memref<1x25x64x32xf32, #tpu.memory_space<vmem>>
      %dma_wait3A_1195 = tpu.memref_squeeze %dma_wait3A_1194 : memref<1x25x64x32xf32, #tpu.memory_space<vmem>> -> memref<25x64x32xf32, #tpu.memory_space<vmem>>
      %dma_wait3A_1196 = arith.constant 0 : i32
      %dma_wait3A_1197 = arith.constant 0 : i32
      %dma_wait3A_1198 = tpu.memref_slice %dma_wait3A_1195[%dma_wait3A_1190, %dma_wait3A_1196, %dma_wait3A_1197] : memref<25x64x32xf32, #tpu.memory_space<vmem>> -> memref<1x64x32xf32, #tpu.memory_space<vmem>>
      %dma_wait3A_1199 = tpu.memref_squeeze %dma_wait3A_1198 : memref<1x64x32xf32, #tpu.memory_space<vmem>> -> memref<64x32xf32, #tpu.memory_space<vmem>>
      %dma_wait3A_1200 = arith.constant 0 : i32
      %dma_wait3A_1201 = arith.constant 0 : i32
      %dma_wait3A_1202 = tpu.memref_slice %arg5[%dma_wait3A_1187, %dma_wait3A_1200, %dma_wait3A_1201] : memref<2x25x64xi32, #tpu.memory_space<vmem>> -> memref<1x25x64xi32, #tpu.memory_space<vmem>>
      %dma_wait3A_1203 = tpu.memref_squeeze %dma_wait3A_1202 : memref<1x25x64xi32, #tpu.memory_space<vmem>> -> memref<25x64xi32, #tpu.memory_space<vmem>>
      %dma_wait3A_1204 = arith.constant 0 : i32
      %dma_wait3A_1205 = tpu.memref_slice %dma_wait3A_1203[%dma_wait3A_1188, %dma_wait3A_1204] : memref<25x64xi32, #tpu.memory_space<vmem>> -> memref<1x64xi32, #tpu.memory_space<vmem>>
      %dma_wait3A_1206 = tpu.memref_squeeze %dma_wait3A_1205 : memref<1x64xi32, #tpu.memory_space<vmem>> -> memref<64xi32, #tpu.memory_space<vmem>>
      %dma_wait3A_1207 = arith.constant 0 : i32
      %dma_wait3A_1208 = arith.constant 0 : i32
      %dma_wait3A_1209 = tpu.memref_slice %arg3[%dma_wait3A_1207, %dma_wait3A_1208] : memref<1000000x32xf32, #tpu.memory_space<hbm>> -> memref<1000000x32xf32, #tpu.memory_space<hbm>>
      tpu.wait_indirect_dma semaphore(%arg9 : memref<!tpu.dma_semaphore, #tpu.memory_space<semaphore_mem>>) src(%dma_wait3A_1209 : memref<1000000x32xf32, #tpu.memory_space<hbm>>) dst(%dma_wait3A_1199 : memref<64x32xf32, #tpu.memory_space<vmem>>)
      %dma_wait3A_1210 = arith.constant 0 : i32
      %dma_wait3A_1211 = arith.constant 24 : i32
      %dma_wait3A_1212 = arith.constant 0 : i32
      %dma_wait3A_1213 = arith.constant 24 : i32
      %dma_wait3A_1214 = arith.constant 0 : i32
      %dma_wait3A_1215 = arith.constant 0 : i32
      %dma_wait3A_1216 = arith.constant 0 : i32
      %dma_wait3A_1217 = tpu.memref_slice %arg6[%dma_wait3A_1212, %dma_wait3A_1214, %dma_wait3A_1215, %dma_wait3A_1216] : memref<2x25x64x32xf32, #tpu.memory_space<vmem>> -> memref<1x25x64x32xf32, #tpu.memory_space<vmem>>
      %dma_wait3A_1218 = tpu.memref_squeeze %dma_wait3A_1217 : memref<1x25x64x32xf32, #tpu.memory_space<vmem>> -> memref<25x64x32xf32, #tpu.memory_space<vmem>>
      %dma_wait3A_1219 = arith.constant 0 : i32
      %dma_wait3A_1220 = arith.constant 0 : i32
      %dma_wait3A_1221 = tpu.memref_slice %dma_wait3A_1218[%dma_wait3A_1213, %dma_wait3A_1219, %dma_wait3A_1220] : memref<25x64x32xf32, #tpu.memory_space<vmem>> -> memref<1x64x32xf32, #tpu.memory_space<vmem>>
      %dma_wait3A_1222 = tpu.memref_squeeze %dma_wait3A_1221 : memref<1x64x32xf32, #tpu.memory_space<vmem>> -> memref<64x32xf32, #tpu.memory_space<vmem>>
      %dma_wait3A_1223 = arith.constant 0 : i32
      %dma_wait3A_1224 = arith.constant 0 : i32
      %dma_wait3A_1225 = tpu.memref_slice %arg5[%dma_wait3A_1210, %dma_wait3A_1223, %dma_wait3A_1224] : memref<2x25x64xi32, #tpu.memory_space<vmem>> -> memref<1x25x64xi32, #tpu.memory_space<vmem>>
      %dma_wait3A_1226 = tpu.memref_squeeze %dma_wait3A_1225 : memref<1x25x64xi32, #tpu.memory_space<vmem>> -> memref<25x64xi32, #tpu.memory_space<vmem>>
      %dma_wait3A_1227 = arith.constant 0 : i32
      %dma_wait3A_1228 = tpu.memref_slice %dma_wait3A_1226[%dma_wait3A_1211, %dma_wait3A_1227] : memref<25x64xi32, #tpu.memory_space<vmem>> -> memref<1x64xi32, #tpu.memory_space<vmem>>
      %dma_wait3A_1229 = tpu.memref_squeeze %dma_wait3A_1228 : memref<1x64xi32, #tpu.memory_space<vmem>> -> memref<64xi32, #tpu.memory_space<vmem>>
      %dma_wait3A_1230 = arith.constant 0 : i32
      %dma_wait3A_1231 = arith.constant 0 : i32
      %dma_wait3A_1232 = tpu.memref_slice %arg3[%dma_wait3A_1230, %dma_wait3A_1231] : memref<1000000x32xf32, #tpu.memory_space<hbm>> -> memref<1000000x32xf32, #tpu.memory_space<hbm>>
      tpu.wait_indirect_dma semaphore(%arg9 : memref<!tpu.dma_semaphore, #tpu.memory_space<semaphore_mem>>) src(%dma_wait3A_1232 : memref<1000000x32xf32, #tpu.memory_space<hbm>>) dst(%dma_wait3A_1222 : memref<64x32xf32, #tpu.memory_space<vmem>>)
      %mul3A_1233 = arith.constant 25 : i32
      %mul3A_1234 = arith.muli %add3A_649, %mul3A_1233 : i32
      %add3A_1235 = arith.addi %mul3A_2, %mul3A_1234 : i32
      %dma_start3A_1236 = arith.constant 0 : i32
      %dma_start3A_1237 = arith.constant 0 : i32
      %dma_start3A_1238 = arith.constant 0 : i32
      %dma_start3A_1239 = arith.constant 0 : i32
      %dma_start3A_1240 = tpu.memref_slice %arg6[%dma_start3A_1236, %dma_start3A_1237, %dma_start3A_1238, %dma_start3A_1239] : memref<2x25x64x32xf32, #tpu.memory_space<vmem>> -> memref<1x25x64x32xf32, #tpu.memory_space<vmem>>
      %dma_start3A_1241 = tpu.memref_squeeze %dma_start3A_1240 : memref<1x25x64x32xf32, #tpu.memory_space<vmem>> -> memref<25x64x32xf32, #tpu.memory_space<vmem>>
      %dma_start3A_1242 = arith.constant 0 : i32
      %dma_start3A_1243 = arith.constant 0 : i32
      %dma_start3A_1244 = tpu.memref_slice %arg4[%add3A_1235, %dma_start3A_1242, %dma_start3A_1243] : memref<12800x64x32xf32, #tpu.memory_space<hbm>> -> memref<25x64x32xf32, #tpu.memory_space<hbm>>
      %dma_start3A_1245 = arith.constant 0 : i32
      %dma_start3A_1246 = arith.constant 0 : i32
      %dma_start3A_1247 = tpu.memref_slice %arg4[%add3A_1235, %dma_start3A_1245, %dma_start3A_1246] : memref<12800x64x32xf32, #tpu.memory_space<hbm>> -> memref<25x64x32xf32, #tpu.memory_space<hbm>>
      %dma_start3A_1248 = arith.constant 0 : i32
      %dma_start3A_1249 = arith.constant 0 : i32
      %dma_start3A_1250 = arith.constant 0 : i32
      %dma_start3A_1251 = tpu.memref_slice %arg6[%dma_start3A_1236, %dma_start3A_1248, %dma_start3A_1249, %dma_start3A_1250] : memref<2x25x64x32xf32, #tpu.memory_space<vmem>> -> memref<1x25x64x32xf32, #tpu.memory_space<vmem>>
      %dma_start3A_1252 = tpu.memref_squeeze %dma_start3A_1251 : memref<1x25x64x32xf32, #tpu.memory_space<vmem>> -> memref<25x64x32xf32, #tpu.memory_space<vmem>>
      tpu.enqueue_dma source(%dma_start3A_1252 : memref<25x64x32xf32, #tpu.memory_space<vmem>>) target(%dma_start3A_1247 : memref<25x64x32xf32, #tpu.memory_space<hbm>>) target_semaphore(%arg11 : memref<!tpu.dma_semaphore, #tpu.memory_space<semaphore_mem>>)
      %add3A_1253 = arith.constant 2 : i32
      %add3A_1254 = arith.addi %add3A_649, %add3A_1253 : i32
      %le3A_1255 = arith.constant 15 : i32
      %le3A_1256 = arith.cmpi sle, %add3A_1254, %le3A_1255 : i32
      %convert_element_type3A_1257 = arith.extui %le3A_1256 : i1 to i32
      %cond3A_1258 = arith.constant 0 : i32
      %cond3A_1259 = arith.cmpi ne, %convert_element_type3A_1257, %cond3A_1258 : i32
      scf.if %cond3A_1259 {
        %add3A_1878 = arith.constant 2 : i32
        %add3A_1879 = arith.addi %add3A_649, %add3A_1878 : i32
        %mul3A_1880 = arith.constant 25 : i32
        %mul3A_1881 = arith.muli %add3A_1879, %mul3A_1880 : i32
        %add3A_1882 = arith.addi %mul3A_2, %mul3A_1881 : i32
        %dma_start3A_1883 = arith.constant 0 : i32
        %dma_start3A_1884 = arith.constant 0 : i32
        %dma_start3A_1885 = arith.constant 0 : i32
        %dma_start3A_1886 = tpu.memref_slice %arg5[%dma_start3A_1883, %dma_start3A_1884, %dma_start3A_1885] : memref<2x25x64xi32, #tpu.memory_space<vmem>> -> memref<1x25x64xi32, #tpu.memory_space<vmem>>
        %dma_start3A_1887 = tpu.memref_squeeze %dma_start3A_1886 : memref<1x25x64xi32, #tpu.memory_space<vmem>> -> memref<25x64xi32, #tpu.memory_space<vmem>>
        %dma_start3A_1888 = arith.constant 0 : i32
        %dma_start3A_1889 = tpu.memref_slice %arg2[%add3A_1882, %dma_start3A_1888] : memref<12800x64xi32, #tpu.memory_space<hbm>> -> memref<25x64xi32, #tpu.memory_space<hbm>>
        %dma_start3A_1890 = arith.constant 0 : i32
        %dma_start3A_1891 = arith.constant 0 : i32
        %dma_start3A_1892 = tpu.memref_slice %arg5[%dma_start3A_1883, %dma_start3A_1890, %dma_start3A_1891] : memref<2x25x64xi32, #tpu.memory_space<vmem>> -> memref<1x25x64xi32, #tpu.memory_space<vmem>>
        %dma_start3A_1893 = tpu.memref_squeeze %dma_start3A_1892 : memref<1x25x64xi32, #tpu.memory_space<vmem>> -> memref<25x64xi32, #tpu.memory_space<vmem>>
        %dma_start3A_1894 = arith.constant 0 : i32
        %dma_start3A_1895 = tpu.memref_slice %arg2[%add3A_1882, %dma_start3A_1894] : memref<12800x64xi32, #tpu.memory_space<hbm>> -> memref<25x64xi32, #tpu.memory_space<hbm>>
        tpu.enqueue_dma source(%dma_start3A_1895 : memref<25x64xi32, #tpu.memory_space<hbm>>) target(%dma_start3A_1893 : memref<25x64xi32, #tpu.memory_space<vmem>>) target_semaphore(%arg7 : memref<!tpu.dma_semaphore, #tpu.memory_space<semaphore_mem>>)
      } else {
      }
      %mul3A_1260 = arith.constant 2 : i32
      %mul3A_1261 = arith.muli %mul3A_1260, %scan3A_645 : i32
      %add3A_1262 = arith.constant 1 : i32
      %add3A_1263 = arith.addi %mul3A_1261, %add3A_1262 : i32
      %ge3A_1264 = arith.constant 1 : i32
      %ge3A_1265 = arith.cmpi sge, %add3A_1263, %ge3A_1264 : i32
      %convert_element_type3A_1266 = arith.extui %ge3A_1265 : i1 to i32
      %cond3A_1267 = arith.constant 0 : i32
      %cond3A_1268 = arith.cmpi ne, %convert_element_type3A_1266, %cond3A_1267 : i32
      scf.if %cond3A_1268 {
        %sub3A = arith.constant 1 : i32
        %sub3A_1878 = arith.subi %add3A_1263, %sub3A : i32
        %mul3A_1879 = arith.constant 25 : i32
        %mul3A_1880 = arith.muli %sub3A_1878, %mul3A_1879 : i32
        %add3A_1881 = arith.addi %mul3A_2, %mul3A_1880 : i32
        %dma_wait3A_1882 = arith.constant 0 : i32
        %dma_wait3A_1883 = arith.constant 0 : i32
        %dma_wait3A_1884 = arith.constant 0 : i32
        %dma_wait3A_1885 = arith.constant 0 : i32
        %dma_wait3A_1886 = tpu.memref_slice %arg6[%dma_wait3A_1882, %dma_wait3A_1883, %dma_wait3A_1884, %dma_wait3A_1885] : memref<2x25x64x32xf32, #tpu.memory_space<vmem>> -> memref<1x25x64x32xf32, #tpu.memory_space<vmem>>
        %dma_wait3A_1887 = tpu.memref_squeeze %dma_wait3A_1886 : memref<1x25x64x32xf32, #tpu.memory_space<vmem>> -> memref<25x64x32xf32, #tpu.memory_space<vmem>>
        %dma_wait3A_1888 = arith.constant 0 : i32
        %dma_wait3A_1889 = arith.constant 0 : i32
        %dma_wait3A_1890 = tpu.memref_slice %arg4[%add3A_1881, %dma_wait3A_1888, %dma_wait3A_1889] : memref<12800x64x32xf32, #tpu.memory_space<hbm>> -> memref<25x64x32xf32, #tpu.memory_space<hbm>>
        %dma_wait3A_1891 = arith.constant 0 : i32
        %dma_wait3A_1892 = arith.constant 0 : i32
        %dma_wait3A_1893 = tpu.memref_slice %arg4[%add3A_1881, %dma_wait3A_1891, %dma_wait3A_1892] : memref<12800x64x32xf32, #tpu.memory_space<hbm>> -> memref<25x64x32xf32, #tpu.memory_space<hbm>>
        %dma_wait3A_1894 = arith.constant 0 : i32
        %dma_wait3A_1895 = arith.constant 0 : i32
        %dma_wait3A_1896 = arith.constant 0 : i32
        %dma_wait3A_1897 = tpu.memref_slice %arg6[%dma_wait3A_1882, %dma_wait3A_1894, %dma_wait3A_1895, %dma_wait3A_1896] : memref<2x25x64x32xf32, #tpu.memory_space<vmem>> -> memref<1x25x64x32xf32, #tpu.memory_space<vmem>>
        %dma_wait3A_1898 = tpu.memref_squeeze %dma_wait3A_1897 : memref<1x25x64x32xf32, #tpu.memory_space<vmem>> -> memref<25x64x32xf32, #tpu.memory_space<vmem>>
        tpu.wait_dma2 semaphore(%arg11 : memref<!tpu.dma_semaphore, #tpu.memory_space<semaphore_mem>>) src(%dma_wait3A_1898 : memref<25x64x32xf32, #tpu.memory_space<vmem>>) dst(%dma_wait3A_1893 : memref<25x64x32xf32, #tpu.memory_space<hbm>>)
      } else {
      }
      %add3A_1269 = arith.constant 1 : i32
      %add3A_1270 = arith.addi %add3A_1263, %add3A_1269 : i32
      %le3A_1271 = arith.constant 15 : i32
      %le3A_1272 = arith.cmpi sle, %add3A_1270, %le3A_1271 : i32
      %convert_element_type3A_1273 = arith.extui %le3A_1272 : i1 to i32
      %cond3A_1274 = arith.constant 0 : i32
      %cond3A_1275 = arith.cmpi ne, %convert_element_type3A_1273, %cond3A_1274 : i32
      scf.if %cond3A_1275 {
        %add3A_1878 = arith.constant 1 : i32
        %add3A_1879 = arith.addi %add3A_1263, %add3A_1878 : i32
        %mul3A_1880 = arith.constant 25 : i32
        %mul3A_1881 = arith.muli %add3A_1879, %mul3A_1880 : i32
        %add3A_1882 = arith.addi %mul3A_2, %mul3A_1881 : i32
        %dma_wait3A_1883 = arith.constant 0 : i32
        %dma_wait3A_1884 = arith.constant 0 : i32
        %dma_wait3A_1885 = arith.constant 0 : i32
        %dma_wait3A_1886 = tpu.memref_slice %arg5[%dma_wait3A_1883, %dma_wait3A_1884, %dma_wait3A_1885] : memref<2x25x64xi32, #tpu.memory_space<vmem>> -> memref<1x25x64xi32, #tpu.memory_space<vmem>>
        %dma_wait3A_1887 = tpu.memref_squeeze %dma_wait3A_1886 : memref<1x25x64xi32, #tpu.memory_space<vmem>> -> memref<25x64xi32, #tpu.memory_space<vmem>>
        %dma_wait3A_1888 = arith.constant 0 : i32
        %dma_wait3A_1889 = tpu.memref_slice %arg2[%add3A_1882, %dma_wait3A_1888] : memref<12800x64xi32, #tpu.memory_space<hbm>> -> memref<25x64xi32, #tpu.memory_space<hbm>>
        %dma_wait3A_1890 = arith.constant 0 : i32
        %dma_wait3A_1891 = arith.constant 0 : i32
        %dma_wait3A_1892 = tpu.memref_slice %arg5[%dma_wait3A_1883, %dma_wait3A_1890, %dma_wait3A_1891] : memref<2x25x64xi32, #tpu.memory_space<vmem>> -> memref<1x25x64xi32, #tpu.memory_space<vmem>>
        %dma_wait3A_1893 = tpu.memref_squeeze %dma_wait3A_1892 : memref<1x25x64xi32, #tpu.memory_space<vmem>> -> memref<25x64xi32, #tpu.memory_space<vmem>>
        %dma_wait3A_1894 = arith.constant 0 : i32
        %dma_wait3A_1895 = tpu.memref_slice %arg2[%add3A_1882, %dma_wait3A_1894] : memref<12800x64xi32, #tpu.memory_space<hbm>> -> memref<25x64xi32, #tpu.memory_space<hbm>>
        tpu.wait_dma2 semaphore(%arg7 : memref<!tpu.dma_semaphore, #tpu.memory_space<semaphore_mem>>) src(%dma_wait3A_1895 : memref<25x64xi32, #tpu.memory_space<hbm>>) dst(%dma_wait3A_1893 : memref<25x64xi32, #tpu.memory_space<vmem>>)
        %dma_start3A_1896 = arith.constant 0 : i32
        %dma_start3A_1897 = arith.constant 0 : i32
        %dma_start3A_1898 = arith.constant 0 : i32
        %dma_start3A_1899 = arith.constant 0 : i32
        %dma_start3A_1900 = arith.constant 0 : i32
        %dma_start3A_1901 = arith.constant 0 : i32
        %dma_start3A_1902 = arith.constant 0 : i32
        %dma_start3A_1903 = tpu.memref_slice %arg6[%dma_start3A_1898, %dma_start3A_1900, %dma_start3A_1901, %dma_start3A_1902] : memref<2x25x64x32xf32, #tpu.memory_space<vmem>> -> memref<1x25x64x32xf32, #tpu.memory_space<vmem>>
        %dma_start3A_1904 = tpu.memref_squeeze %dma_start3A_1903 : memref<1x25x64x32xf32, #tpu.memory_space<vmem>> -> memref<25x64x32xf32, #tpu.memory_space<vmem>>
        %dma_start3A_1905 = arith.constant 0 : i32
        %dma_start3A_1906 = arith.constant 0 : i32
        %dma_start3A_1907 = tpu.memref_slice %dma_start3A_1904[%dma_start3A_1899, %dma_start3A_1905, %dma_start3A_1906] : memref<25x64x32xf32, #tpu.memory_space<vmem>> -> memref<1x64x32xf32, #tpu.memory_space<vmem>>
        %dma_start3A_1908 = tpu.memref_squeeze %dma_start3A_1907 : memref<1x64x32xf32, #tpu.memory_space<vmem>> -> memref<64x32xf32, #tpu.memory_space<vmem>>
        %dma_start3A_1909 = arith.constant 0 : i32
        %dma_start3A_1910 = arith.constant 0 : i32
        %dma_start3A_1911 = tpu.memref_slice %arg5[%dma_start3A_1896, %dma_start3A_1909, %dma_start3A_1910] : memref<2x25x64xi32, #tpu.memory_space<vmem>> -> memref<1x25x64xi32, #tpu.memory_space<vmem>>
        %dma_start3A_1912 = tpu.memref_squeeze %dma_start3A_1911 : memref<1x25x64xi32, #tpu.memory_space<vmem>> -> memref<25x64xi32, #tpu.memory_space<vmem>>
        %dma_start3A_1913 = arith.constant 0 : i32
        %dma_start3A_1914 = tpu.memref_slice %dma_start3A_1912[%dma_start3A_1897, %dma_start3A_1913] : memref<25x64xi32, #tpu.memory_space<vmem>> -> memref<1x64xi32, #tpu.memory_space<vmem>>
        %dma_start3A_1915 = tpu.memref_squeeze %dma_start3A_1914 : memref<1x64xi32, #tpu.memory_space<vmem>> -> memref<64xi32, #tpu.memory_space<vmem>>
        %dma_start3A_1916 = arith.constant 0 : i32
        %dma_start3A_1917 = arith.constant 0 : i32
        %dma_start3A_1918 = tpu.memref_slice %arg3[%dma_start3A_1916, %dma_start3A_1917] : memref<1000000x32xf32, #tpu.memory_space<hbm>> -> memref<1000000x32xf32, #tpu.memory_space<hbm>>
        tpu.enqueue_indirect_dma source(%dma_start3A_1918 : memref<1000000x32xf32, #tpu.memory_space<hbm>>) target(%dma_start3A_1908 : memref<64x32xf32, #tpu.memory_space<vmem>>) offsets(%dma_start3A_1915 : memref<64xi32, #tpu.memory_space<vmem>>) semaphore(%arg9 : memref<!tpu.dma_semaphore, #tpu.memory_space<semaphore_mem>>)
        %dma_start3A_1919 = arith.constant 0 : i32
        %dma_start3A_1920 = arith.constant 1 : i32
        %dma_start3A_1921 = arith.constant 0 : i32
        %dma_start3A_1922 = arith.constant 1 : i32
        %dma_start3A_1923 = arith.constant 0 : i32
        %dma_start3A_1924 = arith.constant 0 : i32
        %dma_start3A_1925 = arith.constant 0 : i32
        %dma_start3A_1926 = tpu.memref_slice %arg6[%dma_start3A_1921, %dma_start3A_1923, %dma_start3A_1924, %dma_start3A_1925] : memref<2x25x64x32xf32, #tpu.memory_space<vmem>> -> memref<1x25x64x32xf32, #tpu.memory_space<vmem>>
        %dma_start3A_1927 = tpu.memref_squeeze %dma_start3A_1926 : memref<1x25x64x32xf32, #tpu.memory_space<vmem>> -> memref<25x64x32xf32, #tpu.memory_space<vmem>>
        %dma_start3A_1928 = arith.constant 0 : i32
        %dma_start3A_1929 = arith.constant 0 : i32
        %dma_start3A_1930 = tpu.memref_slice %dma_start3A_1927[%dma_start3A_1922, %dma_start3A_1928, %dma_start3A_1929] : memref<25x64x32xf32, #tpu.memory_space<vmem>> -> memref<1x64x32xf32, #tpu.memory_space<vmem>>
        %dma_start3A_1931 = tpu.memref_squeeze %dma_start3A_1930 : memref<1x64x32xf32, #tpu.memory_space<vmem>> -> memref<64x32xf32, #tpu.memory_space<vmem>>
        %dma_start3A_1932 = arith.constant 0 : i32
        %dma_start3A_1933 = arith.constant 0 : i32
        %dma_start3A_1934 = tpu.memref_slice %arg5[%dma_start3A_1919, %dma_start3A_1932, %dma_start3A_1933] : memref<2x25x64xi32, #tpu.memory_space<vmem>> -> memref<1x25x64xi32, #tpu.memory_space<vmem>>
        %dma_start3A_1935 = tpu.memref_squeeze %dma_start3A_1934 : memref<1x25x64xi32, #tpu.memory_space<vmem>> -> memref<25x64xi32, #tpu.memory_space<vmem>>
        %dma_start3A_1936 = arith.constant 0 : i32
        %dma_start3A_1937 = tpu.memref_slice %dma_start3A_1935[%dma_start3A_1920, %dma_start3A_1936] : memref<25x64xi32, #tpu.memory_space<vmem>> -> memref<1x64xi32, #tpu.memory_space<vmem>>
        %dma_start3A_1938 = tpu.memref_squeeze %dma_start3A_1937 : memref<1x64xi32, #tpu.memory_space<vmem>> -> memref<64xi32, #tpu.memory_space<vmem>>
        %dma_start3A_1939 = arith.constant 0 : i32
        %dma_start3A_1940 = arith.constant 0 : i32
        %dma_start3A_1941 = tpu.memref_slice %arg3[%dma_start3A_1939, %dma_start3A_1940] : memref<1000000x32xf32, #tpu.memory_space<hbm>> -> memref<1000000x32xf32, #tpu.memory_space<hbm>>
        tpu.enqueue_indirect_dma source(%dma_start3A_1941 : memref<1000000x32xf32, #tpu.memory_space<hbm>>) target(%dma_start3A_1931 : memref<64x32xf32, #tpu.memory_space<vmem>>) offsets(%dma_start3A_1938 : memref<64xi32, #tpu.memory_space<vmem>>) semaphore(%arg9 : memref<!tpu.dma_semaphore, #tpu.memory_space<semaphore_mem>>)
        %dma_start3A_1942 = arith.constant 0 : i32
        %dma_start3A_1943 = arith.constant 2 : i32
        %dma_start3A_1944 = arith.constant 0 : i32
        %dma_start3A_1945 = arith.constant 2 : i32
        %dma_start3A_1946 = arith.constant 0 : i32
        %dma_start3A_1947 = arith.constant 0 : i32
        %dma_start3A_1948 = arith.constant 0 : i32
        %dma_start3A_1949 = tpu.memref_slice %arg6[%dma_start3A_1944, %dma_start3A_1946, %dma_start3A_1947, %dma_start3A_1948] : memref<2x25x64x32xf32, #tpu.memory_space<vmem>> -> memref<1x25x64x32xf32, #tpu.memory_space<vmem>>
        %dma_start3A_1950 = tpu.memref_squeeze %dma_start3A_1949 : memref<1x25x64x32xf32, #tpu.memory_space<vmem>> -> memref<25x64x32xf32, #tpu.memory_space<vmem>>
        %dma_start3A_1951 = arith.constant 0 : i32
        %dma_start3A_1952 = arith.constant 0 : i32
        %dma_start3A_1953 = tpu.memref_slice %dma_start3A_1950[%dma_start3A_1945, %dma_start3A_1951, %dma_start3A_1952] : memref<25x64x32xf32, #tpu.memory_space<vmem>> -> memref<1x64x32xf32, #tpu.memory_space<vmem>>
        %dma_start3A_1954 = tpu.memref_squeeze %dma_start3A_1953 : memref<1x64x32xf32, #tpu.memory_space<vmem>> -> memref<64x32xf32, #tpu.memory_space<vmem>>
        %dma_start3A_1955 = arith.constant 0 : i32
        %dma_start3A_1956 = arith.constant 0 : i32
        %dma_start3A_1957 = tpu.memref_slice %arg5[%dma_start3A_1942, %dma_start3A_1955, %dma_start3A_1956] : memref<2x25x64xi32, #tpu.memory_space<vmem>> -> memref<1x25x64xi32, #tpu.memory_space<vmem>>
        %dma_start3A_1958 = tpu.memref_squeeze %dma_start3A_1957 : memref<1x25x64xi32, #tpu.memory_space<vmem>> -> memref<25x64xi32, #tpu.memory_space<vmem>>
        %dma_start3A_1959 = arith.constant 0 : i32
        %dma_start3A_1960 = tpu.memref_slice %dma_start3A_1958[%dma_start3A_1943, %dma_start3A_1959] : memref<25x64xi32, #tpu.memory_space<vmem>> -> memref<1x64xi32, #tpu.memory_space<vmem>>
        %dma_start3A_1961 = tpu.memref_squeeze %dma_start3A_1960 : memref<1x64xi32, #tpu.memory_space<vmem>> -> memref<64xi32, #tpu.memory_space<vmem>>
        %dma_start3A_1962 = arith.constant 0 : i32
        %dma_start3A_1963 = arith.constant 0 : i32
        %dma_start3A_1964 = tpu.memref_slice %arg3[%dma_start3A_1962, %dma_start3A_1963] : memref<1000000x32xf32, #tpu.memory_space<hbm>> -> memref<1000000x32xf32, #tpu.memory_space<hbm>>
        tpu.enqueue_indirect_dma source(%dma_start3A_1964 : memref<1000000x32xf32, #tpu.memory_space<hbm>>) target(%dma_start3A_1954 : memref<64x32xf32, #tpu.memory_space<vmem>>) offsets(%dma_start3A_1961 : memref<64xi32, #tpu.memory_space<vmem>>) semaphore(%arg9 : memref<!tpu.dma_semaphore, #tpu.memory_space<semaphore_mem>>)
        %dma_start3A_1965 = arith.constant 0 : i32
        %dma_start3A_1966 = arith.constant 3 : i32
        %dma_start3A_1967 = arith.constant 0 : i32
        %dma_start3A_1968 = arith.constant 3 : i32
        %dma_start3A_1969 = arith.constant 0 : i32
        %dma_start3A_1970 = arith.constant 0 : i32
        %dma_start3A_1971 = arith.constant 0 : i32
        %dma_start3A_1972 = tpu.memref_slice %arg6[%dma_start3A_1967, %dma_start3A_1969, %dma_start3A_1970, %dma_start3A_1971] : memref<2x25x64x32xf32, #tpu.memory_space<vmem>> -> memref<1x25x64x32xf32, #tpu.memory_space<vmem>>
        %dma_start3A_1973 = tpu.memref_squeeze %dma_start3A_1972 : memref<1x25x64x32xf32, #tpu.memory_space<vmem>> -> memref<25x64x32xf32, #tpu.memory_space<vmem>>
        %dma_start3A_1974 = arith.constant 0 : i32
        %dma_start3A_1975 = arith.constant 0 : i32
        %dma_start3A_1976 = tpu.memref_slice %dma_start3A_1973[%dma_start3A_1968, %dma_start3A_1974, %dma_start3A_1975] : memref<25x64x32xf32, #tpu.memory_space<vmem>> -> memref<1x64x32xf32, #tpu.memory_space<vmem>>
        %dma_start3A_1977 = tpu.memref_squeeze %dma_start3A_1976 : memref<1x64x32xf32, #tpu.memory_space<vmem>> -> memref<64x32xf32, #tpu.memory_space<vmem>>
        %dma_start3A_1978 = arith.constant 0 : i32
        %dma_start3A_1979 = arith.constant 0 : i32
        %dma_start3A_1980 = tpu.memref_slice %arg5[%dma_start3A_1965, %dma_start3A_1978, %dma_start3A_1979] : memref<2x25x64xi32, #tpu.memory_space<vmem>> -> memref<1x25x64xi32, #tpu.memory_space<vmem>>
        %dma_start3A_1981 = tpu.memref_squeeze %dma_start3A_1980 : memref<1x25x64xi32, #tpu.memory_space<vmem>> -> memref<25x64xi32, #tpu.memory_space<vmem>>
        %dma_start3A_1982 = arith.constant 0 : i32
        %dma_start3A_1983 = tpu.memref_slice %dma_start3A_1981[%dma_start3A_1966, %dma_start3A_1982] : memref<25x64xi32, #tpu.memory_space<vmem>> -> memref<1x64xi32, #tpu.memory_space<vmem>>
        %dma_start3A_1984 = tpu.memref_squeeze %dma_start3A_1983 : memref<1x64xi32, #tpu.memory_space<vmem>> -> memref<64xi32, #tpu.memory_space<vmem>>
        %dma_start3A_1985 = arith.constant 0 : i32
        %dma_start3A_1986 = arith.constant 0 : i32
        %dma_start3A_1987 = tpu.memref_slice %arg3[%dma_start3A_1985, %dma_start3A_1986] : memref<1000000x32xf32, #tpu.memory_space<hbm>> -> memref<1000000x32xf32, #tpu.memory_space<hbm>>
        tpu.enqueue_indirect_dma source(%dma_start3A_1987 : memref<1000000x32xf32, #tpu.memory_space<hbm>>) target(%dma_start3A_1977 : memref<64x32xf32, #tpu.memory_space<vmem>>) offsets(%dma_start3A_1984 : memref<64xi32, #tpu.memory_space<vmem>>) semaphore(%arg9 : memref<!tpu.dma_semaphore, #tpu.memory_space<semaphore_mem>>)
        %dma_start3A_1988 = arith.constant 0 : i32
        %dma_start3A_1989 = arith.constant 4 : i32
        %dma_start3A_1990 = arith.constant 0 : i32
        %dma_start3A_1991 = arith.constant 4 : i32
        %dma_start3A_1992 = arith.constant 0 : i32
        %dma_start3A_1993 = arith.constant 0 : i32
        %dma_start3A_1994 = arith.constant 0 : i32
        %dma_start3A_1995 = tpu.memref_slice %arg6[%dma_start3A_1990, %dma_start3A_1992, %dma_start3A_1993, %dma_start3A_1994] : memref<2x25x64x32xf32, #tpu.memory_space<vmem>> -> memref<1x25x64x32xf32, #tpu.memory_space<vmem>>
        %dma_start3A_1996 = tpu.memref_squeeze %dma_start3A_1995 : memref<1x25x64x32xf32, #tpu.memory_space<vmem>> -> memref<25x64x32xf32, #tpu.memory_space<vmem>>
        %dma_start3A_1997 = arith.constant 0 : i32
        %dma_start3A_1998 = arith.constant 0 : i32
        %dma_start3A_1999 = tpu.memref_slice %dma_start3A_1996[%dma_start3A_1991, %dma_start3A_1997, %dma_start3A_1998] : memref<25x64x32xf32, #tpu.memory_space<vmem>> -> memref<1x64x32xf32, #tpu.memory_space<vmem>>
        %dma_start3A_2000 = tpu.memref_squeeze %dma_start3A_1999 : memref<1x64x32xf32, #tpu.memory_space<vmem>> -> memref<64x32xf32, #tpu.memory_space<vmem>>
        %dma_start3A_2001 = arith.constant 0 : i32
        %dma_start3A_2002 = arith.constant 0 : i32
        %dma_start3A_2003 = tpu.memref_slice %arg5[%dma_start3A_1988, %dma_start3A_2001, %dma_start3A_2002] : memref<2x25x64xi32, #tpu.memory_space<vmem>> -> memref<1x25x64xi32, #tpu.memory_space<vmem>>
        %dma_start3A_2004 = tpu.memref_squeeze %dma_start3A_2003 : memref<1x25x64xi32, #tpu.memory_space<vmem>> -> memref<25x64xi32, #tpu.memory_space<vmem>>
        %dma_start3A_2005 = arith.constant 0 : i32
        %dma_start3A_2006 = tpu.memref_slice %dma_start3A_2004[%dma_start3A_1989, %dma_start3A_2005] : memref<25x64xi32, #tpu.memory_space<vmem>> -> memref<1x64xi32, #tpu.memory_space<vmem>>
        %dma_start3A_2007 = tpu.memref_squeeze %dma_start3A_2006 : memref<1x64xi32, #tpu.memory_space<vmem>> -> memref<64xi32, #tpu.memory_space<vmem>>
        %dma_start3A_2008 = arith.constant 0 : i32
        %dma_start3A_2009 = arith.constant 0 : i32
        %dma_start3A_2010 = tpu.memref_slice %arg3[%dma_start3A_2008, %dma_start3A_2009] : memref<1000000x32xf32, #tpu.memory_space<hbm>> -> memref<1000000x32xf32, #tpu.memory_space<hbm>>
        tpu.enqueue_indirect_dma source(%dma_start3A_2010 : memref<1000000x32xf32, #tpu.memory_space<hbm>>) target(%dma_start3A_2000 : memref<64x32xf32, #tpu.memory_space<vmem>>) offsets(%dma_start3A_2007 : memref<64xi32, #tpu.memory_space<vmem>>) semaphore(%arg9 : memref<!tpu.dma_semaphore, #tpu.memory_space<semaphore_mem>>)
        %dma_start3A_2011 = arith.constant 0 : i32
        %dma_start3A_2012 = arith.constant 5 : i32
        %dma_start3A_2013 = arith.constant 0 : i32
        %dma_start3A_2014 = arith.constant 5 : i32
        %dma_start3A_2015 = arith.constant 0 : i32
        %dma_start3A_2016 = arith.constant 0 : i32
        %dma_start3A_2017 = arith.constant 0 : i32
        %dma_start3A_2018 = tpu.memref_slice %arg6[%dma_start3A_2013, %dma_start3A_2015, %dma_start3A_2016, %dma_start3A_2017] : memref<2x25x64x32xf32, #tpu.memory_space<vmem>> -> memref<1x25x64x32xf32, #tpu.memory_space<vmem>>
        %dma_start3A_2019 = tpu.memref_squeeze %dma_start3A_2018 : memref<1x25x64x32xf32, #tpu.memory_space<vmem>> -> memref<25x64x32xf32, #tpu.memory_space<vmem>>
        %dma_start3A_2020 = arith.constant 0 : i32
        %dma_start3A_2021 = arith.constant 0 : i32
        %dma_start3A_2022 = tpu.memref_slice %dma_start3A_2019[%dma_start3A_2014, %dma_start3A_2020, %dma_start3A_2021] : memref<25x64x32xf32, #tpu.memory_space<vmem>> -> memref<1x64x32xf32, #tpu.memory_space<vmem>>
        %dma_start3A_2023 = tpu.memref_squeeze %dma_start3A_2022 : memref<1x64x32xf32, #tpu.memory_space<vmem>> -> memref<64x32xf32, #tpu.memory_space<vmem>>
        %dma_start3A_2024 = arith.constant 0 : i32
        %dma_start3A_2025 = arith.constant 0 : i32
        %dma_start3A_2026 = tpu.memref_slice %arg5[%dma_start3A_2011, %dma_start3A_2024, %dma_start3A_2025] : memref<2x25x64xi32, #tpu.memory_space<vmem>> -> memref<1x25x64xi32, #tpu.memory_space<vmem>>
        %dma_start3A_2027 = tpu.memref_squeeze %dma_start3A_2026 : memref<1x25x64xi32, #tpu.memory_space<vmem>> -> memref<25x64xi32, #tpu.memory_space<vmem>>
        %dma_start3A_2028 = arith.constant 0 : i32
        %dma_start3A_2029 = tpu.memref_slice %dma_start3A_2027[%dma_start3A_2012, %dma_start3A_2028] : memref<25x64xi32, #tpu.memory_space<vmem>> -> memref<1x64xi32, #tpu.memory_space<vmem>>
        %dma_start3A_2030 = tpu.memref_squeeze %dma_start3A_2029 : memref<1x64xi32, #tpu.memory_space<vmem>> -> memref<64xi32, #tpu.memory_space<vmem>>
        %dma_start3A_2031 = arith.constant 0 : i32
        %dma_start3A_2032 = arith.constant 0 : i32
        %dma_start3A_2033 = tpu.memref_slice %arg3[%dma_start3A_2031, %dma_start3A_2032] : memref<1000000x32xf32, #tpu.memory_space<hbm>> -> memref<1000000x32xf32, #tpu.memory_space<hbm>>
        tpu.enqueue_indirect_dma source(%dma_start3A_2033 : memref<1000000x32xf32, #tpu.memory_space<hbm>>) target(%dma_start3A_2023 : memref<64x32xf32, #tpu.memory_space<vmem>>) offsets(%dma_start3A_2030 : memref<64xi32, #tpu.memory_space<vmem>>) semaphore(%arg9 : memref<!tpu.dma_semaphore, #tpu.memory_space<semaphore_mem>>)
        %dma_start3A_2034 = arith.constant 0 : i32
        %dma_start3A_2035 = arith.constant 6 : i32
        %dma_start3A_2036 = arith.constant 0 : i32
        %dma_start3A_2037 = arith.constant 6 : i32
        %dma_start3A_2038 = arith.constant 0 : i32
        %dma_start3A_2039 = arith.constant 0 : i32
        %dma_start3A_2040 = arith.constant 0 : i32
        %dma_start3A_2041 = tpu.memref_slice %arg6[%dma_start3A_2036, %dma_start3A_2038, %dma_start3A_2039, %dma_start3A_2040] : memref<2x25x64x32xf32, #tpu.memory_space<vmem>> -> memref<1x25x64x32xf32, #tpu.memory_space<vmem>>
        %dma_start3A_2042 = tpu.memref_squeeze %dma_start3A_2041 : memref<1x25x64x32xf32, #tpu.memory_space<vmem>> -> memref<25x64x32xf32, #tpu.memory_space<vmem>>
        %dma_start3A_2043 = arith.constant 0 : i32
        %dma_start3A_2044 = arith.constant 0 : i32
        %dma_start3A_2045 = tpu.memref_slice %dma_start3A_2042[%dma_start3A_2037, %dma_start3A_2043, %dma_start3A_2044] : memref<25x64x32xf32, #tpu.memory_space<vmem>> -> memref<1x64x32xf32, #tpu.memory_space<vmem>>
        %dma_start3A_2046 = tpu.memref_squeeze %dma_start3A_2045 : memref<1x64x32xf32, #tpu.memory_space<vmem>> -> memref<64x32xf32, #tpu.memory_space<vmem>>
        %dma_start3A_2047 = arith.constant 0 : i32
        %dma_start3A_2048 = arith.constant 0 : i32
        %dma_start3A_2049 = tpu.memref_slice %arg5[%dma_start3A_2034, %dma_start3A_2047, %dma_start3A_2048] : memref<2x25x64xi32, #tpu.memory_space<vmem>> -> memref<1x25x64xi32, #tpu.memory_space<vmem>>
        %dma_start3A_2050 = tpu.memref_squeeze %dma_start3A_2049 : memref<1x25x64xi32, #tpu.memory_space<vmem>> -> memref<25x64xi32, #tpu.memory_space<vmem>>
        %dma_start3A_2051 = arith.constant 0 : i32
        %dma_start3A_2052 = tpu.memref_slice %dma_start3A_2050[%dma_start3A_2035, %dma_start3A_2051] : memref<25x64xi32, #tpu.memory_space<vmem>> -> memref<1x64xi32, #tpu.memory_space<vmem>>
        %dma_start3A_2053 = tpu.memref_squeeze %dma_start3A_2052 : memref<1x64xi32, #tpu.memory_space<vmem>> -> memref<64xi32, #tpu.memory_space<vmem>>
        %dma_start3A_2054 = arith.constant 0 : i32
        %dma_start3A_2055 = arith.constant 0 : i32
        %dma_start3A_2056 = tpu.memref_slice %arg3[%dma_start3A_2054, %dma_start3A_2055] : memref<1000000x32xf32, #tpu.memory_space<hbm>> -> memref<1000000x32xf32, #tpu.memory_space<hbm>>
        tpu.enqueue_indirect_dma source(%dma_start3A_2056 : memref<1000000x32xf32, #tpu.memory_space<hbm>>) target(%dma_start3A_2046 : memref<64x32xf32, #tpu.memory_space<vmem>>) offsets(%dma_start3A_2053 : memref<64xi32, #tpu.memory_space<vmem>>) semaphore(%arg9 : memref<!tpu.dma_semaphore, #tpu.memory_space<semaphore_mem>>)
        %dma_start3A_2057 = arith.constant 0 : i32
        %dma_start3A_2058 = arith.constant 7 : i32
        %dma_start3A_2059 = arith.constant 0 : i32
        %dma_start3A_2060 = arith.constant 7 : i32
        %dma_start3A_2061 = arith.constant 0 : i32
        %dma_start3A_2062 = arith.constant 0 : i32
        %dma_start3A_2063 = arith.constant 0 : i32
        %dma_start3A_2064 = tpu.memref_slice %arg6[%dma_start3A_2059, %dma_start3A_2061, %dma_start3A_2062, %dma_start3A_2063] : memref<2x25x64x32xf32, #tpu.memory_space<vmem>> -> memref<1x25x64x32xf32, #tpu.memory_space<vmem>>
        %dma_start3A_2065 = tpu.memref_squeeze %dma_start3A_2064 : memref<1x25x64x32xf32, #tpu.memory_space<vmem>> -> memref<25x64x32xf32, #tpu.memory_space<vmem>>
        %dma_start3A_2066 = arith.constant 0 : i32
        %dma_start3A_2067 = arith.constant 0 : i32
        %dma_start3A_2068 = tpu.memref_slice %dma_start3A_2065[%dma_start3A_2060, %dma_start3A_2066, %dma_start3A_2067] : memref<25x64x32xf32, #tpu.memory_space<vmem>> -> memref<1x64x32xf32, #tpu.memory_space<vmem>>
        %dma_start3A_2069 = tpu.memref_squeeze %dma_start3A_2068 : memref<1x64x32xf32, #tpu.memory_space<vmem>> -> memref<64x32xf32, #tpu.memory_space<vmem>>
        %dma_start3A_2070 = arith.constant 0 : i32
        %dma_start3A_2071 = arith.constant 0 : i32
        %dma_start3A_2072 = tpu.memref_slice %arg5[%dma_start3A_2057, %dma_start3A_2070, %dma_start3A_2071] : memref<2x25x64xi32, #tpu.memory_space<vmem>> -> memref<1x25x64xi32, #tpu.memory_space<vmem>>
        %dma_start3A_2073 = tpu.memref_squeeze %dma_start3A_2072 : memref<1x25x64xi32, #tpu.memory_space<vmem>> -> memref<25x64xi32, #tpu.memory_space<vmem>>
        %dma_start3A_2074 = arith.constant 0 : i32
        %dma_start3A_2075 = tpu.memref_slice %dma_start3A_2073[%dma_start3A_2058, %dma_start3A_2074] : memref<25x64xi32, #tpu.memory_space<vmem>> -> memref<1x64xi32, #tpu.memory_space<vmem>>
        %dma_start3A_2076 = tpu.memref_squeeze %dma_start3A_2075 : memref<1x64xi32, #tpu.memory_space<vmem>> -> memref<64xi32, #tpu.memory_space<vmem>>
        %dma_start3A_2077 = arith.constant 0 : i32
        %dma_start3A_2078 = arith.constant 0 : i32
        %dma_start3A_2079 = tpu.memref_slice %arg3[%dma_start3A_2077, %dma_start3A_2078] : memref<1000000x32xf32, #tpu.memory_space<hbm>> -> memref<1000000x32xf32, #tpu.memory_space<hbm>>
        tpu.enqueue_indirect_dma source(%dma_start3A_2079 : memref<1000000x32xf32, #tpu.memory_space<hbm>>) target(%dma_start3A_2069 : memref<64x32xf32, #tpu.memory_space<vmem>>) offsets(%dma_start3A_2076 : memref<64xi32, #tpu.memory_space<vmem>>) semaphore(%arg9 : memref<!tpu.dma_semaphore, #tpu.memory_space<semaphore_mem>>)
        %dma_start3A_2080 = arith.constant 0 : i32
        %dma_start3A_2081 = arith.constant 8 : i32
        %dma_start3A_2082 = arith.constant 0 : i32
        %dma_start3A_2083 = arith.constant 8 : i32
        %dma_start3A_2084 = arith.constant 0 : i32
        %dma_start3A_2085 = arith.constant 0 : i32
        %dma_start3A_2086 = arith.constant 0 : i32
        %dma_start3A_2087 = tpu.memref_slice %arg6[%dma_start3A_2082, %dma_start3A_2084, %dma_start3A_2085, %dma_start3A_2086] : memref<2x25x64x32xf32, #tpu.memory_space<vmem>> -> memref<1x25x64x32xf32, #tpu.memory_space<vmem>>
        %dma_start3A_2088 = tpu.memref_squeeze %dma_start3A_2087 : memref<1x25x64x32xf32, #tpu.memory_space<vmem>> -> memref<25x64x32xf32, #tpu.memory_space<vmem>>
        %dma_start3A_2089 = arith.constant 0 : i32
        %dma_start3A_2090 = arith.constant 0 : i32
        %dma_start3A_2091 = tpu.memref_slice %dma_start3A_2088[%dma_start3A_2083, %dma_start3A_2089, %dma_start3A_2090] : memref<25x64x32xf32, #tpu.memory_space<vmem>> -> memref<1x64x32xf32, #tpu.memory_space<vmem>>
        %dma_start3A_2092 = tpu.memref_squeeze %dma_start3A_2091 : memref<1x64x32xf32, #tpu.memory_space<vmem>> -> memref<64x32xf32, #tpu.memory_space<vmem>>
        %dma_start3A_2093 = arith.constant 0 : i32
        %dma_start3A_2094 = arith.constant 0 : i32
        %dma_start3A_2095 = tpu.memref_slice %arg5[%dma_start3A_2080, %dma_start3A_2093, %dma_start3A_2094] : memref<2x25x64xi32, #tpu.memory_space<vmem>> -> memref<1x25x64xi32, #tpu.memory_space<vmem>>
        %dma_start3A_2096 = tpu.memref_squeeze %dma_start3A_2095 : memref<1x25x64xi32, #tpu.memory_space<vmem>> -> memref<25x64xi32, #tpu.memory_space<vmem>>
        %dma_start3A_2097 = arith.constant 0 : i32
        %dma_start3A_2098 = tpu.memref_slice %dma_start3A_2096[%dma_start3A_2081, %dma_start3A_2097] : memref<25x64xi32, #tpu.memory_space<vmem>> -> memref<1x64xi32, #tpu.memory_space<vmem>>
        %dma_start3A_2099 = tpu.memref_squeeze %dma_start3A_2098 : memref<1x64xi32, #tpu.memory_space<vmem>> -> memref<64xi32, #tpu.memory_space<vmem>>
        %dma_start3A_2100 = arith.constant 0 : i32
        %dma_start3A_2101 = arith.constant 0 : i32
        %dma_start3A_2102 = tpu.memref_slice %arg3[%dma_start3A_2100, %dma_start3A_2101] : memref<1000000x32xf32, #tpu.memory_space<hbm>> -> memref<1000000x32xf32, #tpu.memory_space<hbm>>
        tpu.enqueue_indirect_dma source(%dma_start3A_2102 : memref<1000000x32xf32, #tpu.memory_space<hbm>>) target(%dma_start3A_2092 : memref<64x32xf32, #tpu.memory_space<vmem>>) offsets(%dma_start3A_2099 : memref<64xi32, #tpu.memory_space<vmem>>) semaphore(%arg9 : memref<!tpu.dma_semaphore, #tpu.memory_space<semaphore_mem>>)
        %dma_start3A_2103 = arith.constant 0 : i32
        %dma_start3A_2104 = arith.constant 9 : i32
        %dma_start3A_2105 = arith.constant 0 : i32
        %dma_start3A_2106 = arith.constant 9 : i32
        %dma_start3A_2107 = arith.constant 0 : i32
        %dma_start3A_2108 = arith.constant 0 : i32
        %dma_start3A_2109 = arith.constant 0 : i32
        %dma_start3A_2110 = tpu.memref_slice %arg6[%dma_start3A_2105, %dma_start3A_2107, %dma_start3A_2108, %dma_start3A_2109] : memref<2x25x64x32xf32, #tpu.memory_space<vmem>> -> memref<1x25x64x32xf32, #tpu.memory_space<vmem>>
        %dma_start3A_2111 = tpu.memref_squeeze %dma_start3A_2110 : memref<1x25x64x32xf32, #tpu.memory_space<vmem>> -> memref<25x64x32xf32, #tpu.memory_space<vmem>>
        %dma_start3A_2112 = arith.constant 0 : i32
        %dma_start3A_2113 = arith.constant 0 : i32
        %dma_start3A_2114 = tpu.memref_slice %dma_start3A_2111[%dma_start3A_2106, %dma_start3A_2112, %dma_start3A_2113] : memref<25x64x32xf32, #tpu.memory_space<vmem>> -> memref<1x64x32xf32, #tpu.memory_space<vmem>>
        %dma_start3A_2115 = tpu.memref_squeeze %dma_start3A_2114 : memref<1x64x32xf32, #tpu.memory_space<vmem>> -> memref<64x32xf32, #tpu.memory_space<vmem>>
        %dma_start3A_2116 = arith.constant 0 : i32
        %dma_start3A_2117 = arith.constant 0 : i32
        %dma_start3A_2118 = tpu.memref_slice %arg5[%dma_start3A_2103, %dma_start3A_2116, %dma_start3A_2117] : memref<2x25x64xi32, #tpu.memory_space<vmem>> -> memref<1x25x64xi32, #tpu.memory_space<vmem>>
        %dma_start3A_2119 = tpu.memref_squeeze %dma_start3A_2118 : memref<1x25x64xi32, #tpu.memory_space<vmem>> -> memref<25x64xi32, #tpu.memory_space<vmem>>
        %dma_start3A_2120 = arith.constant 0 : i32
        %dma_start3A_2121 = tpu.memref_slice %dma_start3A_2119[%dma_start3A_2104, %dma_start3A_2120] : memref<25x64xi32, #tpu.memory_space<vmem>> -> memref<1x64xi32, #tpu.memory_space<vmem>>
        %dma_start3A_2122 = tpu.memref_squeeze %dma_start3A_2121 : memref<1x64xi32, #tpu.memory_space<vmem>> -> memref<64xi32, #tpu.memory_space<vmem>>
        %dma_start3A_2123 = arith.constant 0 : i32
        %dma_start3A_2124 = arith.constant 0 : i32
        %dma_start3A_2125 = tpu.memref_slice %arg3[%dma_start3A_2123, %dma_start3A_2124] : memref<1000000x32xf32, #tpu.memory_space<hbm>> -> memref<1000000x32xf32, #tpu.memory_space<hbm>>
        tpu.enqueue_indirect_dma source(%dma_start3A_2125 : memref<1000000x32xf32, #tpu.memory_space<hbm>>) target(%dma_start3A_2115 : memref<64x32xf32, #tpu.memory_space<vmem>>) offsets(%dma_start3A_2122 : memref<64xi32, #tpu.memory_space<vmem>>) semaphore(%arg9 : memref<!tpu.dma_semaphore, #tpu.memory_space<semaphore_mem>>)
        %dma_start3A_2126 = arith.constant 0 : i32
        %dma_start3A_2127 = arith.constant 10 : i32
        %dma_start3A_2128 = arith.constant 0 : i32
        %dma_start3A_2129 = arith.constant 10 : i32
        %dma_start3A_2130 = arith.constant 0 : i32
        %dma_start3A_2131 = arith.constant 0 : i32
        %dma_start3A_2132 = arith.constant 0 : i32
        %dma_start3A_2133 = tpu.memref_slice %arg6[%dma_start3A_2128, %dma_start3A_2130, %dma_start3A_2131, %dma_start3A_2132] : memref<2x25x64x32xf32, #tpu.memory_space<vmem>> -> memref<1x25x64x32xf32, #tpu.memory_space<vmem>>
        %dma_start3A_2134 = tpu.memref_squeeze %dma_start3A_2133 : memref<1x25x64x32xf32, #tpu.memory_space<vmem>> -> memref<25x64x32xf32, #tpu.memory_space<vmem>>
        %dma_start3A_2135 = arith.constant 0 : i32
        %dma_start3A_2136 = arith.constant 0 : i32
        %dma_start3A_2137 = tpu.memref_slice %dma_start3A_2134[%dma_start3A_2129, %dma_start3A_2135, %dma_start3A_2136] : memref<25x64x32xf32, #tpu.memory_space<vmem>> -> memref<1x64x32xf32, #tpu.memory_space<vmem>>
        %dma_start3A_2138 = tpu.memref_squeeze %dma_start3A_2137 : memref<1x64x32xf32, #tpu.memory_space<vmem>> -> memref<64x32xf32, #tpu.memory_space<vmem>>
        %dma_start3A_2139 = arith.constant 0 : i32
        %dma_start3A_2140 = arith.constant 0 : i32
        %dma_start3A_2141 = tpu.memref_slice %arg5[%dma_start3A_2126, %dma_start3A_2139, %dma_start3A_2140] : memref<2x25x64xi32, #tpu.memory_space<vmem>> -> memref<1x25x64xi32, #tpu.memory_space<vmem>>
        %dma_start3A_2142 = tpu.memref_squeeze %dma_start3A_2141 : memref<1x25x64xi32, #tpu.memory_space<vmem>> -> memref<25x64xi32, #tpu.memory_space<vmem>>
        %dma_start3A_2143 = arith.constant 0 : i32
        %dma_start3A_2144 = tpu.memref_slice %dma_start3A_2142[%dma_start3A_2127, %dma_start3A_2143] : memref<25x64xi32, #tpu.memory_space<vmem>> -> memref<1x64xi32, #tpu.memory_space<vmem>>
        %dma_start3A_2145 = tpu.memref_squeeze %dma_start3A_2144 : memref<1x64xi32, #tpu.memory_space<vmem>> -> memref<64xi32, #tpu.memory_space<vmem>>
        %dma_start3A_2146 = arith.constant 0 : i32
        %dma_start3A_2147 = arith.constant 0 : i32
        %dma_start3A_2148 = tpu.memref_slice %arg3[%dma_start3A_2146, %dma_start3A_2147] : memref<1000000x32xf32, #tpu.memory_space<hbm>> -> memref<1000000x32xf32, #tpu.memory_space<hbm>>
        tpu.enqueue_indirect_dma source(%dma_start3A_2148 : memref<1000000x32xf32, #tpu.memory_space<hbm>>) target(%dma_start3A_2138 : memref<64x32xf32, #tpu.memory_space<vmem>>) offsets(%dma_start3A_2145 : memref<64xi32, #tpu.memory_space<vmem>>) semaphore(%arg9 : memref<!tpu.dma_semaphore, #tpu.memory_space<semaphore_mem>>)
        %dma_start3A_2149 = arith.constant 0 : i32
        %dma_start3A_2150 = arith.constant 11 : i32
        %dma_start3A_2151 = arith.constant 0 : i32
        %dma_start3A_2152 = arith.constant 11 : i32
        %dma_start3A_2153 = arith.constant 0 : i32
        %dma_start3A_2154 = arith.constant 0 : i32
        %dma_start3A_2155 = arith.constant 0 : i32
        %dma_start3A_2156 = tpu.memref_slice %arg6[%dma_start3A_2151, %dma_start3A_2153, %dma_start3A_2154, %dma_start3A_2155] : memref<2x25x64x32xf32, #tpu.memory_space<vmem>> -> memref<1x25x64x32xf32, #tpu.memory_space<vmem>>
        %dma_start3A_2157 = tpu.memref_squeeze %dma_start3A_2156 : memref<1x25x64x32xf32, #tpu.memory_space<vmem>> -> memref<25x64x32xf32, #tpu.memory_space<vmem>>
        %dma_start3A_2158 = arith.constant 0 : i32
        %dma_start3A_2159 = arith.constant 0 : i32
        %dma_start3A_2160 = tpu.memref_slice %dma_start3A_2157[%dma_start3A_2152, %dma_start3A_2158, %dma_start3A_2159] : memref<25x64x32xf32, #tpu.memory_space<vmem>> -> memref<1x64x32xf32, #tpu.memory_space<vmem>>
        %dma_start3A_2161 = tpu.memref_squeeze %dma_start3A_2160 : memref<1x64x32xf32, #tpu.memory_space<vmem>> -> memref<64x32xf32, #tpu.memory_space<vmem>>
        %dma_start3A_2162 = arith.constant 0 : i32
        %dma_start3A_2163 = arith.constant 0 : i32
        %dma_start3A_2164 = tpu.memref_slice %arg5[%dma_start3A_2149, %dma_start3A_2162, %dma_start3A_2163] : memref<2x25x64xi32, #tpu.memory_space<vmem>> -> memref<1x25x64xi32, #tpu.memory_space<vmem>>
        %dma_start3A_2165 = tpu.memref_squeeze %dma_start3A_2164 : memref<1x25x64xi32, #tpu.memory_space<vmem>> -> memref<25x64xi32, #tpu.memory_space<vmem>>
        %dma_start3A_2166 = arith.constant 0 : i32
        %dma_start3A_2167 = tpu.memref_slice %dma_start3A_2165[%dma_start3A_2150, %dma_start3A_2166] : memref<25x64xi32, #tpu.memory_space<vmem>> -> memref<1x64xi32, #tpu.memory_space<vmem>>
        %dma_start3A_2168 = tpu.memref_squeeze %dma_start3A_2167 : memref<1x64xi32, #tpu.memory_space<vmem>> -> memref<64xi32, #tpu.memory_space<vmem>>
        %dma_start3A_2169 = arith.constant 0 : i32
        %dma_start3A_2170 = arith.constant 0 : i32
        %dma_start3A_2171 = tpu.memref_slice %arg3[%dma_start3A_2169, %dma_start3A_2170] : memref<1000000x32xf32, #tpu.memory_space<hbm>> -> memref<1000000x32xf32, #tpu.memory_space<hbm>>
        tpu.enqueue_indirect_dma source(%dma_start3A_2171 : memref<1000000x32xf32, #tpu.memory_space<hbm>>) target(%dma_start3A_2161 : memref<64x32xf32, #tpu.memory_space<vmem>>) offsets(%dma_start3A_2168 : memref<64xi32, #tpu.memory_space<vmem>>) semaphore(%arg9 : memref<!tpu.dma_semaphore, #tpu.memory_space<semaphore_mem>>)
        %dma_start3A_2172 = arith.constant 0 : i32
        %dma_start3A_2173 = arith.constant 12 : i32
        %dma_start3A_2174 = arith.constant 0 : i32
        %dma_start3A_2175 = arith.constant 12 : i32
        %dma_start3A_2176 = arith.constant 0 : i32
        %dma_start3A_2177 = arith.constant 0 : i32
        %dma_start3A_2178 = arith.constant 0 : i32
        %dma_start3A_2179 = tpu.memref_slice %arg6[%dma_start3A_2174, %dma_start3A_2176, %dma_start3A_2177, %dma_start3A_2178] : memref<2x25x64x32xf32, #tpu.memory_space<vmem>> -> memref<1x25x64x32xf32, #tpu.memory_space<vmem>>
        %dma_start3A_2180 = tpu.memref_squeeze %dma_start3A_2179 : memref<1x25x64x32xf32, #tpu.memory_space<vmem>> -> memref<25x64x32xf32, #tpu.memory_space<vmem>>
        %dma_start3A_2181 = arith.constant 0 : i32
        %dma_start3A_2182 = arith.constant 0 : i32
        %dma_start3A_2183 = tpu.memref_slice %dma_start3A_2180[%dma_start3A_2175, %dma_start3A_2181, %dma_start3A_2182] : memref<25x64x32xf32, #tpu.memory_space<vmem>> -> memref<1x64x32xf32, #tpu.memory_space<vmem>>
        %dma_start3A_2184 = tpu.memref_squeeze %dma_start3A_2183 : memref<1x64x32xf32, #tpu.memory_space<vmem>> -> memref<64x32xf32, #tpu.memory_space<vmem>>
        %dma_start3A_2185 = arith.constant 0 : i32
        %dma_start3A_2186 = arith.constant 0 : i32
        %dma_start3A_2187 = tpu.memref_slice %arg5[%dma_start3A_2172, %dma_start3A_2185, %dma_start3A_2186] : memref<2x25x64xi32, #tpu.memory_space<vmem>> -> memref<1x25x64xi32, #tpu.memory_space<vmem>>
        %dma_start3A_2188 = tpu.memref_squeeze %dma_start3A_2187 : memref<1x25x64xi32, #tpu.memory_space<vmem>> -> memref<25x64xi32, #tpu.memory_space<vmem>>
        %dma_start3A_2189 = arith.constant 0 : i32
        %dma_start3A_2190 = tpu.memref_slice %dma_start3A_2188[%dma_start3A_2173, %dma_start3A_2189] : memref<25x64xi32, #tpu.memory_space<vmem>> -> memref<1x64xi32, #tpu.memory_space<vmem>>
        %dma_start3A_2191 = tpu.memref_squeeze %dma_start3A_2190 : memref<1x64xi32, #tpu.memory_space<vmem>> -> memref<64xi32, #tpu.memory_space<vmem>>
        %dma_start3A_2192 = arith.constant 0 : i32
        %dma_start3A_2193 = arith.constant 0 : i32
        %dma_start3A_2194 = tpu.memref_slice %arg3[%dma_start3A_2192, %dma_start3A_2193] : memref<1000000x32xf32, #tpu.memory_space<hbm>> -> memref<1000000x32xf32, #tpu.memory_space<hbm>>
        tpu.enqueue_indirect_dma source(%dma_start3A_2194 : memref<1000000x32xf32, #tpu.memory_space<hbm>>) target(%dma_start3A_2184 : memref<64x32xf32, #tpu.memory_space<vmem>>) offsets(%dma_start3A_2191 : memref<64xi32, #tpu.memory_space<vmem>>) semaphore(%arg9 : memref<!tpu.dma_semaphore, #tpu.memory_space<semaphore_mem>>)
        %dma_start3A_2195 = arith.constant 0 : i32
        %dma_start3A_2196 = arith.constant 13 : i32
        %dma_start3A_2197 = arith.constant 0 : i32
        %dma_start3A_2198 = arith.constant 13 : i32
        %dma_start3A_2199 = arith.constant 0 : i32
        %dma_start3A_2200 = arith.constant 0 : i32
        %dma_start3A_2201 = arith.constant 0 : i32
        %dma_start3A_2202 = tpu.memref_slice %arg6[%dma_start3A_2197, %dma_start3A_2199, %dma_start3A_2200, %dma_start3A_2201] : memref<2x25x64x32xf32, #tpu.memory_space<vmem>> -> memref<1x25x64x32xf32, #tpu.memory_space<vmem>>
        %dma_start3A_2203 = tpu.memref_squeeze %dma_start3A_2202 : memref<1x25x64x32xf32, #tpu.memory_space<vmem>> -> memref<25x64x32xf32, #tpu.memory_space<vmem>>
        %dma_start3A_2204 = arith.constant 0 : i32
        %dma_start3A_2205 = arith.constant 0 : i32
        %dma_start3A_2206 = tpu.memref_slice %dma_start3A_2203[%dma_start3A_2198, %dma_start3A_2204, %dma_start3A_2205] : memref<25x64x32xf32, #tpu.memory_space<vmem>> -> memref<1x64x32xf32, #tpu.memory_space<vmem>>
        %dma_start3A_2207 = tpu.memref_squeeze %dma_start3A_2206 : memref<1x64x32xf32, #tpu.memory_space<vmem>> -> memref<64x32xf32, #tpu.memory_space<vmem>>
        %dma_start3A_2208 = arith.constant 0 : i32
        %dma_start3A_2209 = arith.constant 0 : i32
        %dma_start3A_2210 = tpu.memref_slice %arg5[%dma_start3A_2195, %dma_start3A_2208, %dma_start3A_2209] : memref<2x25x64xi32, #tpu.memory_space<vmem>> -> memref<1x25x64xi32, #tpu.memory_space<vmem>>
        %dma_start3A_2211 = tpu.memref_squeeze %dma_start3A_2210 : memref<1x25x64xi32, #tpu.memory_space<vmem>> -> memref<25x64xi32, #tpu.memory_space<vmem>>
        %dma_start3A_2212 = arith.constant 0 : i32
        %dma_start3A_2213 = tpu.memref_slice %dma_start3A_2211[%dma_start3A_2196, %dma_start3A_2212] : memref<25x64xi32, #tpu.memory_space<vmem>> -> memref<1x64xi32, #tpu.memory_space<vmem>>
        %dma_start3A_2214 = tpu.memref_squeeze %dma_start3A_2213 : memref<1x64xi32, #tpu.memory_space<vmem>> -> memref<64xi32, #tpu.memory_space<vmem>>
        %dma_start3A_2215 = arith.constant 0 : i32
        %dma_start3A_2216 = arith.constant 0 : i32
        %dma_start3A_2217 = tpu.memref_slice %arg3[%dma_start3A_2215, %dma_start3A_2216] : memref<1000000x32xf32, #tpu.memory_space<hbm>> -> memref<1000000x32xf32, #tpu.memory_space<hbm>>
        tpu.enqueue_indirect_dma source(%dma_start3A_2217 : memref<1000000x32xf32, #tpu.memory_space<hbm>>) target(%dma_start3A_2207 : memref<64x32xf32, #tpu.memory_space<vmem>>) offsets(%dma_start3A_2214 : memref<64xi32, #tpu.memory_space<vmem>>) semaphore(%arg9 : memref<!tpu.dma_semaphore, #tpu.memory_space<semaphore_mem>>)
        %dma_start3A_2218 = arith.constant 0 : i32
        %dma_start3A_2219 = arith.constant 14 : i32
        %dma_start3A_2220 = arith.constant 0 : i32
        %dma_start3A_2221 = arith.constant 14 : i32
        %dma_start3A_2222 = arith.constant 0 : i32
        %dma_start3A_2223 = arith.constant 0 : i32
        %dma_start3A_2224 = arith.constant 0 : i32
        %dma_start3A_2225 = tpu.memref_slice %arg6[%dma_start3A_2220, %dma_start3A_2222, %dma_start3A_2223, %dma_start3A_2224] : memref<2x25x64x32xf32, #tpu.memory_space<vmem>> -> memref<1x25x64x32xf32, #tpu.memory_space<vmem>>
        %dma_start3A_2226 = tpu.memref_squeeze %dma_start3A_2225 : memref<1x25x64x32xf32, #tpu.memory_space<vmem>> -> memref<25x64x32xf32, #tpu.memory_space<vmem>>
        %dma_start3A_2227 = arith.constant 0 : i32
        %dma_start3A_2228 = arith.constant 0 : i32
        %dma_start3A_2229 = tpu.memref_slice %dma_start3A_2226[%dma_start3A_2221, %dma_start3A_2227, %dma_start3A_2228] : memref<25x64x32xf32, #tpu.memory_space<vmem>> -> memref<1x64x32xf32, #tpu.memory_space<vmem>>
        %dma_start3A_2230 = tpu.memref_squeeze %dma_start3A_2229 : memref<1x64x32xf32, #tpu.memory_space<vmem>> -> memref<64x32xf32, #tpu.memory_space<vmem>>
        %dma_start3A_2231 = arith.constant 0 : i32
        %dma_start3A_2232 = arith.constant 0 : i32
        %dma_start3A_2233 = tpu.memref_slice %arg5[%dma_start3A_2218, %dma_start3A_2231, %dma_start3A_2232] : memref<2x25x64xi32, #tpu.memory_space<vmem>> -> memref<1x25x64xi32, #tpu.memory_space<vmem>>
        %dma_start3A_2234 = tpu.memref_squeeze %dma_start3A_2233 : memref<1x25x64xi32, #tpu.memory_space<vmem>> -> memref<25x64xi32, #tpu.memory_space<vmem>>
        %dma_start3A_2235 = arith.constant 0 : i32
        %dma_start3A_2236 = tpu.memref_slice %dma_start3A_2234[%dma_start3A_2219, %dma_start3A_2235] : memref<25x64xi32, #tpu.memory_space<vmem>> -> memref<1x64xi32, #tpu.memory_space<vmem>>
        %dma_start3A_2237 = tpu.memref_squeeze %dma_start3A_2236 : memref<1x64xi32, #tpu.memory_space<vmem>> -> memref<64xi32, #tpu.memory_space<vmem>>
        %dma_start3A_2238 = arith.constant 0 : i32
        %dma_start3A_2239 = arith.constant 0 : i32
        %dma_start3A_2240 = tpu.memref_slice %arg3[%dma_start3A_2238, %dma_start3A_2239] : memref<1000000x32xf32, #tpu.memory_space<hbm>> -> memref<1000000x32xf32, #tpu.memory_space<hbm>>
        tpu.enqueue_indirect_dma source(%dma_start3A_2240 : memref<1000000x32xf32, #tpu.memory_space<hbm>>) target(%dma_start3A_2230 : memref<64x32xf32, #tpu.memory_space<vmem>>) offsets(%dma_start3A_2237 : memref<64xi32, #tpu.memory_space<vmem>>) semaphore(%arg9 : memref<!tpu.dma_semaphore, #tpu.memory_space<semaphore_mem>>)
        %dma_start3A_2241 = arith.constant 0 : i32
        %dma_start3A_2242 = arith.constant 15 : i32
        %dma_start3A_2243 = arith.constant 0 : i32
        %dma_start3A_2244 = arith.constant 15 : i32
        %dma_start3A_2245 = arith.constant 0 : i32
        %dma_start3A_2246 = arith.constant 0 : i32
        %dma_start3A_2247 = arith.constant 0 : i32
        %dma_start3A_2248 = tpu.memref_slice %arg6[%dma_start3A_2243, %dma_start3A_2245, %dma_start3A_2246, %dma_start3A_2247] : memref<2x25x64x32xf32, #tpu.memory_space<vmem>> -> memref<1x25x64x32xf32, #tpu.memory_space<vmem>>
        %dma_start3A_2249 = tpu.memref_squeeze %dma_start3A_2248 : memref<1x25x64x32xf32, #tpu.memory_space<vmem>> -> memref<25x64x32xf32, #tpu.memory_space<vmem>>
        %dma_start3A_2250 = arith.constant 0 : i32
        %dma_start3A_2251 = arith.constant 0 : i32
        %dma_start3A_2252 = tpu.memref_slice %dma_start3A_2249[%dma_start3A_2244, %dma_start3A_2250, %dma_start3A_2251] : memref<25x64x32xf32, #tpu.memory_space<vmem>> -> memref<1x64x32xf32, #tpu.memory_space<vmem>>
        %dma_start3A_2253 = tpu.memref_squeeze %dma_start3A_2252 : memref<1x64x32xf32, #tpu.memory_space<vmem>> -> memref<64x32xf32, #tpu.memory_space<vmem>>
        %dma_start3A_2254 = arith.constant 0 : i32
        %dma_start3A_2255 = arith.constant 0 : i32
        %dma_start3A_2256 = tpu.memref_slice %arg5[%dma_start3A_2241, %dma_start3A_2254, %dma_start3A_2255] : memref<2x25x64xi32, #tpu.memory_space<vmem>> -> memref<1x25x64xi32, #tpu.memory_space<vmem>>
        %dma_start3A_2257 = tpu.memref_squeeze %dma_start3A_2256 : memref<1x25x64xi32, #tpu.memory_space<vmem>> -> memref<25x64xi32, #tpu.memory_space<vmem>>
        %dma_start3A_2258 = arith.constant 0 : i32
        %dma_start3A_2259 = tpu.memref_slice %dma_start3A_2257[%dma_start3A_2242, %dma_start3A_2258] : memref<25x64xi32, #tpu.memory_space<vmem>> -> memref<1x64xi32, #tpu.memory_space<vmem>>
        %dma_start3A_2260 = tpu.memref_squeeze %dma_start3A_2259 : memref<1x64xi32, #tpu.memory_space<vmem>> -> memref<64xi32, #tpu.memory_space<vmem>>
        %dma_start3A_2261 = arith.constant 0 : i32
        %dma_start3A_2262 = arith.constant 0 : i32
        %dma_start3A_2263 = tpu.memref_slice %arg3[%dma_start3A_2261, %dma_start3A_2262] : memref<1000000x32xf32, #tpu.memory_space<hbm>> -> memref<1000000x32xf32, #tpu.memory_space<hbm>>
        tpu.enqueue_indirect_dma source(%dma_start3A_2263 : memref<1000000x32xf32, #tpu.memory_space<hbm>>) target(%dma_start3A_2253 : memref<64x32xf32, #tpu.memory_space<vmem>>) offsets(%dma_start3A_2260 : memref<64xi32, #tpu.memory_space<vmem>>) semaphore(%arg9 : memref<!tpu.dma_semaphore, #tpu.memory_space<semaphore_mem>>)
        %dma_start3A_2264 = arith.constant 0 : i32
        %dma_start3A_2265 = arith.constant 16 : i32
        %dma_start3A_2266 = arith.constant 0 : i32
        %dma_start3A_2267 = arith.constant 16 : i32
        %dma_start3A_2268 = arith.constant 0 : i32
        %dma_start3A_2269 = arith.constant 0 : i32
        %dma_start3A_2270 = arith.constant 0 : i32
        %dma_start3A_2271 = tpu.memref_slice %arg6[%dma_start3A_2266, %dma_start3A_2268, %dma_start3A_2269, %dma_start3A_2270] : memref<2x25x64x32xf32, #tpu.memory_space<vmem>> -> memref<1x25x64x32xf32, #tpu.memory_space<vmem>>
        %dma_start3A_2272 = tpu.memref_squeeze %dma_start3A_2271 : memref<1x25x64x32xf32, #tpu.memory_space<vmem>> -> memref<25x64x32xf32, #tpu.memory_space<vmem>>
        %dma_start3A_2273 = arith.constant 0 : i32
        %dma_start3A_2274 = arith.constant 0 : i32
        %dma_start3A_2275 = tpu.memref_slice %dma_start3A_2272[%dma_start3A_2267, %dma_start3A_2273, %dma_start3A_2274] : memref<25x64x32xf32, #tpu.memory_space<vmem>> -> memref<1x64x32xf32, #tpu.memory_space<vmem>>
        %dma_start3A_2276 = tpu.memref_squeeze %dma_start3A_2275 : memref<1x64x32xf32, #tpu.memory_space<vmem>> -> memref<64x32xf32, #tpu.memory_space<vmem>>
        %dma_start3A_2277 = arith.constant 0 : i32
        %dma_start3A_2278 = arith.constant 0 : i32
        %dma_start3A_2279 = tpu.memref_slice %arg5[%dma_start3A_2264, %dma_start3A_2277, %dma_start3A_2278] : memref<2x25x64xi32, #tpu.memory_space<vmem>> -> memref<1x25x64xi32, #tpu.memory_space<vmem>>
        %dma_start3A_2280 = tpu.memref_squeeze %dma_start3A_2279 : memref<1x25x64xi32, #tpu.memory_space<vmem>> -> memref<25x64xi32, #tpu.memory_space<vmem>>
        %dma_start3A_2281 = arith.constant 0 : i32
        %dma_start3A_2282 = tpu.memref_slice %dma_start3A_2280[%dma_start3A_2265, %dma_start3A_2281] : memref<25x64xi32, #tpu.memory_space<vmem>> -> memref<1x64xi32, #tpu.memory_space<vmem>>
        %dma_start3A_2283 = tpu.memref_squeeze %dma_start3A_2282 : memref<1x64xi32, #tpu.memory_space<vmem>> -> memref<64xi32, #tpu.memory_space<vmem>>
        %dma_start3A_2284 = arith.constant 0 : i32
        %dma_start3A_2285 = arith.constant 0 : i32
        %dma_start3A_2286 = tpu.memref_slice %arg3[%dma_start3A_2284, %dma_start3A_2285] : memref<1000000x32xf32, #tpu.memory_space<hbm>> -> memref<1000000x32xf32, #tpu.memory_space<hbm>>
        tpu.enqueue_indirect_dma source(%dma_start3A_2286 : memref<1000000x32xf32, #tpu.memory_space<hbm>>) target(%dma_start3A_2276 : memref<64x32xf32, #tpu.memory_space<vmem>>) offsets(%dma_start3A_2283 : memref<64xi32, #tpu.memory_space<vmem>>) semaphore(%arg9 : memref<!tpu.dma_semaphore, #tpu.memory_space<semaphore_mem>>)
        %dma_start3A_2287 = arith.constant 0 : i32
        %dma_start3A_2288 = arith.constant 17 : i32
        %dma_start3A_2289 = arith.constant 0 : i32
        %dma_start3A_2290 = arith.constant 17 : i32
        %dma_start3A_2291 = arith.constant 0 : i32
        %dma_start3A_2292 = arith.constant 0 : i32
        %dma_start3A_2293 = arith.constant 0 : i32
        %dma_start3A_2294 = tpu.memref_slice %arg6[%dma_start3A_2289, %dma_start3A_2291, %dma_start3A_2292, %dma_start3A_2293] : memref<2x25x64x32xf32, #tpu.memory_space<vmem>> -> memref<1x25x64x32xf32, #tpu.memory_space<vmem>>
        %dma_start3A_2295 = tpu.memref_squeeze %dma_start3A_2294 : memref<1x25x64x32xf32, #tpu.memory_space<vmem>> -> memref<25x64x32xf32, #tpu.memory_space<vmem>>
        %dma_start3A_2296 = arith.constant 0 : i32
        %dma_start3A_2297 = arith.constant 0 : i32
        %dma_start3A_2298 = tpu.memref_slice %dma_start3A_2295[%dma_start3A_2290, %dma_start3A_2296, %dma_start3A_2297] : memref<25x64x32xf32, #tpu.memory_space<vmem>> -> memref<1x64x32xf32, #tpu.memory_space<vmem>>
        %dma_start3A_2299 = tpu.memref_squeeze %dma_start3A_2298 : memref<1x64x32xf32, #tpu.memory_space<vmem>> -> memref<64x32xf32, #tpu.memory_space<vmem>>
        %dma_start3A_2300 = arith.constant 0 : i32
        %dma_start3A_2301 = arith.constant 0 : i32
        %dma_start3A_2302 = tpu.memref_slice %arg5[%dma_start3A_2287, %dma_start3A_2300, %dma_start3A_2301] : memref<2x25x64xi32, #tpu.memory_space<vmem>> -> memref<1x25x64xi32, #tpu.memory_space<vmem>>
        %dma_start3A_2303 = tpu.memref_squeeze %dma_start3A_2302 : memref<1x25x64xi32, #tpu.memory_space<vmem>> -> memref<25x64xi32, #tpu.memory_space<vmem>>
        %dma_start3A_2304 = arith.constant 0 : i32
        %dma_start3A_2305 = tpu.memref_slice %dma_start3A_2303[%dma_start3A_2288, %dma_start3A_2304] : memref<25x64xi32, #tpu.memory_space<vmem>> -> memref<1x64xi32, #tpu.memory_space<vmem>>
        %dma_start3A_2306 = tpu.memref_squeeze %dma_start3A_2305 : memref<1x64xi32, #tpu.memory_space<vmem>> -> memref<64xi32, #tpu.memory_space<vmem>>
        %dma_start3A_2307 = arith.constant 0 : i32
        %dma_start3A_2308 = arith.constant 0 : i32
        %dma_start3A_2309 = tpu.memref_slice %arg3[%dma_start3A_2307, %dma_start3A_2308] : memref<1000000x32xf32, #tpu.memory_space<hbm>> -> memref<1000000x32xf32, #tpu.memory_space<hbm>>
        tpu.enqueue_indirect_dma source(%dma_start3A_2309 : memref<1000000x32xf32, #tpu.memory_space<hbm>>) target(%dma_start3A_2299 : memref<64x32xf32, #tpu.memory_space<vmem>>) offsets(%dma_start3A_2306 : memref<64xi32, #tpu.memory_space<vmem>>) semaphore(%arg9 : memref<!tpu.dma_semaphore, #tpu.memory_space<semaphore_mem>>)
        %dma_start3A_2310 = arith.constant 0 : i32
        %dma_start3A_2311 = arith.constant 18 : i32
        %dma_start3A_2312 = arith.constant 0 : i32
        %dma_start3A_2313 = arith.constant 18 : i32
        %dma_start3A_2314 = arith.constant 0 : i32
        %dma_start3A_2315 = arith.constant 0 : i32
        %dma_start3A_2316 = arith.constant 0 : i32
        %dma_start3A_2317 = tpu.memref_slice %arg6[%dma_start3A_2312, %dma_start3A_2314, %dma_start3A_2315, %dma_start3A_2316] : memref<2x25x64x32xf32, #tpu.memory_space<vmem>> -> memref<1x25x64x32xf32, #tpu.memory_space<vmem>>
        %dma_start3A_2318 = tpu.memref_squeeze %dma_start3A_2317 : memref<1x25x64x32xf32, #tpu.memory_space<vmem>> -> memref<25x64x32xf32, #tpu.memory_space<vmem>>
        %dma_start3A_2319 = arith.constant 0 : i32
        %dma_start3A_2320 = arith.constant 0 : i32
        %dma_start3A_2321 = tpu.memref_slice %dma_start3A_2318[%dma_start3A_2313, %dma_start3A_2319, %dma_start3A_2320] : memref<25x64x32xf32, #tpu.memory_space<vmem>> -> memref<1x64x32xf32, #tpu.memory_space<vmem>>
        %dma_start3A_2322 = tpu.memref_squeeze %dma_start3A_2321 : memref<1x64x32xf32, #tpu.memory_space<vmem>> -> memref<64x32xf32, #tpu.memory_space<vmem>>
        %dma_start3A_2323 = arith.constant 0 : i32
        %dma_start3A_2324 = arith.constant 0 : i32
        %dma_start3A_2325 = tpu.memref_slice %arg5[%dma_start3A_2310, %dma_start3A_2323, %dma_start3A_2324] : memref<2x25x64xi32, #tpu.memory_space<vmem>> -> memref<1x25x64xi32, #tpu.memory_space<vmem>>
        %dma_start3A_2326 = tpu.memref_squeeze %dma_start3A_2325 : memref<1x25x64xi32, #tpu.memory_space<vmem>> -> memref<25x64xi32, #tpu.memory_space<vmem>>
        %dma_start3A_2327 = arith.constant 0 : i32
        %dma_start3A_2328 = tpu.memref_slice %dma_start3A_2326[%dma_start3A_2311, %dma_start3A_2327] : memref<25x64xi32, #tpu.memory_space<vmem>> -> memref<1x64xi32, #tpu.memory_space<vmem>>
        %dma_start3A_2329 = tpu.memref_squeeze %dma_start3A_2328 : memref<1x64xi32, #tpu.memory_space<vmem>> -> memref<64xi32, #tpu.memory_space<vmem>>
        %dma_start3A_2330 = arith.constant 0 : i32
        %dma_start3A_2331 = arith.constant 0 : i32
        %dma_start3A_2332 = tpu.memref_slice %arg3[%dma_start3A_2330, %dma_start3A_2331] : memref<1000000x32xf32, #tpu.memory_space<hbm>> -> memref<1000000x32xf32, #tpu.memory_space<hbm>>
        tpu.enqueue_indirect_dma source(%dma_start3A_2332 : memref<1000000x32xf32, #tpu.memory_space<hbm>>) target(%dma_start3A_2322 : memref<64x32xf32, #tpu.memory_space<vmem>>) offsets(%dma_start3A_2329 : memref<64xi32, #tpu.memory_space<vmem>>) semaphore(%arg9 : memref<!tpu.dma_semaphore, #tpu.memory_space<semaphore_mem>>)
        %dma_start3A_2333 = arith.constant 0 : i32
        %dma_start3A_2334 = arith.constant 19 : i32
        %dma_start3A_2335 = arith.constant 0 : i32
        %dma_start3A_2336 = arith.constant 19 : i32
        %dma_start3A_2337 = arith.constant 0 : i32
        %dma_start3A_2338 = arith.constant 0 : i32
        %dma_start3A_2339 = arith.constant 0 : i32
        %dma_start3A_2340 = tpu.memref_slice %arg6[%dma_start3A_2335, %dma_start3A_2337, %dma_start3A_2338, %dma_start3A_2339] : memref<2x25x64x32xf32, #tpu.memory_space<vmem>> -> memref<1x25x64x32xf32, #tpu.memory_space<vmem>>
        %dma_start3A_2341 = tpu.memref_squeeze %dma_start3A_2340 : memref<1x25x64x32xf32, #tpu.memory_space<vmem>> -> memref<25x64x32xf32, #tpu.memory_space<vmem>>
        %dma_start3A_2342 = arith.constant 0 : i32
        %dma_start3A_2343 = arith.constant 0 : i32
        %dma_start3A_2344 = tpu.memref_slice %dma_start3A_2341[%dma_start3A_2336, %dma_start3A_2342, %dma_start3A_2343] : memref<25x64x32xf32, #tpu.memory_space<vmem>> -> memref<1x64x32xf32, #tpu.memory_space<vmem>>
        %dma_start3A_2345 = tpu.memref_squeeze %dma_start3A_2344 : memref<1x64x32xf32, #tpu.memory_space<vmem>> -> memref<64x32xf32, #tpu.memory_space<vmem>>
        %dma_start3A_2346 = arith.constant 0 : i32
        %dma_start3A_2347 = arith.constant 0 : i32
        %dma_start3A_2348 = tpu.memref_slice %arg5[%dma_start3A_2333, %dma_start3A_2346, %dma_start3A_2347] : memref<2x25x64xi32, #tpu.memory_space<vmem>> -> memref<1x25x64xi32, #tpu.memory_space<vmem>>
        %dma_start3A_2349 = tpu.memref_squeeze %dma_start3A_2348 : memref<1x25x64xi32, #tpu.memory_space<vmem>> -> memref<25x64xi32, #tpu.memory_space<vmem>>
        %dma_start3A_2350 = arith.constant 0 : i32
        %dma_start3A_2351 = tpu.memref_slice %dma_start3A_2349[%dma_start3A_2334, %dma_start3A_2350] : memref<25x64xi32, #tpu.memory_space<vmem>> -> memref<1x64xi32, #tpu.memory_space<vmem>>
        %dma_start3A_2352 = tpu.memref_squeeze %dma_start3A_2351 : memref<1x64xi32, #tpu.memory_space<vmem>> -> memref<64xi32, #tpu.memory_space<vmem>>
        %dma_start3A_2353 = arith.constant 0 : i32
        %dma_start3A_2354 = arith.constant 0 : i32
        %dma_start3A_2355 = tpu.memref_slice %arg3[%dma_start3A_2353, %dma_start3A_2354] : memref<1000000x32xf32, #tpu.memory_space<hbm>> -> memref<1000000x32xf32, #tpu.memory_space<hbm>>
        tpu.enqueue_indirect_dma source(%dma_start3A_2355 : memref<1000000x32xf32, #tpu.memory_space<hbm>>) target(%dma_start3A_2345 : memref<64x32xf32, #tpu.memory_space<vmem>>) offsets(%dma_start3A_2352 : memref<64xi32, #tpu.memory_space<vmem>>) semaphore(%arg9 : memref<!tpu.dma_semaphore, #tpu.memory_space<semaphore_mem>>)
        %dma_start3A_2356 = arith.constant 0 : i32
        %dma_start3A_2357 = arith.constant 20 : i32
        %dma_start3A_2358 = arith.constant 0 : i32
        %dma_start3A_2359 = arith.constant 20 : i32
        %dma_start3A_2360 = arith.constant 0 : i32
        %dma_start3A_2361 = arith.constant 0 : i32
        %dma_start3A_2362 = arith.constant 0 : i32
        %dma_start3A_2363 = tpu.memref_slice %arg6[%dma_start3A_2358, %dma_start3A_2360, %dma_start3A_2361, %dma_start3A_2362] : memref<2x25x64x32xf32, #tpu.memory_space<vmem>> -> memref<1x25x64x32xf32, #tpu.memory_space<vmem>>
        %dma_start3A_2364 = tpu.memref_squeeze %dma_start3A_2363 : memref<1x25x64x32xf32, #tpu.memory_space<vmem>> -> memref<25x64x32xf32, #tpu.memory_space<vmem>>
        %dma_start3A_2365 = arith.constant 0 : i32
        %dma_start3A_2366 = arith.constant 0 : i32
        %dma_start3A_2367 = tpu.memref_slice %dma_start3A_2364[%dma_start3A_2359, %dma_start3A_2365, %dma_start3A_2366] : memref<25x64x32xf32, #tpu.memory_space<vmem>> -> memref<1x64x32xf32, #tpu.memory_space<vmem>>
        %dma_start3A_2368 = tpu.memref_squeeze %dma_start3A_2367 : memref<1x64x32xf32, #tpu.memory_space<vmem>> -> memref<64x32xf32, #tpu.memory_space<vmem>>
        %dma_start3A_2369 = arith.constant 0 : i32
        %dma_start3A_2370 = arith.constant 0 : i32
        %dma_start3A_2371 = tpu.memref_slice %arg5[%dma_start3A_2356, %dma_start3A_2369, %dma_start3A_2370] : memref<2x25x64xi32, #tpu.memory_space<vmem>> -> memref<1x25x64xi32, #tpu.memory_space<vmem>>
        %dma_start3A_2372 = tpu.memref_squeeze %dma_start3A_2371 : memref<1x25x64xi32, #tpu.memory_space<vmem>> -> memref<25x64xi32, #tpu.memory_space<vmem>>
        %dma_start3A_2373 = arith.constant 0 : i32
        %dma_start3A_2374 = tpu.memref_slice %dma_start3A_2372[%dma_start3A_2357, %dma_start3A_2373] : memref<25x64xi32, #tpu.memory_space<vmem>> -> memref<1x64xi32, #tpu.memory_space<vmem>>
        %dma_start3A_2375 = tpu.memref_squeeze %dma_start3A_2374 : memref<1x64xi32, #tpu.memory_space<vmem>> -> memref<64xi32, #tpu.memory_space<vmem>>
        %dma_start3A_2376 = arith.constant 0 : i32
        %dma_start3A_2377 = arith.constant 0 : i32
        %dma_start3A_2378 = tpu.memref_slice %arg3[%dma_start3A_2376, %dma_start3A_2377] : memref<1000000x32xf32, #tpu.memory_space<hbm>> -> memref<1000000x32xf32, #tpu.memory_space<hbm>>
        tpu.enqueue_indirect_dma source(%dma_start3A_2378 : memref<1000000x32xf32, #tpu.memory_space<hbm>>) target(%dma_start3A_2368 : memref<64x32xf32, #tpu.memory_space<vmem>>) offsets(%dma_start3A_2375 : memref<64xi32, #tpu.memory_space<vmem>>) semaphore(%arg9 : memref<!tpu.dma_semaphore, #tpu.memory_space<semaphore_mem>>)
        %dma_start3A_2379 = arith.constant 0 : i32
        %dma_start3A_2380 = arith.constant 21 : i32
        %dma_start3A_2381 = arith.constant 0 : i32
        %dma_start3A_2382 = arith.constant 21 : i32
        %dma_start3A_2383 = arith.constant 0 : i32
        %dma_start3A_2384 = arith.constant 0 : i32
        %dma_start3A_2385 = arith.constant 0 : i32
        %dma_start3A_2386 = tpu.memref_slice %arg6[%dma_start3A_2381, %dma_start3A_2383, %dma_start3A_2384, %dma_start3A_2385] : memref<2x25x64x32xf32, #tpu.memory_space<vmem>> -> memref<1x25x64x32xf32, #tpu.memory_space<vmem>>
        %dma_start3A_2387 = tpu.memref_squeeze %dma_start3A_2386 : memref<1x25x64x32xf32, #tpu.memory_space<vmem>> -> memref<25x64x32xf32, #tpu.memory_space<vmem>>
        %dma_start3A_2388 = arith.constant 0 : i32
        %dma_start3A_2389 = arith.constant 0 : i32
        %dma_start3A_2390 = tpu.memref_slice %dma_start3A_2387[%dma_start3A_2382, %dma_start3A_2388, %dma_start3A_2389] : memref<25x64x32xf32, #tpu.memory_space<vmem>> -> memref<1x64x32xf32, #tpu.memory_space<vmem>>
        %dma_start3A_2391 = tpu.memref_squeeze %dma_start3A_2390 : memref<1x64x32xf32, #tpu.memory_space<vmem>> -> memref<64x32xf32, #tpu.memory_space<vmem>>
        %dma_start3A_2392 = arith.constant 0 : i32
        %dma_start3A_2393 = arith.constant 0 : i32
        %dma_start3A_2394 = tpu.memref_slice %arg5[%dma_start3A_2379, %dma_start3A_2392, %dma_start3A_2393] : memref<2x25x64xi32, #tpu.memory_space<vmem>> -> memref<1x25x64xi32, #tpu.memory_space<vmem>>
        %dma_start3A_2395 = tpu.memref_squeeze %dma_start3A_2394 : memref<1x25x64xi32, #tpu.memory_space<vmem>> -> memref<25x64xi32, #tpu.memory_space<vmem>>
        %dma_start3A_2396 = arith.constant 0 : i32
        %dma_start3A_2397 = tpu.memref_slice %dma_start3A_2395[%dma_start3A_2380, %dma_start3A_2396] : memref<25x64xi32, #tpu.memory_space<vmem>> -> memref<1x64xi32, #tpu.memory_space<vmem>>
        %dma_start3A_2398 = tpu.memref_squeeze %dma_start3A_2397 : memref<1x64xi32, #tpu.memory_space<vmem>> -> memref<64xi32, #tpu.memory_space<vmem>>
        %dma_start3A_2399 = arith.constant 0 : i32
        %dma_start3A_2400 = arith.constant 0 : i32
        %dma_start3A_2401 = tpu.memref_slice %arg3[%dma_start3A_2399, %dma_start3A_2400] : memref<1000000x32xf32, #tpu.memory_space<hbm>> -> memref<1000000x32xf32, #tpu.memory_space<hbm>>
        tpu.enqueue_indirect_dma source(%dma_start3A_2401 : memref<1000000x32xf32, #tpu.memory_space<hbm>>) target(%dma_start3A_2391 : memref<64x32xf32, #tpu.memory_space<vmem>>) offsets(%dma_start3A_2398 : memref<64xi32, #tpu.memory_space<vmem>>) semaphore(%arg9 : memref<!tpu.dma_semaphore, #tpu.memory_space<semaphore_mem>>)
        %dma_start3A_2402 = arith.constant 0 : i32
        %dma_start3A_2403 = arith.constant 22 : i32
        %dma_start3A_2404 = arith.constant 0 : i32
        %dma_start3A_2405 = arith.constant 22 : i32
        %dma_start3A_2406 = arith.constant 0 : i32
        %dma_start3A_2407 = arith.constant 0 : i32
        %dma_start3A_2408 = arith.constant 0 : i32
        %dma_start3A_2409 = tpu.memref_slice %arg6[%dma_start3A_2404, %dma_start3A_2406, %dma_start3A_2407, %dma_start3A_2408] : memref<2x25x64x32xf32, #tpu.memory_space<vmem>> -> memref<1x25x64x32xf32, #tpu.memory_space<vmem>>
        %dma_start3A_2410 = tpu.memref_squeeze %dma_start3A_2409 : memref<1x25x64x32xf32, #tpu.memory_space<vmem>> -> memref<25x64x32xf32, #tpu.memory_space<vmem>>
        %dma_start3A_2411 = arith.constant 0 : i32
        %dma_start3A_2412 = arith.constant 0 : i32
        %dma_start3A_2413 = tpu.memref_slice %dma_start3A_2410[%dma_start3A_2405, %dma_start3A_2411, %dma_start3A_2412] : memref<25x64x32xf32, #tpu.memory_space<vmem>> -> memref<1x64x32xf32, #tpu.memory_space<vmem>>
        %dma_start3A_2414 = tpu.memref_squeeze %dma_start3A_2413 : memref<1x64x32xf32, #tpu.memory_space<vmem>> -> memref<64x32xf32, #tpu.memory_space<vmem>>
        %dma_start3A_2415 = arith.constant 0 : i32
        %dma_start3A_2416 = arith.constant 0 : i32
        %dma_start3A_2417 = tpu.memref_slice %arg5[%dma_start3A_2402, %dma_start3A_2415, %dma_start3A_2416] : memref<2x25x64xi32, #tpu.memory_space<vmem>> -> memref<1x25x64xi32, #tpu.memory_space<vmem>>
        %dma_start3A_2418 = tpu.memref_squeeze %dma_start3A_2417 : memref<1x25x64xi32, #tpu.memory_space<vmem>> -> memref<25x64xi32, #tpu.memory_space<vmem>>
        %dma_start3A_2419 = arith.constant 0 : i32
        %dma_start3A_2420 = tpu.memref_slice %dma_start3A_2418[%dma_start3A_2403, %dma_start3A_2419] : memref<25x64xi32, #tpu.memory_space<vmem>> -> memref<1x64xi32, #tpu.memory_space<vmem>>
        %dma_start3A_2421 = tpu.memref_squeeze %dma_start3A_2420 : memref<1x64xi32, #tpu.memory_space<vmem>> -> memref<64xi32, #tpu.memory_space<vmem>>
        %dma_start3A_2422 = arith.constant 0 : i32
        %dma_start3A_2423 = arith.constant 0 : i32
        %dma_start3A_2424 = tpu.memref_slice %arg3[%dma_start3A_2422, %dma_start3A_2423] : memref<1000000x32xf32, #tpu.memory_space<hbm>> -> memref<1000000x32xf32, #tpu.memory_space<hbm>>
        tpu.enqueue_indirect_dma source(%dma_start3A_2424 : memref<1000000x32xf32, #tpu.memory_space<hbm>>) target(%dma_start3A_2414 : memref<64x32xf32, #tpu.memory_space<vmem>>) offsets(%dma_start3A_2421 : memref<64xi32, #tpu.memory_space<vmem>>) semaphore(%arg9 : memref<!tpu.dma_semaphore, #tpu.memory_space<semaphore_mem>>)
        %dma_start3A_2425 = arith.constant 0 : i32
        %dma_start3A_2426 = arith.constant 23 : i32
        %dma_start3A_2427 = arith.constant 0 : i32
        %dma_start3A_2428 = arith.constant 23 : i32
        %dma_start3A_2429 = arith.constant 0 : i32
        %dma_start3A_2430 = arith.constant 0 : i32
        %dma_start3A_2431 = arith.constant 0 : i32
        %dma_start3A_2432 = tpu.memref_slice %arg6[%dma_start3A_2427, %dma_start3A_2429, %dma_start3A_2430, %dma_start3A_2431] : memref<2x25x64x32xf32, #tpu.memory_space<vmem>> -> memref<1x25x64x32xf32, #tpu.memory_space<vmem>>
        %dma_start3A_2433 = tpu.memref_squeeze %dma_start3A_2432 : memref<1x25x64x32xf32, #tpu.memory_space<vmem>> -> memref<25x64x32xf32, #tpu.memory_space<vmem>>
        %dma_start3A_2434 = arith.constant 0 : i32
        %dma_start3A_2435 = arith.constant 0 : i32
        %dma_start3A_2436 = tpu.memref_slice %dma_start3A_2433[%dma_start3A_2428, %dma_start3A_2434, %dma_start3A_2435] : memref<25x64x32xf32, #tpu.memory_space<vmem>> -> memref<1x64x32xf32, #tpu.memory_space<vmem>>
        %dma_start3A_2437 = tpu.memref_squeeze %dma_start3A_2436 : memref<1x64x32xf32, #tpu.memory_space<vmem>> -> memref<64x32xf32, #tpu.memory_space<vmem>>
        %dma_start3A_2438 = arith.constant 0 : i32
        %dma_start3A_2439 = arith.constant 0 : i32
        %dma_start3A_2440 = tpu.memref_slice %arg5[%dma_start3A_2425, %dma_start3A_2438, %dma_start3A_2439] : memref<2x25x64xi32, #tpu.memory_space<vmem>> -> memref<1x25x64xi32, #tpu.memory_space<vmem>>
        %dma_start3A_2441 = tpu.memref_squeeze %dma_start3A_2440 : memref<1x25x64xi32, #tpu.memory_space<vmem>> -> memref<25x64xi32, #tpu.memory_space<vmem>>
        %dma_start3A_2442 = arith.constant 0 : i32
        %dma_start3A_2443 = tpu.memref_slice %dma_start3A_2441[%dma_start3A_2426, %dma_start3A_2442] : memref<25x64xi32, #tpu.memory_space<vmem>> -> memref<1x64xi32, #tpu.memory_space<vmem>>
        %dma_start3A_2444 = tpu.memref_squeeze %dma_start3A_2443 : memref<1x64xi32, #tpu.memory_space<vmem>> -> memref<64xi32, #tpu.memory_space<vmem>>
        %dma_start3A_2445 = arith.constant 0 : i32
        %dma_start3A_2446 = arith.constant 0 : i32
        %dma_start3A_2447 = tpu.memref_slice %arg3[%dma_start3A_2445, %dma_start3A_2446] : memref<1000000x32xf32, #tpu.memory_space<hbm>> -> memref<1000000x32xf32, #tpu.memory_space<hbm>>
        tpu.enqueue_indirect_dma source(%dma_start3A_2447 : memref<1000000x32xf32, #tpu.memory_space<hbm>>) target(%dma_start3A_2437 : memref<64x32xf32, #tpu.memory_space<vmem>>) offsets(%dma_start3A_2444 : memref<64xi32, #tpu.memory_space<vmem>>) semaphore(%arg9 : memref<!tpu.dma_semaphore, #tpu.memory_space<semaphore_mem>>)
        %dma_start3A_2448 = arith.constant 0 : i32
        %dma_start3A_2449 = arith.constant 24 : i32
        %dma_start3A_2450 = arith.constant 0 : i32
        %dma_start3A_2451 = arith.constant 24 : i32
        %dma_start3A_2452 = arith.constant 0 : i32
        %dma_start3A_2453 = arith.constant 0 : i32
        %dma_start3A_2454 = arith.constant 0 : i32
        %dma_start3A_2455 = tpu.memref_slice %arg6[%dma_start3A_2450, %dma_start3A_2452, %dma_start3A_2453, %dma_start3A_2454] : memref<2x25x64x32xf32, #tpu.memory_space<vmem>> -> memref<1x25x64x32xf32, #tpu.memory_space<vmem>>
        %dma_start3A_2456 = tpu.memref_squeeze %dma_start3A_2455 : memref<1x25x64x32xf32, #tpu.memory_space<vmem>> -> memref<25x64x32xf32, #tpu.memory_space<vmem>>
        %dma_start3A_2457 = arith.constant 0 : i32
        %dma_start3A_2458 = arith.constant 0 : i32
        %dma_start3A_2459 = tpu.memref_slice %dma_start3A_2456[%dma_start3A_2451, %dma_start3A_2457, %dma_start3A_2458] : memref<25x64x32xf32, #tpu.memory_space<vmem>> -> memref<1x64x32xf32, #tpu.memory_space<vmem>>
        %dma_start3A_2460 = tpu.memref_squeeze %dma_start3A_2459 : memref<1x64x32xf32, #tpu.memory_space<vmem>> -> memref<64x32xf32, #tpu.memory_space<vmem>>
        %dma_start3A_2461 = arith.constant 0 : i32
        %dma_start3A_2462 = arith.constant 0 : i32
        %dma_start3A_2463 = tpu.memref_slice %arg5[%dma_start3A_2448, %dma_start3A_2461, %dma_start3A_2462] : memref<2x25x64xi32, #tpu.memory_space<vmem>> -> memref<1x25x64xi32, #tpu.memory_space<vmem>>
        %dma_start3A_2464 = tpu.memref_squeeze %dma_start3A_2463 : memref<1x25x64xi32, #tpu.memory_space<vmem>> -> memref<25x64xi32, #tpu.memory_space<vmem>>
        %dma_start3A_2465 = arith.constant 0 : i32
        %dma_start3A_2466 = tpu.memref_slice %dma_start3A_2464[%dma_start3A_2449, %dma_start3A_2465] : memref<25x64xi32, #tpu.memory_space<vmem>> -> memref<1x64xi32, #tpu.memory_space<vmem>>
        %dma_start3A_2467 = tpu.memref_squeeze %dma_start3A_2466 : memref<1x64xi32, #tpu.memory_space<vmem>> -> memref<64xi32, #tpu.memory_space<vmem>>
        %dma_start3A_2468 = arith.constant 0 : i32
        %dma_start3A_2469 = arith.constant 0 : i32
        %dma_start3A_2470 = tpu.memref_slice %arg3[%dma_start3A_2468, %dma_start3A_2469] : memref<1000000x32xf32, #tpu.memory_space<hbm>> -> memref<1000000x32xf32, #tpu.memory_space<hbm>>
        tpu.enqueue_indirect_dma source(%dma_start3A_2470 : memref<1000000x32xf32, #tpu.memory_space<hbm>>) target(%dma_start3A_2460 : memref<64x32xf32, #tpu.memory_space<vmem>>) offsets(%dma_start3A_2467 : memref<64xi32, #tpu.memory_space<vmem>>) semaphore(%arg9 : memref<!tpu.dma_semaphore, #tpu.memory_space<semaphore_mem>>)
      } else {
      }
      %dma_wait3A_1276 = arith.constant 1 : i32
      %dma_wait3A_1277 = arith.constant 0 : i32
      %dma_wait3A_1278 = arith.constant 1 : i32
      %dma_wait3A_1279 = arith.constant 0 : i32
      %dma_wait3A_1280 = arith.constant 0 : i32
      %dma_wait3A_1281 = arith.constant 0 : i32
      %dma_wait3A_1282 = arith.constant 0 : i32
      %dma_wait3A_1283 = tpu.memref_slice %arg6[%dma_wait3A_1278, %dma_wait3A_1280, %dma_wait3A_1281, %dma_wait3A_1282] : memref<2x25x64x32xf32, #tpu.memory_space<vmem>> -> memref<1x25x64x32xf32, #tpu.memory_space<vmem>>
      %dma_wait3A_1284 = tpu.memref_squeeze %dma_wait3A_1283 : memref<1x25x64x32xf32, #tpu.memory_space<vmem>> -> memref<25x64x32xf32, #tpu.memory_space<vmem>>
      %dma_wait3A_1285 = arith.constant 0 : i32
      %dma_wait3A_1286 = arith.constant 0 : i32
      %dma_wait3A_1287 = tpu.memref_slice %dma_wait3A_1284[%dma_wait3A_1279, %dma_wait3A_1285, %dma_wait3A_1286] : memref<25x64x32xf32, #tpu.memory_space<vmem>> -> memref<1x64x32xf32, #tpu.memory_space<vmem>>
      %dma_wait3A_1288 = tpu.memref_squeeze %dma_wait3A_1287 : memref<1x64x32xf32, #tpu.memory_space<vmem>> -> memref<64x32xf32, #tpu.memory_space<vmem>>
      %dma_wait3A_1289 = arith.constant 0 : i32
      %dma_wait3A_1290 = arith.constant 0 : i32
      %dma_wait3A_1291 = tpu.memref_slice %arg5[%dma_wait3A_1276, %dma_wait3A_1289, %dma_wait3A_1290] : memref<2x25x64xi32, #tpu.memory_space<vmem>> -> memref<1x25x64xi32, #tpu.memory_space<vmem>>
      %dma_wait3A_1292 = tpu.memref_squeeze %dma_wait3A_1291 : memref<1x25x64xi32, #tpu.memory_space<vmem>> -> memref<25x64xi32, #tpu.memory_space<vmem>>
      %dma_wait3A_1293 = arith.constant 0 : i32
      %dma_wait3A_1294 = tpu.memref_slice %dma_wait3A_1292[%dma_wait3A_1277, %dma_wait3A_1293] : memref<25x64xi32, #tpu.memory_space<vmem>> -> memref<1x64xi32, #tpu.memory_space<vmem>>
      %dma_wait3A_1295 = tpu.memref_squeeze %dma_wait3A_1294 : memref<1x64xi32, #tpu.memory_space<vmem>> -> memref<64xi32, #tpu.memory_space<vmem>>
      %dma_wait3A_1296 = arith.constant 0 : i32
      %dma_wait3A_1297 = arith.constant 0 : i32
      %dma_wait3A_1298 = tpu.memref_slice %arg3[%dma_wait3A_1296, %dma_wait3A_1297] : memref<1000000x32xf32, #tpu.memory_space<hbm>> -> memref<1000000x32xf32, #tpu.memory_space<hbm>>
      tpu.wait_indirect_dma semaphore(%arg10 : memref<!tpu.dma_semaphore, #tpu.memory_space<semaphore_mem>>) src(%dma_wait3A_1298 : memref<1000000x32xf32, #tpu.memory_space<hbm>>) dst(%dma_wait3A_1288 : memref<64x32xf32, #tpu.memory_space<vmem>>)
      %dma_wait3A_1299 = arith.constant 1 : i32
      %dma_wait3A_1300 = arith.constant 1 : i32
      %dma_wait3A_1301 = arith.constant 1 : i32
      %dma_wait3A_1302 = arith.constant 1 : i32
      %dma_wait3A_1303 = arith.constant 0 : i32
      %dma_wait3A_1304 = arith.constant 0 : i32
      %dma_wait3A_1305 = arith.constant 0 : i32
      %dma_wait3A_1306 = tpu.memref_slice %arg6[%dma_wait3A_1301, %dma_wait3A_1303, %dma_wait3A_1304, %dma_wait3A_1305] : memref<2x25x64x32xf32, #tpu.memory_space<vmem>> -> memref<1x25x64x32xf32, #tpu.memory_space<vmem>>
      %dma_wait3A_1307 = tpu.memref_squeeze %dma_wait3A_1306 : memref<1x25x64x32xf32, #tpu.memory_space<vmem>> -> memref<25x64x32xf32, #tpu.memory_space<vmem>>
      %dma_wait3A_1308 = arith.constant 0 : i32
      %dma_wait3A_1309 = arith.constant 0 : i32
      %dma_wait3A_1310 = tpu.memref_slice %dma_wait3A_1307[%dma_wait3A_1302, %dma_wait3A_1308, %dma_wait3A_1309] : memref<25x64x32xf32, #tpu.memory_space<vmem>> -> memref<1x64x32xf32, #tpu.memory_space<vmem>>
      %dma_wait3A_1311 = tpu.memref_squeeze %dma_wait3A_1310 : memref<1x64x32xf32, #tpu.memory_space<vmem>> -> memref<64x32xf32, #tpu.memory_space<vmem>>
      %dma_wait3A_1312 = arith.constant 0 : i32
      %dma_wait3A_1313 = arith.constant 0 : i32
      %dma_wait3A_1314 = tpu.memref_slice %arg5[%dma_wait3A_1299, %dma_wait3A_1312, %dma_wait3A_1313] : memref<2x25x64xi32, #tpu.memory_space<vmem>> -> memref<1x25x64xi32, #tpu.memory_space<vmem>>
      %dma_wait3A_1315 = tpu.memref_squeeze %dma_wait3A_1314 : memref<1x25x64xi32, #tpu.memory_space<vmem>> -> memref<25x64xi32, #tpu.memory_space<vmem>>
      %dma_wait3A_1316 = arith.constant 0 : i32
      %dma_wait3A_1317 = tpu.memref_slice %dma_wait3A_1315[%dma_wait3A_1300, %dma_wait3A_1316] : memref<25x64xi32, #tpu.memory_space<vmem>> -> memref<1x64xi32, #tpu.memory_space<vmem>>
      %dma_wait3A_1318 = tpu.memref_squeeze %dma_wait3A_1317 : memref<1x64xi32, #tpu.memory_space<vmem>> -> memref<64xi32, #tpu.memory_space<vmem>>
      %dma_wait3A_1319 = arith.constant 0 : i32
      %dma_wait3A_1320 = arith.constant 0 : i32
      %dma_wait3A_1321 = tpu.memref_slice %arg3[%dma_wait3A_1319, %dma_wait3A_1320] : memref<1000000x32xf32, #tpu.memory_space<hbm>> -> memref<1000000x32xf32, #tpu.memory_space<hbm>>
      tpu.wait_indirect_dma semaphore(%arg10 : memref<!tpu.dma_semaphore, #tpu.memory_space<semaphore_mem>>) src(%dma_wait3A_1321 : memref<1000000x32xf32, #tpu.memory_space<hbm>>) dst(%dma_wait3A_1311 : memref<64x32xf32, #tpu.memory_space<vmem>>)
      %dma_wait3A_1322 = arith.constant 1 : i32
      %dma_wait3A_1323 = arith.constant 2 : i32
      %dma_wait3A_1324 = arith.constant 1 : i32
      %dma_wait3A_1325 = arith.constant 2 : i32
      %dma_wait3A_1326 = arith.constant 0 : i32
      %dma_wait3A_1327 = arith.constant 0 : i32
      %dma_wait3A_1328 = arith.constant 0 : i32
      %dma_wait3A_1329 = tpu.memref_slice %arg6[%dma_wait3A_1324, %dma_wait3A_1326, %dma_wait3A_1327, %dma_wait3A_1328] : memref<2x25x64x32xf32, #tpu.memory_space<vmem>> -> memref<1x25x64x32xf32, #tpu.memory_space<vmem>>
      %dma_wait3A_1330 = tpu.memref_squeeze %dma_wait3A_1329 : memref<1x25x64x32xf32, #tpu.memory_space<vmem>> -> memref<25x64x32xf32, #tpu.memory_space<vmem>>
      %dma_wait3A_1331 = arith.constant 0 : i32
      %dma_wait3A_1332 = arith.constant 0 : i32
      %dma_wait3A_1333 = tpu.memref_slice %dma_wait3A_1330[%dma_wait3A_1325, %dma_wait3A_1331, %dma_wait3A_1332] : memref<25x64x32xf32, #tpu.memory_space<vmem>> -> memref<1x64x32xf32, #tpu.memory_space<vmem>>
      %dma_wait3A_1334 = tpu.memref_squeeze %dma_wait3A_1333 : memref<1x64x32xf32, #tpu.memory_space<vmem>> -> memref<64x32xf32, #tpu.memory_space<vmem>>
      %dma_wait3A_1335 = arith.constant 0 : i32
      %dma_wait3A_1336 = arith.constant 0 : i32
      %dma_wait3A_1337 = tpu.memref_slice %arg5[%dma_wait3A_1322, %dma_wait3A_1335, %dma_wait3A_1336] : memref<2x25x64xi32, #tpu.memory_space<vmem>> -> memref<1x25x64xi32, #tpu.memory_space<vmem>>
      %dma_wait3A_1338 = tpu.memref_squeeze %dma_wait3A_1337 : memref<1x25x64xi32, #tpu.memory_space<vmem>> -> memref<25x64xi32, #tpu.memory_space<vmem>>
      %dma_wait3A_1339 = arith.constant 0 : i32
      %dma_wait3A_1340 = tpu.memref_slice %dma_wait3A_1338[%dma_wait3A_1323, %dma_wait3A_1339] : memref<25x64xi32, #tpu.memory_space<vmem>> -> memref<1x64xi32, #tpu.memory_space<vmem>>
      %dma_wait3A_1341 = tpu.memref_squeeze %dma_wait3A_1340 : memref<1x64xi32, #tpu.memory_space<vmem>> -> memref<64xi32, #tpu.memory_space<vmem>>
      %dma_wait3A_1342 = arith.constant 0 : i32
      %dma_wait3A_1343 = arith.constant 0 : i32
      %dma_wait3A_1344 = tpu.memref_slice %arg3[%dma_wait3A_1342, %dma_wait3A_1343] : memref<1000000x32xf32, #tpu.memory_space<hbm>> -> memref<1000000x32xf32, #tpu.memory_space<hbm>>
      tpu.wait_indirect_dma semaphore(%arg10 : memref<!tpu.dma_semaphore, #tpu.memory_space<semaphore_mem>>) src(%dma_wait3A_1344 : memref<1000000x32xf32, #tpu.memory_space<hbm>>) dst(%dma_wait3A_1334 : memref<64x32xf32, #tpu.memory_space<vmem>>)
      %dma_wait3A_1345 = arith.constant 1 : i32
      %dma_wait3A_1346 = arith.constant 3 : i32
      %dma_wait3A_1347 = arith.constant 1 : i32
      %dma_wait3A_1348 = arith.constant 3 : i32
      %dma_wait3A_1349 = arith.constant 0 : i32
      %dma_wait3A_1350 = arith.constant 0 : i32
      %dma_wait3A_1351 = arith.constant 0 : i32
      %dma_wait3A_1352 = tpu.memref_slice %arg6[%dma_wait3A_1347, %dma_wait3A_1349, %dma_wait3A_1350, %dma_wait3A_1351] : memref<2x25x64x32xf32, #tpu.memory_space<vmem>> -> memref<1x25x64x32xf32, #tpu.memory_space<vmem>>
      %dma_wait3A_1353 = tpu.memref_squeeze %dma_wait3A_1352 : memref<1x25x64x32xf32, #tpu.memory_space<vmem>> -> memref<25x64x32xf32, #tpu.memory_space<vmem>>
      %dma_wait3A_1354 = arith.constant 0 : i32
      %dma_wait3A_1355 = arith.constant 0 : i32
      %dma_wait3A_1356 = tpu.memref_slice %dma_wait3A_1353[%dma_wait3A_1348, %dma_wait3A_1354, %dma_wait3A_1355] : memref<25x64x32xf32, #tpu.memory_space<vmem>> -> memref<1x64x32xf32, #tpu.memory_space<vmem>>
      %dma_wait3A_1357 = tpu.memref_squeeze %dma_wait3A_1356 : memref<1x64x32xf32, #tpu.memory_space<vmem>> -> memref<64x32xf32, #tpu.memory_space<vmem>>
      %dma_wait3A_1358 = arith.constant 0 : i32
      %dma_wait3A_1359 = arith.constant 0 : i32
      %dma_wait3A_1360 = tpu.memref_slice %arg5[%dma_wait3A_1345, %dma_wait3A_1358, %dma_wait3A_1359] : memref<2x25x64xi32, #tpu.memory_space<vmem>> -> memref<1x25x64xi32, #tpu.memory_space<vmem>>
      %dma_wait3A_1361 = tpu.memref_squeeze %dma_wait3A_1360 : memref<1x25x64xi32, #tpu.memory_space<vmem>> -> memref<25x64xi32, #tpu.memory_space<vmem>>
      %dma_wait3A_1362 = arith.constant 0 : i32
      %dma_wait3A_1363 = tpu.memref_slice %dma_wait3A_1361[%dma_wait3A_1346, %dma_wait3A_1362] : memref<25x64xi32, #tpu.memory_space<vmem>> -> memref<1x64xi32, #tpu.memory_space<vmem>>
      %dma_wait3A_1364 = tpu.memref_squeeze %dma_wait3A_1363 : memref<1x64xi32, #tpu.memory_space<vmem>> -> memref<64xi32, #tpu.memory_space<vmem>>
      %dma_wait3A_1365 = arith.constant 0 : i32
      %dma_wait3A_1366 = arith.constant 0 : i32
      %dma_wait3A_1367 = tpu.memref_slice %arg3[%dma_wait3A_1365, %dma_wait3A_1366] : memref<1000000x32xf32, #tpu.memory_space<hbm>> -> memref<1000000x32xf32, #tpu.memory_space<hbm>>
      tpu.wait_indirect_dma semaphore(%arg10 : memref<!tpu.dma_semaphore, #tpu.memory_space<semaphore_mem>>) src(%dma_wait3A_1367 : memref<1000000x32xf32, #tpu.memory_space<hbm>>) dst(%dma_wait3A_1357 : memref<64x32xf32, #tpu.memory_space<vmem>>)
      %dma_wait3A_1368 = arith.constant 1 : i32
      %dma_wait3A_1369 = arith.constant 4 : i32
      %dma_wait3A_1370 = arith.constant 1 : i32
      %dma_wait3A_1371 = arith.constant 4 : i32
      %dma_wait3A_1372 = arith.constant 0 : i32
      %dma_wait3A_1373 = arith.constant 0 : i32
      %dma_wait3A_1374 = arith.constant 0 : i32
      %dma_wait3A_1375 = tpu.memref_slice %arg6[%dma_wait3A_1370, %dma_wait3A_1372, %dma_wait3A_1373, %dma_wait3A_1374] : memref<2x25x64x32xf32, #tpu.memory_space<vmem>> -> memref<1x25x64x32xf32, #tpu.memory_space<vmem>>
      %dma_wait3A_1376 = tpu.memref_squeeze %dma_wait3A_1375 : memref<1x25x64x32xf32, #tpu.memory_space<vmem>> -> memref<25x64x32xf32, #tpu.memory_space<vmem>>
      %dma_wait3A_1377 = arith.constant 0 : i32
      %dma_wait3A_1378 = arith.constant 0 : i32
      %dma_wait3A_1379 = tpu.memref_slice %dma_wait3A_1376[%dma_wait3A_1371, %dma_wait3A_1377, %dma_wait3A_1378] : memref<25x64x32xf32, #tpu.memory_space<vmem>> -> memref<1x64x32xf32, #tpu.memory_space<vmem>>
      %dma_wait3A_1380 = tpu.memref_squeeze %dma_wait3A_1379 : memref<1x64x32xf32, #tpu.memory_space<vmem>> -> memref<64x32xf32, #tpu.memory_space<vmem>>
      %dma_wait3A_1381 = arith.constant 0 : i32
      %dma_wait3A_1382 = arith.constant 0 : i32
      %dma_wait3A_1383 = tpu.memref_slice %arg5[%dma_wait3A_1368, %dma_wait3A_1381, %dma_wait3A_1382] : memref<2x25x64xi32, #tpu.memory_space<vmem>> -> memref<1x25x64xi32, #tpu.memory_space<vmem>>
      %dma_wait3A_1384 = tpu.memref_squeeze %dma_wait3A_1383 : memref<1x25x64xi32, #tpu.memory_space<vmem>> -> memref<25x64xi32, #tpu.memory_space<vmem>>
      %dma_wait3A_1385 = arith.constant 0 : i32
      %dma_wait3A_1386 = tpu.memref_slice %dma_wait3A_1384[%dma_wait3A_1369, %dma_wait3A_1385] : memref<25x64xi32, #tpu.memory_space<vmem>> -> memref<1x64xi32, #tpu.memory_space<vmem>>
      %dma_wait3A_1387 = tpu.memref_squeeze %dma_wait3A_1386 : memref<1x64xi32, #tpu.memory_space<vmem>> -> memref<64xi32, #tpu.memory_space<vmem>>
      %dma_wait3A_1388 = arith.constant 0 : i32
      %dma_wait3A_1389 = arith.constant 0 : i32
      %dma_wait3A_1390 = tpu.memref_slice %arg3[%dma_wait3A_1388, %dma_wait3A_1389] : memref<1000000x32xf32, #tpu.memory_space<hbm>> -> memref<1000000x32xf32, #tpu.memory_space<hbm>>
      tpu.wait_indirect_dma semaphore(%arg10 : memref<!tpu.dma_semaphore, #tpu.memory_space<semaphore_mem>>) src(%dma_wait3A_1390 : memref<1000000x32xf32, #tpu.memory_space<hbm>>) dst(%dma_wait3A_1380 : memref<64x32xf32, #tpu.memory_space<vmem>>)
      %dma_wait3A_1391 = arith.constant 1 : i32
      %dma_wait3A_1392 = arith.constant 5 : i32
      %dma_wait3A_1393 = arith.constant 1 : i32
      %dma_wait3A_1394 = arith.constant 5 : i32
      %dma_wait3A_1395 = arith.constant 0 : i32
      %dma_wait3A_1396 = arith.constant 0 : i32
      %dma_wait3A_1397 = arith.constant 0 : i32
      %dma_wait3A_1398 = tpu.memref_slice %arg6[%dma_wait3A_1393, %dma_wait3A_1395, %dma_wait3A_1396, %dma_wait3A_1397] : memref<2x25x64x32xf32, #tpu.memory_space<vmem>> -> memref<1x25x64x32xf32, #tpu.memory_space<vmem>>
      %dma_wait3A_1399 = tpu.memref_squeeze %dma_wait3A_1398 : memref<1x25x64x32xf32, #tpu.memory_space<vmem>> -> memref<25x64x32xf32, #tpu.memory_space<vmem>>
      %dma_wait3A_1400 = arith.constant 0 : i32
      %dma_wait3A_1401 = arith.constant 0 : i32
      %dma_wait3A_1402 = tpu.memref_slice %dma_wait3A_1399[%dma_wait3A_1394, %dma_wait3A_1400, %dma_wait3A_1401] : memref<25x64x32xf32, #tpu.memory_space<vmem>> -> memref<1x64x32xf32, #tpu.memory_space<vmem>>
      %dma_wait3A_1403 = tpu.memref_squeeze %dma_wait3A_1402 : memref<1x64x32xf32, #tpu.memory_space<vmem>> -> memref<64x32xf32, #tpu.memory_space<vmem>>
      %dma_wait3A_1404 = arith.constant 0 : i32
      %dma_wait3A_1405 = arith.constant 0 : i32
      %dma_wait3A_1406 = tpu.memref_slice %arg5[%dma_wait3A_1391, %dma_wait3A_1404, %dma_wait3A_1405] : memref<2x25x64xi32, #tpu.memory_space<vmem>> -> memref<1x25x64xi32, #tpu.memory_space<vmem>>
      %dma_wait3A_1407 = tpu.memref_squeeze %dma_wait3A_1406 : memref<1x25x64xi32, #tpu.memory_space<vmem>> -> memref<25x64xi32, #tpu.memory_space<vmem>>
      %dma_wait3A_1408 = arith.constant 0 : i32
      %dma_wait3A_1409 = tpu.memref_slice %dma_wait3A_1407[%dma_wait3A_1392, %dma_wait3A_1408] : memref<25x64xi32, #tpu.memory_space<vmem>> -> memref<1x64xi32, #tpu.memory_space<vmem>>
      %dma_wait3A_1410 = tpu.memref_squeeze %dma_wait3A_1409 : memref<1x64xi32, #tpu.memory_space<vmem>> -> memref<64xi32, #tpu.memory_space<vmem>>
      %dma_wait3A_1411 = arith.constant 0 : i32
      %dma_wait3A_1412 = arith.constant 0 : i32
      %dma_wait3A_1413 = tpu.memref_slice %arg3[%dma_wait3A_1411, %dma_wait3A_1412] : memref<1000000x32xf32, #tpu.memory_space<hbm>> -> memref<1000000x32xf32, #tpu.memory_space<hbm>>
      tpu.wait_indirect_dma semaphore(%arg10 : memref<!tpu.dma_semaphore, #tpu.memory_space<semaphore_mem>>) src(%dma_wait3A_1413 : memref<1000000x32xf32, #tpu.memory_space<hbm>>) dst(%dma_wait3A_1403 : memref<64x32xf32, #tpu.memory_space<vmem>>)
      %dma_wait3A_1414 = arith.constant 1 : i32
      %dma_wait3A_1415 = arith.constant 6 : i32
      %dma_wait3A_1416 = arith.constant 1 : i32
      %dma_wait3A_1417 = arith.constant 6 : i32
      %dma_wait3A_1418 = arith.constant 0 : i32
      %dma_wait3A_1419 = arith.constant 0 : i32
      %dma_wait3A_1420 = arith.constant 0 : i32
      %dma_wait3A_1421 = tpu.memref_slice %arg6[%dma_wait3A_1416, %dma_wait3A_1418, %dma_wait3A_1419, %dma_wait3A_1420] : memref<2x25x64x32xf32, #tpu.memory_space<vmem>> -> memref<1x25x64x32xf32, #tpu.memory_space<vmem>>
      %dma_wait3A_1422 = tpu.memref_squeeze %dma_wait3A_1421 : memref<1x25x64x32xf32, #tpu.memory_space<vmem>> -> memref<25x64x32xf32, #tpu.memory_space<vmem>>
      %dma_wait3A_1423 = arith.constant 0 : i32
      %dma_wait3A_1424 = arith.constant 0 : i32
      %dma_wait3A_1425 = tpu.memref_slice %dma_wait3A_1422[%dma_wait3A_1417, %dma_wait3A_1423, %dma_wait3A_1424] : memref<25x64x32xf32, #tpu.memory_space<vmem>> -> memref<1x64x32xf32, #tpu.memory_space<vmem>>
      %dma_wait3A_1426 = tpu.memref_squeeze %dma_wait3A_1425 : memref<1x64x32xf32, #tpu.memory_space<vmem>> -> memref<64x32xf32, #tpu.memory_space<vmem>>
      %dma_wait3A_1427 = arith.constant 0 : i32
      %dma_wait3A_1428 = arith.constant 0 : i32
      %dma_wait3A_1429 = tpu.memref_slice %arg5[%dma_wait3A_1414, %dma_wait3A_1427, %dma_wait3A_1428] : memref<2x25x64xi32, #tpu.memory_space<vmem>> -> memref<1x25x64xi32, #tpu.memory_space<vmem>>
      %dma_wait3A_1430 = tpu.memref_squeeze %dma_wait3A_1429 : memref<1x25x64xi32, #tpu.memory_space<vmem>> -> memref<25x64xi32, #tpu.memory_space<vmem>>
      %dma_wait3A_1431 = arith.constant 0 : i32
      %dma_wait3A_1432 = tpu.memref_slice %dma_wait3A_1430[%dma_wait3A_1415, %dma_wait3A_1431] : memref<25x64xi32, #tpu.memory_space<vmem>> -> memref<1x64xi32, #tpu.memory_space<vmem>>
      %dma_wait3A_1433 = tpu.memref_squeeze %dma_wait3A_1432 : memref<1x64xi32, #tpu.memory_space<vmem>> -> memref<64xi32, #tpu.memory_space<vmem>>
      %dma_wait3A_1434 = arith.constant 0 : i32
      %dma_wait3A_1435 = arith.constant 0 : i32
      %dma_wait3A_1436 = tpu.memref_slice %arg3[%dma_wait3A_1434, %dma_wait3A_1435] : memref<1000000x32xf32, #tpu.memory_space<hbm>> -> memref<1000000x32xf32, #tpu.memory_space<hbm>>
      tpu.wait_indirect_dma semaphore(%arg10 : memref<!tpu.dma_semaphore, #tpu.memory_space<semaphore_mem>>) src(%dma_wait3A_1436 : memref<1000000x32xf32, #tpu.memory_space<hbm>>) dst(%dma_wait3A_1426 : memref<64x32xf32, #tpu.memory_space<vmem>>)
      %dma_wait3A_1437 = arith.constant 1 : i32
      %dma_wait3A_1438 = arith.constant 7 : i32
      %dma_wait3A_1439 = arith.constant 1 : i32
      %dma_wait3A_1440 = arith.constant 7 : i32
      %dma_wait3A_1441 = arith.constant 0 : i32
      %dma_wait3A_1442 = arith.constant 0 : i32
      %dma_wait3A_1443 = arith.constant 0 : i32
      %dma_wait3A_1444 = tpu.memref_slice %arg6[%dma_wait3A_1439, %dma_wait3A_1441, %dma_wait3A_1442, %dma_wait3A_1443] : memref<2x25x64x32xf32, #tpu.memory_space<vmem>> -> memref<1x25x64x32xf32, #tpu.memory_space<vmem>>
      %dma_wait3A_1445 = tpu.memref_squeeze %dma_wait3A_1444 : memref<1x25x64x32xf32, #tpu.memory_space<vmem>> -> memref<25x64x32xf32, #tpu.memory_space<vmem>>
      %dma_wait3A_1446 = arith.constant 0 : i32
      %dma_wait3A_1447 = arith.constant 0 : i32
      %dma_wait3A_1448 = tpu.memref_slice %dma_wait3A_1445[%dma_wait3A_1440, %dma_wait3A_1446, %dma_wait3A_1447] : memref<25x64x32xf32, #tpu.memory_space<vmem>> -> memref<1x64x32xf32, #tpu.memory_space<vmem>>
      %dma_wait3A_1449 = tpu.memref_squeeze %dma_wait3A_1448 : memref<1x64x32xf32, #tpu.memory_space<vmem>> -> memref<64x32xf32, #tpu.memory_space<vmem>>
      %dma_wait3A_1450 = arith.constant 0 : i32
      %dma_wait3A_1451 = arith.constant 0 : i32
      %dma_wait3A_1452 = tpu.memref_slice %arg5[%dma_wait3A_1437, %dma_wait3A_1450, %dma_wait3A_1451] : memref<2x25x64xi32, #tpu.memory_space<vmem>> -> memref<1x25x64xi32, #tpu.memory_space<vmem>>
      %dma_wait3A_1453 = tpu.memref_squeeze %dma_wait3A_1452 : memref<1x25x64xi32, #tpu.memory_space<vmem>> -> memref<25x64xi32, #tpu.memory_space<vmem>>
      %dma_wait3A_1454 = arith.constant 0 : i32
      %dma_wait3A_1455 = tpu.memref_slice %dma_wait3A_1453[%dma_wait3A_1438, %dma_wait3A_1454] : memref<25x64xi32, #tpu.memory_space<vmem>> -> memref<1x64xi32, #tpu.memory_space<vmem>>
      %dma_wait3A_1456 = tpu.memref_squeeze %dma_wait3A_1455 : memref<1x64xi32, #tpu.memory_space<vmem>> -> memref<64xi32, #tpu.memory_space<vmem>>
      %dma_wait3A_1457 = arith.constant 0 : i32
      %dma_wait3A_1458 = arith.constant 0 : i32
      %dma_wait3A_1459 = tpu.memref_slice %arg3[%dma_wait3A_1457, %dma_wait3A_1458] : memref<1000000x32xf32, #tpu.memory_space<hbm>> -> memref<1000000x32xf32, #tpu.memory_space<hbm>>
      tpu.wait_indirect_dma semaphore(%arg10 : memref<!tpu.dma_semaphore, #tpu.memory_space<semaphore_mem>>) src(%dma_wait3A_1459 : memref<1000000x32xf32, #tpu.memory_space<hbm>>) dst(%dma_wait3A_1449 : memref<64x32xf32, #tpu.memory_space<vmem>>)
      %dma_wait3A_1460 = arith.constant 1 : i32
      %dma_wait3A_1461 = arith.constant 8 : i32
      %dma_wait3A_1462 = arith.constant 1 : i32
      %dma_wait3A_1463 = arith.constant 8 : i32
      %dma_wait3A_1464 = arith.constant 0 : i32
      %dma_wait3A_1465 = arith.constant 0 : i32
      %dma_wait3A_1466 = arith.constant 0 : i32
      %dma_wait3A_1467 = tpu.memref_slice %arg6[%dma_wait3A_1462, %dma_wait3A_1464, %dma_wait3A_1465, %dma_wait3A_1466] : memref<2x25x64x32xf32, #tpu.memory_space<vmem>> -> memref<1x25x64x32xf32, #tpu.memory_space<vmem>>
      %dma_wait3A_1468 = tpu.memref_squeeze %dma_wait3A_1467 : memref<1x25x64x32xf32, #tpu.memory_space<vmem>> -> memref<25x64x32xf32, #tpu.memory_space<vmem>>
      %dma_wait3A_1469 = arith.constant 0 : i32
      %dma_wait3A_1470 = arith.constant 0 : i32
      %dma_wait3A_1471 = tpu.memref_slice %dma_wait3A_1468[%dma_wait3A_1463, %dma_wait3A_1469, %dma_wait3A_1470] : memref<25x64x32xf32, #tpu.memory_space<vmem>> -> memref<1x64x32xf32, #tpu.memory_space<vmem>>
      %dma_wait3A_1472 = tpu.memref_squeeze %dma_wait3A_1471 : memref<1x64x32xf32, #tpu.memory_space<vmem>> -> memref<64x32xf32, #tpu.memory_space<vmem>>
      %dma_wait3A_1473 = arith.constant 0 : i32
      %dma_wait3A_1474 = arith.constant 0 : i32
      %dma_wait3A_1475 = tpu.memref_slice %arg5[%dma_wait3A_1460, %dma_wait3A_1473, %dma_wait3A_1474] : memref<2x25x64xi32, #tpu.memory_space<vmem>> -> memref<1x25x64xi32, #tpu.memory_space<vmem>>
      %dma_wait3A_1476 = tpu.memref_squeeze %dma_wait3A_1475 : memref<1x25x64xi32, #tpu.memory_space<vmem>> -> memref<25x64xi32, #tpu.memory_space<vmem>>
      %dma_wait3A_1477 = arith.constant 0 : i32
      %dma_wait3A_1478 = tpu.memref_slice %dma_wait3A_1476[%dma_wait3A_1461, %dma_wait3A_1477] : memref<25x64xi32, #tpu.memory_space<vmem>> -> memref<1x64xi32, #tpu.memory_space<vmem>>
      %dma_wait3A_1479 = tpu.memref_squeeze %dma_wait3A_1478 : memref<1x64xi32, #tpu.memory_space<vmem>> -> memref<64xi32, #tpu.memory_space<vmem>>
      %dma_wait3A_1480 = arith.constant 0 : i32
      %dma_wait3A_1481 = arith.constant 0 : i32
      %dma_wait3A_1482 = tpu.memref_slice %arg3[%dma_wait3A_1480, %dma_wait3A_1481] : memref<1000000x32xf32, #tpu.memory_space<hbm>> -> memref<1000000x32xf32, #tpu.memory_space<hbm>>
      tpu.wait_indirect_dma semaphore(%arg10 : memref<!tpu.dma_semaphore, #tpu.memory_space<semaphore_mem>>) src(%dma_wait3A_1482 : memref<1000000x32xf32, #tpu.memory_space<hbm>>) dst(%dma_wait3A_1472 : memref<64x32xf32, #tpu.memory_space<vmem>>)
      %dma_wait3A_1483 = arith.constant 1 : i32
      %dma_wait3A_1484 = arith.constant 9 : i32
      %dma_wait3A_1485 = arith.constant 1 : i32
      %dma_wait3A_1486 = arith.constant 9 : i32
      %dma_wait3A_1487 = arith.constant 0 : i32
      %dma_wait3A_1488 = arith.constant 0 : i32
      %dma_wait3A_1489 = arith.constant 0 : i32
      %dma_wait3A_1490 = tpu.memref_slice %arg6[%dma_wait3A_1485, %dma_wait3A_1487, %dma_wait3A_1488, %dma_wait3A_1489] : memref<2x25x64x32xf32, #tpu.memory_space<vmem>> -> memref<1x25x64x32xf32, #tpu.memory_space<vmem>>
      %dma_wait3A_1491 = tpu.memref_squeeze %dma_wait3A_1490 : memref<1x25x64x32xf32, #tpu.memory_space<vmem>> -> memref<25x64x32xf32, #tpu.memory_space<vmem>>
      %dma_wait3A_1492 = arith.constant 0 : i32
      %dma_wait3A_1493 = arith.constant 0 : i32
      %dma_wait3A_1494 = tpu.memref_slice %dma_wait3A_1491[%dma_wait3A_1486, %dma_wait3A_1492, %dma_wait3A_1493] : memref<25x64x32xf32, #tpu.memory_space<vmem>> -> memref<1x64x32xf32, #tpu.memory_space<vmem>>
      %dma_wait3A_1495 = tpu.memref_squeeze %dma_wait3A_1494 : memref<1x64x32xf32, #tpu.memory_space<vmem>> -> memref<64x32xf32, #tpu.memory_space<vmem>>
      %dma_wait3A_1496 = arith.constant 0 : i32
      %dma_wait3A_1497 = arith.constant 0 : i32
      %dma_wait3A_1498 = tpu.memref_slice %arg5[%dma_wait3A_1483, %dma_wait3A_1496, %dma_wait3A_1497] : memref<2x25x64xi32, #tpu.memory_space<vmem>> -> memref<1x25x64xi32, #tpu.memory_space<vmem>>
      %dma_wait3A_1499 = tpu.memref_squeeze %dma_wait3A_1498 : memref<1x25x64xi32, #tpu.memory_space<vmem>> -> memref<25x64xi32, #tpu.memory_space<vmem>>
      %dma_wait3A_1500 = arith.constant 0 : i32
      %dma_wait3A_1501 = tpu.memref_slice %dma_wait3A_1499[%dma_wait3A_1484, %dma_wait3A_1500] : memref<25x64xi32, #tpu.memory_space<vmem>> -> memref<1x64xi32, #tpu.memory_space<vmem>>
      %dma_wait3A_1502 = tpu.memref_squeeze %dma_wait3A_1501 : memref<1x64xi32, #tpu.memory_space<vmem>> -> memref<64xi32, #tpu.memory_space<vmem>>
      %dma_wait3A_1503 = arith.constant 0 : i32
      %dma_wait3A_1504 = arith.constant 0 : i32
      %dma_wait3A_1505 = tpu.memref_slice %arg3[%dma_wait3A_1503, %dma_wait3A_1504] : memref<1000000x32xf32, #tpu.memory_space<hbm>> -> memref<1000000x32xf32, #tpu.memory_space<hbm>>
      tpu.wait_indirect_dma semaphore(%arg10 : memref<!tpu.dma_semaphore, #tpu.memory_space<semaphore_mem>>) src(%dma_wait3A_1505 : memref<1000000x32xf32, #tpu.memory_space<hbm>>) dst(%dma_wait3A_1495 : memref<64x32xf32, #tpu.memory_space<vmem>>)
      %dma_wait3A_1506 = arith.constant 1 : i32
      %dma_wait3A_1507 = arith.constant 10 : i32
      %dma_wait3A_1508 = arith.constant 1 : i32
      %dma_wait3A_1509 = arith.constant 10 : i32
      %dma_wait3A_1510 = arith.constant 0 : i32
      %dma_wait3A_1511 = arith.constant 0 : i32
      %dma_wait3A_1512 = arith.constant 0 : i32
      %dma_wait3A_1513 = tpu.memref_slice %arg6[%dma_wait3A_1508, %dma_wait3A_1510, %dma_wait3A_1511, %dma_wait3A_1512] : memref<2x25x64x32xf32, #tpu.memory_space<vmem>> -> memref<1x25x64x32xf32, #tpu.memory_space<vmem>>
      %dma_wait3A_1514 = tpu.memref_squeeze %dma_wait3A_1513 : memref<1x25x64x32xf32, #tpu.memory_space<vmem>> -> memref<25x64x32xf32, #tpu.memory_space<vmem>>
      %dma_wait3A_1515 = arith.constant 0 : i32
      %dma_wait3A_1516 = arith.constant 0 : i32
      %dma_wait3A_1517 = tpu.memref_slice %dma_wait3A_1514[%dma_wait3A_1509, %dma_wait3A_1515, %dma_wait3A_1516] : memref<25x64x32xf32, #tpu.memory_space<vmem>> -> memref<1x64x32xf32, #tpu.memory_space<vmem>>
      %dma_wait3A_1518 = tpu.memref_squeeze %dma_wait3A_1517 : memref<1x64x32xf32, #tpu.memory_space<vmem>> -> memref<64x32xf32, #tpu.memory_space<vmem>>
      %dma_wait3A_1519 = arith.constant 0 : i32
      %dma_wait3A_1520 = arith.constant 0 : i32
      %dma_wait3A_1521 = tpu.memref_slice %arg5[%dma_wait3A_1506, %dma_wait3A_1519, %dma_wait3A_1520] : memref<2x25x64xi32, #tpu.memory_space<vmem>> -> memref<1x25x64xi32, #tpu.memory_space<vmem>>
      %dma_wait3A_1522 = tpu.memref_squeeze %dma_wait3A_1521 : memref<1x25x64xi32, #tpu.memory_space<vmem>> -> memref<25x64xi32, #tpu.memory_space<vmem>>
      %dma_wait3A_1523 = arith.constant 0 : i32
      %dma_wait3A_1524 = tpu.memref_slice %dma_wait3A_1522[%dma_wait3A_1507, %dma_wait3A_1523] : memref<25x64xi32, #tpu.memory_space<vmem>> -> memref<1x64xi32, #tpu.memory_space<vmem>>
      %dma_wait3A_1525 = tpu.memref_squeeze %dma_wait3A_1524 : memref<1x64xi32, #tpu.memory_space<vmem>> -> memref<64xi32, #tpu.memory_space<vmem>>
      %dma_wait3A_1526 = arith.constant 0 : i32
      %dma_wait3A_1527 = arith.constant 0 : i32
      %dma_wait3A_1528 = tpu.memref_slice %arg3[%dma_wait3A_1526, %dma_wait3A_1527] : memref<1000000x32xf32, #tpu.memory_space<hbm>> -> memref<1000000x32xf32, #tpu.memory_space<hbm>>
      tpu.wait_indirect_dma semaphore(%arg10 : memref<!tpu.dma_semaphore, #tpu.memory_space<semaphore_mem>>) src(%dma_wait3A_1528 : memref<1000000x32xf32, #tpu.memory_space<hbm>>) dst(%dma_wait3A_1518 : memref<64x32xf32, #tpu.memory_space<vmem>>)
      %dma_wait3A_1529 = arith.constant 1 : i32
      %dma_wait3A_1530 = arith.constant 11 : i32
      %dma_wait3A_1531 = arith.constant 1 : i32
      %dma_wait3A_1532 = arith.constant 11 : i32
      %dma_wait3A_1533 = arith.constant 0 : i32
      %dma_wait3A_1534 = arith.constant 0 : i32
      %dma_wait3A_1535 = arith.constant 0 : i32
      %dma_wait3A_1536 = tpu.memref_slice %arg6[%dma_wait3A_1531, %dma_wait3A_1533, %dma_wait3A_1534, %dma_wait3A_1535] : memref<2x25x64x32xf32, #tpu.memory_space<vmem>> -> memref<1x25x64x32xf32, #tpu.memory_space<vmem>>
      %dma_wait3A_1537 = tpu.memref_squeeze %dma_wait3A_1536 : memref<1x25x64x32xf32, #tpu.memory_space<vmem>> -> memref<25x64x32xf32, #tpu.memory_space<vmem>>
      %dma_wait3A_1538 = arith.constant 0 : i32
      %dma_wait3A_1539 = arith.constant 0 : i32
      %dma_wait3A_1540 = tpu.memref_slice %dma_wait3A_1537[%dma_wait3A_1532, %dma_wait3A_1538, %dma_wait3A_1539] : memref<25x64x32xf32, #tpu.memory_space<vmem>> -> memref<1x64x32xf32, #tpu.memory_space<vmem>>
      %dma_wait3A_1541 = tpu.memref_squeeze %dma_wait3A_1540 : memref<1x64x32xf32, #tpu.memory_space<vmem>> -> memref<64x32xf32, #tpu.memory_space<vmem>>
      %dma_wait3A_1542 = arith.constant 0 : i32
      %dma_wait3A_1543 = arith.constant 0 : i32
      %dma_wait3A_1544 = tpu.memref_slice %arg5[%dma_wait3A_1529, %dma_wait3A_1542, %dma_wait3A_1543] : memref<2x25x64xi32, #tpu.memory_space<vmem>> -> memref<1x25x64xi32, #tpu.memory_space<vmem>>
      %dma_wait3A_1545 = tpu.memref_squeeze %dma_wait3A_1544 : memref<1x25x64xi32, #tpu.memory_space<vmem>> -> memref<25x64xi32, #tpu.memory_space<vmem>>
      %dma_wait3A_1546 = arith.constant 0 : i32
      %dma_wait3A_1547 = tpu.memref_slice %dma_wait3A_1545[%dma_wait3A_1530, %dma_wait3A_1546] : memref<25x64xi32, #tpu.memory_space<vmem>> -> memref<1x64xi32, #tpu.memory_space<vmem>>
      %dma_wait3A_1548 = tpu.memref_squeeze %dma_wait3A_1547 : memref<1x64xi32, #tpu.memory_space<vmem>> -> memref<64xi32, #tpu.memory_space<vmem>>
      %dma_wait3A_1549 = arith.constant 0 : i32
      %dma_wait3A_1550 = arith.constant 0 : i32
      %dma_wait3A_1551 = tpu.memref_slice %arg3[%dma_wait3A_1549, %dma_wait3A_1550] : memref<1000000x32xf32, #tpu.memory_space<hbm>> -> memref<1000000x32xf32, #tpu.memory_space<hbm>>
      tpu.wait_indirect_dma semaphore(%arg10 : memref<!tpu.dma_semaphore, #tpu.memory_space<semaphore_mem>>) src(%dma_wait3A_1551 : memref<1000000x32xf32, #tpu.memory_space<hbm>>) dst(%dma_wait3A_1541 : memref<64x32xf32, #tpu.memory_space<vmem>>)
      %dma_wait3A_1552 = arith.constant 1 : i32
      %dma_wait3A_1553 = arith.constant 12 : i32
      %dma_wait3A_1554 = arith.constant 1 : i32
      %dma_wait3A_1555 = arith.constant 12 : i32
      %dma_wait3A_1556 = arith.constant 0 : i32
      %dma_wait3A_1557 = arith.constant 0 : i32
      %dma_wait3A_1558 = arith.constant 0 : i32
      %dma_wait3A_1559 = tpu.memref_slice %arg6[%dma_wait3A_1554, %dma_wait3A_1556, %dma_wait3A_1557, %dma_wait3A_1558] : memref<2x25x64x32xf32, #tpu.memory_space<vmem>> -> memref<1x25x64x32xf32, #tpu.memory_space<vmem>>
      %dma_wait3A_1560 = tpu.memref_squeeze %dma_wait3A_1559 : memref<1x25x64x32xf32, #tpu.memory_space<vmem>> -> memref<25x64x32xf32, #tpu.memory_space<vmem>>
      %dma_wait3A_1561 = arith.constant 0 : i32
      %dma_wait3A_1562 = arith.constant 0 : i32
      %dma_wait3A_1563 = tpu.memref_slice %dma_wait3A_1560[%dma_wait3A_1555, %dma_wait3A_1561, %dma_wait3A_1562] : memref<25x64x32xf32, #tpu.memory_space<vmem>> -> memref<1x64x32xf32, #tpu.memory_space<vmem>>
      %dma_wait3A_1564 = tpu.memref_squeeze %dma_wait3A_1563 : memref<1x64x32xf32, #tpu.memory_space<vmem>> -> memref<64x32xf32, #tpu.memory_space<vmem>>
      %dma_wait3A_1565 = arith.constant 0 : i32
      %dma_wait3A_1566 = arith.constant 0 : i32
      %dma_wait3A_1567 = tpu.memref_slice %arg5[%dma_wait3A_1552, %dma_wait3A_1565, %dma_wait3A_1566] : memref<2x25x64xi32, #tpu.memory_space<vmem>> -> memref<1x25x64xi32, #tpu.memory_space<vmem>>
      %dma_wait3A_1568 = tpu.memref_squeeze %dma_wait3A_1567 : memref<1x25x64xi32, #tpu.memory_space<vmem>> -> memref<25x64xi32, #tpu.memory_space<vmem>>
      %dma_wait3A_1569 = arith.constant 0 : i32
      %dma_wait3A_1570 = tpu.memref_slice %dma_wait3A_1568[%dma_wait3A_1553, %dma_wait3A_1569] : memref<25x64xi32, #tpu.memory_space<vmem>> -> memref<1x64xi32, #tpu.memory_space<vmem>>
      %dma_wait3A_1571 = tpu.memref_squeeze %dma_wait3A_1570 : memref<1x64xi32, #tpu.memory_space<vmem>> -> memref<64xi32, #tpu.memory_space<vmem>>
      %dma_wait3A_1572 = arith.constant 0 : i32
      %dma_wait3A_1573 = arith.constant 0 : i32
      %dma_wait3A_1574 = tpu.memref_slice %arg3[%dma_wait3A_1572, %dma_wait3A_1573] : memref<1000000x32xf32, #tpu.memory_space<hbm>> -> memref<1000000x32xf32, #tpu.memory_space<hbm>>
      tpu.wait_indirect_dma semaphore(%arg10 : memref<!tpu.dma_semaphore, #tpu.memory_space<semaphore_mem>>) src(%dma_wait3A_1574 : memref<1000000x32xf32, #tpu.memory_space<hbm>>) dst(%dma_wait3A_1564 : memref<64x32xf32, #tpu.memory_space<vmem>>)
      %dma_wait3A_1575 = arith.constant 1 : i32
      %dma_wait3A_1576 = arith.constant 13 : i32
      %dma_wait3A_1577 = arith.constant 1 : i32
      %dma_wait3A_1578 = arith.constant 13 : i32
      %dma_wait3A_1579 = arith.constant 0 : i32
      %dma_wait3A_1580 = arith.constant 0 : i32
      %dma_wait3A_1581 = arith.constant 0 : i32
      %dma_wait3A_1582 = tpu.memref_slice %arg6[%dma_wait3A_1577, %dma_wait3A_1579, %dma_wait3A_1580, %dma_wait3A_1581] : memref<2x25x64x32xf32, #tpu.memory_space<vmem>> -> memref<1x25x64x32xf32, #tpu.memory_space<vmem>>
      %dma_wait3A_1583 = tpu.memref_squeeze %dma_wait3A_1582 : memref<1x25x64x32xf32, #tpu.memory_space<vmem>> -> memref<25x64x32xf32, #tpu.memory_space<vmem>>
      %dma_wait3A_1584 = arith.constant 0 : i32
      %dma_wait3A_1585 = arith.constant 0 : i32
      %dma_wait3A_1586 = tpu.memref_slice %dma_wait3A_1583[%dma_wait3A_1578, %dma_wait3A_1584, %dma_wait3A_1585] : memref<25x64x32xf32, #tpu.memory_space<vmem>> -> memref<1x64x32xf32, #tpu.memory_space<vmem>>
      %dma_wait3A_1587 = tpu.memref_squeeze %dma_wait3A_1586 : memref<1x64x32xf32, #tpu.memory_space<vmem>> -> memref<64x32xf32, #tpu.memory_space<vmem>>
      %dma_wait3A_1588 = arith.constant 0 : i32
      %dma_wait3A_1589 = arith.constant 0 : i32
      %dma_wait3A_1590 = tpu.memref_slice %arg5[%dma_wait3A_1575, %dma_wait3A_1588, %dma_wait3A_1589] : memref<2x25x64xi32, #tpu.memory_space<vmem>> -> memref<1x25x64xi32, #tpu.memory_space<vmem>>
      %dma_wait3A_1591 = tpu.memref_squeeze %dma_wait3A_1590 : memref<1x25x64xi32, #tpu.memory_space<vmem>> -> memref<25x64xi32, #tpu.memory_space<vmem>>
      %dma_wait3A_1592 = arith.constant 0 : i32
      %dma_wait3A_1593 = tpu.memref_slice %dma_wait3A_1591[%dma_wait3A_1576, %dma_wait3A_1592] : memref<25x64xi32, #tpu.memory_space<vmem>> -> memref<1x64xi32, #tpu.memory_space<vmem>>
      %dma_wait3A_1594 = tpu.memref_squeeze %dma_wait3A_1593 : memref<1x64xi32, #tpu.memory_space<vmem>> -> memref<64xi32, #tpu.memory_space<vmem>>
      %dma_wait3A_1595 = arith.constant 0 : i32
      %dma_wait3A_1596 = arith.constant 0 : i32
      %dma_wait3A_1597 = tpu.memref_slice %arg3[%dma_wait3A_1595, %dma_wait3A_1596] : memref<1000000x32xf32, #tpu.memory_space<hbm>> -> memref<1000000x32xf32, #tpu.memory_space<hbm>>
      tpu.wait_indirect_dma semaphore(%arg10 : memref<!tpu.dma_semaphore, #tpu.memory_space<semaphore_mem>>) src(%dma_wait3A_1597 : memref<1000000x32xf32, #tpu.memory_space<hbm>>) dst(%dma_wait3A_1587 : memref<64x32xf32, #tpu.memory_space<vmem>>)
      %dma_wait3A_1598 = arith.constant 1 : i32
      %dma_wait3A_1599 = arith.constant 14 : i32
      %dma_wait3A_1600 = arith.constant 1 : i32
      %dma_wait3A_1601 = arith.constant 14 : i32
      %dma_wait3A_1602 = arith.constant 0 : i32
      %dma_wait3A_1603 = arith.constant 0 : i32
      %dma_wait3A_1604 = arith.constant 0 : i32
      %dma_wait3A_1605 = tpu.memref_slice %arg6[%dma_wait3A_1600, %dma_wait3A_1602, %dma_wait3A_1603, %dma_wait3A_1604] : memref<2x25x64x32xf32, #tpu.memory_space<vmem>> -> memref<1x25x64x32xf32, #tpu.memory_space<vmem>>
      %dma_wait3A_1606 = tpu.memref_squeeze %dma_wait3A_1605 : memref<1x25x64x32xf32, #tpu.memory_space<vmem>> -> memref<25x64x32xf32, #tpu.memory_space<vmem>>
      %dma_wait3A_1607 = arith.constant 0 : i32
      %dma_wait3A_1608 = arith.constant 0 : i32
      %dma_wait3A_1609 = tpu.memref_slice %dma_wait3A_1606[%dma_wait3A_1601, %dma_wait3A_1607, %dma_wait3A_1608] : memref<25x64x32xf32, #tpu.memory_space<vmem>> -> memref<1x64x32xf32, #tpu.memory_space<vmem>>
      %dma_wait3A_1610 = tpu.memref_squeeze %dma_wait3A_1609 : memref<1x64x32xf32, #tpu.memory_space<vmem>> -> memref<64x32xf32, #tpu.memory_space<vmem>>
      %dma_wait3A_1611 = arith.constant 0 : i32
      %dma_wait3A_1612 = arith.constant 0 : i32
      %dma_wait3A_1613 = tpu.memref_slice %arg5[%dma_wait3A_1598, %dma_wait3A_1611, %dma_wait3A_1612] : memref<2x25x64xi32, #tpu.memory_space<vmem>> -> memref<1x25x64xi32, #tpu.memory_space<vmem>>
      %dma_wait3A_1614 = tpu.memref_squeeze %dma_wait3A_1613 : memref<1x25x64xi32, #tpu.memory_space<vmem>> -> memref<25x64xi32, #tpu.memory_space<vmem>>
      %dma_wait3A_1615 = arith.constant 0 : i32
      %dma_wait3A_1616 = tpu.memref_slice %dma_wait3A_1614[%dma_wait3A_1599, %dma_wait3A_1615] : memref<25x64xi32, #tpu.memory_space<vmem>> -> memref<1x64xi32, #tpu.memory_space<vmem>>
      %dma_wait3A_1617 = tpu.memref_squeeze %dma_wait3A_1616 : memref<1x64xi32, #tpu.memory_space<vmem>> -> memref<64xi32, #tpu.memory_space<vmem>>
      %dma_wait3A_1618 = arith.constant 0 : i32
      %dma_wait3A_1619 = arith.constant 0 : i32
      %dma_wait3A_1620 = tpu.memref_slice %arg3[%dma_wait3A_1618, %dma_wait3A_1619] : memref<1000000x32xf32, #tpu.memory_space<hbm>> -> memref<1000000x32xf32, #tpu.memory_space<hbm>>
      tpu.wait_indirect_dma semaphore(%arg10 : memref<!tpu.dma_semaphore, #tpu.memory_space<semaphore_mem>>) src(%dma_wait3A_1620 : memref<1000000x32xf32, #tpu.memory_space<hbm>>) dst(%dma_wait3A_1610 : memref<64x32xf32, #tpu.memory_space<vmem>>)
      %dma_wait3A_1621 = arith.constant 1 : i32
      %dma_wait3A_1622 = arith.constant 15 : i32
      %dma_wait3A_1623 = arith.constant 1 : i32
      %dma_wait3A_1624 = arith.constant 15 : i32
      %dma_wait3A_1625 = arith.constant 0 : i32
      %dma_wait3A_1626 = arith.constant 0 : i32
      %dma_wait3A_1627 = arith.constant 0 : i32
      %dma_wait3A_1628 = tpu.memref_slice %arg6[%dma_wait3A_1623, %dma_wait3A_1625, %dma_wait3A_1626, %dma_wait3A_1627] : memref<2x25x64x32xf32, #tpu.memory_space<vmem>> -> memref<1x25x64x32xf32, #tpu.memory_space<vmem>>
      %dma_wait3A_1629 = tpu.memref_squeeze %dma_wait3A_1628 : memref<1x25x64x32xf32, #tpu.memory_space<vmem>> -> memref<25x64x32xf32, #tpu.memory_space<vmem>>
      %dma_wait3A_1630 = arith.constant 0 : i32
      %dma_wait3A_1631 = arith.constant 0 : i32
      %dma_wait3A_1632 = tpu.memref_slice %dma_wait3A_1629[%dma_wait3A_1624, %dma_wait3A_1630, %dma_wait3A_1631] : memref<25x64x32xf32, #tpu.memory_space<vmem>> -> memref<1x64x32xf32, #tpu.memory_space<vmem>>
      %dma_wait3A_1633 = tpu.memref_squeeze %dma_wait3A_1632 : memref<1x64x32xf32, #tpu.memory_space<vmem>> -> memref<64x32xf32, #tpu.memory_space<vmem>>
      %dma_wait3A_1634 = arith.constant 0 : i32
      %dma_wait3A_1635 = arith.constant 0 : i32
      %dma_wait3A_1636 = tpu.memref_slice %arg5[%dma_wait3A_1621, %dma_wait3A_1634, %dma_wait3A_1635] : memref<2x25x64xi32, #tpu.memory_space<vmem>> -> memref<1x25x64xi32, #tpu.memory_space<vmem>>
      %dma_wait3A_1637 = tpu.memref_squeeze %dma_wait3A_1636 : memref<1x25x64xi32, #tpu.memory_space<vmem>> -> memref<25x64xi32, #tpu.memory_space<vmem>>
      %dma_wait3A_1638 = arith.constant 0 : i32
      %dma_wait3A_1639 = tpu.memref_slice %dma_wait3A_1637[%dma_wait3A_1622, %dma_wait3A_1638] : memref<25x64xi32, #tpu.memory_space<vmem>> -> memref<1x64xi32, #tpu.memory_space<vmem>>
      %dma_wait3A_1640 = tpu.memref_squeeze %dma_wait3A_1639 : memref<1x64xi32, #tpu.memory_space<vmem>> -> memref<64xi32, #tpu.memory_space<vmem>>
      %dma_wait3A_1641 = arith.constant 0 : i32
      %dma_wait3A_1642 = arith.constant 0 : i32
      %dma_wait3A_1643 = tpu.memref_slice %arg3[%dma_wait3A_1641, %dma_wait3A_1642] : memref<1000000x32xf32, #tpu.memory_space<hbm>> -> memref<1000000x32xf32, #tpu.memory_space<hbm>>
      tpu.wait_indirect_dma semaphore(%arg10 : memref<!tpu.dma_semaphore, #tpu.memory_space<semaphore_mem>>) src(%dma_wait3A_1643 : memref<1000000x32xf32, #tpu.memory_space<hbm>>) dst(%dma_wait3A_1633 : memref<64x32xf32, #tpu.memory_space<vmem>>)
      %dma_wait3A_1644 = arith.constant 1 : i32
      %dma_wait3A_1645 = arith.constant 16 : i32
      %dma_wait3A_1646 = arith.constant 1 : i32
      %dma_wait3A_1647 = arith.constant 16 : i32
      %dma_wait3A_1648 = arith.constant 0 : i32
      %dma_wait3A_1649 = arith.constant 0 : i32
      %dma_wait3A_1650 = arith.constant 0 : i32
      %dma_wait3A_1651 = tpu.memref_slice %arg6[%dma_wait3A_1646, %dma_wait3A_1648, %dma_wait3A_1649, %dma_wait3A_1650] : memref<2x25x64x32xf32, #tpu.memory_space<vmem>> -> memref<1x25x64x32xf32, #tpu.memory_space<vmem>>
      %dma_wait3A_1652 = tpu.memref_squeeze %dma_wait3A_1651 : memref<1x25x64x32xf32, #tpu.memory_space<vmem>> -> memref<25x64x32xf32, #tpu.memory_space<vmem>>
      %dma_wait3A_1653 = arith.constant 0 : i32
      %dma_wait3A_1654 = arith.constant 0 : i32
      %dma_wait3A_1655 = tpu.memref_slice %dma_wait3A_1652[%dma_wait3A_1647, %dma_wait3A_1653, %dma_wait3A_1654] : memref<25x64x32xf32, #tpu.memory_space<vmem>> -> memref<1x64x32xf32, #tpu.memory_space<vmem>>
      %dma_wait3A_1656 = tpu.memref_squeeze %dma_wait3A_1655 : memref<1x64x32xf32, #tpu.memory_space<vmem>> -> memref<64x32xf32, #tpu.memory_space<vmem>>
      %dma_wait3A_1657 = arith.constant 0 : i32
      %dma_wait3A_1658 = arith.constant 0 : i32
      %dma_wait3A_1659 = tpu.memref_slice %arg5[%dma_wait3A_1644, %dma_wait3A_1657, %dma_wait3A_1658] : memref<2x25x64xi32, #tpu.memory_space<vmem>> -> memref<1x25x64xi32, #tpu.memory_space<vmem>>
      %dma_wait3A_1660 = tpu.memref_squeeze %dma_wait3A_1659 : memref<1x25x64xi32, #tpu.memory_space<vmem>> -> memref<25x64xi32, #tpu.memory_space<vmem>>
      %dma_wait3A_1661 = arith.constant 0 : i32
      %dma_wait3A_1662 = tpu.memref_slice %dma_wait3A_1660[%dma_wait3A_1645, %dma_wait3A_1661] : memref<25x64xi32, #tpu.memory_space<vmem>> -> memref<1x64xi32, #tpu.memory_space<vmem>>
      %dma_wait3A_1663 = tpu.memref_squeeze %dma_wait3A_1662 : memref<1x64xi32, #tpu.memory_space<vmem>> -> memref<64xi32, #tpu.memory_space<vmem>>
      %dma_wait3A_1664 = arith.constant 0 : i32
      %dma_wait3A_1665 = arith.constant 0 : i32
      %dma_wait3A_1666 = tpu.memref_slice %arg3[%dma_wait3A_1664, %dma_wait3A_1665] : memref<1000000x32xf32, #tpu.memory_space<hbm>> -> memref<1000000x32xf32, #tpu.memory_space<hbm>>
      tpu.wait_indirect_dma semaphore(%arg10 : memref<!tpu.dma_semaphore, #tpu.memory_space<semaphore_mem>>) src(%dma_wait3A_1666 : memref<1000000x32xf32, #tpu.memory_space<hbm>>) dst(%dma_wait3A_1656 : memref<64x32xf32, #tpu.memory_space<vmem>>)
      %dma_wait3A_1667 = arith.constant 1 : i32
      %dma_wait3A_1668 = arith.constant 17 : i32
      %dma_wait3A_1669 = arith.constant 1 : i32
      %dma_wait3A_1670 = arith.constant 17 : i32
      %dma_wait3A_1671 = arith.constant 0 : i32
      %dma_wait3A_1672 = arith.constant 0 : i32
      %dma_wait3A_1673 = arith.constant 0 : i32
      %dma_wait3A_1674 = tpu.memref_slice %arg6[%dma_wait3A_1669, %dma_wait3A_1671, %dma_wait3A_1672, %dma_wait3A_1673] : memref<2x25x64x32xf32, #tpu.memory_space<vmem>> -> memref<1x25x64x32xf32, #tpu.memory_space<vmem>>
      %dma_wait3A_1675 = tpu.memref_squeeze %dma_wait3A_1674 : memref<1x25x64x32xf32, #tpu.memory_space<vmem>> -> memref<25x64x32xf32, #tpu.memory_space<vmem>>
      %dma_wait3A_1676 = arith.constant 0 : i32
      %dma_wait3A_1677 = arith.constant 0 : i32
      %dma_wait3A_1678 = tpu.memref_slice %dma_wait3A_1675[%dma_wait3A_1670, %dma_wait3A_1676, %dma_wait3A_1677] : memref<25x64x32xf32, #tpu.memory_space<vmem>> -> memref<1x64x32xf32, #tpu.memory_space<vmem>>
      %dma_wait3A_1679 = tpu.memref_squeeze %dma_wait3A_1678 : memref<1x64x32xf32, #tpu.memory_space<vmem>> -> memref<64x32xf32, #tpu.memory_space<vmem>>
      %dma_wait3A_1680 = arith.constant 0 : i32
      %dma_wait3A_1681 = arith.constant 0 : i32
      %dma_wait3A_1682 = tpu.memref_slice %arg5[%dma_wait3A_1667, %dma_wait3A_1680, %dma_wait3A_1681] : memref<2x25x64xi32, #tpu.memory_space<vmem>> -> memref<1x25x64xi32, #tpu.memory_space<vmem>>
      %dma_wait3A_1683 = tpu.memref_squeeze %dma_wait3A_1682 : memref<1x25x64xi32, #tpu.memory_space<vmem>> -> memref<25x64xi32, #tpu.memory_space<vmem>>
      %dma_wait3A_1684 = arith.constant 0 : i32
      %dma_wait3A_1685 = tpu.memref_slice %dma_wait3A_1683[%dma_wait3A_1668, %dma_wait3A_1684] : memref<25x64xi32, #tpu.memory_space<vmem>> -> memref<1x64xi32, #tpu.memory_space<vmem>>
      %dma_wait3A_1686 = tpu.memref_squeeze %dma_wait3A_1685 : memref<1x64xi32, #tpu.memory_space<vmem>> -> memref<64xi32, #tpu.memory_space<vmem>>
      %dma_wait3A_1687 = arith.constant 0 : i32
      %dma_wait3A_1688 = arith.constant 0 : i32
      %dma_wait3A_1689 = tpu.memref_slice %arg3[%dma_wait3A_1687, %dma_wait3A_1688] : memref<1000000x32xf32, #tpu.memory_space<hbm>> -> memref<1000000x32xf32, #tpu.memory_space<hbm>>
      tpu.wait_indirect_dma semaphore(%arg10 : memref<!tpu.dma_semaphore, #tpu.memory_space<semaphore_mem>>) src(%dma_wait3A_1689 : memref<1000000x32xf32, #tpu.memory_space<hbm>>) dst(%dma_wait3A_1679 : memref<64x32xf32, #tpu.memory_space<vmem>>)
      %dma_wait3A_1690 = arith.constant 1 : i32
      %dma_wait3A_1691 = arith.constant 18 : i32
      %dma_wait3A_1692 = arith.constant 1 : i32
      %dma_wait3A_1693 = arith.constant 18 : i32
      %dma_wait3A_1694 = arith.constant 0 : i32
      %dma_wait3A_1695 = arith.constant 0 : i32
      %dma_wait3A_1696 = arith.constant 0 : i32
      %dma_wait3A_1697 = tpu.memref_slice %arg6[%dma_wait3A_1692, %dma_wait3A_1694, %dma_wait3A_1695, %dma_wait3A_1696] : memref<2x25x64x32xf32, #tpu.memory_space<vmem>> -> memref<1x25x64x32xf32, #tpu.memory_space<vmem>>
      %dma_wait3A_1698 = tpu.memref_squeeze %dma_wait3A_1697 : memref<1x25x64x32xf32, #tpu.memory_space<vmem>> -> memref<25x64x32xf32, #tpu.memory_space<vmem>>
      %dma_wait3A_1699 = arith.constant 0 : i32
      %dma_wait3A_1700 = arith.constant 0 : i32
      %dma_wait3A_1701 = tpu.memref_slice %dma_wait3A_1698[%dma_wait3A_1693, %dma_wait3A_1699, %dma_wait3A_1700] : memref<25x64x32xf32, #tpu.memory_space<vmem>> -> memref<1x64x32xf32, #tpu.memory_space<vmem>>
      %dma_wait3A_1702 = tpu.memref_squeeze %dma_wait3A_1701 : memref<1x64x32xf32, #tpu.memory_space<vmem>> -> memref<64x32xf32, #tpu.memory_space<vmem>>
      %dma_wait3A_1703 = arith.constant 0 : i32
      %dma_wait3A_1704 = arith.constant 0 : i32
      %dma_wait3A_1705 = tpu.memref_slice %arg5[%dma_wait3A_1690, %dma_wait3A_1703, %dma_wait3A_1704] : memref<2x25x64xi32, #tpu.memory_space<vmem>> -> memref<1x25x64xi32, #tpu.memory_space<vmem>>
      %dma_wait3A_1706 = tpu.memref_squeeze %dma_wait3A_1705 : memref<1x25x64xi32, #tpu.memory_space<vmem>> -> memref<25x64xi32, #tpu.memory_space<vmem>>
      %dma_wait3A_1707 = arith.constant 0 : i32
      %dma_wait3A_1708 = tpu.memref_slice %dma_wait3A_1706[%dma_wait3A_1691, %dma_wait3A_1707] : memref<25x64xi32, #tpu.memory_space<vmem>> -> memref<1x64xi32, #tpu.memory_space<vmem>>
      %dma_wait3A_1709 = tpu.memref_squeeze %dma_wait3A_1708 : memref<1x64xi32, #tpu.memory_space<vmem>> -> memref<64xi32, #tpu.memory_space<vmem>>
      %dma_wait3A_1710 = arith.constant 0 : i32
      %dma_wait3A_1711 = arith.constant 0 : i32
      %dma_wait3A_1712 = tpu.memref_slice %arg3[%dma_wait3A_1710, %dma_wait3A_1711] : memref<1000000x32xf32, #tpu.memory_space<hbm>> -> memref<1000000x32xf32, #tpu.memory_space<hbm>>
      tpu.wait_indirect_dma semaphore(%arg10 : memref<!tpu.dma_semaphore, #tpu.memory_space<semaphore_mem>>) src(%dma_wait3A_1712 : memref<1000000x32xf32, #tpu.memory_space<hbm>>) dst(%dma_wait3A_1702 : memref<64x32xf32, #tpu.memory_space<vmem>>)
      %dma_wait3A_1713 = arith.constant 1 : i32
      %dma_wait3A_1714 = arith.constant 19 : i32
      %dma_wait3A_1715 = arith.constant 1 : i32
      %dma_wait3A_1716 = arith.constant 19 : i32
      %dma_wait3A_1717 = arith.constant 0 : i32
      %dma_wait3A_1718 = arith.constant 0 : i32
      %dma_wait3A_1719 = arith.constant 0 : i32
      %dma_wait3A_1720 = tpu.memref_slice %arg6[%dma_wait3A_1715, %dma_wait3A_1717, %dma_wait3A_1718, %dma_wait3A_1719] : memref<2x25x64x32xf32, #tpu.memory_space<vmem>> -> memref<1x25x64x32xf32, #tpu.memory_space<vmem>>
      %dma_wait3A_1721 = tpu.memref_squeeze %dma_wait3A_1720 : memref<1x25x64x32xf32, #tpu.memory_space<vmem>> -> memref<25x64x32xf32, #tpu.memory_space<vmem>>
      %dma_wait3A_1722 = arith.constant 0 : i32
      %dma_wait3A_1723 = arith.constant 0 : i32
      %dma_wait3A_1724 = tpu.memref_slice %dma_wait3A_1721[%dma_wait3A_1716, %dma_wait3A_1722, %dma_wait3A_1723] : memref<25x64x32xf32, #tpu.memory_space<vmem>> -> memref<1x64x32xf32, #tpu.memory_space<vmem>>
      %dma_wait3A_1725 = tpu.memref_squeeze %dma_wait3A_1724 : memref<1x64x32xf32, #tpu.memory_space<vmem>> -> memref<64x32xf32, #tpu.memory_space<vmem>>
      %dma_wait3A_1726 = arith.constant 0 : i32
      %dma_wait3A_1727 = arith.constant 0 : i32
      %dma_wait3A_1728 = tpu.memref_slice %arg5[%dma_wait3A_1713, %dma_wait3A_1726, %dma_wait3A_1727] : memref<2x25x64xi32, #tpu.memory_space<vmem>> -> memref<1x25x64xi32, #tpu.memory_space<vmem>>
      %dma_wait3A_1729 = tpu.memref_squeeze %dma_wait3A_1728 : memref<1x25x64xi32, #tpu.memory_space<vmem>> -> memref<25x64xi32, #tpu.memory_space<vmem>>
      %dma_wait3A_1730 = arith.constant 0 : i32
      %dma_wait3A_1731 = tpu.memref_slice %dma_wait3A_1729[%dma_wait3A_1714, %dma_wait3A_1730] : memref<25x64xi32, #tpu.memory_space<vmem>> -> memref<1x64xi32, #tpu.memory_space<vmem>>
      %dma_wait3A_1732 = tpu.memref_squeeze %dma_wait3A_1731 : memref<1x64xi32, #tpu.memory_space<vmem>> -> memref<64xi32, #tpu.memory_space<vmem>>
      %dma_wait3A_1733 = arith.constant 0 : i32
      %dma_wait3A_1734 = arith.constant 0 : i32
      %dma_wait3A_1735 = tpu.memref_slice %arg3[%dma_wait3A_1733, %dma_wait3A_1734] : memref<1000000x32xf32, #tpu.memory_space<hbm>> -> memref<1000000x32xf32, #tpu.memory_space<hbm>>
      tpu.wait_indirect_dma semaphore(%arg10 : memref<!tpu.dma_semaphore, #tpu.memory_space<semaphore_mem>>) src(%dma_wait3A_1735 : memref<1000000x32xf32, #tpu.memory_space<hbm>>) dst(%dma_wait3A_1725 : memref<64x32xf32, #tpu.memory_space<vmem>>)
      %dma_wait3A_1736 = arith.constant 1 : i32
      %dma_wait3A_1737 = arith.constant 20 : i32
      %dma_wait3A_1738 = arith.constant 1 : i32
      %dma_wait3A_1739 = arith.constant 20 : i32
      %dma_wait3A_1740 = arith.constant 0 : i32
      %dma_wait3A_1741 = arith.constant 0 : i32
      %dma_wait3A_1742 = arith.constant 0 : i32
      %dma_wait3A_1743 = tpu.memref_slice %arg6[%dma_wait3A_1738, %dma_wait3A_1740, %dma_wait3A_1741, %dma_wait3A_1742] : memref<2x25x64x32xf32, #tpu.memory_space<vmem>> -> memref<1x25x64x32xf32, #tpu.memory_space<vmem>>
      %dma_wait3A_1744 = tpu.memref_squeeze %dma_wait3A_1743 : memref<1x25x64x32xf32, #tpu.memory_space<vmem>> -> memref<25x64x32xf32, #tpu.memory_space<vmem>>
      %dma_wait3A_1745 = arith.constant 0 : i32
      %dma_wait3A_1746 = arith.constant 0 : i32
      %dma_wait3A_1747 = tpu.memref_slice %dma_wait3A_1744[%dma_wait3A_1739, %dma_wait3A_1745, %dma_wait3A_1746] : memref<25x64x32xf32, #tpu.memory_space<vmem>> -> memref<1x64x32xf32, #tpu.memory_space<vmem>>
      %dma_wait3A_1748 = tpu.memref_squeeze %dma_wait3A_1747 : memref<1x64x32xf32, #tpu.memory_space<vmem>> -> memref<64x32xf32, #tpu.memory_space<vmem>>
      %dma_wait3A_1749 = arith.constant 0 : i32
      %dma_wait3A_1750 = arith.constant 0 : i32
      %dma_wait3A_1751 = tpu.memref_slice %arg5[%dma_wait3A_1736, %dma_wait3A_1749, %dma_wait3A_1750] : memref<2x25x64xi32, #tpu.memory_space<vmem>> -> memref<1x25x64xi32, #tpu.memory_space<vmem>>
      %dma_wait3A_1752 = tpu.memref_squeeze %dma_wait3A_1751 : memref<1x25x64xi32, #tpu.memory_space<vmem>> -> memref<25x64xi32, #tpu.memory_space<vmem>>
      %dma_wait3A_1753 = arith.constant 0 : i32
      %dma_wait3A_1754 = tpu.memref_slice %dma_wait3A_1752[%dma_wait3A_1737, %dma_wait3A_1753] : memref<25x64xi32, #tpu.memory_space<vmem>> -> memref<1x64xi32, #tpu.memory_space<vmem>>
      %dma_wait3A_1755 = tpu.memref_squeeze %dma_wait3A_1754 : memref<1x64xi32, #tpu.memory_space<vmem>> -> memref<64xi32, #tpu.memory_space<vmem>>
      %dma_wait3A_1756 = arith.constant 0 : i32
      %dma_wait3A_1757 = arith.constant 0 : i32
      %dma_wait3A_1758 = tpu.memref_slice %arg3[%dma_wait3A_1756, %dma_wait3A_1757] : memref<1000000x32xf32, #tpu.memory_space<hbm>> -> memref<1000000x32xf32, #tpu.memory_space<hbm>>
      tpu.wait_indirect_dma semaphore(%arg10 : memref<!tpu.dma_semaphore, #tpu.memory_space<semaphore_mem>>) src(%dma_wait3A_1758 : memref<1000000x32xf32, #tpu.memory_space<hbm>>) dst(%dma_wait3A_1748 : memref<64x32xf32, #tpu.memory_space<vmem>>)
      %dma_wait3A_1759 = arith.constant 1 : i32
      %dma_wait3A_1760 = arith.constant 21 : i32
      %dma_wait3A_1761 = arith.constant 1 : i32
      %dma_wait3A_1762 = arith.constant 21 : i32
      %dma_wait3A_1763 = arith.constant 0 : i32
      %dma_wait3A_1764 = arith.constant 0 : i32
      %dma_wait3A_1765 = arith.constant 0 : i32
      %dma_wait3A_1766 = tpu.memref_slice %arg6[%dma_wait3A_1761, %dma_wait3A_1763, %dma_wait3A_1764, %dma_wait3A_1765] : memref<2x25x64x32xf32, #tpu.memory_space<vmem>> -> memref<1x25x64x32xf32, #tpu.memory_space<vmem>>
      %dma_wait3A_1767 = tpu.memref_squeeze %dma_wait3A_1766 : memref<1x25x64x32xf32, #tpu.memory_space<vmem>> -> memref<25x64x32xf32, #tpu.memory_space<vmem>>
      %dma_wait3A_1768 = arith.constant 0 : i32
      %dma_wait3A_1769 = arith.constant 0 : i32
      %dma_wait3A_1770 = tpu.memref_slice %dma_wait3A_1767[%dma_wait3A_1762, %dma_wait3A_1768, %dma_wait3A_1769] : memref<25x64x32xf32, #tpu.memory_space<vmem>> -> memref<1x64x32xf32, #tpu.memory_space<vmem>>
      %dma_wait3A_1771 = tpu.memref_squeeze %dma_wait3A_1770 : memref<1x64x32xf32, #tpu.memory_space<vmem>> -> memref<64x32xf32, #tpu.memory_space<vmem>>
      %dma_wait3A_1772 = arith.constant 0 : i32
      %dma_wait3A_1773 = arith.constant 0 : i32
      %dma_wait3A_1774 = tpu.memref_slice %arg5[%dma_wait3A_1759, %dma_wait3A_1772, %dma_wait3A_1773] : memref<2x25x64xi32, #tpu.memory_space<vmem>> -> memref<1x25x64xi32, #tpu.memory_space<vmem>>
      %dma_wait3A_1775 = tpu.memref_squeeze %dma_wait3A_1774 : memref<1x25x64xi32, #tpu.memory_space<vmem>> -> memref<25x64xi32, #tpu.memory_space<vmem>>
      %dma_wait3A_1776 = arith.constant 0 : i32
      %dma_wait3A_1777 = tpu.memref_slice %dma_wait3A_1775[%dma_wait3A_1760, %dma_wait3A_1776] : memref<25x64xi32, #tpu.memory_space<vmem>> -> memref<1x64xi32, #tpu.memory_space<vmem>>
      %dma_wait3A_1778 = tpu.memref_squeeze %dma_wait3A_1777 : memref<1x64xi32, #tpu.memory_space<vmem>> -> memref<64xi32, #tpu.memory_space<vmem>>
      %dma_wait3A_1779 = arith.constant 0 : i32
      %dma_wait3A_1780 = arith.constant 0 : i32
      %dma_wait3A_1781 = tpu.memref_slice %arg3[%dma_wait3A_1779, %dma_wait3A_1780] : memref<1000000x32xf32, #tpu.memory_space<hbm>> -> memref<1000000x32xf32, #tpu.memory_space<hbm>>
      tpu.wait_indirect_dma semaphore(%arg10 : memref<!tpu.dma_semaphore, #tpu.memory_space<semaphore_mem>>) src(%dma_wait3A_1781 : memref<1000000x32xf32, #tpu.memory_space<hbm>>) dst(%dma_wait3A_1771 : memref<64x32xf32, #tpu.memory_space<vmem>>)
      %dma_wait3A_1782 = arith.constant 1 : i32
      %dma_wait3A_1783 = arith.constant 22 : i32
      %dma_wait3A_1784 = arith.constant 1 : i32
      %dma_wait3A_1785 = arith.constant 22 : i32
      %dma_wait3A_1786 = arith.constant 0 : i32
      %dma_wait3A_1787 = arith.constant 0 : i32
      %dma_wait3A_1788 = arith.constant 0 : i32
      %dma_wait3A_1789 = tpu.memref_slice %arg6[%dma_wait3A_1784, %dma_wait3A_1786, %dma_wait3A_1787, %dma_wait3A_1788] : memref<2x25x64x32xf32, #tpu.memory_space<vmem>> -> memref<1x25x64x32xf32, #tpu.memory_space<vmem>>
      %dma_wait3A_1790 = tpu.memref_squeeze %dma_wait3A_1789 : memref<1x25x64x32xf32, #tpu.memory_space<vmem>> -> memref<25x64x32xf32, #tpu.memory_space<vmem>>
      %dma_wait3A_1791 = arith.constant 0 : i32
      %dma_wait3A_1792 = arith.constant 0 : i32
      %dma_wait3A_1793 = tpu.memref_slice %dma_wait3A_1790[%dma_wait3A_1785, %dma_wait3A_1791, %dma_wait3A_1792] : memref<25x64x32xf32, #tpu.memory_space<vmem>> -> memref<1x64x32xf32, #tpu.memory_space<vmem>>
      %dma_wait3A_1794 = tpu.memref_squeeze %dma_wait3A_1793 : memref<1x64x32xf32, #tpu.memory_space<vmem>> -> memref<64x32xf32, #tpu.memory_space<vmem>>
      %dma_wait3A_1795 = arith.constant 0 : i32
      %dma_wait3A_1796 = arith.constant 0 : i32
      %dma_wait3A_1797 = tpu.memref_slice %arg5[%dma_wait3A_1782, %dma_wait3A_1795, %dma_wait3A_1796] : memref<2x25x64xi32, #tpu.memory_space<vmem>> -> memref<1x25x64xi32, #tpu.memory_space<vmem>>
      %dma_wait3A_1798 = tpu.memref_squeeze %dma_wait3A_1797 : memref<1x25x64xi32, #tpu.memory_space<vmem>> -> memref<25x64xi32, #tpu.memory_space<vmem>>
      %dma_wait3A_1799 = arith.constant 0 : i32
      %dma_wait3A_1800 = tpu.memref_slice %dma_wait3A_1798[%dma_wait3A_1783, %dma_wait3A_1799] : memref<25x64xi32, #tpu.memory_space<vmem>> -> memref<1x64xi32, #tpu.memory_space<vmem>>
      %dma_wait3A_1801 = tpu.memref_squeeze %dma_wait3A_1800 : memref<1x64xi32, #tpu.memory_space<vmem>> -> memref<64xi32, #tpu.memory_space<vmem>>
      %dma_wait3A_1802 = arith.constant 0 : i32
      %dma_wait3A_1803 = arith.constant 0 : i32
      %dma_wait3A_1804 = tpu.memref_slice %arg3[%dma_wait3A_1802, %dma_wait3A_1803] : memref<1000000x32xf32, #tpu.memory_space<hbm>> -> memref<1000000x32xf32, #tpu.memory_space<hbm>>
      tpu.wait_indirect_dma semaphore(%arg10 : memref<!tpu.dma_semaphore, #tpu.memory_space<semaphore_mem>>) src(%dma_wait3A_1804 : memref<1000000x32xf32, #tpu.memory_space<hbm>>) dst(%dma_wait3A_1794 : memref<64x32xf32, #tpu.memory_space<vmem>>)
      %dma_wait3A_1805 = arith.constant 1 : i32
      %dma_wait3A_1806 = arith.constant 23 : i32
      %dma_wait3A_1807 = arith.constant 1 : i32
      %dma_wait3A_1808 = arith.constant 23 : i32
      %dma_wait3A_1809 = arith.constant 0 : i32
      %dma_wait3A_1810 = arith.constant 0 : i32
      %dma_wait3A_1811 = arith.constant 0 : i32
      %dma_wait3A_1812 = tpu.memref_slice %arg6[%dma_wait3A_1807, %dma_wait3A_1809, %dma_wait3A_1810, %dma_wait3A_1811] : memref<2x25x64x32xf32, #tpu.memory_space<vmem>> -> memref<1x25x64x32xf32, #tpu.memory_space<vmem>>
      %dma_wait3A_1813 = tpu.memref_squeeze %dma_wait3A_1812 : memref<1x25x64x32xf32, #tpu.memory_space<vmem>> -> memref<25x64x32xf32, #tpu.memory_space<vmem>>
      %dma_wait3A_1814 = arith.constant 0 : i32
      %dma_wait3A_1815 = arith.constant 0 : i32
      %dma_wait3A_1816 = tpu.memref_slice %dma_wait3A_1813[%dma_wait3A_1808, %dma_wait3A_1814, %dma_wait3A_1815] : memref<25x64x32xf32, #tpu.memory_space<vmem>> -> memref<1x64x32xf32, #tpu.memory_space<vmem>>
      %dma_wait3A_1817 = tpu.memref_squeeze %dma_wait3A_1816 : memref<1x64x32xf32, #tpu.memory_space<vmem>> -> memref<64x32xf32, #tpu.memory_space<vmem>>
      %dma_wait3A_1818 = arith.constant 0 : i32
      %dma_wait3A_1819 = arith.constant 0 : i32
      %dma_wait3A_1820 = tpu.memref_slice %arg5[%dma_wait3A_1805, %dma_wait3A_1818, %dma_wait3A_1819] : memref<2x25x64xi32, #tpu.memory_space<vmem>> -> memref<1x25x64xi32, #tpu.memory_space<vmem>>
      %dma_wait3A_1821 = tpu.memref_squeeze %dma_wait3A_1820 : memref<1x25x64xi32, #tpu.memory_space<vmem>> -> memref<25x64xi32, #tpu.memory_space<vmem>>
      %dma_wait3A_1822 = arith.constant 0 : i32
      %dma_wait3A_1823 = tpu.memref_slice %dma_wait3A_1821[%dma_wait3A_1806, %dma_wait3A_1822] : memref<25x64xi32, #tpu.memory_space<vmem>> -> memref<1x64xi32, #tpu.memory_space<vmem>>
      %dma_wait3A_1824 = tpu.memref_squeeze %dma_wait3A_1823 : memref<1x64xi32, #tpu.memory_space<vmem>> -> memref<64xi32, #tpu.memory_space<vmem>>
      %dma_wait3A_1825 = arith.constant 0 : i32
      %dma_wait3A_1826 = arith.constant 0 : i32
      %dma_wait3A_1827 = tpu.memref_slice %arg3[%dma_wait3A_1825, %dma_wait3A_1826] : memref<1000000x32xf32, #tpu.memory_space<hbm>> -> memref<1000000x32xf32, #tpu.memory_space<hbm>>
      tpu.wait_indirect_dma semaphore(%arg10 : memref<!tpu.dma_semaphore, #tpu.memory_space<semaphore_mem>>) src(%dma_wait3A_1827 : memref<1000000x32xf32, #tpu.memory_space<hbm>>) dst(%dma_wait3A_1817 : memref<64x32xf32, #tpu.memory_space<vmem>>)
      %dma_wait3A_1828 = arith.constant 1 : i32
      %dma_wait3A_1829 = arith.constant 24 : i32
      %dma_wait3A_1830 = arith.constant 1 : i32
      %dma_wait3A_1831 = arith.constant 24 : i32
      %dma_wait3A_1832 = arith.constant 0 : i32
      %dma_wait3A_1833 = arith.constant 0 : i32
      %dma_wait3A_1834 = arith.constant 0 : i32
      %dma_wait3A_1835 = tpu.memref_slice %arg6[%dma_wait3A_1830, %dma_wait3A_1832, %dma_wait3A_1833, %dma_wait3A_1834] : memref<2x25x64x32xf32, #tpu.memory_space<vmem>> -> memref<1x25x64x32xf32, #tpu.memory_space<vmem>>
      %dma_wait3A_1836 = tpu.memref_squeeze %dma_wait3A_1835 : memref<1x25x64x32xf32, #tpu.memory_space<vmem>> -> memref<25x64x32xf32, #tpu.memory_space<vmem>>
      %dma_wait3A_1837 = arith.constant 0 : i32
      %dma_wait3A_1838 = arith.constant 0 : i32
      %dma_wait3A_1839 = tpu.memref_slice %dma_wait3A_1836[%dma_wait3A_1831, %dma_wait3A_1837, %dma_wait3A_1838] : memref<25x64x32xf32, #tpu.memory_space<vmem>> -> memref<1x64x32xf32, #tpu.memory_space<vmem>>
      %dma_wait3A_1840 = tpu.memref_squeeze %dma_wait3A_1839 : memref<1x64x32xf32, #tpu.memory_space<vmem>> -> memref<64x32xf32, #tpu.memory_space<vmem>>
      %dma_wait3A_1841 = arith.constant 0 : i32
      %dma_wait3A_1842 = arith.constant 0 : i32
      %dma_wait3A_1843 = tpu.memref_slice %arg5[%dma_wait3A_1828, %dma_wait3A_1841, %dma_wait3A_1842] : memref<2x25x64xi32, #tpu.memory_space<vmem>> -> memref<1x25x64xi32, #tpu.memory_space<vmem>>
      %dma_wait3A_1844 = tpu.memref_squeeze %dma_wait3A_1843 : memref<1x25x64xi32, #tpu.memory_space<vmem>> -> memref<25x64xi32, #tpu.memory_space<vmem>>
      %dma_wait3A_1845 = arith.constant 0 : i32
      %dma_wait3A_1846 = tpu.memref_slice %dma_wait3A_1844[%dma_wait3A_1829, %dma_wait3A_1845] : memref<25x64xi32, #tpu.memory_space<vmem>> -> memref<1x64xi32, #tpu.memory_space<vmem>>
      %dma_wait3A_1847 = tpu.memref_squeeze %dma_wait3A_1846 : memref<1x64xi32, #tpu.memory_space<vmem>> -> memref<64xi32, #tpu.memory_space<vmem>>
      %dma_wait3A_1848 = arith.constant 0 : i32
      %dma_wait3A_1849 = arith.constant 0 : i32
      %dma_wait3A_1850 = tpu.memref_slice %arg3[%dma_wait3A_1848, %dma_wait3A_1849] : memref<1000000x32xf32, #tpu.memory_space<hbm>> -> memref<1000000x32xf32, #tpu.memory_space<hbm>>
      tpu.wait_indirect_dma semaphore(%arg10 : memref<!tpu.dma_semaphore, #tpu.memory_space<semaphore_mem>>) src(%dma_wait3A_1850 : memref<1000000x32xf32, #tpu.memory_space<hbm>>) dst(%dma_wait3A_1840 : memref<64x32xf32, #tpu.memory_space<vmem>>)
      %mul3A_1851 = arith.constant 25 : i32
      %mul3A_1852 = arith.muli %add3A_1263, %mul3A_1851 : i32
      %add3A_1853 = arith.addi %mul3A_2, %mul3A_1852 : i32
      %dma_start3A_1854 = arith.constant 1 : i32
      %dma_start3A_1855 = arith.constant 0 : i32
      %dma_start3A_1856 = arith.constant 0 : i32
      %dma_start3A_1857 = arith.constant 0 : i32
      %dma_start3A_1858 = tpu.memref_slice %arg6[%dma_start3A_1854, %dma_start3A_1855, %dma_start3A_1856, %dma_start3A_1857] : memref<2x25x64x32xf32, #tpu.memory_space<vmem>> -> memref<1x25x64x32xf32, #tpu.memory_space<vmem>>
      %dma_start3A_1859 = tpu.memref_squeeze %dma_start3A_1858 : memref<1x25x64x32xf32, #tpu.memory_space<vmem>> -> memref<25x64x32xf32, #tpu.memory_space<vmem>>
      %dma_start3A_1860 = arith.constant 0 : i32
      %dma_start3A_1861 = arith.constant 0 : i32
      %dma_start3A_1862 = tpu.memref_slice %arg4[%add3A_1853, %dma_start3A_1860, %dma_start3A_1861] : memref<12800x64x32xf32, #tpu.memory_space<hbm>> -> memref<25x64x32xf32, #tpu.memory_space<hbm>>
      %dma_start3A_1863 = arith.constant 0 : i32
      %dma_start3A_1864 = arith.constant 0 : i32
      %dma_start3A_1865 = tpu.memref_slice %arg4[%add3A_1853, %dma_start3A_1863, %dma_start3A_1864] : memref<12800x64x32xf32, #tpu.memory_space<hbm>> -> memref<25x64x32xf32, #tpu.memory_space<hbm>>
      %dma_start3A_1866 = arith.constant 0 : i32
      %dma_start3A_1867 = arith.constant 0 : i32
      %dma_start3A_1868 = arith.constant 0 : i32
      %dma_start3A_1869 = tpu.memref_slice %arg6[%dma_start3A_1854, %dma_start3A_1866, %dma_start3A_1867, %dma_start3A_1868] : memref<2x25x64x32xf32, #tpu.memory_space<vmem>> -> memref<1x25x64x32xf32, #tpu.memory_space<vmem>>
      %dma_start3A_1870 = tpu.memref_squeeze %dma_start3A_1869 : memref<1x25x64x32xf32, #tpu.memory_space<vmem>> -> memref<25x64x32xf32, #tpu.memory_space<vmem>>
      tpu.enqueue_dma source(%dma_start3A_1870 : memref<25x64x32xf32, #tpu.memory_space<vmem>>) target(%dma_start3A_1865 : memref<25x64x32xf32, #tpu.memory_space<hbm>>) target_semaphore(%arg12 : memref<!tpu.dma_semaphore, #tpu.memory_space<semaphore_mem>>)
      %add3A_1871 = arith.constant 2 : i32
      %add3A_1872 = arith.addi %add3A_1263, %add3A_1871 : i32
      %le3A_1873 = arith.constant 15 : i32
      %le3A_1874 = arith.cmpi sle, %add3A_1872, %le3A_1873 : i32
      %convert_element_type3A_1875 = arith.extui %le3A_1874 : i1 to i32
      %cond3A_1876 = arith.constant 0 : i32
      %cond3A_1877 = arith.cmpi ne, %convert_element_type3A_1875, %cond3A_1876 : i32
      scf.if %cond3A_1877 {
        %add3A_1878 = arith.constant 2 : i32
        %add3A_1879 = arith.addi %add3A_1263, %add3A_1878 : i32
        %mul3A_1880 = arith.constant 25 : i32
        %mul3A_1881 = arith.muli %add3A_1879, %mul3A_1880 : i32
        %add3A_1882 = arith.addi %mul3A_2, %mul3A_1881 : i32
        %dma_start3A_1883 = arith.constant 1 : i32
        %dma_start3A_1884 = arith.constant 0 : i32
        %dma_start3A_1885 = arith.constant 0 : i32
        %dma_start3A_1886 = tpu.memref_slice %arg5[%dma_start3A_1883, %dma_start3A_1884, %dma_start3A_1885] : memref<2x25x64xi32, #tpu.memory_space<vmem>> -> memref<1x25x64xi32, #tpu.memory_space<vmem>>
        %dma_start3A_1887 = tpu.memref_squeeze %dma_start3A_1886 : memref<1x25x64xi32, #tpu.memory_space<vmem>> -> memref<25x64xi32, #tpu.memory_space<vmem>>
        %dma_start3A_1888 = arith.constant 0 : i32
        %dma_start3A_1889 = tpu.memref_slice %arg2[%add3A_1882, %dma_start3A_1888] : memref<12800x64xi32, #tpu.memory_space<hbm>> -> memref<25x64xi32, #tpu.memory_space<hbm>>
        %dma_start3A_1890 = arith.constant 0 : i32
        %dma_start3A_1891 = arith.constant 0 : i32
        %dma_start3A_1892 = tpu.memref_slice %arg5[%dma_start3A_1883, %dma_start3A_1890, %dma_start3A_1891] : memref<2x25x64xi32, #tpu.memory_space<vmem>> -> memref<1x25x64xi32, #tpu.memory_space<vmem>>
        %dma_start3A_1893 = tpu.memref_squeeze %dma_start3A_1892 : memref<1x25x64xi32, #tpu.memory_space<vmem>> -> memref<25x64xi32, #tpu.memory_space<vmem>>
        %dma_start3A_1894 = arith.constant 0 : i32
        %dma_start3A_1895 = tpu.memref_slice %arg2[%add3A_1882, %dma_start3A_1894] : memref<12800x64xi32, #tpu.memory_space<hbm>> -> memref<25x64xi32, #tpu.memory_space<hbm>>
        tpu.enqueue_dma source(%dma_start3A_1895 : memref<25x64xi32, #tpu.memory_space<hbm>>) target(%dma_start3A_1893 : memref<25x64xi32, #tpu.memory_space<vmem>>) target_semaphore(%arg8 : memref<!tpu.dma_semaphore, #tpu.memory_space<semaphore_mem>>)
      } else {
      }
    }
    %scan3A_625 = arith.constant 8 : i32
    %add3A_626 = arith.constant 375 : i32
    %add3A_627 = arith.addi %mul3A_2, %add3A_626 : i32
    %dma_wait3A_628 = arith.constant 1 : i32
    %dma_wait3A_629 = arith.constant 0 : i32
    %dma_wait3A_630 = arith.constant 0 : i32
    %dma_wait3A_631 = arith.constant 0 : i32
    %dma_wait3A_632 = tpu.memref_slice %arg6[%dma_wait3A_628, %dma_wait3A_629, %dma_wait3A_630, %dma_wait3A_631] : memref<2x25x64x32xf32, #tpu.memory_space<vmem>> -> memref<1x25x64x32xf32, #tpu.memory_space<vmem>>
    %dma_wait3A_633 = tpu.memref_squeeze %dma_wait3A_632 : memref<1x25x64x32xf32, #tpu.memory_space<vmem>> -> memref<25x64x32xf32, #tpu.memory_space<vmem>>
    %dma_wait3A_634 = arith.constant 0 : i32
    %dma_wait3A_635 = arith.constant 0 : i32
    %dma_wait3A_636 = tpu.memref_slice %arg4[%add3A_627, %dma_wait3A_634, %dma_wait3A_635] : memref<12800x64x32xf32, #tpu.memory_space<hbm>> -> memref<25x64x32xf32, #tpu.memory_space<hbm>>
    %dma_wait3A_637 = arith.constant 0 : i32
    %dma_wait3A_638 = arith.constant 0 : i32
    %dma_wait3A_639 = tpu.memref_slice %arg4[%add3A_627, %dma_wait3A_637, %dma_wait3A_638] : memref<12800x64x32xf32, #tpu.memory_space<hbm>> -> memref<25x64x32xf32, #tpu.memory_space<hbm>>
    %dma_wait3A_640 = arith.constant 0 : i32
    %dma_wait3A_641 = arith.constant 0 : i32
    %dma_wait3A_642 = arith.constant 0 : i32
    %dma_wait3A_643 = tpu.memref_slice %arg6[%dma_wait3A_628, %dma_wait3A_640, %dma_wait3A_641, %dma_wait3A_642] : memref<2x25x64x32xf32, #tpu.memory_space<vmem>> -> memref<1x25x64x32xf32, #tpu.memory_space<vmem>>
    %dma_wait3A_644 = tpu.memref_squeeze %dma_wait3A_643 : memref<1x25x64x32xf32, #tpu.memory_space<vmem>> -> memref<25x64x32xf32, #tpu.memory_space<vmem>>
    tpu.wait_dma2 semaphore(%arg12 : memref<!tpu.dma_semaphore, #tpu.memory_space<semaphore_mem>>) src(%dma_wait3A_644 : memref<25x64x32xf32, #tpu.memory_space<vmem>>) dst(%dma_wait3A_639 : memref<25x64x32xf32, #tpu.memory_space<hbm>>)
    return
  }
}

</mosaic_0001>

<sc_bundles>
// kernel: _gather.3.cloned.1.call-start
scs
__scs_entry_jumppad:
0x0: {  	(pc) =	sbr.rel $0x88, $3  }
0x1: {  	(tag) =	ssettag $0x0;
	lr =	simm.s32 $0x1  }
0x2: {  	[smem:$0x3F9F] =	sst lr;
	_ =	strace $0xD0000000  }
0x3: {  	_ = 	snop  }
0x4: {  	_ = 	snop  }
0x5: {  	_ = 	snop  }
0x6: {  	_ = 	snop  }
0x7: {  	_ = 	snop  }
__scs_overlays_trampoline_lowered:
0x8: {  	[smem:$0x3FAE] =	sst s0  }
0x9: {  	[smem:$0x3FAF] =	sst s1  }
0xa: {  	[smem:$0x3FB0] =	sst s2  }
0xb: {  	[smem:$0x3FB1] =	sst s3  }
0xc: {  	[smem:$0x3FB2] =	sst s4  }
0xd: {  	[smem:$0x3FB3] =	sst s5  }
0xe: {  	[smem:$0x3FB4] =	sst s6  }
0xf: {  	[smem:$0x3FB5] =	sst s7  }
0x10: {  	[smem:$0x3FB6] =	sst s8  }
0x11: {  	[smem:$0x3FB7] =	sst s9;
	s0 =	simm.s32 @!p0 $0x0  }
0x12: {  	s1 =	sld [smem:$0x3F9D];
	s0 =	simm.s32 @p0 $0x1  }
0x13: {  	[smem:$0x3FB8] =	sst s0;
	s0 =	simm.s32 @!p1 $0x0  }
0x14: {  	s2 =	sld [smem:$0x3F9C];
	s0 =	simm.s32 @p1 $0x1  }
0x15: {  	[smem:$0x3FB9] =	sst s0;
	s0 =	simm.s32 @!p2 $0x0  }
0x16: {  	s3 =	sld [smem:$0x3FDB];
	s0 =	simm.s32 @p2 $0x1  }
0x17: {  	s4 =	simm.s32 $0x1BF5;
	[smem:$0x3FBB] =	sst s0  }
0x18: {  	s0 =	sld [smem:$0x3F9E];
	_ =	swait.ge [sflag:s4], $0x0  }
0x19: {  	s7 =	sld [smem:$0x3F9F]  }
0x1a: {  	s8 =	sadd.s32 $0xFFFFE003, lr  }
0x1b: {  	s9 =	sadd.s32 $0xFFFFFEF7, lr;
	s5 =	simm.s32 $0xFFFFFFFF;
	p2 =	slt.u32 s8, $0xFFFFF086  }
0x1c: {  	p1 =	slt.u32 s9, $0xF7A;
	s5 =	simm.s32 @!p2 $0x0  }
0x1d: {  	s5 =	simm.s32 @p1 $0x1;
	p0 =	seq.s32 s7, s2  }
0x1e: {  	s7 =	smul.u32 @!p0 $0xF7A, s2;
	p2 =	seq.s32 @!p0 s5, $0x0  }
0x1f: {  	s9 =	smul.u32 $0xF7A, s1;
	s8 =	simm.s32 @!p0 $0x1BF5;
	p2 =	por !p2, p0  }
0x20: {  	[sflag:s8] =	ssyncset.s32 @!p0 $0xFFFFF086;
	s6 =	sadd.s32 @!p0 s3, s7;
	s7 =	simm.s32 @!p0 $0x108  }
0x21: {  	s3 =	sadd.s32 s3, s9;
	s6 =	sadd.s32 @!p0 $0x88, s6;
	s7 =	simm.s32 @p2 $0x1082  }
0x22: {  	[simem:s7], [sflag:s8] =	dma.local @!p0 [hbm:s6], $0xF7A  }
0x23: {  	s9 =	sor.u32 $0xD0000000, s2;
	s6 =	simm.s32 $0x108;
	_ =	swait.ge @!p0 [sflag:s8], $0x0  }
0x24: {  	s3 =	sadd.s32 $0x88, s3;
	s6 =	simm.s32 @!p1 $0x1082;
	[sflag:s4] =	ssyncset.s32 $0xFFFFF086  }
0x25: {  	[simem:s6], [sflag:s4] =	dma.local [hbm:s3], $0xF7A  }
0x26: {  	[smem:$0x3F9F] =	sst s1;
	(tag) =	ssettag s2;
	_ =	strace s9  }
0x27: {  	s1 =	sld [smem:$0x3FAF]  }
0x28: {  	s2 =	sld [smem:$0x3FB0]  }
0x29: {  	s4 =	sld [smem:$0x3FB2]  }
0x2a: {  	p0 =	seq.s32 s5, $0x0;
	s5 =	sld [smem:$0x3FB3]  }
0x2b: {  	s6 =	sld [smem:$0x3FB4]  }
0x2c: {  	s7 =	sld [smem:$0x3FB5]  }
0x2d: {  	s3 =	simm.s32 $0x108;
	s8 =	sld [smem:$0x3FB6]  }
0x2e: {  	s3 =	simm.s32 @!p0 $0x1082;
	s9 =	sld [smem:$0x3FB7]  }
0x2f: {  	lr =	sadd.s32 s0, s3;
	s0 =	sld [smem:$0x3FAE]  }
0x30: {  	s3 =	sld [smem:$0x3FB1]  }
0x31: {  	[smem:$0x3FBA] =	sst s10  }
0x32: {  	s10 =	sld [smem:$0x3FB8];
	_ =	sdelay $0x3  }
0x33: {  	p0 =	seq.s32 s10, $0x1;
	s10 =	sld [smem:$0x3FBA];
	_ =	sdelay $0x3  }
0x34: {  	[smem:$0x3FBA] =	sst s10  }
0x35: {  	s10 =	sld [smem:$0x3FB9];
	_ =	sdelay $0x3  }
0x36: {  	p1 =	seq.s32 s10, $0x1;
	s10 =	sld [smem:$0x3FBA];
	_ =	sdelay $0x3  }
0x37: {  	[smem:$0x3FBA] =	sst s10  }
0x38: {  	s10 =	sld [smem:$0x3FBB]  }
0x39: {  	_ = 	snop;
	(pc) =	sbr.ind lr, $3  }
0x3a: {  	_ = 	snop  }
0x3b: {  	_ = 	snop  }
0x3c: {  	p2 =	seq.s32 s10, $0x1;
	s10 =	sld [smem:$0x3FBA]  }
0x3d: {  	_ =	shalt  }
0x3e: {  	_ =	shalt  }
0x3f: {  	_ =	shalt  }
0x40: {  	_ =	shalt  }
0x41: {  	_ =	shalt  }
0x42: {  	_ =	shalt  }
0x43: {  	_ =	shalt  }
0x44: {  	_ =	shalt  }
0x45: {  	_ =	shalt  }
0x46: {  	_ =	shalt  }
0x47: {  	_ =	shalt  }
0x48: {  	_ =	shalt  }
0x49: {  	_ =	shalt  }
0x4a: {  	_ =	shalt  }
0x4b: {  	_ =	shalt  }
0x4c: {  	_ =	shalt  }
0x4d: {  	_ =	shalt  }
0x4e: {  	_ =	shalt  }
0x4f: {  	_ =	shalt  }
0x50: {  	_ =	shalt  }
0x51: {  	_ =	shalt  }
0x52: {  	_ =	shalt  }
0x53: {  	_ =	shalt  }
0x54: {  	_ =	shalt  }
0x55: {  	_ =	shalt  }
0x56: {  	_ =	shalt  }
0x57: {  	_ =	shalt  }
0x58: {  	_ =	shalt  }
0x59: {  	_ =	shalt  }
0x5a: {  	_ =	shalt  }
0x5b: {  	_ =	shalt  }
0x5c: {  	_ =	shalt  }
0x5d: {  	_ =	shalt  }
0x5e: {  	_ =	shalt  }
0x5f: {  	_ =	shalt  }
0x60: {  	_ =	shalt  }
0x61: {  	_ =	shalt  }
0x62: {  	_ =	shalt  }
0x63: {  	_ =	shalt  }
0x64: {  	_ =	shalt  }
0x65: {  	_ =	shalt  }
0x66: {  	_ =	shalt  }
0x67: {  	_ =	shalt  }
0x68: {  	_ =	shalt  }
0x69: {  	_ =	shalt  }
0x6a: {  	_ =	shalt  }
0x6b: {  	_ =	shalt  }
0x6c: {  	_ =	shalt  }
0x6d: {  	_ =	shalt  }
0x6e: {  	_ =	shalt  }
0x6f: {  	_ =	shalt  }
0x70: {  	_ =	shalt  }
0x71: {  	_ =	shalt  }
0x72: {  	_ =	shalt  }
0x73: {  	_ =	shalt  }
0x74: {  	_ =	shalt  }
0x75: {  	_ =	shalt  }
0x76: {  	_ =	shalt  }
0x77: {  	_ =	shalt  }
0x78: {  	_ =	shalt  }
0x79: {  	_ =	shalt  }
0x7a: {  	_ =	shalt  }
0x7b: {  	_ =	shalt  }
0x7c: {  	_ =	shalt  }
0x7d: {  	_ =	shalt  }
0x7e: {  	_ =	shalt  }
0x7f: {  	_ =	shalt  }
0x80: {  	_ =	shalt  }
0x81: {  	_ =	shalt  }
0x82: {  	_ =	shalt  }
0x83: {  	_ =	shalt  }
0x84: {  	_ =	shalt  }
0x85: {  	_ =	shalt  }
0x86: {  	_ =	shalt  }
0x87: {  	_ =	shalt  }
.Lfunc_end0:
.L_simem_size_0:
called_computation.1_lowered:
.L_overlay_start_0:
0x88: {  	s2 =	sld [smem:$0x3FD9]  }
0x89: {  	s3 =	sld [smem:$0x3FFE];
	_ =	sdelay $0x1  }
0x8a: {  	s1 =	srdreg.scid  }
0x8b: {  	s0 =	sand.u32 $0x1, s1  }
0x8c: {  	s17 =	sshll.u32 s0, $0xA;
	s2 =	sadd.s32 s3, s2  }
0x8d: {  	s2 =	sadd.s32 s2, s17  }
0x8e: {  	[smem:$0x3FC6] =	sst s2  }
0x8f: {  	_ = 	snop  }
0x90: {  	s2 =	sld [smem:$0x3FD0];
	(tm) =	ssettm $0x1  }
0x91: {  	s18 =	sld [smem:$0x3FFB];
	_ =	sdelay $0x3  }
0x92: {  	_ =	strace s18  }
0x93: {  	s3 =	sld [smem:$0x3FFC];
	_ =	sdelay $0x3  }
0x94: {  	_ =	strace s3  }
0x95: {  	s3 =	sld [smem:$0x3FFD];
	_ =	sdelay $0x3  }
0x96: {  	_ =	strace s3  }
0x97: {  	_ =	strace $0x8FFFFFFF  }
0x98: {  	s19 =	sld [smem:$0x3FDB];
	_ =	sdelay $0x1  }
0x99: {  	s4 =	simm.s32 $_scs_section_size  }
0x9a: {  	s5 =	simm.s32 $_size__tile_overlayer_lowered;
	s6 =	simm.s32 $_tile_overlayer_lowered  }
0x9b: {  	s22 =	simm.s32 $0x1BFF;
	s21 =	sshll.u32 s6, $0x1;
	s3 =	sadd.s32 s4, s19  }
0x9c: {  	s7 =	simm.s32 $0x0;
	s20 =	sshll.u32 s5, $0x1;
	s5 =	sadd.s32 s21, s3  }
0x9d: {  	[timem:s7], [sflag:s22] =	dma.local [hbm:s5], s20  }
0x9e: {  	_ =	swait.ge [sflag:s22], s20  }
0x9f: {  	s4 =	ssub.s32 $0x0, s20;
	[sflag:s22] =	ssyncset.done $0x0  }
0xa0: {  	[sflag:s22] =	ssyncadd.s32 s4;
	_ =	sdelay $0x1  }
0xa1: {  	s23 =	simm.s32 $0x1B8B  }
0xa2: {  	_ =	swait.ge [sflag:s23], $0x1  }
0xa3: {  	[sflag:s23] =	ssyncset.done $0x0  }
0xa4: {  	s25 =	simm.s32 $0x1B8E;
	s24 =	sld [smem:$0x3FFE];
	[sflag:s23] =	ssyncadd.s32 $0xFFFFFFFF  }
0xa5: {  	s26 =	simm.s32 $execute0_lowered;
	[smem:$0x3FD2] =	sst s25  }
0xa6: {  	s5 =	sshll.u32 s26, $0x1;
	_ =	strace $0x80000046;
	[dreg:$0x1] =	wrdreg $0xFFFFFFFF  }
0xa7: {  	s28 =	simm.s32 $_size_execute0_lowered;
	s3 =	sadd.s32 s3, s5;
	[dreg:$0x0] =	wrdreg $0x0  }
0xa8: {  	s5 =	sshll.u32 s28, $0x1;
	[dreg:$0x2] =	wrdreg s3  }
0xa9: {  	[dreg:$0x3] =	wrdreg s5  }
0xaa: {  	[dreg:$0x4] =	wrdreg $0xC0  }
0xab: {  	_ =	task [dreg:s7], $0x5FFFF  }
0xac: {  	[dreg:$0x1] =	wrdreg $0xFFFFFFFF  }
0xad: {  	[dreg:$0x0] =	wrdreg $0x60  }
0xae: {  	[dreg:$0x2] =	wrdreg s24  }
0xaf: {  	[dreg:$0x3] =	wrdreg s2  }
0xb0: {  	[dreg:$0x4] =	wrdreg $0x9  }
0xb1: {  	_ =	task.clear_ibuf [dreg:s7], $0x5FFFF;
	_ =	strace $0x90000046  }
0xb2: {  	s29 =	simm.s32 $0x9;
	_ =	strace $0x80000048  }
0xb3: {  	_ =	swait.ge [sflag:s29], $0x1  }
0xb4: {  	[sflag:s29] =	ssyncadd.s32 $0xFFFFFFFF  }
0xb5: {  	_ =	strace $0x90000048  }
0xb6: {  	_ =	sfence  }
0xb7: {  	s30 =	sld [smem:$0x0];
	_ =	sdelay $0x2  }
0xb8: {  	s31 =	sshll.u32 s1, $0xD;
	s1 =	sshrl.u32 s1, $0x2  }
0xb9: {  	s3 =	sand.u32 $0x4000, s31;
	s1 =	sadd.s32 s1, s30  }
0xba: {  	s0 =	sor.u32 s3, s0;
	s1 =	sshll.u32 s1, $0x11  }
0xbb: {  	s0 =	sor.u32 s1, s0  }
0xbc: {  	s0 =	sadd.s32 $0x8F2B, s0  }
0xbd: {  	[sflag:s0] =	ssyncadd.remote.s32 $0x1  }
0xbe: {  	_ =	sfence.sel $0xFFFF  }
0xbf: {  	[dreg:$0x0] =	wrdreg $0xFFFFFFFF;
	(pc) =	sbr.abs _section_cstart, $3  }
0xc0: {  	[dreg:$0x1] =	wrdreg $0xFFFFFFFF  }
0xc1: {  	_ =	task.clear_ibuf [dreg:s7], $0x2FFFF;
	_ =	strace $0x9FFFFFFF  }
0xc2: {  	(tm) =	ssettm $0x7FFFFFFF  }
0xc3: {  	_ =	shalt  }
tec
execute0_lowered:
.L_overlay_start_1:
0x0: {  	(tag) =	ssettag $0x1  }
0x1: {  	s0 =	rddreg [dreg:$0x0];
	s1 =	srdreg.scid  }
0x2: {  	s11 =	stileid.u32;
	s4 =	rddreg [dreg:$0x1]  }
0x3: {  	s2 =	simm.s32 $0x0;
	s12 =	simm.s32 $0x1;
	s13 =	simm.s32 $0x40  }
0x4: {  	s14 =	simm.s32 $0xC80;
	s16 =	simm.s32 $0x2;
	s17 =	simm.s32 $0xD480  }
0x5: {  	s30 =	simm.s32 $0x680;
	s15 =	simm.s32 $0xBC0;
	s18 =	simm.s32 $0xC00  }
0x6: {  	s19 =	simm.s32 $0x18C80;
	s20 =	simm.s32 $0xC40;
	s8 =	smul.u32 $0x320, s11  }
0x7: {  	s21 =	simm.s32 $0x19480;
	s1 =	sand.u32 $0x1, s1;
	s26 =	smul.u32 $0x32000, s11  }
0x8: {  	s28 =	simm.s32 $0x0;
	s3 =	sshll.u32 s11, $0x1;
	s10 =	smul.u32 $0x190, s1  }
0x9: {  	s3 =	sor.u32 s1, s3;
	s22 =	ssub.s32 $0x2, s1;
	s1 =	smul.u32 $0x19000, s1  }
0xa: {  	[smem:$0x7FF] =	sst s2;
	s6 =	sadd.s32 $0xA00, s0;
	s5 =	smul.u32 $0xC80, s3  }
0xb: {  	s11 =	simm.s32 $0x640;
	_ =	strace $0x80000047;
	s7 =	smul.u32 $0x6400, s3  }
0xc: {  	s3 =	sadd.s32 $0xF42E00, s0;
	s9 =	sshrl.u32 s22, $0x1;
	s29 =	sadd.s32 s26, s4  }
0xd: {  	s0 =	ssub.s32 s22, s9;
	s24 =	sadd.s32 s10, s8;
	s8 =	simm.s32 $0xB80  }
0xe: {  	s10 =	simm.s32 $0x17C80;
	s9 =	simm.s32 $0x18480;
	s22 =	simm.s32 $0x3  }
0xf: {  	s7 =	sshrl.u32 s7, $0x3;
	s5 =	sadd.s32 s6, s5;
	s0 =	smax.u32 s0, $0x1  }
0x10: {  	s25 =	sshll.u32 s24, $0x3;
	[dreg:$0x3] =	wrdreg s5;
	s23 =	sadd.s32 s6, s7  }
0x11: {  	[dreg:$0x5] =	wrdreg s0;
	s0 =	sshll.u32 s24, $0x8;
	s24 =	simm.s32 $0x4  }
0x12: {  	s5 =	sadd.s32 $0xC8, s23;
	s0 =	sadd.s32 s4, s0;
	s4 =	simm.s32 $0x16C80  }
.Ltmp0:
0x13: {  	s23 =	simm.s32 $0x5;
	[dreg:$0x4] =	wrdreg s5;
	(pc) =	sbr.rel .LBB2_1-.Ltmp0, $4  }
0x14: {  	s5 =	sadd.s32 s6, s25;
	s0 =	sadd.s32 $0x1900, s0;
	s6 =	simm.s32 $0x17480  }
0x15: {  	s7 =	sadd.s32 $0x258, s5;
	[dreg:$0x6] =	wrdreg s0;
	s31 =	sadd.s32 $0x190, s5  }
0x16: {  	s0 =	sadd.s32 s1, s29;
	s1 =	simm.s32 $0x16480;
	[dreg:$0x7] =	wrdreg s31  }
0x17: {  	s5 =	simm.s32 $0xB40;
	[dreg:$0x8] =	wrdreg s0;
	s0 =	simm.s32 $0xB00  }
.LBB2_7:
0x18: {  	s26 =	simm.s32 $0x6  }
0x19: {  	_ =	swait.ge [sflag:s26], $0xC800  }
0x1a: {  	s28 =	rddreg [dreg:$0x9]  }
0x1b: {  	s25 =	rddreg [dreg:$0x5];
	s28 =	sadd.s32 $0x1, s28  }
0x1c: {  	p0 =	sne.s32 s28, s25  }
.Ltmp1:
0x1d: {  	_ = 	snop;
	(pc) =	sbr.rel @!p0 .LBB2_8-.Ltmp1, $3  }
0x1e: {  	_ =	sdelay $0x1  }
0x1f: {  	[sflag:s26] =	ssyncset.done $0x0  }
0x20: {  	[sflag:s26] =	ssyncadd.s32 $0xFFFF3800  }
.LBB2_1:
0x21: {  	[dreg:$0x9] =	wrdreg s28  }
0x22: {  	s25 =	rddreg [dreg:$0x3]  }
0x23: {  	[tilespmem:s2], [sflag:$0x1] =	stream.linear.gather [hbm4b:s25+s2], $0x640, $0x38;
	[tilespmem:$0x19C80] =	vst v63  }
0x24: {  	s26 =	rddreg [dreg:$0x4]  }
0x25: {  	[tilespmem:s11], [sflag:$0x2] =	stream.linear.gather [hbm4b:s26+s2], $0x640, $0x38;
	[tilespmem:$0x19C80] =	vst v63  }
0x26: {  	_ =	swait.ge [sflag:s12], $0x640  }
0x27: {  	[sflag:s12] =	ssyncset.done $0x0  }
0x28: {  	[sflag:s12] =	ssyncadd.s32 $0xFFFFF9C0  }
0x29: {  	[tilespmem:s14], [sflag:$0x3] =	stream.indirect.gather [hbm4b:s3+s13], $0x20, s2, s13, $0xb8;
	[tilespmem:$0x19C80] =	vst v63  }
0x2a: {  	s29 =	simm.s32 $0x1480  }
0x2b: {  	[tilespmem:s29], [sflag:$0x3] =	stream.indirect.gather [hbm4b:s3+s13], $0x20, s13, s13, $0xb8;
	[tilespmem:$0x19C80] =	vst v63  }
0x2c: {  	s31 =	simm.s32 $0x80;
	s26 =	simm.s32 $0x1C80  }
0x2d: {  	[tilespmem:s26], [sflag:$0x3] =	stream.indirect.gather [hbm4b:s3+s13], $0x20, s31, s13, $0xb8;
	[tilespmem:$0x19C80] =	vst v63  }
0x2e: {  	s29 =	simm.s32 $0xC0;
	s31 =	simm.s32 $0x2480  }
0x2f: {  	[tilespmem:s31], [sflag:$0x3] =	stream.indirect.gather [hbm4b:s3+s13], $0x20, s29, s13, $0xb8;
	[tilespmem:$0x19C80] =	vst v63  }
0x30: {  	s29 =	simm.s32 $0x100;
	s31 =	simm.s32 $0x2C80  }
0x31: {  	[tilespmem:s31], [sflag:$0x3] =	stream.indirect.gather [hbm4b:s3+s13], $0x20, s29, s13, $0xb8;
	[tilespmem:$0x19C80] =	vst v63  }
0x32: {  	s29 =	simm.s32 $0x140;
	s31 =	simm.s32 $0x3480  }
0x33: {  	[tilespmem:s31], [sflag:$0x3] =	stream.indirect.gather [hbm4b:s3+s13], $0x20, s29, s13, $0xb8;
	[tilespmem:$0x19C80] =	vst v63  }
0x34: {  	s29 =	simm.s32 $0x180;
	s31 =	simm.s32 $0x3C80  }
0x35: {  	[tilespmem:s31], [sflag:$0x3] =	stream.indirect.gather [hbm4b:s3+s13], $0x20, s29, s13, $0xb8;
	[tilespmem:$0x19C80] =	vst v63  }
0x36: {  	s29 =	simm.s32 $0x1C0;
	s31 =	simm.s32 $0x4480  }
0x37: {  	[tilespmem:s31], [sflag:$0x3] =	stream.indirect.gather [hbm4b:s3+s13], $0x20, s29, s13, $0xb8;
	[tilespmem:$0x19C80] =	vst v63  }
0x38: {  	s29 =	simm.s32 $0x200;
	s31 =	simm.s32 $0x4C80  }
0x39: {  	[tilespmem:s31], [sflag:$0x3] =	stream.indirect.gather [hbm4b:s3+s13], $0x20, s29, s13, $0xb8;
	[tilespmem:$0x19C80] =	vst v63  }
0x3a: {  	s29 =	simm.s32 $0x240;
	s31 =	simm.s32 $0x5480  }
0x3b: {  	[tilespmem:s31], [sflag:$0x3] =	stream.indirect.gather [hbm4b:s3+s13], $0x20, s29, s13, $0xb8;
	[tilespmem:$0x19C80] =	vst v63  }
0x3c: {  	s29 =	simm.s32 $0x280;
	s31 =	simm.s32 $0x5C80  }
0x3d: {  	[tilespmem:s31], [sflag:$0x3] =	stream.indirect.gather [hbm4b:s3+s13], $0x20, s29, s13, $0xb8;
	[tilespmem:$0x19C80] =	vst v63  }
0x3e: {  	s29 =	simm.s32 $0x2C0;
	s31 =	simm.s32 $0x6480  }
0x3f: {  	[tilespmem:s31], [sflag:$0x3] =	stream.indirect.gather [hbm4b:s3+s13], $0x20, s29, s13, $0xb8;
	[tilespmem:$0x19C80] =	vst v63  }
0x40: {  	s29 =	simm.s32 $0x300;
	s31 =	simm.s32 $0x6C80  }
0x41: {  	[tilespmem:s31], [sflag:$0x3] =	stream.indirect.gather [hbm4b:s3+s13], $0x20, s29, s13, $0xb8;
	[tilespmem:$0x19C80] =	vst v63  }
0x42: {  	s29 =	simm.s32 $0x340;
	s31 =	simm.s32 $0x7480  }
0x43: {  	[tilespmem:s31], [sflag:$0x3] =	stream.indirect.gather [hbm4b:s3+s13], $0x20, s29, s13, $0xb8;
	[tilespmem:$0x19C80] =	vst v63  }
0x44: {  	s29 =	simm.s32 $0x380;
	s31 =	simm.s32 $0x7C80  }
0x45: {  	[tilespmem:s31], [sflag:$0x3] =	stream.indirect.gather [hbm4b:s3+s13], $0x20, s29, s13, $0xb8;
	[tilespmem:$0x19C80] =	vst v63  }
0x46: {  	s29 =	simm.s32 $0x3C0;
	s31 =	simm.s32 $0x8480  }
0x47: {  	[tilespmem:s31], [sflag:$0x3] =	stream.indirect.gather [hbm4b:s3+s13], $0x20, s29, s13, $0xb8;
	[tilespmem:$0x19C80] =	vst v63  }
0x48: {  	s29 =	simm.s32 $0x400;
	s31 =	simm.s32 $0x8C80  }
0x49: {  	[tilespmem:s31], [sflag:$0x3] =	stream.indirect.gather [hbm4b:s3+s13], $0x20, s29, s13, $0xb8;
	[tilespmem:$0x19C80] =	vst v63  }
0x4a: {  	s29 =	simm.s32 $0x440;
	s31 =	simm.s32 $0x9480  }
0x4b: {  	[tilespmem:s31], [sflag:$0x3] =	stream.indirect.gather [hbm4b:s3+s13], $0x20, s29, s13, $0xb8;
	[tilespmem:$0x19C80] =	vst v63  }
0x4c: {  	s29 =	simm.s32 $0x480;
	s31 =	simm.s32 $0x9C80  }
0x4d: {  	[tilespmem:s31], [sflag:$0x3] =	stream.indirect.gather [hbm4b:s3+s13], $0x20, s29, s13, $0xb8;
	[tilespmem:$0x19C80] =	vst v63  }
0x4e: {  	s29 =	simm.s32 $0x4C0;
	s31 =	simm.s32 $0xA480  }
0x4f: {  	[tilespmem:s31], [sflag:$0x3] =	stream.indirect.gather [hbm4b:s3+s13], $0x20, s29, s13, $0xb8;
	[tilespmem:$0x19C80] =	vst v63  }
0x50: {  	s29 =	simm.s32 $0x500;
	s31 =	simm.s32 $0xAC80  }
0x51: {  	[tilespmem:s31], [sflag:$0x3] =	stream.indirect.gather [hbm4b:s3+s13], $0x20, s29, s13, $0xb8;
	[tilespmem:$0x19C80] =	vst v63  }
0x52: {  	s29 =	simm.s32 $0x540;
	s31 =	simm.s32 $0xB480  }
0x53: {  	[tilespmem:s31], [sflag:$0x3] =	stream.indirect.gather [hbm4b:s3+s13], $0x20, s29, s13, $0xb8;
	[tilespmem:$0x19C80] =	vst v63  }
0x54: {  	s28 =	simm.s32 $0x0;
	s29 =	simm.s32 $0x580;
	s31 =	simm.s32 $0xBC80  }
0x55: {  	[tilespmem:s31], [sflag:$0x3] =	stream.indirect.gather [hbm4b:s3+s13], $0x20, s29, s13, $0xb8;
	[tilespmem:$0x19C80] =	vst v63  }
0x56: {  	s25 =	rddreg [dreg:$0x8];
	s29 =	simm.s32 $0x5C0;
	s31 =	simm.s32 $0xC480  }
0x57: {  	[tilespmem:s31], [sflag:$0x3] =	stream.indirect.gather [hbm4b:s3+s13], $0x20, s29, s13, $0xb8;
	[tilespmem:$0x19C80] =	vst v63  }
0x58: {  	s26 =	rddreg [dreg:$0x6];
	s29 =	simm.s32 $0x600;
	s31 =	simm.s32 $0xCC80  }
0x59: {  	[tilespmem:s31], [sflag:$0x3] =	stream.indirect.gather [hbm4b:s3+s13], $0x20, s29, s13, $0xb8;
	[tilespmem:$0x19C80] =	vst v63  }
.LBB2_2:
0x5a: {  	p0 =	seq.s32 s28, $0x0  }
0x5b: {  	s29 =	simm.s32 @!p0 $0x6  }
0x5c: {  	_ =	swait.ge @!p0 [sflag:s29], $0xC800  }
0x5d: {  	[sflag:s29] =	ssyncset.done @!p0 $0x0  }
0x5e: {  	[sflag:s29] =	ssyncadd.s32 @!p0 $0xFFFF3800  }
0x5f: {  	_ =	swait.ge [sflag:s16], $0x640  }
0x60: {  	[sflag:s16] =	ssyncset.done $0x0  }
0x61: {  	[sflag:s16] =	ssyncadd.s32 $0xFFFFF9C0  }
0x62: {  	[tilespmem:s17], [sflag:$0x4] =	stream.indirect.gather [hbm4b:s3+s13], $0x20, s11, s13, $0xb8;
	[tilespmem:$0x19C80] =	vst v63  }
0x63: {  	s31 =	simm.s32 $0xDC80  }
0x64: {  	[tilespmem:s31], [sflag:$0x4] =	stream.indirect.gather [hbm4b:s3+s13], $0x20, s30, s13, $0xb8;
	[tilespmem:$0x19C80] =	vst v63  }
0x65: {  	s29 =	simm.s32 $0x6C0;
	s31 =	simm.s32 $0xE480  }
0x66: {  	[tilespmem:s31], [sflag:$0x4] =	stream.indirect.gather [hbm4b:s3+s13], $0x20, s29, s13, $0xb8;
	[tilespmem:$0x19C80] =	vst v63  }
0x67: {  	s29 =	simm.s32 $0x700;
	s31 =	simm.s32 $0xEC80  }
0x68: {  	[tilespmem:s31], [sflag:$0x4] =	stream.indirect.gather [hbm4b:s3+s13], $0x20, s29, s13, $0xb8;
	[tilespmem:$0x19C80] =	vst v63  }
0x69: {  	s29 =	simm.s32 $0x740;
	s31 =	simm.s32 $0xF480  }
0x6a: {  	[tilespmem:s31], [sflag:$0x4] =	stream.indirect.gather [hbm4b:s3+s13], $0x20, s29, s13, $0xb8;
	[tilespmem:$0x19C80] =	vst v63  }
0x6b: {  	s29 =	simm.s32 $0x780;
	s31 =	simm.s32 $0xFC80  }
0x6c: {  	[tilespmem:s31], [sflag:$0x4] =	stream.indirect.gather [hbm4b:s3+s13], $0x20, s29, s13, $0xb8;
	[tilespmem:$0x19C80] =	vst v63  }
0x6d: {  	s29 =	simm.s32 $0x7C0;
	s31 =	simm.s32 $0x10480  }
0x6e: {  	[tilespmem:s31], [sflag:$0x4] =	stream.indirect.gather [hbm4b:s3+s13], $0x20, s29, s13, $0xb8;
	[tilespmem:$0x19C80] =	vst v63  }
0x6f: {  	s29 =	simm.s32 $0x800;
	s31 =	simm.s32 $0x10C80  }
0x70: {  	[tilespmem:s31], [sflag:$0x4] =	stream.indirect.gather [hbm4b:s3+s13], $0x20, s29, s13, $0xb8;
	[tilespmem:$0x19C80] =	vst v63  }
0x71: {  	s29 =	simm.s32 $0x840;
	s31 =	simm.s32 $0x11480  }
0x72: {  	[tilespmem:s31], [sflag:$0x4] =	stream.indirect.gather [hbm4b:s3+s13], $0x20, s29, s13, $0xb8;
	[tilespmem:$0x19C80] =	vst v63  }
0x73: {  	s29 =	simm.s32 $0x880;
	s31 =	simm.s32 $0x11C80  }
0x74: {  	[tilespmem:s31], [sflag:$0x4] =	stream.indirect.gather [hbm4b:s3+s13], $0x20, s29, s13, $0xb8;
	[tilespmem:$0x19C80] =	vst v63  }
0x75: {  	s29 =	simm.s32 $0x8C0;
	s31 =	simm.s32 $0x12480  }
0x76: {  	[tilespmem:s31], [sflag:$0x4] =	stream.indirect.gather [hbm4b:s3+s13], $0x20, s29, s13, $0xb8;
	[tilespmem:$0x19C80] =	vst v63  }
0x77: {  	s29 =	simm.s32 $0x900;
	s31 =	simm.s32 $0x12C80  }
0x78: {  	[tilespmem:s31], [sflag:$0x4] =	stream.indirect.gather [hbm4b:s3+s13], $0x20, s29, s13, $0xb8;
	[tilespmem:$0x19C80] =	vst v63  }
0x79: {  	s29 =	simm.s32 $0x940;
	s31 =	simm.s32 $0x13480  }
0x7a: {  	[tilespmem:s31], [sflag:$0x4] =	stream.indirect.gather [hbm4b:s3+s13], $0x20, s29, s13, $0xb8;
	[tilespmem:$0x19C80] =	vst v63  }
0x7b: {  	s29 =	simm.s32 $0x980;
	s31 =	simm.s32 $0x13C80  }
0x7c: {  	[tilespmem:s31], [sflag:$0x4] =	stream.indirect.gather [hbm4b:s3+s13], $0x20, s29, s13, $0xb8;
	[tilespmem:$0x19C80] =	vst v63  }
0x7d: {  	s29 =	simm.s32 $0x9C0;
	s31 =	simm.s32 $0x14480  }
0x7e: {  	[tilespmem:s31], [sflag:$0x4] =	stream.indirect.gather [hbm4b:s3+s13], $0x20, s29, s13, $0xb8;
	[tilespmem:$0x19C80] =	vst v63  }
0x7f: {  	s29 =	simm.s32 $0xA00;
	s31 =	simm.s32 $0x14C80  }
0x80: {  	[tilespmem:s31], [sflag:$0x4] =	stream.indirect.gather [hbm4b:s3+s13], $0x20, s29, s13, $0xb8;
	[tilespmem:$0x19C80] =	vst v63  }
0x81: {  	s29 =	simm.s32 $0xA40;
	s31 =	simm.s32 $0x15480  }
0x82: {  	[tilespmem:s31], [sflag:$0x4] =	stream.indirect.gather [hbm4b:s3+s13], $0x20, s29, s13, $0xb8;
	[tilespmem:$0x19C80] =	vst v63  }
0x83: {  	s29 =	simm.s32 $0xA80;
	s31 =	simm.s32 $0x15C80  }
0x84: {  	[tilespmem:s31], [sflag:$0x4] =	stream.indirect.gather [hbm4b:s3+s13], $0x20, s29, s13, $0xb8;
	[tilespmem:$0x19C80] =	vst v63  }
0x85: {  	s31 =	simm.s32 $0xAC0  }
0x86: {  	[tilespmem:s1], [sflag:$0x4] =	stream.indirect.gather [hbm4b:s3+s13], $0x20, s31, s13, $0xb8;
	[tilespmem:$0x19C80] =	vst v63  }
0x87: {  	_ = 	snop  }
0x88: {  	[tilespmem:s4], [sflag:$0x4] =	stream.indirect.gather [hbm4b:s3+s13], $0x20, s0, s13, $0xb8;
	[tilespmem:$0x19C80] =	vst v63  }
0x89: {  	_ = 	snop  }
0x8a: {  	[tilespmem:s6], [sflag:$0x4] =	stream.indirect.gather [hbm4b:s3+s13], $0x20, s5, s13, $0xb8;
	[tilespmem:$0x19C80] =	vst v63  }
0x8b: {  	_ = 	snop  }
0x8c: {  	[tilespmem:s10], [sflag:$0x4] =	stream.indirect.gather [hbm4b:s3+s13], $0x20, s8, s13, $0xb8;
	[tilespmem:$0x19C80] =	vst v63  }
0x8d: {  	_ = 	snop  }
0x8e: {  	[tilespmem:s9], [sflag:$0x4] =	stream.indirect.gather [hbm4b:s3+s13], $0x20, s15, s13, $0xb8;
	[tilespmem:$0x19C80] =	vst v63  }
0x8f: {  	_ = 	snop  }
0x90: {  	[tilespmem:s19], [sflag:$0x4] =	stream.indirect.gather [hbm4b:s3+s13], $0x20, s18, s13, $0xb8;
	[tilespmem:$0x19C80] =	vst v63  }
0x91: {  	_ = 	snop  }
0x92: {  	[tilespmem:s21], [sflag:$0x4] =	stream.indirect.gather [hbm4b:s3+s13], $0x20, s20, s13, $0xb8;
	[tilespmem:$0x19C80] =	vst v63  }
0x93: {  	_ =	swait.ge [sflag:s22], $0x800  }
0x94: {  	[sflag:s22] =	ssyncset.done $0x0  }
0x95: {  	[sflag:s22] =	ssyncadd.s32 $0xFFFFF800  }
0x96: {  	_ =	swait.ge [sflag:s22], $0x800  }
0x97: {  	[sflag:s22] =	ssyncset.done $0x0  }
0x98: {  	[sflag:s22] =	ssyncadd.s32 $0xFFFFF800  }
0x99: {  	_ =	swait.ge [sflag:s22], $0x800  }
0x9a: {  	[sflag:s22] =	ssyncset.done $0x0  }
0x9b: {  	[sflag:s22] =	ssyncadd.s32 $0xFFFFF800  }
0x9c: {  	_ =	swait.ge [sflag:s22], $0x800  }
0x9d: {  	[sflag:s22] =	ssyncset.done $0x0  }
0x9e: {  	[sflag:s22] =	ssyncadd.s32 $0xFFFFF800  }
0x9f: {  	_ =	swait.ge [sflag:s22], $0x800  }
0xa0: {  	[sflag:s22] =	ssyncset.done $0x0  }
0xa1: {  	[sflag:s22] =	ssyncadd.s32 $0xFFFFF800  }
0xa2: {  	_ =	swait.ge [sflag:s22], $0x800  }
0xa3: {  	[sflag:s22] =	ssyncset.done $0x0  }
0xa4: {  	[sflag:s22] =	ssyncadd.s32 $0xFFFFF800  }
0xa5: {  	_ =	swait.ge [sflag:s22], $0x800  }
0xa6: {  	[sflag:s22] =	ssyncset.done $0x0  }
0xa7: {  	[sflag:s22] =	ssyncadd.s32 $0xFFFFF800  }
0xa8: {  	_ =	swait.ge [sflag:s22], $0x800  }
0xa9: {  	[sflag:s22] =	ssyncset.done $0x0  }
0xaa: {  	[sflag:s22] =	ssyncadd.s32 $0xFFFFF800  }
0xab: {  	_ =	swait.ge [sflag:s22], $0x800  }
0xac: {  	[sflag:s22] =	ssyncset.done $0x0  }
0xad: {  	[sflag:s22] =	ssyncadd.s32 $0xFFFFF800  }
0xae: {  	_ =	swait.ge [sflag:s22], $0x800  }
0xaf: {  	[sflag:s22] =	ssyncset.done $0x0  }
0xb0: {  	[sflag:s22] =	ssyncadd.s32 $0xFFFFF800  }
0xb1: {  	_ =	swait.ge [sflag:s22], $0x800  }
0xb2: {  	[sflag:s22] =	ssyncset.done $0x0  }
0xb3: {  	[sflag:s22] =	ssyncadd.s32 $0xFFFFF800  }
0xb4: {  	_ =	swait.ge [sflag:s22], $0x800  }
0xb5: {  	[sflag:s22] =	ssyncset.done $0x0  }
0xb6: {  	[sflag:s22] =	ssyncadd.s32 $0xFFFFF800  }
0xb7: {  	_ =	swait.ge [sflag:s22], $0x800  }
0xb8: {  	[sflag:s22] =	ssyncset.done $0x0  }
0xb9: {  	[sflag:s22] =	ssyncadd.s32 $0xFFFFF800  }
0xba: {  	_ =	swait.ge [sflag:s22], $0x800  }
0xbb: {  	[sflag:s22] =	ssyncset.done $0x0  }
0xbc: {  	[sflag:s22] =	ssyncadd.s32 $0xFFFFF800  }
0xbd: {  	_ =	swait.ge [sflag:s22], $0x800  }
0xbe: {  	[sflag:s22] =	ssyncset.done $0x0  }
0xbf: {  	[sflag:s22] =	ssyncadd.s32 $0xFFFFF800  }
0xc0: {  	_ =	swait.ge [sflag:s22], $0x800  }
0xc1: {  	[sflag:s22] =	ssyncset.done $0x0  }
0xc2: {  	[sflag:s22] =	ssyncadd.s32 $0xFFFFF800  }
0xc3: {  	_ =	swait.ge [sflag:s22], $0x800  }
0xc4: {  	[sflag:s22] =	ssyncset.done $0x0  }
0xc5: {  	[sflag:s22] =	ssyncadd.s32 $0xFFFFF800  }
0xc6: {  	_ =	swait.ge [sflag:s22], $0x800  }
0xc7: {  	[sflag:s22] =	ssyncset.done $0x0  }
0xc8: {  	[sflag:s22] =	ssyncadd.s32 $0xFFFFF800  }
0xc9: {  	_ =	swait.ge [sflag:s22], $0x800  }
0xca: {  	[sflag:s22] =	ssyncset.done $0x0  }
0xcb: {  	[sflag:s22] =	ssyncadd.s32 $0xFFFFF800  }
0xcc: {  	_ =	swait.ge [sflag:s22], $0x800  }
0xcd: {  	[sflag:s22] =	ssyncset.done $0x0  }
0xce: {  	[sflag:s22] =	ssyncadd.s32 $0xFFFFF800  }
0xcf: {  	_ =	swait.ge [sflag:s22], $0x800  }
0xd0: {  	[sflag:s22] =	ssyncset.done $0x0  }
0xd1: {  	[sflag:s22] =	ssyncadd.s32 $0xFFFFF800  }
0xd2: {  	_ =	swait.ge [sflag:s22], $0x800  }
0xd3: {  	[sflag:s22] =	ssyncset.done $0x0  }
0xd4: {  	[sflag:s22] =	ssyncadd.s32 $0xFFFFF800  }
0xd5: {  	_ =	swait.ge [sflag:s22], $0x800  }
0xd6: {  	[sflag:s22] =	ssyncset.done $0x0  }
0xd7: {  	[sflag:s22] =	ssyncadd.s32 $0xFFFFF800  }
0xd8: {  	_ =	swait.ge [sflag:s22], $0x800  }
0xd9: {  	p0 =	seq.s32 s28, $0xAF0;
	[sflag:s22] =	ssyncset.done $0x0  }
.Ltmp2:
0xda: {  	[sflag:s22] =	ssyncadd.s32 $0xFFFFF800;
	(pc) =	sbr.rel @!p0 .LBB2_3-.Ltmp2, $4  }
0xdb: {  	_ =	swait.ge [sflag:s22], $0x800  }
0xdc: {  	[sflag:s22] =	ssyncset.done $0x0  }
0xdd: {  	[sflag:s22] =	ssyncadd.s32 $0xFFFFF800  }
0xde: {  	[hbm4b:s25+s2] =	stream.linear.scatter [tilespmem:s14], [sflag:$0x5], $0xC800, $0x38;
	[tilespmem:$0x19C80] =	vst v63  }
.Ltmp3:
0xdf: {  	(pc) =	sbr.rel .LBB2_5-.Ltmp3, $4  }
0xe0: {  	_ = 	snop  }
0xe1: {  	_ =	swait.ge [sflag:s23], $0xC800  }
0xe2: {  	[sflag:s23] =	ssyncset.done $0x0  }
0xe3: {  	[sflag:s23] =	ssyncadd.s32 $0xFFFF3800  }
.LBB2_3:
0xe4: {  	s29 =	rddreg [dreg:$0x7]  }
0xe5: {  	s29 =	sadd.s32 s28, s29  }
0xe6: {  	[tilespmem:s2], [sflag:$0x1] =	stream.linear.gather [hbm4b:s29+s2], $0x640, $0x38;
	[tilespmem:$0x19C80] =	vst v63  }
0xe7: {  	_ =	swait.ge [sflag:s23], $0xC800  }
0xe8: {  	[sflag:s23] =	ssyncset.done $0x0  }
0xe9: {  	[sflag:s23] =	ssyncadd.s32 $0xFFFF3800  }
0xea: {  	_ =	swait.ge [sflag:s12], $0x640  }
0xeb: {  	[sflag:s12] =	ssyncset.done $0x0  }
0xec: {  	[sflag:s12] =	ssyncadd.s32 $0xFFFFF9C0  }
0xed: {  	[tilespmem:s14], [sflag:$0x3] =	stream.indirect.gather [hbm4b:s3+s13], $0x20, s2, s13, $0xb8;
	[tilespmem:$0x19C80] =	vst v63  }
0xee: {  	s31 =	simm.s32 $0x1480  }
0xef: {  	[tilespmem:s31], [sflag:$0x3] =	stream.indirect.gather [hbm4b:s3+s13], $0x20, s13, s13, $0xb8;
	[tilespmem:$0x19C80] =	vst v63  }
0xf0: {  	s30 =	simm.s32 $0x1C80;
	s31 =	simm.s32 $0x80  }
0xf1: {  	[tilespmem:s30], [sflag:$0x3] =	stream.indirect.gather [hbm4b:s3+s13], $0x20, s31, s13, $0xb8;
	[tilespmem:$0x19C80] =	vst v63  }
0xf2: {  	s31 =	simm.s32 $0xC0;
	s30 =	simm.s32 $0x2480  }
0xf3: {  	[tilespmem:s30], [sflag:$0x3] =	stream.indirect.gather [hbm4b:s3+s13], $0x20, s31, s13, $0xb8;
	[tilespmem:$0x19C80] =	vst v63  }
0xf4: {  	s31 =	simm.s32 $0x100;
	s30 =	simm.s32 $0x2C80  }
0xf5: {  	[tilespmem:s30], [sflag:$0x3] =	stream.indirect.gather [hbm4b:s3+s13], $0x20, s31, s13, $0xb8;
	[tilespmem:$0x19C80] =	vst v63  }
0xf6: {  	s31 =	simm.s32 $0x140;
	s30 =	simm.s32 $0x3480  }
0xf7: {  	[tilespmem:s30], [sflag:$0x3] =	stream.indirect.gather [hbm4b:s3+s13], $0x20, s31, s13, $0xb8;
	[tilespmem:$0x19C80] =	vst v63  }
0xf8: {  	s31 =	simm.s32 $0x180;
	s30 =	simm.s32 $0x3C80  }
0xf9: {  	[tilespmem:s30], [sflag:$0x3] =	stream.indirect.gather [hbm4b:s3+s13], $0x20, s31, s13, $0xb8;
	[tilespmem:$0x19C80] =	vst v63  }
0xfa: {  	s31 =	simm.s32 $0x1C0;
	s30 =	simm.s32 $0x4480  }
0xfb: {  	[tilespmem:s30], [sflag:$0x3] =	stream.indirect.gather [hbm4b:s3+s13], $0x20, s31, s13, $0xb8;
	[tilespmem:$0x19C80] =	vst v63  }
0xfc: {  	s31 =	simm.s32 $0x200;
	s30 =	simm.s32 $0x4C80  }
0xfd: {  	[tilespmem:s30], [sflag:$0x3] =	stream.indirect.gather [hbm4b:s3+s13], $0x20, s31, s13, $0xb8;
	[tilespmem:$0x19C80] =	vst v63  }
0xfe: {  	s31 =	simm.s32 $0x240;
	s30 =	simm.s32 $0x5480  }
0xff: {  	[tilespmem:s30], [sflag:$0x3] =	stream.indirect.gather [hbm4b:s3+s13], $0x20, s31, s13, $0xb8;
	[tilespmem:$0x19C80] =	vst v63  }
0x100: {  	s31 =	simm.s32 $0x280;
	s30 =	simm.s32 $0x5C80  }
0x101: {  	[tilespmem:s30], [sflag:$0x3] =	stream.indirect.gather [hbm4b:s3+s13], $0x20, s31, s13, $0xb8;
	[tilespmem:$0x19C80] =	vst v63  }
0x102: {  	s31 =	simm.s32 $0x2C0;
	s30 =	simm.s32 $0x6480  }
0x103: {  	[tilespmem:s30], [sflag:$0x3] =	stream.indirect.gather [hbm4b:s3+s13], $0x20, s31, s13, $0xb8;
	[tilespmem:$0x19C80] =	vst v63  }
0x104: {  	s31 =	simm.s32 $0x300;
	s30 =	simm.s32 $0x6C80  }
0x105: {  	[tilespmem:s30], [sflag:$0x3] =	stream.indirect.gather [hbm4b:s3+s13], $0x20, s31, s13, $0xb8;
	[tilespmem:$0x19C80] =	vst v63  }
0x106: {  	s31 =	simm.s32 $0x340;
	s30 =	simm.s32 $0x7480  }
0x107: {  	[tilespmem:s30], [sflag:$0x3] =	stream.indirect.gather [hbm4b:s3+s13], $0x20, s31, s13, $0xb8;
	[tilespmem:$0x19C80] =	vst v63  }
0x108: {  	s31 =	simm.s32 $0x380;
	s30 =	simm.s32 $0x7C80  }
0x109: {  	[tilespmem:s30], [sflag:$0x3] =	stream.indirect.gather [hbm4b:s3+s13], $0x20, s31, s13, $0xb8;
	[tilespmem:$0x19C80] =	vst v63  }
0x10a: {  	s31 =	simm.s32 $0x3C0;
	s30 =	simm.s32 $0x8480  }
0x10b: {  	[tilespmem:s30], [sflag:$0x3] =	stream.indirect.gather [hbm4b:s3+s13], $0x20, s31, s13, $0xb8;
	[tilespmem:$0x19C80] =	vst v63  }
0x10c: {  	s31 =	simm.s32 $0x400;
	s30 =	simm.s32 $0x8C80  }
0x10d: {  	[tilespmem:s30], [sflag:$0x3] =	stream.indirect.gather [hbm4b:s3+s13], $0x20, s31, s13, $0xb8;
	[tilespmem:$0x19C80] =	vst v63  }
0x10e: {  	s31 =	simm.s32 $0x440;
	s30 =	simm.s32 $0x9480  }
0x10f: {  	[tilespmem:s30], [sflag:$0x3] =	stream.indirect.gather [hbm4b:s3+s13], $0x20, s31, s13, $0xb8;
	[tilespmem:$0x19C80] =	vst v63  }
0x110: {  	s31 =	simm.s32 $0x480;
	s30 =	simm.s32 $0x9C80  }
0x111: {  	[tilespmem:s30], [sflag:$0x3] =	stream.indirect.gather [hbm4b:s3+s13], $0x20, s31, s13, $0xb8;
	[tilespmem:$0x19C80] =	vst v63  }
0x112: {  	s31 =	simm.s32 $0x4C0;
	s30 =	simm.s32 $0xA480  }
0x113: {  	[tilespmem:s30], [sflag:$0x3] =	stream.indirect.gather [hbm4b:s3+s13], $0x20, s31, s13, $0xb8;
	[tilespmem:$0x19C80] =	vst v63  }
0x114: {  	s31 =	simm.s32 $0x500;
	s30 =	simm.s32 $0xAC80  }
0x115: {  	[tilespmem:s30], [sflag:$0x3] =	stream.indirect.gather [hbm4b:s3+s13], $0x20, s31, s13, $0xb8;
	[tilespmem:$0x19C80] =	vst v63  }
0x116: {  	s31 =	simm.s32 $0x540;
	s30 =	simm.s32 $0xB480  }
0x117: {  	[tilespmem:s30], [sflag:$0x3] =	stream.indirect.gather [hbm4b:s3+s13], $0x20, s31, s13, $0xb8;
	[tilespmem:$0x19C80] =	vst v63  }
0x118: {  	s31 =	simm.s32 $0x580;
	s30 =	simm.s32 $0xBC80  }
0x119: {  	[tilespmem:s30], [sflag:$0x3] =	stream.indirect.gather [hbm4b:s3+s13], $0x20, s31, s13, $0xb8;
	[tilespmem:$0x19C80] =	vst v63  }
0x11a: {  	s31 =	simm.s32 $0x5C0;
	s30 =	simm.s32 $0xC480  }
0x11b: {  	[tilespmem:s30], [sflag:$0x3] =	stream.indirect.gather [hbm4b:s3+s13], $0x20, s31, s13, $0xb8;
	[tilespmem:$0x19C80] =	vst v63  }
0x11c: {  	s31 =	simm.s32 $0x600;
	s30 =	simm.s32 $0xCC80  }
0x11d: {  	[tilespmem:s30], [sflag:$0x3] =	stream.indirect.gather [hbm4b:s3+s13], $0x20, s31, s13, $0xb8;
	[tilespmem:$0x19C80] =	vst v63  }
0x11e: {  	s30 =	simm.s32 $0x680  }
.LBB2_5:
0x11f: {  	_ =	swait.ge [sflag:s24], $0x800  }
0x120: {  	[sflag:s24] =	ssyncset.done $0x0  }
0x121: {  	[sflag:s24] =	ssyncadd.s32 $0xFFFFF800  }
0x122: {  	_ =	swait.ge [sflag:s24], $0x800  }
0x123: {  	[sflag:s24] =	ssyncset.done $0x0  }
0x124: {  	[sflag:s24] =	ssyncadd.s32 $0xFFFFF800  }
0x125: {  	_ =	swait.ge [sflag:s24], $0x800  }
0x126: {  	[sflag:s24] =	ssyncset.done $0x0  }
0x127: {  	[sflag:s24] =	ssyncadd.s32 $0xFFFFF800  }
0x128: {  	_ =	swait.ge [sflag:s24], $0x800  }
0x129: {  	[sflag:s24] =	ssyncset.done $0x0  }
0x12a: {  	[sflag:s24] =	ssyncadd.s32 $0xFFFFF800  }
0x12b: {  	_ =	swait.ge [sflag:s24], $0x800  }
0x12c: {  	[sflag:s24] =	ssyncset.done $0x0  }
0x12d: {  	[sflag:s24] =	ssyncadd.s32 $0xFFFFF800  }
0x12e: {  	_ =	swait.ge [sflag:s24], $0x800  }
0x12f: {  	[sflag:s24] =	ssyncset.done $0x0  }
0x130: {  	[sflag:s24] =	ssyncadd.s32 $0xFFFFF800  }
0x131: {  	_ =	swait.ge [sflag:s24], $0x800  }
0x132: {  	[sflag:s24] =	ssyncset.done $0x0  }
0x133: {  	[sflag:s24] =	ssyncadd.s32 $0xFFFFF800  }
0x134: {  	_ =	swait.ge [sflag:s24], $0x800  }
0x135: {  	[sflag:s24] =	ssyncset.done $0x0  }
0x136: {  	[sflag:s24] =	ssyncadd.s32 $0xFFFFF800  }
0x137: {  	_ =	swait.ge [sflag:s24], $0x800  }
0x138: {  	[sflag:s24] =	ssyncset.done $0x0  }
0x139: {  	[sflag:s24] =	ssyncadd.s32 $0xFFFFF800  }
0x13a: {  	_ =	swait.ge [sflag:s24], $0x800  }
0x13b: {  	[sflag:s24] =	ssyncset.done $0x0  }
0x13c: {  	[sflag:s24] =	ssyncadd.s32 $0xFFFFF800  }
0x13d: {  	_ =	swait.ge [sflag:s24], $0x800  }
0x13e: {  	[sflag:s24] =	ssyncset.done $0x0  }
0x13f: {  	[sflag:s24] =	ssyncadd.s32 $0xFFFFF800  }
0x140: {  	_ =	swait.ge [sflag:s24], $0x800  }
0x141: {  	[sflag:s24] =	ssyncset.done $0x0  }
0x142: {  	[sflag:s24] =	ssyncadd.s32 $0xFFFFF800  }
0x143: {  	_ =	swait.ge [sflag:s24], $0x800  }
0x144: {  	[sflag:s24] =	ssyncset.done $0x0  }
0x145: {  	[sflag:s24] =	ssyncadd.s32 $0xFFFFF800  }
0x146: {  	_ =	swait.ge [sflag:s24], $0x800  }
0x147: {  	[sflag:s24] =	ssyncset.done $0x0  }
0x148: {  	[sflag:s24] =	ssyncadd.s32 $0xFFFFF800  }
0x149: {  	_ =	swait.ge [sflag:s24], $0x800  }
0x14a: {  	[sflag:s24] =	ssyncset.done $0x0  }
0x14b: {  	[sflag:s24] =	ssyncadd.s32 $0xFFFFF800  }
0x14c: {  	_ =	swait.ge [sflag:s24], $0x800  }
0x14d: {  	[sflag:s24] =	ssyncset.done $0x0  }
0x14e: {  	[sflag:s24] =	ssyncadd.s32 $0xFFFFF800  }
0x14f: {  	_ =	swait.ge [sflag:s24], $0x800  }
0x150: {  	[sflag:s24] =	ssyncset.done $0x0  }
0x151: {  	[sflag:s24] =	ssyncadd.s32 $0xFFFFF800  }
0x152: {  	_ =	swait.ge [sflag:s24], $0x800  }
0x153: {  	[sflag:s24] =	ssyncset.done $0x0  }
0x154: {  	[sflag:s24] =	ssyncadd.s32 $0xFFFFF800  }
0x155: {  	_ =	swait.ge [sflag:s24], $0x800  }
0x156: {  	[sflag:s24] =	ssyncset.done $0x0  }
0x157: {  	[sflag:s24] =	ssyncadd.s32 $0xFFFFF800  }
0x158: {  	_ =	swait.ge [sflag:s24], $0x800  }
0x159: {  	[sflag:s24] =	ssyncset.done $0x0  }
0x15a: {  	[sflag:s24] =	ssyncadd.s32 $0xFFFFF800  }
0x15b: {  	_ =	swait.ge [sflag:s24], $0x800  }
0x15c: {  	[sflag:s24] =	ssyncset.done $0x0  }
0x15d: {  	[sflag:s24] =	ssyncadd.s32 $0xFFFFF800  }
0x15e: {  	_ =	swait.ge [sflag:s24], $0x800  }
0x15f: {  	[sflag:s24] =	ssyncset.done $0x0  }
0x160: {  	[sflag:s24] =	ssyncadd.s32 $0xFFFFF800  }
0x161: {  	_ =	swait.ge [sflag:s24], $0x800  }
0x162: {  	[sflag:s24] =	ssyncset.done $0x0  }
0x163: {  	[sflag:s24] =	ssyncadd.s32 $0xFFFFF800  }
0x164: {  	_ =	swait.ge [sflag:s24], $0x800  }
0x165: {  	[sflag:s24] =	ssyncset.done $0x0  }
.Ltmp4:
0x166: {  	[sflag:s24] =	ssyncadd.s32 $0xFFFFF800;
	(pc) =	sbr.rel @p0 .LBB2_7-.Ltmp4, $4  }
0x167: {  	_ =	swait.ge [sflag:s24], $0x800  }
0x168: {  	[sflag:s24] =	ssyncset.done $0x0  }
0x169: {  	[sflag:s24] =	ssyncadd.s32 $0xFFFFF800  }
0x16a: {  	[hbm4b:s26+s2] =	stream.linear.scatter [tilespmem:s17], [sflag:$0x6], $0xC800, $0x38;
	[tilespmem:$0x19C80] =	vst v63  }
.Ltmp5:
0x16b: {  	(pc) =	sbr.rel .LBB2_2-.Ltmp5, $4  }
0x16c: {  	_ = 	snop  }
0x16d: {  	s29 =	sadd.s32 s28, s7  }
0x16e: {  	s28 =	sadd.s32 $0x190, s28;
	s26 =	sadd.s32 $0x3200, s26;
	s25 =	sadd.s32 $0x3200, s25  }
0x16f: {  	[tilespmem:s11], [sflag:$0x2] =	stream.linear.gather [hbm4b:s29+s2], $0x640, $0x38;
	[tilespmem:$0x19C80] =	vst v63  }
.LBB2_8:
0x170: {  	_ =	sfence.sel $0x180000  }
0x171: {  	[bflag:$0x0] =	sbarrier.arrive $0xFFFF  }
0x172: {  	_ =	strace $0x90000047  }
0x173: {  	s0 =	stileid.u32;
	[bflag:$0x2] =	sbarrier.arrive $0xFFFF  }
0x174: {  	p0 =	sne.s32 s0, $0x0;
	s0 =	rddreg [dreg:$0x2]  }
0x175: {  	s0 =	sadd.s32 @!p0 $0x100000, s0  }
0x176: {  	[sflag:s0] =	ssyncadd.tile.s32 @!p0 $0x1;
	_ =	shalt  }
.Lfunc_end2:
_tile_overlayer_lowered:
.L_overlay_start_2:
0x177: {  	(tag) =	ssettag $0x2  }
0x178: {  	s0 =	rddreg [dreg:$0x0];
	s2 =	stileid.u32  }
0x179: {  	s1 =	rddreg [dreg:$0x1];
	p0 =	sne.s32 s2, $0x0  }
0x17a: {  	s3 =	rddreg [dreg:$0x2];
	[bflag:$0x3] =	sbarrier.arrive $0xFFFF;
	s2 =	simm.s32 @!p0 $0x1C07  }
0x17b: {  	[timem:s3], [sflag:s2] =	dma.local @!p0 [hbm:s0], s1  }
0x17c: {  	s0 =	simm.s32 @!p0 $0x7  }
0x17d: {  	_ =	swait.ge @!p0 [sflag:s0], s1  }
0x17e: {  	s1 =	ssub.s32 @!p0 $0x0, s1;
	[sflag:s0] =	ssyncset.done @!p0 $0x0  }
0x17f: {  	[sflag:s0] =	ssyncadd.s32 @!p0 s1  }
0x180: {  	[bflag:$0x3] =	sbarrier.arrive $0xFFFF  }
0x181: {  	_ =	shalt  }

// kernel: sparse-core-data-format-call.cloned.1.call-start
scs
called_computation_lowered:
.L_overlay_start_0:
0x0: {  	s2 =	sld [smem:$0x3FD9]  }
0x1: {  	s3 =	sld [smem:$0x3FFE];
	_ =	sdelay $0x1  }
0x2: {  	s1 =	srdreg.scid  }
0x3: {  	s0 =	sand.u32 $0x1, s1  }
0x4: {  	s18 =	sshll.u32 s0, $0xA;
	s2 =	sadd.s32 s3, s2  }
0x5: {  	s2 =	sadd.s32 s2, s18  }
0x6: {  	[smem:$0x3FC6] =	sst s2  }
0x7: {  	_ = 	snop  }
0x8: {  	s2 =	sld [smem:$0x3FD0];
	(tm) =	ssettm $0x1  }
0x9: {  	s19 =	sld [smem:$0x3FFB];
	_ =	sdelay $0x3  }
0xa: {  	_ =	strace s19  }
0xb: {  	s3 =	sld [smem:$0x3FFC];
	_ =	sdelay $0x3  }
0xc: {  	_ =	strace s3  }
0xd: {  	s3 =	sld [smem:$0x3FFD];
	_ =	sdelay $0x3  }
0xe: {  	_ =	strace s3  }
0xf: {  	_ =	strace $0x8FFFFFFF  }
0x10: {  	s20 =	sld [smem:$0x3FDB];
	_ =	sdelay $0x1  }
0x11: {  	s4 =	simm.s32 $_scs_section_size  }
0x12: {  	s5 =	simm.s32 $_size__tile_overlayer_lowered;
	s6 =	simm.s32 $_tile_overlayer_lowered  }
0x13: {  	s23 =	simm.s32 $0x1BFF;
	s22 =	sshll.u32 s6, $0x1;
	s3 =	sadd.s32 s4, s20  }
0x14: {  	s7 =	simm.s32 $0x0;
	s21 =	sshll.u32 s5, $0x1;
	s5 =	sadd.s32 s22, s3  }
0x15: {  	[timem:s7], [sflag:s23] =	dma.local [hbm:s5], s21  }
0x16: {  	_ =	swait.ge [sflag:s23], s21  }
0x17: {  	s4 =	ssub.s32 $0x0, s21;
	[sflag:s23] =	ssyncset.done $0x0  }
0x18: {  	[sflag:s23] =	ssyncadd.s32 s4;
	_ =	sdelay $0x1  }
0x19: {  	s24 =	simm.s32 $0x1B8B  }
0x1a: {  	_ =	swait.ge [sflag:s24], $0x1  }
0x1b: {  	[sflag:s24] =	ssyncset.done $0x0  }
0x1c: {  	s26 =	simm.s32 $0x1B8E;
	s25 =	sld [smem:$0x3FFE];
	[sflag:s24] =	ssyncadd.s32 $0xFFFFFFFF  }
0x1d: {  	s27 =	simm.s32 $execute0_lowered;
	[smem:$0x3FD2] =	sst s26  }
0x1e: {  	s5 =	sshll.u32 s27, $0x1;
	_ =	strace $0x80000049;
	[dreg:$0x1] =	wrdreg $0xFFFFFFFF  }
0x1f: {  	s28 =	simm.s32 $_size_execute0_lowered;
	s3 =	sadd.s32 s3, s5;
	[dreg:$0x0] =	wrdreg $0x0  }
0x20: {  	s5 =	sshll.u32 s28, $0x1;
	[dreg:$0x2] =	wrdreg s3  }
0x21: {  	[dreg:$0x3] =	wrdreg s5  }
0x22: {  	[dreg:$0x4] =	wrdreg $0xC0  }
0x23: {  	_ =	task [dreg:s7], $0x5FFFF  }
0x24: {  	[dreg:$0x1] =	wrdreg $0xFFFFFFFF  }
0x25: {  	[dreg:$0x0] =	wrdreg $0x60  }
0x26: {  	[dreg:$0x2] =	wrdreg s25  }
0x27: {  	[dreg:$0x3] =	wrdreg s2  }
0x28: {  	[dreg:$0x4] =	wrdreg $0x9  }
0x29: {  	_ =	task.clear_ibuf [dreg:s7], $0x5FFFF;
	_ =	strace $0x90000049  }
0x2a: {  	s29 =	simm.s32 $0x9;
	_ =	strace $0x8000004B  }
0x2b: {  	_ =	swait.ge [sflag:s29], $0x1  }
0x2c: {  	[sflag:s29] =	ssyncadd.s32 $0xFFFFFFFF  }
0x2d: {  	_ =	strace $0x9000004B  }
0x2e: {  	_ =	sfence  }
0x2f: {  	s30 =	sld [smem:$0x0];
	_ =	sdelay $0x2  }
0x30: {  	s31 =	sshll.u32 s1, $0xD;
	s1 =	sshrl.u32 s1, $0x2  }
0x31: {  	s3 =	sand.u32 $0x4000, s31;
	s1 =	sadd.s32 s1, s30  }
0x32: {  	s0 =	sor.u32 s3, s0;
	s1 =	sshll.u32 s1, $0x11  }
0x33: {  	s0 =	sor.u32 s1, s0  }
0x34: {  	s0 =	sadd.s32 $0x8F2B, s0  }
0x35: {  	[sflag:s0] =	ssyncadd.remote.s32 $0x1  }
0x36: {  	_ =	sfence.sel $0xFFFF  }
0x37: {  	[dreg:$0x0] =	wrdreg $0xFFFFFFFF;
	(pc) =	sbr.abs _section_cstart, $3  }
0x38: {  	[dreg:$0x1] =	wrdreg $0xFFFFFFFF  }
0x39: {  	_ =	task.clear_ibuf [dreg:s7], $0x2FFFF;
	_ =	strace $0x9FFFFFFF  }
0x3a: {  	(tm) =	ssettm $0x7FFFFFFF  }
0x3b: {  	_ =	shalt  }
tec
execute0_lowered:
.L_overlay_start_1:
0x0: {  	(tag) =	ssettag $0x1  }
0x1: {  	s4 =	rddreg [dreg:$0x0]  }
0x2: {  	s2 =	rddreg [dreg:$0x1]  }
0x3: {  	s0 =	rddreg [dreg:$0x2];
	_ =	strace $0x8000004A  }
0x4: {  	s3 =	srdreg.scid;
	s1 =	stileid.u32;
	s6 =	simm.s32 $0x2  }
.Ltmp0:
0x5: {  	s10 =	simm.s32 $0x0;
	p0 =	por $0x0, $0x0;
	(pc) =	sbr.rel .LBB1_1-.Ltmp0, $4  }
0x6: {  	s11 =	simm.s32 $0x0;
	s9 =	simm.s32 $0x0;
	s5 =	sshll.u32 s3, $0x4  }
0x7: {  	s7 =	simm.s32 $0x0;
	s3 =	simm.s32 $0x1;
	s5 =	sand.u32 $0x10, s5  }
0x8: {  	s4 =	sadd.s32 $0xA00, s4;
	[sflag:s3] =	ssyncpa.u1 $0x0;
	s5 =	sor.u32 s1, s5  }
0x9: {  	[sflag:s6] =	ssyncpa.u1 $0x0;
	s6 =	simm.s32 $0x19000;
	s8 =	smov.u32 s5  }
.LBB1_5:
0xa: {  	s12 =	sadd.s32 $0x20, s8  }
0xb: {  	s10 =	sadd.s32 $0x80, s9;
	s14 =	smov.u32 s9;
	p2 =	sgt.s32 s12, $0x3F  }
0xc: {  	p1 =	slt.u32 s7, $0x2;
	s14 =	smov.u32 @p2 s10  }
0xd: {  	s7 =	sadd.s32 $0x1, s7;
	s12 =	smov.u32 @p2 s5;
	p2 =	sgt.s32 s14, $0x31FF  }
0xe: {  	s14 =	simm.s32 @p2 $0x0;
	p2 =	sne.s32 s7, $0xCA  }
.Ltmp1:
0xf: {  	_ = 	snop;
	(pc) =	sbr.rel @!p2 .LBB1_6-.Ltmp1, $4  }
0x10: {  	s13 =	simm.s32 @!p1 $0x2  }
0x11: {  	s11 =	smov.u32 s9;
	_ =	swait.ge @!p1 [sflag:s13], $0x1000  }
0x12: {  	p0 =	por !p0, !p0;
	s10 =	smov.u32 s8;
	[sflag:s13] =	ssyncset.done @!p1 $0x0  }
0x13: {  	s8 =	smov.u32 s12;
	[sflag:s13] =	ssyncadd.s32 @!p1 $0xFFFFF000;
	s9 =	smov.u32 s14  }
.LBB1_1:
0x14: {  	p1 =	sgt.u32 s7, $0xC7  }
0x15: {  	s12 =	sxor.u32 @!p1 $0xFFFFFFFF, s7  }
0x16: {  	s13 =	sshll.u32 @!p1 s9, $0xA;
	s14 =	sshll.u32 @!p1 s8, $0x4;
	s15 =	simm.s32 @!p1 $0x2000  }
0x17: {  	s12 =	sshll.u32 @!p1 s12, $0xC;
	s14 =	sand.u32 @!p1 $0x3F0, s14;
	s13 =	sadd.s32 @!p1 s4, s13  }
0x18: {  	s12 =	sand.u32 @!p1 $0x1000, s12;
	s13 =	sadd.s32 @!p1 s14, s13;
	s14 =	simm.s32 @!p1 $0x20  }
0x19: {  	[tilespmem:s12], [sflag:$0x1] =	stream.strided.gather @!p1 [hbm4b:s13+s14], $0x1000, s15, s14, $0x38;
	[tilespmem:$0x4040] =	vst v63  }
0x1a: {  	p1 =	seq.s32 s7, $0x0  }
0x1b: {  	p2 =	seq.s32 @!p1 s7, $0xC9  }
0x1c: {  	p1 =	por p1, p2  }
.Ltmp2:
0x1d: {  	_ = 	snop;
	(pc) =	sbr.rel @p1 .LBB1_5-.Ltmp2, $1  }
0x1e: {  	_ =	sdelay $0x3  }
0x1f: {  	s12 =	simm.s32 $0x1  }
0x20: {  	_ =	swait.ge [sflag:s3], $0x1000;
	s12 =	simm.s32 @!p0 $0x0  }
0x21: {  	[sflag:s3] =	ssyncset.done $0x0;
	s13 =	sshll.u32 s12, $0xC  }
0x22: {  	[sflag:s3] =	ssyncadd.s32 $0xFFFFF000;
	s16 =	sor.u32 $0x10, s13  }
0x23: {  	s12 =	smul.u32 $0x4080, s12;
	v1 =	vld [tilespmem:s16+$0x0]  }
0x24: {  	s30 =	sand.u32 $0x1, s7;
	v0 =	vld [tilespmem:s16+$0xFFFFFFF0]  }
0x25: {  	s13 =	smul.u32 $0x4080, s30;
	s12 =	sshrl.u32 s12, $0x2  }
0x26: {  	s14 =	sor.u32 $0x2000, s12  }
0x27: {  	s31 =	sshrl.u32 s13, $0x2;
	s13 =	sadd.s32 $0x0, s14  }
0x28: {  	s15 =	simm.s32 $0x4;
	s16 =	sadd.s32 $0x20, s16;
	s12 =	sor.u32 $0x2000, s31;
	[tilespmem:s13+$0x810 ss:$0x81] =	vst.msk $0xffff, v1  }
.LBB1_3:
0x29: {  	v1 =	vld [tilespmem:s16+$0x0];
	p1 =	sne.s32 s15, $0x1FC;
	[tilespmem:s13+$0x0 ss:$0x81] =	vst.msk $0xffff, v0;
	s13 =	smov.u32 s15;
	s15 =	sadd.s32 $0x4, s15  }
.Ltmp3:
0x2a: {  	v0 =	vld [tilespmem:s16+$0xFFFFFFF0];
	(pc) =	sbr.rel @p1 .LBB1_3-.Ltmp3, $4  }
0x2b: {  	_ = 	snop  }
0x2c: {  	s13 =	sshra.s32 s13, $0x2  }
0x2d: {  	s13 =	sadd.s32 s13, s14  }
0x2e: {  	s16 =	sadd.s32 $0x20, s16;
	[tilespmem:s13+$0x810 ss:$0x81] =	vst.msk $0xffff, v1  }
0x2f: {  	s14 =	sshll.u32 s11, $0x3  }
0x30: {  	s29 =	sand.u32 $0x7F, s11;
	s14 =	sand.u32 $0xFFFFFC00, s14  }
0x31: {  	s11 =	sor.u32 s29, s14;
	s14 =	smulhi.u32 $0x51EB851F, s14  }
0x32: {  	s15 =	smulhi.u32 $0x51EB851F, s11;
	_ =	sdelay $0x1  }
0x33: {  	s10 =	smul.u32 $0xC800, s10;
	s14 =	sshrl.u32 s14, $0xC;
	s15 =	sshrl.u32 s15, $0xC  }
0x34: {  	s14 =	sand.u32 $0x1F, s14;
	s15 =	smul.u32 $0x3200, s15  }
0x35: {  	s14 =	smul.u32 $0x640, s14  }
.Ltmp4:
0x36: {  	s11 =	ssub.s32 s11, s15;
	(pc) =	sbr.rel .LBB1_5-.Ltmp4, $4  }
0x37: {  	s10 =	sadd.s32 s2, s10;
	s15 =	sand.u32 $0x7, s11  }
0x38: {  	s10 =	sadd.s32 s14, s10;
	s11 =	sshrl.u32 s11, $0x3;
	s30 =	sshll.u32 s15, $0x12  }
0x39: {  	[tilespmem:s13+$0x0 ss:$0x81] =	vst.msk $0xffff, v0;
	s10 =	sadd.s32 s11, s10;
	s31 =	sor.u32 $0x400, s30  }
0x3a: {  	[hbm4b:s10+s31] =	stream.strided.scatter [tilespmem:s12], [sflag:$0x2], $0x1000, s6, s31, $0x20;
	[tilespmem:$0x4040] =	vst v63  }
.LBB1_6:
0x3b: {  	_ =	sfence.sel $0x180000  }
0x3c: {  	s2 =	simm.s32 $0x1;
	[bflag:$0x0] =	sbarrier.arrive $0xFFFF  }
0x3d: {  	s31 =	simm.s32 $0x2;
	[sflag:s2] =	ssyncpa.u1 $0x1  }
0x3e: {  	[sflag:s31] =	ssyncpa.u1 $0x1  }
0x3f: {  	p0 =	sne.s32 s1, $0x0;
	_ =	strace $0x9000004A  }
0x40: {  	s0 =	sadd.s32 @!p0 $0x100000, s0;
	[bflag:$0x2] =	sbarrier.arrive $0xFFFF  }
0x41: {  	[sflag:s0] =	ssyncadd.tile.s32 @!p0 $0x1;
	_ =	shalt  }
.Lfunc_end1:
_tile_overlayer_lowered:
.L_overlay_start_2:
0x42: {  	(tag) =	ssettag $0x2  }
0x43: {  	s0 =	rddreg [dreg:$0x0];
	s2 =	stileid.u32  }
0x44: {  	s1 =	rddreg [dreg:$0x1];
	p0 =	sne.s32 s2, $0x0  }
0x45: {  	s3 =	rddreg [dreg:$0x2];
	[bflag:$0x3] =	sbarrier.arrive $0xFFFF;
	s2 =	simm.s32 @!p0 $0x1C01  }
0x46: {  	[timem:s3], [sflag:s2] =	dma.local @!p0 [hbm:s0], s1  }
0x47: {  	s0 =	simm.s32 @!p0 $0x1  }
0x48: {  	_ =	swait.ge @!p0 [sflag:s0], s1  }
0x49: {  	s1 =	ssub.s32 @!p0 $0x0, s1;
	[sflag:s0] =	ssyncset.done @!p0 $0x0  }
0x4a: {  	[sflag:s0] =	ssyncadd.s32 @!p0 s1  }
0x4b: {  	[bflag:$0x3] =	sbarrier.arrive $0xFFFF  }
0x4c: {  	_ =	shalt  }

</sc_bundles>
